<compile_context>
chip_gen: v7x
topology: tpu7x:2x2x1
jax: 0.10.2.dev20260603
libtpu: 0.0.44.dev20260713+nightly
codegen_flags: <defaults>
</compile_context>

<pallas_src>
import jax
import jax.numpy as jnp
from jax import lax
from jax.experimental import pallas as pl
from jax.experimental.pallas import tpu as pltpu
from jax.experimental.pallas import tpu_sc as plsc

_NC = 2
_NS = 16
_L = 16
_CHUNK = 128
_MH = 64
_DW = _MH + _L


def _encode_body(x_ref, we_ref, be_ref, ws_ref, bs_ref, wm_ref, bm_ref,
                 h_ref, sig_ref, msg0_ref, msg1_ref):
    x = x_ref[...]
    h = jnp.dot(x, we_ref[...], preferred_element_type=jnp.float32) + be_ref[...]
    s = jnp.dot(h, ws_ref[...], preferred_element_type=jnp.float32) + bs_ref[...]
    nrm = jnp.sqrt(jnp.sum(s * s, axis=-1, keepdims=True))
    sig_ref[...] = s / jnp.maximum(nrm, 1e-12)
    msg = jnp.maximum(
        jnp.dot(h, wm_ref[...], preferred_element_type=jnp.float32) + bm_ref[...],
        0.0)
    msg0_ref[...] = msg[:, :_MH]
    msg1_ref[...] = msg[:, _MH:]
    h_ref[...] = h


def _encode(x, W_enc, b_enc, W_sig, b_sig, W_msg, b_msg, block_rows):
    n, d_in = x.shape
    d_h = W_enc.shape[1]
    d_sig = W_sig.shape[1]
    grid = (n // block_rows,)
    full = lambda shape: pl.BlockSpec(shape, lambda i: (0, 0))
    return pl.pallas_call(
        _encode_body,
        grid=grid,
        in_specs=[
            pl.BlockSpec((block_rows, d_in), lambda i: (i, 0)),
            full((d_in, d_h)), full((1, d_h)),
            full((d_h, d_sig)), full((1, d_sig)),
            full((d_h, d_h)), full((1, d_h)),
        ],
        out_specs=[
            pl.BlockSpec((block_rows, d_h), lambda i: (i, 0)),
            pl.BlockSpec((block_rows, d_sig), lambda i: (i, 0)),
            pl.BlockSpec((block_rows, _MH), lambda i: (i, 0)),
            pl.BlockSpec((block_rows, _MH), lambda i: (i, 0)),
        ],
        out_shape=[
            jax.ShapeDtypeStruct((n, d_h), jnp.float32),
            jax.ShapeDtypeStruct((n, d_sig), jnp.float32),
            jax.ShapeDtypeStruct((n, _MH), jnp.float32),
            jax.ShapeDtypeStruct((n, _MH), jnp.float32),
        ],
    )(x, W_enc, b_enc.reshape(1, -1), W_sig, b_sig.reshape(1, -1),
      W_msg, b_msg.reshape(1, -1))


def _sc_edge_kernel(n_nodes, n_edges, cpw, d_sig):
    zrows = 200
    nblocks = n_nodes // zrows
    mesh = plsc.VectorSubcoreMesh(core_axis_name="c", subcore_axis_name="s")

    def body(sig_hbm, msg0_hbm, msg1_hbm, src_hbm, dst_hbm, p_hbm, den_hbm,
             src_v, dst_v, ssrc0, sdst0, m0, m1, ex_v, den_v,
             zero_v,
             p_sh,
             ga0, gb0, gm0, gm1, sp0, sp1):
        cid = lax.axis_index("c")
        sid = lax.axis_index("s")
        lane = lax.broadcasted_iota(jnp.int32, (_L,), 0)
        msgb = (m0, m1)
        gm = (gm0, gm1)
        sp = (sp0, sp1)

        pltpu.async_copy(src_hbm.at[sid], src_v, ga0)
        pltpu.async_copy(dst_hbm.at[sid], dst_v, gb0)

        def zfill(r, _):
            z = jnp.zeros((_L,), jnp.float32)
            for q in range(_MH // _L):
                zero_v[r, pl.ds(q * _L, _L)] = z
            return 0
        lax.fori_loop(0, zrows, zfill, 0, unroll=False)

        for k in range((nblocks + _NS - 1) // _NS):
            b = sid + _NS * k
            @pl.when(b < nblocks)
            def _():
                pltpu.async_copy(zero_v, p_sh.at[pl.ds(b * zrows, zrows)],
                                 sp0)

        def dfill(r, _):
            den_v[pl.ds(r * _L, _L)] = jnp.zeros((_L,), jnp.float32)
            return 0
        lax.fori_loop(0, n_nodes // _L, dfill, 0, unroll=False)

        pltpu.make_async_copy(src_hbm.at[sid], src_v, ga0).wait()
        pltpu.make_async_copy(dst_hbm.at[sid], dst_v, gb0).wait()
        for k in range((nblocks + _NS - 1) // _NS):
            b = sid + _NS * k
            @pl.when(b < nblocks)
            def _():
                pltpu.make_async_copy(
                    zero_v, p_sh.at[pl.ds(b * zrows, zrows)], sp0).wait()
        plsc.subcore_barrier()

        ebase = sid * (cpw * _CHUNK)

        def issue_sig_gathers(j):
            pltpu.async_copy(sig_hbm.at[src_v.at[j]], ssrc0, ga0)
            pltpu.async_copy(sig_hbm.at[dst_v.at[j]], sdst0, gb0)

        def issue_msg_gather(j, m):
            @pl.when(cid == 0)
            def _():
                pltpu.async_copy(msg0_hbm.at[dst_v.at[j]], msgb[m], gm[m])
            @pl.when(cid == 1)
            def _():
                pltpu.async_copy(msg1_hbm.at[dst_v.at[j]], msgb[m], gm[m])

        issue_sig_gathers(0)
        issue_msg_gather(0, 0)

        def do_chunk(j, m):
            pltpu.make_async_copy(sig_hbm.at[src_v.at[j]], ssrc0,
                                  ga0).wait()
            pltpu.make_async_copy(sig_hbm.at[dst_v.at[j]], sdst0,
                                  gb0).wait()

            for g in range(_CHUNK // _L):
                rows = g * _L + lane
                acc = jnp.zeros((_L,), jnp.float32)
                for f in range(d_sig):
                    col = jnp.full((_L,), f, jnp.int32)
                    a = plsc.load_gather(ssrc0, [rows, col])
                    bb = plsc.load_gather(sdst0, [rows, col])
                    acc = acc + a * bb
                eid = ebase + j * _CHUNK + g * _L + lane
                ex = jnp.where(eid < n_edges, jnp.exp(acc), 0.0)
                ex_v[pl.ds(g * _L, _L)] = ex
                sidx = src_v[j, pl.ds(g * _L, _L)]
                plsc.addupdate_scatter(den_v, [sidx], ex)

            @pl.when(j + 1 < cpw)
            def _():
                issue_sig_gathers(j + 1)

            pm = 1 - m
            @pl.when(j >= 1)
            def _():
                pltpu.make_async_copy(msgb[pm], p_sh.at[src_v.at[j]],
                                      sp[pm]).wait()
            @pl.when(j + 1 < cpw)
            def _():
                issue_msg_gather(j + 1, pm)

            pltpu.make_async_copy(msg0_hbm.at[dst_v.at[j]], msgb[m],
                                  gm[m]).wait()

            def scale_row(r, _):
                spl = plsc.load_gather(ex_v, [jnp.full((_L,), r, jnp.int32)])
                for q in range(_MH // _L):
                    msgb[m][r, pl.ds(q * _L, _L)] = (
                        msgb[m][r, pl.ds(q * _L, _L)] * spl)
                return 0
            lax.fori_loop(0, _CHUNK, scale_row, 0, unroll=4)

            pltpu.async_copy(msgb[m], p_sh.at[src_v.at[j]], sp[m], add=True)

        def block_body(blk, _):
            do_chunk(2 * blk, 0)
            do_chunk(2 * blk + 1, 1)
            return 0

        lax.fori_loop(0, cpw // 2, block_body, 0, unroll=False)
        pltpu.make_async_copy(msgb[(cpw - 1) % 2],
                              p_sh.at[src_v.at[cpw - 1]],
                              sp[(cpw - 1) % 2]).wait()
        pltpu.async_copy(den_v, den_hbm.at[cid].at[sid], ga0)
        plsc.subcore_barrier()

        for k in range((nblocks + _NS - 1) // _NS):
            b = sid + _NS * k
            @pl.when(b < nblocks)
            def _():
                pltpu.async_copy(
                    p_sh.at[pl.ds(b * zrows, zrows)],
                    p_hbm.at[cid].at[pl.ds(b * zrows, zrows)], sp0)
        for k in range((nblocks + _NS - 1) // _NS):
            b = sid + _NS * k
            @pl.when(b < nblocks)
            def _():
                pltpu.make_async_copy(
                    p_sh.at[pl.ds(b * zrows, zrows)],
                    p_hbm.at[cid].at[pl.ds(b * zrows, zrows)], sp0).wait()
        pltpu.make_async_copy(den_v, den_hbm.at[cid].at[sid], ga0).wait()

    return pl.kernel(
        body,
        out_type=[
            jax.ShapeDtypeStruct((_NC, n_nodes, _MH), jnp.float32),
            jax.ShapeDtypeStruct((_NC, _NS, n_nodes), jnp.float32),
        ],
        mesh=mesh,
        scratch_types=[
            pltpu.VMEM((cpw, _CHUNK), jnp.int32),
            pltpu.VMEM((cpw, _CHUNK), jnp.int32),
            pltpu.VMEM((_CHUNK, d_sig), jnp.float32),
            pltpu.VMEM((_CHUNK, d_sig), jnp.float32),
            pltpu.VMEM((_CHUNK, _MH), jnp.float32),
            pltpu.VMEM((_CHUNK, _MH), jnp.float32),
            pltpu.VMEM((_CHUNK,), jnp.float32),
            pltpu.VMEM((n_nodes,), jnp.float32),
            pltpu.VMEM((200, _MH), jnp.float32),
            pltpu.VMEM_SHARED((n_nodes, _MH), jnp.float32),
        ] + [pltpu.SemaphoreType.DMA] * 6,
        compiler_params=pltpu.CompilerParams(
            needs_layout_passes=False, use_tc_tiling_on_sc=False),
    )


def _combine_body(h_ref, p0_ref, p1_ref, d0_ref, d1_ref, wh_ref, wc0_ref,
                  wc1_ref, ba_ref, wd_ref, bd_ref, out_ref):
    d0 = jnp.sum(d0_ref[...], axis=-1, keepdims=True)
    d1 = jnp.sum(d1_ref[...], axis=-1, keepdims=True)
    comm0 = p0_ref[...] / jnp.maximum(d0, 1e-30)
    comm1 = p1_ref[...] / jnp.maximum(d1, 1e-30)
    combined = jnp.maximum(
        jnp.dot(h_ref[...], wh_ref[...], preferred_element_type=jnp.float32)
        + jnp.dot(comm0, wc0_ref[...], preferred_element_type=jnp.float32)
        + jnp.dot(comm1, wc1_ref[...], preferred_element_type=jnp.float32)
        + ba_ref[...], 0.0)
    out_ref[...] = (
        jnp.dot(combined, wd_ref[...], preferred_element_type=jnp.float32)
        + bd_ref[...])


def _combine(h, p0, p1, d0, d1, W_agg, b_agg, W_dec, b_dec, block_rows):
    n, d_h = h.shape
    d_out = W_dec.shape[1]
    grid = (n // block_rows,)
    full = lambda shape: pl.BlockSpec(shape, lambda i: (0, 0))
    return pl.pallas_call(
        _combine_body,
        grid=grid,
        in_specs=[
            pl.BlockSpec((block_rows, d_h), lambda i: (i, 0)),
            pl.BlockSpec((block_rows, _MH), lambda i: (i, 0)),
            pl.BlockSpec((block_rows, _MH), lambda i: (i, 0)),
            pl.BlockSpec((block_rows, _NS), lambda i: (i, 0)),
            pl.BlockSpec((block_rows, _NS), lambda i: (i, 0)),
            full((d_h, d_h)), full((_MH, d_h)), full((_MH, d_h)),
            full((1, d_h)),
            full((d_h, d_out)), full((1, d_out)),
        ],
        out_specs=pl.BlockSpec((block_rows, d_out), lambda i: (i, 0)),
        out_shape=jax.ShapeDtypeStruct((n, d_out), jnp.float32),
    )(h, p0, p1, d0, d1, W_agg[:d_h], W_agg[d_h:d_h + _MH],
      W_agg[d_h + _MH:], b_agg.reshape(1, -1), W_dec, b_dec.reshape(1, -1))


@jax.jit
def kernel(x, edge_index, W_enc, b_enc, W_sig, b_sig, W_msg, b_msg,
           W_agg, b_agg, W_dec, b_dec):
    n = x.shape[0]
    e = edge_index.shape[1]
    d_sig = W_sig.shape[1]

    h, sig, msg0, msg1 = _encode(x, W_enc, b_enc, W_sig, b_sig, W_msg, b_msg,
                                 block_rows=400)

    slab = _CHUNK * _NS
    cpw = (e + slab - 1) // slab
    cpw += cpw % 2
    e_pad = cpw * slab
    src = edge_index[0].astype(jnp.int32)
    dst = edge_index[1].astype(jnp.int32)
    pad = e_pad - e
    if pad:
        src = jnp.concatenate([src, jnp.zeros((pad,), jnp.int32)])
        dst = jnp.concatenate([dst, jnp.zeros((pad,), jnp.int32)])
    src3 = src.reshape(_NS, cpw, _CHUNK)
    dst3 = dst.reshape(_NS, cpw, _CHUNK)

    p, den = _sc_edge_kernel(n, e, cpw, d_sig)(sig, msg0, msg1, src3, dst3)
    den_t = jnp.swapaxes(den, 1, 2)

    return _combine(h, p[0], p[1], den_t[0], den_t[1], W_agg, b_agg,
                    W_dec, b_dec, block_rows=400)

# --- scband reference (transcript-rebuilt; emitter-appended) ---
"""Pipeline reference for scband-tar-mac-90280212562559 (READ-ONLY COPY).

The authoritative reference and input builder live on the scoring server;
editing this copy changes nothing except your own understanding.
"""

import jax, jax.numpy as jnp
import numpy as np

N = 10000
E = 160000
D_IN = 128
D_H = 128
D_SIG = 16
D_OUT = 128

def setup_inputs(seed: int = 0):
    key = jax.random.key(seed)
    ks = jax.random.split(key, 8)
    x = jax.random.normal(ks[0], (N, D_IN), dtype=jnp.float32)
    edge_index = jax.random.randint(ks[1], (2, E), 0, N)
    W_enc = jax.random.normal(ks[2], (D_IN, D_H), dtype=jnp.float32) * (1.0 / np.sqrt(D_IN))
    b_enc = jnp.zeros((D_H,), dtype=jnp.float32)
    W_sig = jax.random.normal(ks[3], (D_H, D_SIG), dtype=jnp.float32) * (1.0 / np.sqrt(D_H))
    b_sig = jnp.zeros((D_SIG,), dtype=jnp.float32)
    W_msg = jax.random.normal(ks[4], (D_H, D_H), dtype=jnp.float32) * (1.0 / np.sqrt(D_H))
    b_msg = jnp.zeros((D_H,), dtype=jnp.float32)
    W_agg = jax.random.normal(ks[5], (2 * D_H, D_H), dtype=jnp.float32) * (1.0 / np.sqrt(2 * D_H))
    b_agg = jnp.zeros((D_H,), dtype=jnp.float32)
    W_dec = jax.random.normal(ks[6], (D_H, D_OUT), dtype=jnp.float32) * (1.0 / np.sqrt(D_H))
    b_dec = jnp.zeros((D_OUT,), dtype=jnp.float32)
    return {"x": x, "edge_index": edge_index, "W_enc": W_enc, "b_enc": b_enc, "W_sig": W_sig, "b_sig": b_sig, "W_msg": W_msg, "b_msg": b_msg, "W_agg": W_agg, "b_agg": b_agg, "W_dec": W_dec, "b_dec": b_dec}

def reference(x, edge_index, W_enc, b_enc, W_sig, b_sig, W_msg, b_msg, W_agg, b_agg, W_dec, b_dec):
    h = x @ W_enc + b_enc
    sig = h @ W_sig + b_sig
    sig = sig / jnp.maximum(jnp.linalg.norm(sig, axis=-1, keepdims=True), 1e-12)
    msg = jax.nn.relu(h @ W_msg + b_msg)
    src = edge_index[0]
    dst = edge_index[1]
    # per-edge attention logit: signature[i] . signature[neighbor]
    scores = jnp.sum(sig[src] * sig[dst], axis=-1)
    # segment softmax over outgoing edges of each node i (src == i), matching the per-node loop
    seg_max = jax.ops.segment_max(scores, src, num_segments=N)
    seg_max = jnp.where(jnp.isfinite(seg_max), seg_max, 0.0)
    ex = jnp.exp(scores - seg_max[src])
    denom = jax.ops.segment_sum(ex, src, num_segments=N)
    w = ex / jnp.maximum(denom[src], 1e-30)
    # weighted aggregation of messages from neighbors; empty segments yield zeros (== zeros_like(h[i]))
    comm = jax.ops.segment_sum(w[:, None] * msg[dst], src, num_segments=N)
    combined = jax.nn.relu(jnp.concatenate([h, comm], axis=-1) @ W_agg + b_agg)
    return combined @ W_dec + b_dec

if __name__ == "__main__":
    import jax
    _d = setup_inputs()
    print(jax.jit(kernel)(*tuple(_d.values())))

</pallas_src>

<mosaic_0001>
#map = affine_map<(d0, d1) -> (0, 0)>
#map1 = affine_map<(d0, d1) -> (0, 0, 0)>
module attributes {stable_mosaic.version = 14 : i64} {
  func.func @body(%arg0: i32, %arg1: i32, %arg2: memref<10000x16xf32, #tpu.memory_space<hbm>>, %arg3: memref<10000x64xf32, #tpu.memory_space<hbm>>, %arg4: memref<10000x64xf32, #tpu.memory_space<hbm>>, %arg5: memref<16x80x128xi32, #tpu.memory_space<hbm>>, %arg6: memref<16x80x128xi32, #tpu.memory_space<hbm>>, %arg7: memref<2x10000x64xf32, #tpu.memory_space<hbm>>, %arg8: memref<2x16x10000xf32, #tpu.memory_space<hbm>>, %arg9: memref<80x128xi32, #tpu.memory_space<vmem>>, %arg10: memref<80x128xi32, #tpu.memory_space<vmem>>, %arg11: memref<128x16xf32, #tpu.memory_space<vmem>>, %arg12: memref<128x16xf32, #tpu.memory_space<vmem>>, %arg13: memref<128x64xf32, #tpu.memory_space<vmem>>, %arg14: memref<128x64xf32, #tpu.memory_space<vmem>>, %arg15: memref<128xf32, #tpu.memory_space<vmem>>, %arg16: memref<10000xf32, #tpu.memory_space<vmem>>, %arg17: memref<200x64xf32, #tpu.memory_space<vmem>>, %arg18: memref<10000x64xf32, #tpu.memory_space<vmem_shared>>, %arg19: memref<!tpu.dma_semaphore, #tpu.memory_space<semaphore_mem>>, %arg20: memref<!tpu.dma_semaphore, #tpu.memory_space<semaphore_mem>>, %arg21: memref<!tpu.dma_semaphore, #tpu.memory_space<semaphore_mem>>, %arg22: memref<!tpu.dma_semaphore, #tpu.memory_space<semaphore_mem>>, %arg23: memref<!tpu.dma_semaphore, #tpu.memory_space<semaphore_mem>>, %arg24: memref<!tpu.dma_semaphore, #tpu.memory_space<semaphore_mem>>) attributes {dimension_semantics = [#tpu.dimension_semantics<core_parallel>, #tpu.dimension_semantics<subcore_parallel>], iteration_bounds = array<i64: 2, 16>, scalar_prefetch = 0 : i64, scratch_operands = 16 : i64, tpu.core_type = #tpu.core_type<sc_vector_subcore>, window_params = [{transform_indices = #map}, {transform_indices = #map}, {transform_indices = #map}, {transform_indices = #map1}, {transform_indices = #map1}, {transform_indices = #map1}, {transform_indices = #map1}]} {
    %iota3A = tpu.iota {dimensions = array<i32: 0>} : vector<16xi32>
    %dma_start3A = arith.constant 0 : i32
    %dma_start3A_0 = arith.constant 0 : i32
    %dma_start3A_1 = tpu.memref_slice %arg5[%arg1, %dma_start3A, %dma_start3A_0] : memref<16x80x128xi32, #tpu.memory_space<hbm>> -> memref<1x80x128xi32, #tpu.memory_space<hbm>>
    %dma_start3A_2 = tpu.memref_squeeze %dma_start3A_1 : memref<1x80x128xi32, #tpu.memory_space<hbm>> -> memref<80x128xi32, #tpu.memory_space<hbm>>
    %dma_start3A_3 = arith.constant 0 : i32
    %dma_start3A_4 = arith.constant 0 : i32
    %dma_start3A_5 = tpu.memref_slice %arg5[%arg1, %dma_start3A_3, %dma_start3A_4] : memref<16x80x128xi32, #tpu.memory_space<hbm>> -> memref<1x80x128xi32, #tpu.memory_space<hbm>>
    %dma_start3A_6 = tpu.memref_squeeze %dma_start3A_5 : memref<1x80x128xi32, #tpu.memory_space<hbm>> -> memref<80x128xi32, #tpu.memory_space<hbm>>
    tpu.enqueue_dma source(%dma_start3A_6 : memref<80x128xi32, #tpu.memory_space<hbm>>) target(%arg9 : memref<80x128xi32, #tpu.memory_space<vmem>>) target_semaphore(%arg19 : memref<!tpu.dma_semaphore, #tpu.memory_space<semaphore_mem>>)
    %dma_start3A_7 = arith.constant 0 : i32
    %dma_start3A_8 = arith.constant 0 : i32
    %dma_start3A_9 = tpu.memref_slice %arg6[%arg1, %dma_start3A_7, %dma_start3A_8] : memref<16x80x128xi32, #tpu.memory_space<hbm>> -> memref<1x80x128xi32, #tpu.memory_space<hbm>>
    %dma_start3A_10 = tpu.memref_squeeze %dma_start3A_9 : memref<1x80x128xi32, #tpu.memory_space<hbm>> -> memref<80x128xi32, #tpu.memory_space<hbm>>
    %dma_start3A_11 = arith.constant 0 : i32
    %dma_start3A_12 = arith.constant 0 : i32
    %dma_start3A_13 = tpu.memref_slice %arg6[%arg1, %dma_start3A_11, %dma_start3A_12] : memref<16x80x128xi32, #tpu.memory_space<hbm>> -> memref<1x80x128xi32, #tpu.memory_space<hbm>>
    %dma_start3A_14 = tpu.memref_squeeze %dma_start3A_13 : memref<1x80x128xi32, #tpu.memory_space<hbm>> -> memref<80x128xi32, #tpu.memory_space<hbm>>
    tpu.enqueue_dma source(%dma_start3A_14 : memref<80x128xi32, #tpu.memory_space<hbm>>) target(%arg10 : memref<80x128xi32, #tpu.memory_space<vmem>>) target_semaphore(%arg20 : memref<!tpu.dma_semaphore, #tpu.memory_space<semaphore_mem>>)
    %scan3A = arith.constant 0 : i32
    %scan3A_15 = arith.constant 0 : i32
    %scan3A_16 = arith.constant 200 : i32
    %scan3A_17 = arith.addi %scan3A_15, %scan3A_16 : i32
    %scan3A_18 = arith.constant 1 : i32
    %scan3A_19 = scf.for %scan3A_218 = %scan3A_15 to %scan3A_17 step %scan3A_18 iter_args(%scan3A_219 = %scan3A) -> (i32)  : i32 {
      %broadcast_in_dim3A = arith.constant 0.000000e+00 : f32
      %broadcast_in_dim3A_220 = vector.broadcast %broadcast_in_dim3A : f32 to vector<16xf32>
      %swap3A = arith.index_cast %scan3A_218 : i32 to index
      %swap3A_221 = arith.constant 0 : index
      %swap3A_222 = tpu.vector_load %arg17[%swap3A, %swap3A_221] {strides = array<i32>} : memref<200x64xf32, #tpu.memory_space<vmem>>, vector<16xf32>,
      tpu.vector_store %arg17[%swap3A, %swap3A_221], %broadcast_in_dim3A_220 {strides = array<i32>} : memref<200x64xf32, #tpu.memory_space<vmem>>, vector<16xf32>,
      %swap3A_223 = arith.index_cast %scan3A_218 : i32 to index
      %swap3A_224 = arith.constant 16 : index
      %swap3A_225 = tpu.vector_load %arg17[%swap3A_223, %swap3A_224] {strides = array<i32>} : memref<200x64xf32, #tpu.memory_space<vmem>>, vector<16xf32>,
      tpu.vector_store %arg17[%swap3A_223, %swap3A_224], %broadcast_in_dim3A_220 {strides = array<i32>} : memref<200x64xf32, #tpu.memory_space<vmem>>, vector<16xf32>,
      %swap3A_226 = arith.index_cast %scan3A_218 : i32 to index
      %swap3A_227 = arith.constant 32 : index
      %swap3A_228 = tpu.vector_load %arg17[%swap3A_226, %swap3A_227] {strides = array<i32>} : memref<200x64xf32, #tpu.memory_space<vmem>>, vector<16xf32>,
      tpu.vector_store %arg17[%swap3A_226, %swap3A_227], %broadcast_in_dim3A_220 {strides = array<i32>} : memref<200x64xf32, #tpu.memory_space<vmem>>, vector<16xf32>,
      %swap3A_229 = arith.index_cast %scan3A_218 : i32 to index
      %swap3A_230 = arith.constant 48 : index
      %swap3A_231 = tpu.vector_load %arg17[%swap3A_229, %swap3A_230] {strides = array<i32>} : memref<200x64xf32, #tpu.memory_space<vmem>>, vector<16xf32>,
      tpu.vector_store %arg17[%swap3A_229, %swap3A_230], %broadcast_in_dim3A_220 {strides = array<i32>} : memref<200x64xf32, #tpu.memory_space<vmem>>, vector<16xf32>,
      %scan3A_232 = arith.constant 0 : i32
      scf.yield %scan3A_232 : i32
    }
    %scan3A_20 = arith.constant 200 : i32
    %add3A = arith.constant 0 : i32
    %add3A_21 = arith.addi %arg1, %add3A : i32
    %lt3A = arith.constant 50 : i32
    %lt3A_22 = arith.cmpi slt, %add3A_21, %lt3A : i32
    %convert_element_type3A = arith.extui %lt3A_22 : i1 to i32
    %cond3A = arith.constant 0 : i32
    %cond3A_23 = arith.cmpi ne, %convert_element_type3A, %cond3A : i32
    scf.if %cond3A_23 {
      %mul3A_218 = arith.constant 200 : i32
      %mul3A_219 = arith.muli %add3A_21, %mul3A_218 : i32
      %dma_start3A_220 = arith.constant 0 : i32
      %dma_start3A_221 = tpu.memref_slice %arg18[%mul3A_219, %dma_start3A_220] : memref<10000x64xf32, #tpu.memory_space<vmem_shared>> -> memref<200x64xf32, #tpu.memory_space<vmem_shared>>
      %dma_start3A_222 = arith.constant 0 : i32
      %dma_start3A_223 = tpu.memref_slice %arg18[%mul3A_219, %dma_start3A_222] : memref<10000x64xf32, #tpu.memory_space<vmem_shared>> -> memref<200x64xf32, #tpu.memory_space<vmem_shared>>
      tpu.enqueue_dma source(%arg17 : memref<200x64xf32, #tpu.memory_space<vmem>>) target(%dma_start3A_223 : memref<200x64xf32, #tpu.memory_space<vmem_shared>>) target_semaphore(%arg23 : memref<!tpu.dma_semaphore, #tpu.memory_space<semaphore_mem>>)
    } else {
    }
    %add3A_24 = arith.constant 16 : i32
    %add3A_25 = arith.addi %arg1, %add3A_24 : i32
    %lt3A_26 = arith.constant 50 : i32
    %lt3A_27 = arith.cmpi slt, %add3A_25, %lt3A_26 : i32
    %convert_element_type3A_28 = arith.extui %lt3A_27 : i1 to i32
    %cond3A_29 = arith.constant 0 : i32
    %cond3A_30 = arith.cmpi ne, %convert_element_type3A_28, %cond3A_29 : i32
    scf.if %cond3A_30 {
      %mul3A_218 = arith.constant 200 : i32
      %mul3A_219 = arith.muli %add3A_25, %mul3A_218 : i32
      %dma_start3A_220 = arith.constant 0 : i32
      %dma_start3A_221 = tpu.memref_slice %arg18[%mul3A_219, %dma_start3A_220] : memref<10000x64xf32, #tpu.memory_space<vmem_shared>> -> memref<200x64xf32, #tpu.memory_space<vmem_shared>>
      %dma_start3A_222 = arith.constant 0 : i32
      %dma_start3A_223 = tpu.memref_slice %arg18[%mul3A_219, %dma_start3A_222] : memref<10000x64xf32, #tpu.memory_space<vmem_shared>> -> memref<200x64xf32, #tpu.memory_space<vmem_shared>>
      tpu.enqueue_dma source(%arg17 : memref<200x64xf32, #tpu.memory_space<vmem>>) target(%dma_start3A_223 : memref<200x64xf32, #tpu.memory_space<vmem_shared>>) target_semaphore(%arg23 : memref<!tpu.dma_semaphore, #tpu.memory_space<semaphore_mem>>)
    } else {
    }
    %add3A_31 = arith.constant 32 : i32
    %add3A_32 = arith.addi %arg1, %add3A_31 : i32
    %lt3A_33 = arith.constant 50 : i32
    %lt3A_34 = arith.cmpi slt, %add3A_32, %lt3A_33 : i32
    %convert_element_type3A_35 = arith.extui %lt3A_34 : i1 to i32
    %cond3A_36 = arith.constant 0 : i32
    %cond3A_37 = arith.cmpi ne, %convert_element_type3A_35, %cond3A_36 : i32
    scf.if %cond3A_37 {
      %mul3A_218 = arith.constant 200 : i32
      %mul3A_219 = arith.muli %add3A_32, %mul3A_218 : i32
      %dma_start3A_220 = arith.constant 0 : i32
      %dma_start3A_221 = tpu.memref_slice %arg18[%mul3A_219, %dma_start3A_220] : memref<10000x64xf32, #tpu.memory_space<vmem_shared>> -> memref<200x64xf32, #tpu.memory_space<vmem_shared>>
      %dma_start3A_222 = arith.constant 0 : i32
      %dma_start3A_223 = tpu.memref_slice %arg18[%mul3A_219, %dma_start3A_222] : memref<10000x64xf32, #tpu.memory_space<vmem_shared>> -> memref<200x64xf32, #tpu.memory_space<vmem_shared>>
      tpu.enqueue_dma source(%arg17 : memref<200x64xf32, #tpu.memory_space<vmem>>) target(%dma_start3A_223 : memref<200x64xf32, #tpu.memory_space<vmem_shared>>) target_semaphore(%arg23 : memref<!tpu.dma_semaphore, #tpu.memory_space<semaphore_mem>>)
    } else {
    }
    %add3A_38 = arith.constant 48 : i32
    %add3A_39 = arith.addi %arg1, %add3A_38 : i32
    %lt3A_40 = arith.constant 50 : i32
    %lt3A_41 = arith.cmpi slt, %add3A_39, %lt3A_40 : i32
    %convert_element_type3A_42 = arith.extui %lt3A_41 : i1 to i32
    %cond3A_43 = arith.constant 0 : i32
    %cond3A_44 = arith.cmpi ne, %convert_element_type3A_42, %cond3A_43 : i32
    scf.if %cond3A_44 {
      %mul3A_218 = arith.constant 200 : i32
      %mul3A_219 = arith.muli %add3A_39, %mul3A_218 : i32
      %dma_start3A_220 = arith.constant 0 : i32
      %dma_start3A_221 = tpu.memref_slice %arg18[%mul3A_219, %dma_start3A_220] : memref<10000x64xf32, #tpu.memory_space<vmem_shared>> -> memref<200x64xf32, #tpu.memory_space<vmem_shared>>
      %dma_start3A_222 = arith.constant 0 : i32
      %dma_start3A_223 = tpu.memref_slice %arg18[%mul3A_219, %dma_start3A_222] : memref<10000x64xf32, #tpu.memory_space<vmem_shared>> -> memref<200x64xf32, #tpu.memory_space<vmem_shared>>
      tpu.enqueue_dma source(%arg17 : memref<200x64xf32, #tpu.memory_space<vmem>>) target(%dma_start3A_223 : memref<200x64xf32, #tpu.memory_space<vmem_shared>>) target_semaphore(%arg23 : memref<!tpu.dma_semaphore, #tpu.memory_space<semaphore_mem>>)
    } else {
    }
    %scan3A_45 = arith.constant 0 : i32
    %scan3A_46 = arith.constant 0 : i32
    %scan3A_47 = arith.constant 625 : i32
    %scan3A_48 = arith.addi %scan3A_46, %scan3A_47 : i32
    %scan3A_49 = arith.constant 1 : i32
    %scan3A_50 = scf.for %scan3A_218 = %scan3A_46 to %scan3A_48 step %scan3A_49 iter_args(%scan3A_219 = %scan3A_45) -> (i32)  : i32 {
      %broadcast_in_dim3A = arith.constant 0.000000e+00 : f32
      %broadcast_in_dim3A_220 = vector.broadcast %broadcast_in_dim3A : f32 to vector<16xf32>
      %mul3A_221 = arith.constant 16 : i32
      %mul3A_222 = arith.muli %scan3A_218, %mul3A_221 : i32
      %swap3A = arith.index_cast %mul3A_222 : i32 to index
      %swap3A_223 = tpu.vector_load %arg16[%swap3A] {strides = array<i32>} : memref<10000xf32, #tpu.memory_space<vmem>>, vector<16xf32>,
      tpu.vector_store %arg16[%swap3A], %broadcast_in_dim3A_220 {strides = array<i32>} : memref<10000xf32, #tpu.memory_space<vmem>>, vector<16xf32>,
      %scan3A_224 = arith.constant 0 : i32
      scf.yield %scan3A_224 : i32
    }
    %scan3A_51 = arith.constant 625 : i32
    %dma_wait3A = arith.constant 0 : i32
    %dma_wait3A_52 = arith.constant 0 : i32
    %dma_wait3A_53 = tpu.memref_slice %arg5[%arg1, %dma_wait3A, %dma_wait3A_52] : memref<16x80x128xi32, #tpu.memory_space<hbm>> -> memref<1x80x128xi32, #tpu.memory_space<hbm>>
    %dma_wait3A_54 = tpu.memref_squeeze %dma_wait3A_53 : memref<1x80x128xi32, #tpu.memory_space<hbm>> -> memref<80x128xi32, #tpu.memory_space<hbm>>
    %dma_wait3A_55 = arith.constant 0 : i32
    %dma_wait3A_56 = arith.constant 0 : i32
    %dma_wait3A_57 = tpu.memref_slice %arg5[%arg1, %dma_wait3A_55, %dma_wait3A_56] : memref<16x80x128xi32, #tpu.memory_space<hbm>> -> memref<1x80x128xi32, #tpu.memory_space<hbm>>
    %dma_wait3A_58 = tpu.memref_squeeze %dma_wait3A_57 : memref<1x80x128xi32, #tpu.memory_space<hbm>> -> memref<80x128xi32, #tpu.memory_space<hbm>>
    tpu.wait_dma2 semaphore(%arg19 : memref<!tpu.dma_semaphore, #tpu.memory_space<semaphore_mem>>) src(%dma_wait3A_58 : memref<80x128xi32, #tpu.memory_space<hbm>>) dst(%arg9 : memref<80x128xi32, #tpu.memory_space<vmem>>)
    %dma_wait3A_59 = arith.constant 0 : i32
    %dma_wait3A_60 = arith.constant 0 : i32
    %dma_wait3A_61 = tpu.memref_slice %arg6[%arg1, %dma_wait3A_59, %dma_wait3A_60] : memref<16x80x128xi32, #tpu.memory_space<hbm>> -> memref<1x80x128xi32, #tpu.memory_space<hbm>>
    %dma_wait3A_62 = tpu.memref_squeeze %dma_wait3A_61 : memref<1x80x128xi32, #tpu.memory_space<hbm>> -> memref<80x128xi32, #tpu.memory_space<hbm>>
    %dma_wait3A_63 = arith.constant 0 : i32
    %dma_wait3A_64 = arith.constant 0 : i32
    %dma_wait3A_65 = tpu.memref_slice %arg6[%arg1, %dma_wait3A_63, %dma_wait3A_64] : memref<16x80x128xi32, #tpu.memory_space<hbm>> -> memref<1x80x128xi32, #tpu.memory_space<hbm>>
    %dma_wait3A_66 = tpu.memref_squeeze %dma_wait3A_65 : memref<1x80x128xi32, #tpu.memory_space<hbm>> -> memref<80x128xi32, #tpu.memory_space<hbm>>
    tpu.wait_dma2 semaphore(%arg20 : memref<!tpu.dma_semaphore, #tpu.memory_space<semaphore_mem>>) src(%dma_wait3A_66 : memref<80x128xi32, #tpu.memory_space<hbm>>) dst(%arg10 : memref<80x128xi32, #tpu.memory_space<vmem>>)
    %add3A_67 = arith.constant 0 : i32
    %add3A_68 = arith.addi %arg1, %add3A_67 : i32
    %lt3A_69 = arith.constant 50 : i32
    %lt3A_70 = arith.cmpi slt, %add3A_68, %lt3A_69 : i32
    %convert_element_type3A_71 = arith.extui %lt3A_70 : i1 to i32
    %cond3A_72 = arith.constant 0 : i32
    %cond3A_73 = arith.cmpi ne, %convert_element_type3A_71, %cond3A_72 : i32
    scf.if %cond3A_73 {
      %mul3A_218 = arith.constant 200 : i32
      %mul3A_219 = arith.muli %add3A_68, %mul3A_218 : i32
      %dma_wait3A_220 = arith.constant 0 : i32
      %dma_wait3A_221 = tpu.memref_slice %arg18[%mul3A_219, %dma_wait3A_220] : memref<10000x64xf32, #tpu.memory_space<vmem_shared>> -> memref<200x64xf32, #tpu.memory_space<vmem_shared>>
      %dma_wait3A_222 = arith.constant 0 : i32
      %dma_wait3A_223 = tpu.memref_slice %arg18[%mul3A_219, %dma_wait3A_222] : memref<10000x64xf32, #tpu.memory_space<vmem_shared>> -> memref<200x64xf32, #tpu.memory_space<vmem_shared>>
      tpu.wait_dma2 semaphore(%arg23 : memref<!tpu.dma_semaphore, #tpu.memory_space<semaphore_mem>>) src(%arg17 : memref<200x64xf32, #tpu.memory_space<vmem>>) dst(%dma_wait3A_223 : memref<200x64xf32, #tpu.memory_space<vmem_shared>>)
    } else {
    }
    %add3A_74 = arith.constant 16 : i32
    %add3A_75 = arith.addi %arg1, %add3A_74 : i32
    %lt3A_76 = arith.constant 50 : i32
    %lt3A_77 = arith.cmpi slt, %add3A_75, %lt3A_76 : i32
    %convert_element_type3A_78 = arith.extui %lt3A_77 : i1 to i32
    %cond3A_79 = arith.constant 0 : i32
    %cond3A_80 = arith.cmpi ne, %convert_element_type3A_78, %cond3A_79 : i32
    scf.if %cond3A_80 {
      %mul3A_218 = arith.constant 200 : i32
      %mul3A_219 = arith.muli %add3A_75, %mul3A_218 : i32
      %dma_wait3A_220 = arith.constant 0 : i32
      %dma_wait3A_221 = tpu.memref_slice %arg18[%mul3A_219, %dma_wait3A_220] : memref<10000x64xf32, #tpu.memory_space<vmem_shared>> -> memref<200x64xf32, #tpu.memory_space<vmem_shared>>
      %dma_wait3A_222 = arith.constant 0 : i32
      %dma_wait3A_223 = tpu.memref_slice %arg18[%mul3A_219, %dma_wait3A_222] : memref<10000x64xf32, #tpu.memory_space<vmem_shared>> -> memref<200x64xf32, #tpu.memory_space<vmem_shared>>
      tpu.wait_dma2 semaphore(%arg23 : memref<!tpu.dma_semaphore, #tpu.memory_space<semaphore_mem>>) src(%arg17 : memref<200x64xf32, #tpu.memory_space<vmem>>) dst(%dma_wait3A_223 : memref<200x64xf32, #tpu.memory_space<vmem_shared>>)
    } else {
    }
    %add3A_81 = arith.constant 32 : i32
    %add3A_82 = arith.addi %arg1, %add3A_81 : i32
    %lt3A_83 = arith.constant 50 : i32
    %lt3A_84 = arith.cmpi slt, %add3A_82, %lt3A_83 : i32
    %convert_element_type3A_85 = arith.extui %lt3A_84 : i1 to i32
    %cond3A_86 = arith.constant 0 : i32
    %cond3A_87 = arith.cmpi ne, %convert_element_type3A_85, %cond3A_86 : i32
    scf.if %cond3A_87 {
      %mul3A_218 = arith.constant 200 : i32
      %mul3A_219 = arith.muli %add3A_82, %mul3A_218 : i32
      %dma_wait3A_220 = arith.constant 0 : i32
      %dma_wait3A_221 = tpu.memref_slice %arg18[%mul3A_219, %dma_wait3A_220] : memref<10000x64xf32, #tpu.memory_space<vmem_shared>> -> memref<200x64xf32, #tpu.memory_space<vmem_shared>>
      %dma_wait3A_222 = arith.constant 0 : i32
      %dma_wait3A_223 = tpu.memref_slice %arg18[%mul3A_219, %dma_wait3A_222] : memref<10000x64xf32, #tpu.memory_space<vmem_shared>> -> memref<200x64xf32, #tpu.memory_space<vmem_shared>>
      tpu.wait_dma2 semaphore(%arg23 : memref<!tpu.dma_semaphore, #tpu.memory_space<semaphore_mem>>) src(%arg17 : memref<200x64xf32, #tpu.memory_space<vmem>>) dst(%dma_wait3A_223 : memref<200x64xf32, #tpu.memory_space<vmem_shared>>)
    } else {
    }
    %add3A_88 = arith.constant 48 : i32
    %add3A_89 = arith.addi %arg1, %add3A_88 : i32
    %lt3A_90 = arith.constant 50 : i32
    %lt3A_91 = arith.cmpi slt, %add3A_89, %lt3A_90 : i32
    %convert_element_type3A_92 = arith.extui %lt3A_91 : i1 to i32
    %cond3A_93 = arith.constant 0 : i32
    %cond3A_94 = arith.cmpi ne, %convert_element_type3A_92, %cond3A_93 : i32
    scf.if %cond3A_94 {
      %mul3A_218 = arith.constant 200 : i32
      %mul3A_219 = arith.muli %add3A_89, %mul3A_218 : i32
      %dma_wait3A_220 = arith.constant 0 : i32
      %dma_wait3A_221 = tpu.memref_slice %arg18[%mul3A_219, %dma_wait3A_220] : memref<10000x64xf32, #tpu.memory_space<vmem_shared>> -> memref<200x64xf32, #tpu.memory_space<vmem_shared>>
      %dma_wait3A_222 = arith.constant 0 : i32
      %dma_wait3A_223 = tpu.memref_slice %arg18[%mul3A_219, %dma_wait3A_222] : memref<10000x64xf32, #tpu.memory_space<vmem_shared>> -> memref<200x64xf32, #tpu.memory_space<vmem_shared>>
      tpu.wait_dma2 semaphore(%arg23 : memref<!tpu.dma_semaphore, #tpu.memory_space<semaphore_mem>>) src(%arg17 : memref<200x64xf32, #tpu.memory_space<vmem>>) dst(%dma_wait3A_223 : memref<200x64xf32, #tpu.memory_space<vmem_shared>>)
    } else {
    }
    %barrier3A = arith.constant 0 : index
    tpu.barrier barrier_id(%barrier3A)
    %mul3A = arith.constant 10240 : i32
    %mul3A_95 = arith.muli %arg1, %mul3A : i32
    %dma_start3A_96 = arith.constant 0 : i32
    %dma_start3A_97 = arith.constant 0 : i32
    %dma_start3A_98 = tpu.memref_slice %arg9[%dma_start3A_96, %dma_start3A_97] : memref<80x128xi32, #tpu.memory_space<vmem>> -> memref<1x128xi32, #tpu.memory_space<vmem>>
    %dma_start3A_99 = tpu.memref_squeeze %dma_start3A_98 : memref<1x128xi32, #tpu.memory_space<vmem>> -> memref<128xi32, #tpu.memory_space<vmem>>
    %dma_start3A_100 = arith.constant 0 : i32
    %dma_start3A_101 = arith.constant 0 : i32
    %dma_start3A_102 = tpu.memref_slice %arg2[%dma_start3A_100, %dma_start3A_101] : memref<10000x16xf32, #tpu.memory_space<hbm>> -> memref<10000x16xf32, #tpu.memory_space<hbm>>
    tpu.enqueue_indirect_dma source(%dma_start3A_102 : memref<10000x16xf32, #tpu.memory_space<hbm>>) target(%arg11 : memref<128x16xf32, #tpu.memory_space<vmem>>) offsets(%dma_start3A_99 : memref<128xi32, #tpu.memory_space<vmem>>) semaphore(%arg19 : memref<!tpu.dma_semaphore, #tpu.memory_space<semaphore_mem>>)
    %dma_start3A_103 = arith.constant 0 : i32
    %dma_start3A_104 = arith.constant 0 : i32
    %dma_start3A_105 = tpu.memref_slice %arg10[%dma_start3A_103, %dma_start3A_104] : memref<80x128xi32, #tpu.memory_space<vmem>> -> memref<1x128xi32, #tpu.memory_space<vmem>>
    %dma_start3A_106 = tpu.memref_squeeze %dma_start3A_105 : memref<1x128xi32, #tpu.memory_space<vmem>> -> memref<128xi32, #tpu.memory_space<vmem>>
    %dma_start3A_107 = arith.constant 0 : i32
    %dma_start3A_108 = arith.constant 0 : i32
    %dma_start3A_109 = tpu.memref_slice %arg2[%dma_start3A_107, %dma_start3A_108] : memref<10000x16xf32, #tpu.memory_space<hbm>> -> memref<10000x16xf32, #tpu.memory_space<hbm>>
    tpu.enqueue_indirect_dma source(%dma_start3A_109 : memref<10000x16xf32, #tpu.memory_space<hbm>>) target(%arg12 : memref<128x16xf32, #tpu.memory_space<vmem>>) offsets(%dma_start3A_106 : memref<128xi32, #tpu.memory_space<vmem>>) semaphore(%arg20 : memref<!tpu.dma_semaphore, #tpu.memory_space<semaphore_mem>>)
    %eq3A = arith.constant 0 : i32
    %eq3A_110 = arith.cmpi eq, %arg0, %eq3A : i32
    %convert_element_type3A_111 = arith.extui %eq3A_110 : i1 to i32
    %cond3A_112 = arith.constant 0 : i32
    %cond3A_113 = arith.cmpi ne, %convert_element_type3A_111, %cond3A_112 : i32
    scf.if %cond3A_113 {
      %dma_start3A_218 = arith.constant 0 : i32
      %dma_start3A_219 = arith.constant 0 : i32
      %dma_start3A_220 = tpu.memref_slice %arg10[%dma_start3A_218, %dma_start3A_219] : memref<80x128xi32, #tpu.memory_space<vmem>> -> memref<1x128xi32, #tpu.memory_space<vmem>>
      %dma_start3A_221 = tpu.memref_squeeze %dma_start3A_220 : memref<1x128xi32, #tpu.memory_space<vmem>> -> memref<128xi32, #tpu.memory_space<vmem>>
      %dma_start3A_222 = arith.constant 0 : i32
      %dma_start3A_223 = arith.constant 0 : i32
      %dma_start3A_224 = tpu.memref_slice %arg3[%dma_start3A_222, %dma_start3A_223] : memref<10000x64xf32, #tpu.memory_space<hbm>> -> memref<10000x64xf32, #tpu.memory_space<hbm>>
      tpu.enqueue_indirect_dma source(%dma_start3A_224 : memref<10000x64xf32, #tpu.memory_space<hbm>>) target(%arg13 : memref<128x64xf32, #tpu.memory_space<vmem>>) offsets(%dma_start3A_221 : memref<128xi32, #tpu.memory_space<vmem>>) semaphore(%arg21 : memref<!tpu.dma_semaphore, #tpu.memory_space<semaphore_mem>>)
    } else {
    }
    %eq3A_114 = arith.constant 1 : i32
    %eq3A_115 = arith.cmpi eq, %arg0, %eq3A_114 : i32
    %convert_element_type3A_116 = arith.extui %eq3A_115 : i1 to i32
    %cond3A_117 = arith.constant 0 : i32
    %cond3A_118 = arith.cmpi ne, %convert_element_type3A_116, %cond3A_117 : i32
    scf.if %cond3A_118 {
      %dma_start3A_218 = arith.constant 0 : i32
      %dma_start3A_219 = arith.constant 0 : i32
      %dma_start3A_220 = tpu.memref_slice %arg10[%dma_start3A_218, %dma_start3A_219] : memref<80x128xi32, #tpu.memory_space<vmem>> -> memref<1x128xi32, #tpu.memory_space<vmem>>
      %dma_start3A_221 = tpu.memref_squeeze %dma_start3A_220 : memref<1x128xi32, #tpu.memory_space<vmem>> -> memref<128xi32, #tpu.memory_space<vmem>>
      %dma_start3A_222 = arith.constant 0 : i32
      %dma_start3A_223 = arith.constant 0 : i32
      %dma_start3A_224 = tpu.memref_slice %arg4[%dma_start3A_222, %dma_start3A_223] : memref<10000x64xf32, #tpu.memory_space<hbm>> -> memref<10000x64xf32, #tpu.memory_space<hbm>>
      tpu.enqueue_indirect_dma source(%dma_start3A_224 : memref<10000x64xf32, #tpu.memory_space<hbm>>) target(%arg13 : memref<128x64xf32, #tpu.memory_space<vmem>>) offsets(%dma_start3A_221 : memref<128xi32, #tpu.memory_space<vmem>>) semaphore(%arg21 : memref<!tpu.dma_semaphore, #tpu.memory_space<semaphore_mem>>)
    } else {
    }
    %scan3A_119 = arith.constant 0 : i32
    %scan3A_120 = arith.constant 0 : i32
    %scan3A_121 = arith.constant 40 : i32
    %scan3A_122 = arith.addi %scan3A_120, %scan3A_121 : i32
    %scan3A_123 = arith.constant 1 : i32
    %scan3A_124 = scf.for %scan3A_218 = %scan3A_120 to %scan3A_122 step %scan3A_123 iter_args(%scan3A_219 = %scan3A_119) -> (i32)  : i32 {
      %mul3A_220 = arith.constant 2 : i32
      %mul3A_221 = arith.muli %mul3A_220, %scan3A_218 : i32
      %dma_wait3A_222 = arith.constant 0 : i32
      %dma_wait3A_223 = tpu.memref_slice %arg9[%mul3A_221, %dma_wait3A_222] : memref<80x128xi32, #tpu.memory_space<vmem>> -> memref<1x128xi32, #tpu.memory_space<vmem>>
      %dma_wait3A_224 = tpu.memref_squeeze %dma_wait3A_223 : memref<1x128xi32, #tpu.memory_space<vmem>> -> memref<128xi32, #tpu.memory_space<vmem>>
      %dma_wait3A_225 = arith.constant 0 : i32
      %dma_wait3A_226 = arith.constant 0 : i32
      %dma_wait3A_227 = tpu.memref_slice %arg2[%dma_wait3A_225, %dma_wait3A_226] : memref<10000x16xf32, #tpu.memory_space<hbm>> -> memref<10000x16xf32, #tpu.memory_space<hbm>>
      tpu.wait_indirect_dma semaphore(%arg19 : memref<!tpu.dma_semaphore, #tpu.memory_space<semaphore_mem>>) src(%dma_wait3A_227 : memref<10000x16xf32, #tpu.memory_space<hbm>>) dst(%arg11 : memref<128x16xf32, #tpu.memory_space<vmem>>)
      %dma_wait3A_228 = arith.constant 0 : i32
      %dma_wait3A_229 = tpu.memref_slice %arg10[%mul3A_221, %dma_wait3A_228] : memref<80x128xi32, #tpu.memory_space<vmem>> -> memref<1x128xi32, #tpu.memory_space<vmem>>
      %dma_wait3A_230 = tpu.memref_squeeze %dma_wait3A_229 : memref<1x128xi32, #tpu.memory_space<vmem>> -> memref<128xi32, #tpu.memory_space<vmem>>
      %dma_wait3A_231 = arith.constant 0 : i32
      %dma_wait3A_232 = arith.constant 0 : i32
      %dma_wait3A_233 = tpu.memref_slice %arg2[%dma_wait3A_231, %dma_wait3A_232] : memref<10000x16xf32, #tpu.memory_space<hbm>> -> memref<10000x16xf32, #tpu.memory_space<hbm>>
      tpu.wait_indirect_dma semaphore(%arg20 : memref<!tpu.dma_semaphore, #tpu.memory_space<semaphore_mem>>) src(%dma_wait3A_233 : memref<10000x16xf32, #tpu.memory_space<hbm>>) dst(%arg12 : memref<128x16xf32, #tpu.memory_space<vmem>>)
      %add3A_234 = arith.constant 0 : i32
      %add3A_235 = vector.broadcast %add3A_234 : i32 to vector<16xi32>
      %add3A_236 = arith.addi %add3A_235, %iota3A : vector<16xi32>
      %broadcast_in_dim3A = arith.constant 0.000000e+00 : f32
      %broadcast_in_dim3A_237 = vector.broadcast %broadcast_in_dim3A : f32 to vector<16xf32>
      %broadcast_in_dim3A_238 = arith.constant 0 : i32
      %broadcast_in_dim3A_239 = vector.broadcast %broadcast_in_dim3A_238 : i32 to vector<16xi32>
      %gather3A = tpu.vector_load_idx %arg11[%add3A_236, %broadcast_in_dim3A_239] : memref<128x16xf32, #tpu.memory_space<vmem>>[vector<16xi32>, vector<16xi32>], vector<16xf32>,
      %gather3A_240 = tpu.vector_load_idx %arg12[%add3A_236, %broadcast_in_dim3A_239] : memref<128x16xf32, #tpu.memory_space<vmem>>[vector<16xi32>, vector<16xi32>], vector<16xf32>,
      %mul3A_241 = arith.mulf %gather3A, %gather3A_240 : vector<16xf32>
      %add3A_242 = arith.addf %broadcast_in_dim3A_237, %mul3A_241 : vector<16xf32>
      %broadcast_in_dim3A_243 = arith.constant 1 : i32
      %broadcast_in_dim3A_244 = vector.broadcast %broadcast_in_dim3A_243 : i32 to vector<16xi32>
      %gather3A_245 = tpu.vector_load_idx %arg11[%add3A_236, %broadcast_in_dim3A_244] : memref<128x16xf32, #tpu.memory_space<vmem>>[vector<16xi32>, vector<16xi32>], vector<16xf32>,
      %gather3A_246 = tpu.vector_load_idx %arg12[%add3A_236, %broadcast_in_dim3A_244] : memref<128x16xf32, #tpu.memory_space<vmem>>[vector<16xi32>, vector<16xi32>], vector<16xf32>,
      %mul3A_247 = arith.mulf %gather3A_245, %gather3A_246 : vector<16xf32>
      %add3A_248 = arith.addf %add3A_242, %mul3A_247 : vector<16xf32>
      %broadcast_in_dim3A_249 = arith.constant 2 : i32
      %broadcast_in_dim3A_250 = vector.broadcast %broadcast_in_dim3A_249 : i32 to vector<16xi32>
      %gather3A_251 = tpu.vector_load_idx %arg11[%add3A_236, %broadcast_in_dim3A_250] : memref<128x16xf32, #tpu.memory_space<vmem>>[vector<16xi32>, vector<16xi32>], vector<16xf32>,
      %gather3A_252 = tpu.vector_load_idx %arg12[%add3A_236, %broadcast_in_dim3A_250] : memref<128x16xf32, #tpu.memory_space<vmem>>[vector<16xi32>, vector<16xi32>], vector<16xf32>,
      %mul3A_253 = arith.mulf %gather3A_251, %gather3A_252 : vector<16xf32>
      %add3A_254 = arith.addf %add3A_248, %mul3A_253 : vector<16xf32>
      %broadcast_in_dim3A_255 = arith.constant 3 : i32
      %broadcast_in_dim3A_256 = vector.broadcast %broadcast_in_dim3A_255 : i32 to vector<16xi32>
      %gather3A_257 = tpu.vector_load_idx %arg11[%add3A_236, %broadcast_in_dim3A_256] : memref<128x16xf32, #tpu.memory_space<vmem>>[vector<16xi32>, vector<16xi32>], vector<16xf32>,
      %gather3A_258 = tpu.vector_load_idx %arg12[%add3A_236, %broadcast_in_dim3A_256] : memref<128x16xf32, #tpu.memory_space<vmem>>[vector<16xi32>, vector<16xi32>], vector<16xf32>,
      %mul3A_259 = arith.mulf %gather3A_257, %gather3A_258 : vector<16xf32>
      %add3A_260 = arith.addf %add3A_254, %mul3A_259 : vector<16xf32>
      %broadcast_in_dim3A_261 = arith.constant 4 : i32
      %broadcast_in_dim3A_262 = vector.broadcast %broadcast_in_dim3A_261 : i32 to vector<16xi32>
      %gather3A_263 = tpu.vector_load_idx %arg11[%add3A_236, %broadcast_in_dim3A_262] : memref<128x16xf32, #tpu.memory_space<vmem>>[vector<16xi32>, vector<16xi32>], vector<16xf32>,
      %gather3A_264 = tpu.vector_load_idx %arg12[%add3A_236, %broadcast_in_dim3A_262] : memref<128x16xf32, #tpu.memory_space<vmem>>[vector<16xi32>, vector<16xi32>], vector<16xf32>,
      %mul3A_265 = arith.mulf %gather3A_263, %gather3A_264 : vector<16xf32>
      %add3A_266 = arith.addf %add3A_260, %mul3A_265 : vector<16xf32>
      %broadcast_in_dim3A_267 = arith.constant 5 : i32
      %broadcast_in_dim3A_268 = vector.broadcast %broadcast_in_dim3A_267 : i32 to vector<16xi32>
      %gather3A_269 = tpu.vector_load_idx %arg11[%add3A_236, %broadcast_in_dim3A_268] : memref<128x16xf32, #tpu.memory_space<vmem>>[vector<16xi32>, vector<16xi32>], vector<16xf32>,
      %gather3A_270 = tpu.vector_load_idx %arg12[%add3A_236, %broadcast_in_dim3A_268] : memref<128x16xf32, #tpu.memory_space<vmem>>[vector<16xi32>, vector<16xi32>], vector<16xf32>,
      %mul3A_271 = arith.mulf %gather3A_269, %gather3A_270 : vector<16xf32>
      %add3A_272 = arith.addf %add3A_266, %mul3A_271 : vector<16xf32>
      %broadcast_in_dim3A_273 = arith.constant 6 : i32
      %broadcast_in_dim3A_274 = vector.broadcast %broadcast_in_dim3A_273 : i32 to vector<16xi32>
      %gather3A_275 = tpu.vector_load_idx %arg11[%add3A_236, %broadcast_in_dim3A_274] : memref<128x16xf32, #tpu.memory_space<vmem>>[vector<16xi32>, vector<16xi32>], vector<16xf32>,
      %gather3A_276 = tpu.vector_load_idx %arg12[%add3A_236, %broadcast_in_dim3A_274] : memref<128x16xf32, #tpu.memory_space<vmem>>[vector<16xi32>, vector<16xi32>], vector<16xf32>,
      %mul3A_277 = arith.mulf %gather3A_275, %gather3A_276 : vector<16xf32>
      %add3A_278 = arith.addf %add3A_272, %mul3A_277 : vector<16xf32>
      %broadcast_in_dim3A_279 = arith.constant 7 : i32
      %broadcast_in_dim3A_280 = vector.broadcast %broadcast_in_dim3A_279 : i32 to vector<16xi32>
      %gather3A_281 = tpu.vector_load_idx %arg11[%add3A_236, %broadcast_in_dim3A_280] : memref<128x16xf32, #tpu.memory_space<vmem>>[vector<16xi32>, vector<16xi32>], vector<16xf32>,
      %gather3A_282 = tpu.vector_load_idx %arg12[%add3A_236, %broadcast_in_dim3A_280] : memref<128x16xf32, #tpu.memory_space<vmem>>[vector<16xi32>, vector<16xi32>], vector<16xf32>,
      %mul3A_283 = arith.mulf %gather3A_281, %gather3A_282 : vector<16xf32>
      %add3A_284 = arith.addf %add3A_278, %mul3A_283 : vector<16xf32>
      %broadcast_in_dim3A_285 = arith.constant 8 : i32
      %broadcast_in_dim3A_286 = vector.broadcast %broadcast_in_dim3A_285 : i32 to vector<16xi32>
      %gather3A_287 = tpu.vector_load_idx %arg11[%add3A_236, %broadcast_in_dim3A_286] : memref<128x16xf32, #tpu.memory_space<vmem>>[vector<16xi32>, vector<16xi32>], vector<16xf32>,
      %gather3A_288 = tpu.vector_load_idx %arg12[%add3A_236, %broadcast_in_dim3A_286] : memref<128x16xf32, #tpu.memory_space<vmem>>[vector<16xi32>, vector<16xi32>], vector<16xf32>,
      %mul3A_289 = arith.mulf %gather3A_287, %gather3A_288 : vector<16xf32>
      %add3A_290 = arith.addf %add3A_284, %mul3A_289 : vector<16xf32>
      %broadcast_in_dim3A_291 = arith.constant 9 : i32
      %broadcast_in_dim3A_292 = vector.broadcast %broadcast_in_dim3A_291 : i32 to vector<16xi32>
      %gather3A_293 = tpu.vector_load_idx %arg11[%add3A_236, %broadcast_in_dim3A_292] : memref<128x16xf32, #tpu.memory_space<vmem>>[vector<16xi32>, vector<16xi32>], vector<16xf32>,
      %gather3A_294 = tpu.vector_load_idx %arg12[%add3A_236, %broadcast_in_dim3A_292] : memref<128x16xf32, #tpu.memory_space<vmem>>[vector<16xi32>, vector<16xi32>], vector<16xf32>,
      %mul3A_295 = arith.mulf %gather3A_293, %gather3A_294 : vector<16xf32>
      %add3A_296 = arith.addf %add3A_290, %mul3A_295 : vector<16xf32>
      %broadcast_in_dim3A_297 = arith.constant 10 : i32
      %broadcast_in_dim3A_298 = vector.broadcast %broadcast_in_dim3A_297 : i32 to vector<16xi32>
      %gather3A_299 = tpu.vector_load_idx %arg11[%add3A_236, %broadcast_in_dim3A_298] : memref<128x16xf32, #tpu.memory_space<vmem>>[vector<16xi32>, vector<16xi32>], vector<16xf32>,
      %gather3A_300 = tpu.vector_load_idx %arg12[%add3A_236, %broadcast_in_dim3A_298] : memref<128x16xf32, #tpu.memory_space<vmem>>[vector<16xi32>, vector<16xi32>], vector<16xf32>,
      %mul3A_301 = arith.mulf %gather3A_299, %gather3A_300 : vector<16xf32>
      %add3A_302 = arith.addf %add3A_296, %mul3A_301 : vector<16xf32>
      %broadcast_in_dim3A_303 = arith.constant 11 : i32
      %broadcast_in_dim3A_304 = vector.broadcast %broadcast_in_dim3A_303 : i32 to vector<16xi32>
      %gather3A_305 = tpu.vector_load_idx %arg11[%add3A_236, %broadcast_in_dim3A_304] : memref<128x16xf32, #tpu.memory_space<vmem>>[vector<16xi32>, vector<16xi32>], vector<16xf32>,
      %gather3A_306 = tpu.vector_load_idx %arg12[%add3A_236, %broadcast_in_dim3A_304] : memref<128x16xf32, #tpu.memory_space<vmem>>[vector<16xi32>, vector<16xi32>], vector<16xf32>,
      %mul3A_307 = arith.mulf %gather3A_305, %gather3A_306 : vector<16xf32>
      %add3A_308 = arith.addf %add3A_302, %mul3A_307 : vector<16xf32>
      %broadcast_in_dim3A_309 = arith.constant 12 : i32
      %broadcast_in_dim3A_310 = vector.broadcast %broadcast_in_dim3A_309 : i32 to vector<16xi32>
      %gather3A_311 = tpu.vector_load_idx %arg11[%add3A_236, %broadcast_in_dim3A_310] : memref<128x16xf32, #tpu.memory_space<vmem>>[vector<16xi32>, vector<16xi32>], vector<16xf32>,
      %gather3A_312 = tpu.vector_load_idx %arg12[%add3A_236, %broadcast_in_dim3A_310] : memref<128x16xf32, #tpu.memory_space<vmem>>[vector<16xi32>, vector<16xi32>], vector<16xf32>,
      %mul3A_313 = arith.mulf %gather3A_311, %gather3A_312 : vector<16xf32>
      %add3A_314 = arith.addf %add3A_308, %mul3A_313 : vector<16xf32>
      %broadcast_in_dim3A_315 = arith.constant 13 : i32
      %broadcast_in_dim3A_316 = vector.broadcast %broadcast_in_dim3A_315 : i32 to vector<16xi32>
      %gather3A_317 = tpu.vector_load_idx %arg11[%add3A_236, %broadcast_in_dim3A_316] : memref<128x16xf32, #tpu.memory_space<vmem>>[vector<16xi32>, vector<16xi32>], vector<16xf32>,
      %gather3A_318 = tpu.vector_load_idx %arg12[%add3A_236, %broadcast_in_dim3A_316] : memref<128x16xf32, #tpu.memory_space<vmem>>[vector<16xi32>, vector<16xi32>], vector<16xf32>,
      %mul3A_319 = arith.mulf %gather3A_317, %gather3A_318 : vector<16xf32>
      %add3A_320 = arith.addf %add3A_314, %mul3A_319 : vector<16xf32>
      %broadcast_in_dim3A_321 = arith.constant 14 : i32
      %broadcast_in_dim3A_322 = vector.broadcast %broadcast_in_dim3A_321 : i32 to vector<16xi32>
      %gather3A_323 = tpu.vector_load_idx %arg11[%add3A_236, %broadcast_in_dim3A_322] : memref<128x16xf32, #tpu.memory_space<vmem>>[vector<16xi32>, vector<16xi32>], vector<16xf32>,
      %gather3A_324 = tpu.vector_load_idx %arg12[%add3A_236, %broadcast_in_dim3A_322] : memref<128x16xf32, #tpu.memory_space<vmem>>[vector<16xi32>, vector<16xi32>], vector<16xf32>,
      %mul3A_325 = arith.mulf %gather3A_323, %gather3A_324 : vector<16xf32>
      %add3A_326 = arith.addf %add3A_320, %mul3A_325 : vector<16xf32>
      %broadcast_in_dim3A_327 = arith.constant 15 : i32
      %broadcast_in_dim3A_328 = vector.broadcast %broadcast_in_dim3A_327 : i32 to vector<16xi32>
      %gather3A_329 = tpu.vector_load_idx %arg11[%add3A_236, %broadcast_in_dim3A_328] : memref<128x16xf32, #tpu.memory_space<vmem>>[vector<16xi32>, vector<16xi32>], vector<16xf32>,
      %gather3A_330 = tpu.vector_load_idx %arg12[%add3A_236, %broadcast_in_dim3A_328] : memref<128x16xf32, #tpu.memory_space<vmem>>[vector<16xi32>, vector<16xi32>], vector<16xf32>,
      %mul3A_331 = arith.mulf %gather3A_329, %gather3A_330 : vector<16xf32>
      %add3A_332 = arith.addf %add3A_326, %mul3A_331 : vector<16xf32>
      %mul3A_333 = arith.constant 128 : i32
      %mul3A_334 = arith.muli %mul3A_221, %mul3A_333 : i32
      %add3A_335 = arith.addi %mul3A_95, %mul3A_334 : i32
      %add3A_336 = arith.constant 0 : i32
      %add3A_337 = arith.addi %add3A_335, %add3A_336 : i32
      %add3A_338 = vector.broadcast %add3A_337 : i32 to vector<16xi32>
      %add3A_339 = arith.addi %add3A_338, %iota3A : vector<16xi32>
      %lt3A_340 = arith.constant 160000 : i32
      %lt3A_341 = vector.broadcast %lt3A_340 : i32 to vector<16xi32>
      %lt3A_342 = arith.cmpi slt, %add3A_339, %lt3A_341 : vector<16xi32>
      %exp3A = math.exp %add3A_332 : vector<16xf32>
      %jit3A = arith.constant 0.000000e+00 : f32
      %broadcast_in_dim3A_343 = vector.broadcast %jit3A : f32 to vector<16xf32>
      %select_n3A = arith.select %lt3A_342, %exp3A, %broadcast_in_dim3A_343 : vector<16xi1>, vector<16xf32>
      %swap3A = arith.constant 0 : index
      %swap3A_344 = tpu.vector_load %arg15[%swap3A] {strides = array<i32>} : memref<128xf32, #tpu.memory_space<vmem>>, vector<16xf32>,
      tpu.vector_store %arg15[%swap3A], %select_n3A {strides = array<i32>} : memref<128xf32, #tpu.memory_space<vmem>>, vector<16xf32>,
      %get3A = arith.index_cast %mul3A_221 : i32 to index
      %get3A_345 = arith.constant 0 : index
      %get3A_346 = tpu.vector_load %arg9[%get3A, %get3A_345] {strides = array<i32>} : memref<80x128xi32, #tpu.memory_space<vmem>>, vector<16xi32>,
      tpu.vector_store_idx %arg16[%get3A_346], %select_n3A {add = true} : memref<10000xf32, #tpu.memory_space<vmem>>[vector<16xi32>], vector<16xf32>,
      %add3A_347 = arith.constant 16 : i32
      %add3A_348 = vector.broadcast %add3A_347 : i32 to vector<16xi32>
      %add3A_349 = arith.addi %add3A_348, %iota3A : vector<16xi32>
      %broadcast_in_dim3A_350 = arith.constant 0.000000e+00 : f32
      %broadcast_in_dim3A_351 = vector.broadcast %broadcast_in_dim3A_350 : f32 to vector<16xf32>
      %broadcast_in_dim3A_352 = arith.constant 0 : i32
      %broadcast_in_dim3A_353 = vector.broadcast %broadcast_in_dim3A_352 : i32 to vector<16xi32>
      %gather3A_354 = tpu.vector_load_idx %arg11[%add3A_349, %broadcast_in_dim3A_353] : memref<128x16xf32, #tpu.memory_space<vmem>>[vector<16xi32>, vector<16xi32>], vector<16xf32>,
      %gather3A_355 = tpu.vector_load_idx %arg12[%add3A_349, %broadcast_in_dim3A_353] : memref<128x16xf32, #tpu.memory_space<vmem>>[vector<16xi32>, vector<16xi32>], vector<16xf32>,
      %mul3A_356 = arith.mulf %gather3A_354, %gather3A_355 : vector<16xf32>
      %add3A_357 = arith.addf %broadcast_in_dim3A_351, %mul3A_356 : vector<16xf32>
      %broadcast_in_dim3A_358 = arith.constant 1 : i32
      %broadcast_in_dim3A_359 = vector.broadcast %broadcast_in_dim3A_358 : i32 to vector<16xi32>
      %gather3A_360 = tpu.vector_load_idx %arg11[%add3A_349, %broadcast_in_dim3A_359] : memref<128x16xf32, #tpu.memory_space<vmem>>[vector<16xi32>, vector<16xi32>], vector<16xf32>,
      %gather3A_361 = tpu.vector_load_idx %arg12[%add3A_349, %broadcast_in_dim3A_359] : memref<128x16xf32, #tpu.memory_space<vmem>>[vector<16xi32>, vector<16xi32>], vector<16xf32>,
      %mul3A_362 = arith.mulf %gather3A_360, %gather3A_361 : vector<16xf32>
      %add3A_363 = arith.addf %add3A_357, %mul3A_362 : vector<16xf32>
      %broadcast_in_dim3A_364 = arith.constant 2 : i32
      %broadcast_in_dim3A_365 = vector.broadcast %broadcast_in_dim3A_364 : i32 to vector<16xi32>
      %gather3A_366 = tpu.vector_load_idx %arg11[%add3A_349, %broadcast_in_dim3A_365] : memref<128x16xf32, #tpu.memory_space<vmem>>[vector<16xi32>, vector<16xi32>], vector<16xf32>,
      %gather3A_367 = tpu.vector_load_idx %arg12[%add3A_349, %broadcast_in_dim3A_365] : memref<128x16xf32, #tpu.memory_space<vmem>>[vector<16xi32>, vector<16xi32>], vector<16xf32>,
      %mul3A_368 = arith.mulf %gather3A_366, %gather3A_367 : vector<16xf32>
      %add3A_369 = arith.addf %add3A_363, %mul3A_368 : vector<16xf32>
      %broadcast_in_dim3A_370 = arith.constant 3 : i32
      %broadcast_in_dim3A_371 = vector.broadcast %broadcast_in_dim3A_370 : i32 to vector<16xi32>
      %gather3A_372 = tpu.vector_load_idx %arg11[%add3A_349, %broadcast_in_dim3A_371] : memref<128x16xf32, #tpu.memory_space<vmem>>[vector<16xi32>, vector<16xi32>], vector<16xf32>,
      %gather3A_373 = tpu.vector_load_idx %arg12[%add3A_349, %broadcast_in_dim3A_371] : memref<128x16xf32, #tpu.memory_space<vmem>>[vector<16xi32>, vector<16xi32>], vector<16xf32>,
      %mul3A_374 = arith.mulf %gather3A_372, %gather3A_373 : vector<16xf32>
      %add3A_375 = arith.addf %add3A_369, %mul3A_374 : vector<16xf32>
      %broadcast_in_dim3A_376 = arith.constant 4 : i32
      %broadcast_in_dim3A_377 = vector.broadcast %broadcast_in_dim3A_376 : i32 to vector<16xi32>
      %gather3A_378 = tpu.vector_load_idx %arg11[%add3A_349, %broadcast_in_dim3A_377] : memref<128x16xf32, #tpu.memory_space<vmem>>[vector<16xi32>, vector<16xi32>], vector<16xf32>,
      %gather3A_379 = tpu.vector_load_idx %arg12[%add3A_349, %broadcast_in_dim3A_377] : memref<128x16xf32, #tpu.memory_space<vmem>>[vector<16xi32>, vector<16xi32>], vector<16xf32>,
      %mul3A_380 = arith.mulf %gather3A_378, %gather3A_379 : vector<16xf32>
      %add3A_381 = arith.addf %add3A_375, %mul3A_380 : vector<16xf32>
      %broadcast_in_dim3A_382 = arith.constant 5 : i32
      %broadcast_in_dim3A_383 = vector.broadcast %broadcast_in_dim3A_382 : i32 to vector<16xi32>
      %gather3A_384 = tpu.vector_load_idx %arg11[%add3A_349, %broadcast_in_dim3A_383] : memref<128x16xf32, #tpu.memory_space<vmem>>[vector<16xi32>, vector<16xi32>], vector<16xf32>,
      %gather3A_385 = tpu.vector_load_idx %arg12[%add3A_349, %broadcast_in_dim3A_383] : memref<128x16xf32, #tpu.memory_space<vmem>>[vector<16xi32>, vector<16xi32>], vector<16xf32>,
      %mul3A_386 = arith.mulf %gather3A_384, %gather3A_385 : vector<16xf32>
      %add3A_387 = arith.addf %add3A_381, %mul3A_386 : vector<16xf32>
      %broadcast_in_dim3A_388 = arith.constant 6 : i32
      %broadcast_in_dim3A_389 = vector.broadcast %broadcast_in_dim3A_388 : i32 to vector<16xi32>
      %gather3A_390 = tpu.vector_load_idx %arg11[%add3A_349, %broadcast_in_dim3A_389] : memref<128x16xf32, #tpu.memory_space<vmem>>[vector<16xi32>, vector<16xi32>], vector<16xf32>,
      %gather3A_391 = tpu.vector_load_idx %arg12[%add3A_349, %broadcast_in_dim3A_389] : memref<128x16xf32, #tpu.memory_space<vmem>>[vector<16xi32>, vector<16xi32>], vector<16xf32>,
      %mul3A_392 = arith.mulf %gather3A_390, %gather3A_391 : vector<16xf32>
      %add3A_393 = arith.addf %add3A_387, %mul3A_392 : vector<16xf32>
      %broadcast_in_dim3A_394 = arith.constant 7 : i32
      %broadcast_in_dim3A_395 = vector.broadcast %broadcast_in_dim3A_394 : i32 to vector<16xi32>
      %gather3A_396 = tpu.vector_load_idx %arg11[%add3A_349, %broadcast_in_dim3A_395] : memref<128x16xf32, #tpu.memory_space<vmem>>[vector<16xi32>, vector<16xi32>], vector<16xf32>,
      %gather3A_397 = tpu.vector_load_idx %arg12[%add3A_349, %broadcast_in_dim3A_395] : memref<128x16xf32, #tpu.memory_space<vmem>>[vector<16xi32>, vector<16xi32>], vector<16xf32>,
      %mul3A_398 = arith.mulf %gather3A_396, %gather3A_397 : vector<16xf32>
      %add3A_399 = arith.addf %add3A_393, %mul3A_398 : vector<16xf32>
      %broadcast_in_dim3A_400 = arith.constant 8 : i32
      %broadcast_in_dim3A_401 = vector.broadcast %broadcast_in_dim3A_400 : i32 to vector<16xi32>
      %gather3A_402 = tpu.vector_load_idx %arg11[%add3A_349, %broadcast_in_dim3A_401] : memref<128x16xf32, #tpu.memory_space<vmem>>[vector<16xi32>, vector<16xi32>], vector<16xf32>,
      %gather3A_403 = tpu.vector_load_idx %arg12[%add3A_349, %broadcast_in_dim3A_401] : memref<128x16xf32, #tpu.memory_space<vmem>>[vector<16xi32>, vector<16xi32>], vector<16xf32>,
      %mul3A_404 = arith.mulf %gather3A_402, %gather3A_403 : vector<16xf32>
      %add3A_405 = arith.addf %add3A_399, %mul3A_404 : vector<16xf32>
      %broadcast_in_dim3A_406 = arith.constant 9 : i32
      %broadcast_in_dim3A_407 = vector.broadcast %broadcast_in_dim3A_406 : i32 to vector<16xi32>
      %gather3A_408 = tpu.vector_load_idx %arg11[%add3A_349, %broadcast_in_dim3A_407] : memref<128x16xf32, #tpu.memory_space<vmem>>[vector<16xi32>, vector<16xi32>], vector<16xf32>,
      %gather3A_409 = tpu.vector_load_idx %arg12[%add3A_349, %broadcast_in_dim3A_407] : memref<128x16xf32, #tpu.memory_space<vmem>>[vector<16xi32>, vector<16xi32>], vector<16xf32>,
      %mul3A_410 = arith.mulf %gather3A_408, %gather3A_409 : vector<16xf32>
      %add3A_411 = arith.addf %add3A_405, %mul3A_410 : vector<16xf32>
      %broadcast_in_dim3A_412 = arith.constant 10 : i32
      %broadcast_in_dim3A_413 = vector.broadcast %broadcast_in_dim3A_412 : i32 to vector<16xi32>
      %gather3A_414 = tpu.vector_load_idx %arg11[%add3A_349, %broadcast_in_dim3A_413] : memref<128x16xf32, #tpu.memory_space<vmem>>[vector<16xi32>, vector<16xi32>], vector<16xf32>,
      %gather3A_415 = tpu.vector_load_idx %arg12[%add3A_349, %broadcast_in_dim3A_413] : memref<128x16xf32, #tpu.memory_space<vmem>>[vector<16xi32>, vector<16xi32>], vector<16xf32>,
      %mul3A_416 = arith.mulf %gather3A_414, %gather3A_415 : vector<16xf32>
      %add3A_417 = arith.addf %add3A_411, %mul3A_416 : vector<16xf32>
      %broadcast_in_dim3A_418 = arith.constant 11 : i32
      %broadcast_in_dim3A_419 = vector.broadcast %broadcast_in_dim3A_418 : i32 to vector<16xi32>
      %gather3A_420 = tpu.vector_load_idx %arg11[%add3A_349, %broadcast_in_dim3A_419] : memref<128x16xf32, #tpu.memory_space<vmem>>[vector<16xi32>, vector<16xi32>], vector<16xf32>,
      %gather3A_421 = tpu.vector_load_idx %arg12[%add3A_349, %broadcast_in_dim3A_419] : memref<128x16xf32, #tpu.memory_space<vmem>>[vector<16xi32>, vector<16xi32>], vector<16xf32>,
      %mul3A_422 = arith.mulf %gather3A_420, %gather3A_421 : vector<16xf32>
      %add3A_423 = arith.addf %add3A_417, %mul3A_422 : vector<16xf32>
      %broadcast_in_dim3A_424 = arith.constant 12 : i32
      %broadcast_in_dim3A_425 = vector.broadcast %broadcast_in_dim3A_424 : i32 to vector<16xi32>
      %gather3A_426 = tpu.vector_load_idx %arg11[%add3A_349, %broadcast_in_dim3A_425] : memref<128x16xf32, #tpu.memory_space<vmem>>[vector<16xi32>, vector<16xi32>], vector<16xf32>,
      %gather3A_427 = tpu.vector_load_idx %arg12[%add3A_349, %broadcast_in_dim3A_425] : memref<128x16xf32, #tpu.memory_space<vmem>>[vector<16xi32>, vector<16xi32>], vector<16xf32>,
      %mul3A_428 = arith.mulf %gather3A_426, %gather3A_427 : vector<16xf32>
      %add3A_429 = arith.addf %add3A_423, %mul3A_428 : vector<16xf32>
      %broadcast_in_dim3A_430 = arith.constant 13 : i32
      %broadcast_in_dim3A_431 = vector.broadcast %broadcast_in_dim3A_430 : i32 to vector<16xi32>
      %gather3A_432 = tpu.vector_load_idx %arg11[%add3A_349, %broadcast_in_dim3A_431] : memref<128x16xf32, #tpu.memory_space<vmem>>[vector<16xi32>, vector<16xi32>], vector<16xf32>,
      %gather3A_433 = tpu.vector_load_idx %arg12[%add3A_349, %broadcast_in_dim3A_431] : memref<128x16xf32, #tpu.memory_space<vmem>>[vector<16xi32>, vector<16xi32>], vector<16xf32>,
      %mul3A_434 = arith.mulf %gather3A_432, %gather3A_433 : vector<16xf32>
      %add3A_435 = arith.addf %add3A_429, %mul3A_434 : vector<16xf32>
      %broadcast_in_dim3A_436 = arith.constant 14 : i32
      %broadcast_in_dim3A_437 = vector.broadcast %broadcast_in_dim3A_436 : i32 to vector<16xi32>
      %gather3A_438 = tpu.vector_load_idx %arg11[%add3A_349, %broadcast_in_dim3A_437] : memref<128x16xf32, #tpu.memory_space<vmem>>[vector<16xi32>, vector<16xi32>], vector<16xf32>,
      %gather3A_439 = tpu.vector_load_idx %arg12[%add3A_349, %broadcast_in_dim3A_437] : memref<128x16xf32, #tpu.memory_space<vmem>>[vector<16xi32>, vector<16xi32>], vector<16xf32>,
      %mul3A_440 = arith.mulf %gather3A_438, %gather3A_439 : vector<16xf32>
      %add3A_441 = arith.addf %add3A_435, %mul3A_440 : vector<16xf32>
      %broadcast_in_dim3A_442 = arith.constant 15 : i32
      %broadcast_in_dim3A_443 = vector.broadcast %broadcast_in_dim3A_442 : i32 to vector<16xi32>
      %gather3A_444 = tpu.vector_load_idx %arg11[%add3A_349, %broadcast_in_dim3A_443] : memref<128x16xf32, #tpu.memory_space<vmem>>[vector<16xi32>, vector<16xi32>], vector<16xf32>,
      %gather3A_445 = tpu.vector_load_idx %arg12[%add3A_349, %broadcast_in_dim3A_443] : memref<128x16xf32, #tpu.memory_space<vmem>>[vector<16xi32>, vector<16xi32>], vector<16xf32>,
      %mul3A_446 = arith.mulf %gather3A_444, %gather3A_445 : vector<16xf32>
      %add3A_447 = arith.addf %add3A_441, %mul3A_446 : vector<16xf32>
      %mul3A_448 = arith.constant 128 : i32
      %mul3A_449 = arith.muli %mul3A_221, %mul3A_448 : i32
      %add3A_450 = arith.addi %mul3A_95, %mul3A_449 : i32
      %add3A_451 = arith.constant 16 : i32
      %add3A_452 = arith.addi %add3A_450, %add3A_451 : i32
      %add3A_453 = vector.broadcast %add3A_452 : i32 to vector<16xi32>
      %add3A_454 = arith.addi %add3A_453, %iota3A : vector<16xi32>
      %lt3A_455 = arith.constant 160000 : i32
      %lt3A_456 = vector.broadcast %lt3A_455 : i32 to vector<16xi32>
      %lt3A_457 = arith.cmpi slt, %add3A_454, %lt3A_456 : vector<16xi32>
      %exp3A_458 = math.exp %add3A_447 : vector<16xf32>
      %jit3A_459 = arith.constant 0.000000e+00 : f32
      %broadcast_in_dim3A_460 = vector.broadcast %jit3A_459 : f32 to vector<16xf32>
      %select_n3A_461 = arith.select %lt3A_457, %exp3A_458, %broadcast_in_dim3A_460 : vector<16xi1>, vector<16xf32>
      %swap3A_462 = arith.constant 16 : index
      %swap3A_463 = tpu.vector_load %arg15[%swap3A_462] {strides = array<i32>} : memref<128xf32, #tpu.memory_space<vmem>>, vector<16xf32>,
      tpu.vector_store %arg15[%swap3A_462], %select_n3A_461 {strides = array<i32>} : memref<128xf32, #tpu.memory_space<vmem>>, vector<16xf32>,
      %get3A_464 = arith.index_cast %mul3A_221 : i32 to index
      %get3A_465 = arith.constant 16 : index
      %get3A_466 = tpu.vector_load %arg9[%get3A_464, %get3A_465] {strides = array<i32>} : memref<80x128xi32, #tpu.memory_space<vmem>>, vector<16xi32>,
      tpu.vector_store_idx %arg16[%get3A_466], %select_n3A_461 {add = true} : memref<10000xf32, #tpu.memory_space<vmem>>[vector<16xi32>], vector<16xf32>,
      %add3A_467 = arith.constant 32 : i32
      %add3A_468 = vector.broadcast %add3A_467 : i32 to vector<16xi32>
      %add3A_469 = arith.addi %add3A_468, %iota3A : vector<16xi32>
      %broadcast_in_dim3A_470 = arith.constant 0.000000e+00 : f32
      %broadcast_in_dim3A_471 = vector.broadcast %broadcast_in_dim3A_470 : f32 to vector<16xf32>
      %broadcast_in_dim3A_472 = arith.constant 0 : i32
      %broadcast_in_dim3A_473 = vector.broadcast %broadcast_in_dim3A_472 : i32 to vector<16xi32>
      %gather3A_474 = tpu.vector_load_idx %arg11[%add3A_469, %broadcast_in_dim3A_473] : memref<128x16xf32, #tpu.memory_space<vmem>>[vector<16xi32>, vector<16xi32>], vector<16xf32>,
      %gather3A_475 = tpu.vector_load_idx %arg12[%add3A_469, %broadcast_in_dim3A_473] : memref<128x16xf32, #tpu.memory_space<vmem>>[vector<16xi32>, vector<16xi32>], vector<16xf32>,
      %mul3A_476 = arith.mulf %gather3A_474, %gather3A_475 : vector<16xf32>
      %add3A_477 = arith.addf %broadcast_in_dim3A_471, %mul3A_476 : vector<16xf32>
      %broadcast_in_dim3A_478 = arith.constant 1 : i32
      %broadcast_in_dim3A_479 = vector.broadcast %broadcast_in_dim3A_478 : i32 to vector<16xi32>
      %gather3A_480 = tpu.vector_load_idx %arg11[%add3A_469, %broadcast_in_dim3A_479] : memref<128x16xf32, #tpu.memory_space<vmem>>[vector<16xi32>, vector<16xi32>], vector<16xf32>,
      %gather3A_481 = tpu.vector_load_idx %arg12[%add3A_469, %broadcast_in_dim3A_479] : memref<128x16xf32, #tpu.memory_space<vmem>>[vector<16xi32>, vector<16xi32>], vector<16xf32>,
      %mul3A_482 = arith.mulf %gather3A_480, %gather3A_481 : vector<16xf32>
      %add3A_483 = arith.addf %add3A_477, %mul3A_482 : vector<16xf32>
      %broadcast_in_dim3A_484 = arith.constant 2 : i32
      %broadcast_in_dim3A_485 = vector.broadcast %broadcast_in_dim3A_484 : i32 to vector<16xi32>
      %gather3A_486 = tpu.vector_load_idx %arg11[%add3A_469, %broadcast_in_dim3A_485] : memref<128x16xf32, #tpu.memory_space<vmem>>[vector<16xi32>, vector<16xi32>], vector<16xf32>,
      %gather3A_487 = tpu.vector_load_idx %arg12[%add3A_469, %broadcast_in_dim3A_485] : memref<128x16xf32, #tpu.memory_space<vmem>>[vector<16xi32>, vector<16xi32>], vector<16xf32>,
      %mul3A_488 = arith.mulf %gather3A_486, %gather3A_487 : vector<16xf32>
      %add3A_489 = arith.addf %add3A_483, %mul3A_488 : vector<16xf32>
      %broadcast_in_dim3A_490 = arith.constant 3 : i32
      %broadcast_in_dim3A_491 = vector.broadcast %broadcast_in_dim3A_490 : i32 to vector<16xi32>
      %gather3A_492 = tpu.vector_load_idx %arg11[%add3A_469, %broadcast_in_dim3A_491] : memref<128x16xf32, #tpu.memory_space<vmem>>[vector<16xi32>, vector<16xi32>], vector<16xf32>,
      %gather3A_493 = tpu.vector_load_idx %arg12[%add3A_469, %broadcast_in_dim3A_491] : memref<128x16xf32, #tpu.memory_space<vmem>>[vector<16xi32>, vector<16xi32>], vector<16xf32>,
      %mul3A_494 = arith.mulf %gather3A_492, %gather3A_493 : vector<16xf32>
      %add3A_495 = arith.addf %add3A_489, %mul3A_494 : vector<16xf32>
      %broadcast_in_dim3A_496 = arith.constant 4 : i32
      %broadcast_in_dim3A_497 = vector.broadcast %broadcast_in_dim3A_496 : i32 to vector<16xi32>
      %gather3A_498 = tpu.vector_load_idx %arg11[%add3A_469, %broadcast_in_dim3A_497] : memref<128x16xf32, #tpu.memory_space<vmem>>[vector<16xi32>, vector<16xi32>], vector<16xf32>,
      %gather3A_499 = tpu.vector_load_idx %arg12[%add3A_469, %broadcast_in_dim3A_497] : memref<128x16xf32, #tpu.memory_space<vmem>>[vector<16xi32>, vector<16xi32>], vector<16xf32>,
      %mul3A_500 = arith.mulf %gather3A_498, %gather3A_499 : vector<16xf32>
      %add3A_501 = arith.addf %add3A_495, %mul3A_500 : vector<16xf32>
      %broadcast_in_dim3A_502 = arith.constant 5 : i32
      %broadcast_in_dim3A_503 = vector.broadcast %broadcast_in_dim3A_502 : i32 to vector<16xi32>
      %gather3A_504 = tpu.vector_load_idx %arg11[%add3A_469, %broadcast_in_dim3A_503] : memref<128x16xf32, #tpu.memory_space<vmem>>[vector<16xi32>, vector<16xi32>], vector<16xf32>,
      %gather3A_505 = tpu.vector_load_idx %arg12[%add3A_469, %broadcast_in_dim3A_503] : memref<128x16xf32, #tpu.memory_space<vmem>>[vector<16xi32>, vector<16xi32>], vector<16xf32>,
      %mul3A_506 = arith.mulf %gather3A_504, %gather3A_505 : vector<16xf32>
      %add3A_507 = arith.addf %add3A_501, %mul3A_506 : vector<16xf32>
      %broadcast_in_dim3A_508 = arith.constant 6 : i32
      %broadcast_in_dim3A_509 = vector.broadcast %broadcast_in_dim3A_508 : i32 to vector<16xi32>
      %gather3A_510 = tpu.vector_load_idx %arg11[%add3A_469, %broadcast_in_dim3A_509] : memref<128x16xf32, #tpu.memory_space<vmem>>[vector<16xi32>, vector<16xi32>], vector<16xf32>,
      %gather3A_511 = tpu.vector_load_idx %arg12[%add3A_469, %broadcast_in_dim3A_509] : memref<128x16xf32, #tpu.memory_space<vmem>>[vector<16xi32>, vector<16xi32>], vector<16xf32>,
      %mul3A_512 = arith.mulf %gather3A_510, %gather3A_511 : vector<16xf32>
      %add3A_513 = arith.addf %add3A_507, %mul3A_512 : vector<16xf32>
      %broadcast_in_dim3A_514 = arith.constant 7 : i32
      %broadcast_in_dim3A_515 = vector.broadcast %broadcast_in_dim3A_514 : i32 to vector<16xi32>
      %gather3A_516 = tpu.vector_load_idx %arg11[%add3A_469, %broadcast_in_dim3A_515] : memref<128x16xf32, #tpu.memory_space<vmem>>[vector<16xi32>, vector<16xi32>], vector<16xf32>,
      %gather3A_517 = tpu.vector_load_idx %arg12[%add3A_469, %broadcast_in_dim3A_515] : memref<128x16xf32, #tpu.memory_space<vmem>>[vector<16xi32>, vector<16xi32>], vector<16xf32>,
      %mul3A_518 = arith.mulf %gather3A_516, %gather3A_517 : vector<16xf32>
      %add3A_519 = arith.addf %add3A_513, %mul3A_518 : vector<16xf32>
      %broadcast_in_dim3A_520 = arith.constant 8 : i32
      %broadcast_in_dim3A_521 = vector.broadcast %broadcast_in_dim3A_520 : i32 to vector<16xi32>
      %gather3A_522 = tpu.vector_load_idx %arg11[%add3A_469, %broadcast_in_dim3A_521] : memref<128x16xf32, #tpu.memory_space<vmem>>[vector<16xi32>, vector<16xi32>], vector<16xf32>,
      %gather3A_523 = tpu.vector_load_idx %arg12[%add3A_469, %broadcast_in_dim3A_521] : memref<128x16xf32, #tpu.memory_space<vmem>>[vector<16xi32>, vector<16xi32>], vector<16xf32>,
      %mul3A_524 = arith.mulf %gather3A_522, %gather3A_523 : vector<16xf32>
      %add3A_525 = arith.addf %add3A_519, %mul3A_524 : vector<16xf32>
      %broadcast_in_dim3A_526 = arith.constant 9 : i32
      %broadcast_in_dim3A_527 = vector.broadcast %broadcast_in_dim3A_526 : i32 to vector<16xi32>
      %gather3A_528 = tpu.vector_load_idx %arg11[%add3A_469, %broadcast_in_dim3A_527] : memref<128x16xf32, #tpu.memory_space<vmem>>[vector<16xi32>, vector<16xi32>], vector<16xf32>,
      %gather3A_529 = tpu.vector_load_idx %arg12[%add3A_469, %broadcast_in_dim3A_527] : memref<128x16xf32, #tpu.memory_space<vmem>>[vector<16xi32>, vector<16xi32>], vector<16xf32>,
      %mul3A_530 = arith.mulf %gather3A_528, %gather3A_529 : vector<16xf32>
      %add3A_531 = arith.addf %add3A_525, %mul3A_530 : vector<16xf32>
      %broadcast_in_dim3A_532 = arith.constant 10 : i32
      %broadcast_in_dim3A_533 = vector.broadcast %broadcast_in_dim3A_532 : i32 to vector<16xi32>
      %gather3A_534 = tpu.vector_load_idx %arg11[%add3A_469, %broadcast_in_dim3A_533] : memref<128x16xf32, #tpu.memory_space<vmem>>[vector<16xi32>, vector<16xi32>], vector<16xf32>,
      %gather3A_535 = tpu.vector_load_idx %arg12[%add3A_469, %broadcast_in_dim3A_533] : memref<128x16xf32, #tpu.memory_space<vmem>>[vector<16xi32>, vector<16xi32>], vector<16xf32>,
      %mul3A_536 = arith.mulf %gather3A_534, %gather3A_535 : vector<16xf32>
      %add3A_537 = arith.addf %add3A_531, %mul3A_536 : vector<16xf32>
      %broadcast_in_dim3A_538 = arith.constant 11 : i32
      %broadcast_in_dim3A_539 = vector.broadcast %broadcast_in_dim3A_538 : i32 to vector<16xi32>
      %gather3A_540 = tpu.vector_load_idx %arg11[%add3A_469, %broadcast_in_dim3A_539] : memref<128x16xf32, #tpu.memory_space<vmem>>[vector<16xi32>, vector<16xi32>], vector<16xf32>,
      %gather3A_541 = tpu.vector_load_idx %arg12[%add3A_469, %broadcast_in_dim3A_539] : memref<128x16xf32, #tpu.memory_space<vmem>>[vector<16xi32>, vector<16xi32>], vector<16xf32>,
      %mul3A_542 = arith.mulf %gather3A_540, %gather3A_541 : vector<16xf32>
      %add3A_543 = arith.addf %add3A_537, %mul3A_542 : vector<16xf32>
      %broadcast_in_dim3A_544 = arith.constant 12 : i32
      %broadcast_in_dim3A_545 = vector.broadcast %broadcast_in_dim3A_544 : i32 to vector<16xi32>
      %gather3A_546 = tpu.vector_load_idx %arg11[%add3A_469, %broadcast_in_dim3A_545] : memref<128x16xf32, #tpu.memory_space<vmem>>[vector<16xi32>, vector<16xi32>], vector<16xf32>,
      %gather3A_547 = tpu.vector_load_idx %arg12[%add3A_469, %broadcast_in_dim3A_545] : memref<128x16xf32, #tpu.memory_space<vmem>>[vector<16xi32>, vector<16xi32>], vector<16xf32>,
      %mul3A_548 = arith.mulf %gather3A_546, %gather3A_547 : vector<16xf32>
      %add3A_549 = arith.addf %add3A_543, %mul3A_548 : vector<16xf32>
      %broadcast_in_dim3A_550 = arith.constant 13 : i32
      %broadcast_in_dim3A_551 = vector.broadcast %broadcast_in_dim3A_550 : i32 to vector<16xi32>
      %gather3A_552 = tpu.vector_load_idx %arg11[%add3A_469, %broadcast_in_dim3A_551] : memref<128x16xf32, #tpu.memory_space<vmem>>[vector<16xi32>, vector<16xi32>], vector<16xf32>,
      %gather3A_553 = tpu.vector_load_idx %arg12[%add3A_469, %broadcast_in_dim3A_551] : memref<128x16xf32, #tpu.memory_space<vmem>>[vector<16xi32>, vector<16xi32>], vector<16xf32>,
      %mul3A_554 = arith.mulf %gather3A_552, %gather3A_553 : vector<16xf32>
      %add3A_555 = arith.addf %add3A_549, %mul3A_554 : vector<16xf32>
      %broadcast_in_dim3A_556 = arith.constant 14 : i32
      %broadcast_in_dim3A_557 = vector.broadcast %broadcast_in_dim3A_556 : i32 to vector<16xi32>
      %gather3A_558 = tpu.vector_load_idx %arg11[%add3A_469, %broadcast_in_dim3A_557] : memref<128x16xf32, #tpu.memory_space<vmem>>[vector<16xi32>, vector<16xi32>], vector<16xf32>,
      %gather3A_559 = tpu.vector_load_idx %arg12[%add3A_469, %broadcast_in_dim3A_557] : memref<128x16xf32, #tpu.memory_space<vmem>>[vector<16xi32>, vector<16xi32>], vector<16xf32>,
      %mul3A_560 = arith.mulf %gather3A_558, %gather3A_559 : vector<16xf32>
      %add3A_561 = arith.addf %add3A_555, %mul3A_560 : vector<16xf32>
      %broadcast_in_dim3A_562 = arith.constant 15 : i32
      %broadcast_in_dim3A_563 = vector.broadcast %broadcast_in_dim3A_562 : i32 to vector<16xi32>
      %gather3A_564 = tpu.vector_load_idx %arg11[%add3A_469, %broadcast_in_dim3A_563] : memref<128x16xf32, #tpu.memory_space<vmem>>[vector<16xi32>, vector<16xi32>], vector<16xf32>,
      %gather3A_565 = tpu.vector_load_idx %arg12[%add3A_469, %broadcast_in_dim3A_563] : memref<128x16xf32, #tpu.memory_space<vmem>>[vector<16xi32>, vector<16xi32>], vector<16xf32>,
      %mul3A_566 = arith.mulf %gather3A_564, %gather3A_565 : vector<16xf32>
      %add3A_567 = arith.addf %add3A_561, %mul3A_566 : vector<16xf32>
      %mul3A_568 = arith.constant 128 : i32
      %mul3A_569 = arith.muli %mul3A_221, %mul3A_568 : i32
      %add3A_570 = arith.addi %mul3A_95, %mul3A_569 : i32
      %add3A_571 = arith.constant 32 : i32
      %add3A_572 = arith.addi %add3A_570, %add3A_571 : i32
      %add3A_573 = vector.broadcast %add3A_572 : i32 to vector<16xi32>
      %add3A_574 = arith.addi %add3A_573, %iota3A : vector<16xi32>
      %lt3A_575 = arith.constant 160000 : i32
      %lt3A_576 = vector.broadcast %lt3A_575 : i32 to vector<16xi32>
      %lt3A_577 = arith.cmpi slt, %add3A_574, %lt3A_576 : vector<16xi32>
      %exp3A_578 = math.exp %add3A_567 : vector<16xf32>
      %jit3A_579 = arith.constant 0.000000e+00 : f32
      %broadcast_in_dim3A_580 = vector.broadcast %jit3A_579 : f32 to vector<16xf32>
      %select_n3A_581 = arith.select %lt3A_577, %exp3A_578, %broadcast_in_dim3A_580 : vector<16xi1>, vector<16xf32>
      %swap3A_582 = arith.constant 32 : index
      %swap3A_583 = tpu.vector_load %arg15[%swap3A_582] {strides = array<i32>} : memref<128xf32, #tpu.memory_space<vmem>>, vector<16xf32>,
      tpu.vector_store %arg15[%swap3A_582], %select_n3A_581 {strides = array<i32>} : memref<128xf32, #tpu.memory_space<vmem>>, vector<16xf32>,
      %get3A_584 = arith.index_cast %mul3A_221 : i32 to index
      %get3A_585 = arith.constant 32 : index
      %get3A_586 = tpu.vector_load %arg9[%get3A_584, %get3A_585] {strides = array<i32>} : memref<80x128xi32, #tpu.memory_space<vmem>>, vector<16xi32>,
      tpu.vector_store_idx %arg16[%get3A_586], %select_n3A_581 {add = true} : memref<10000xf32, #tpu.memory_space<vmem>>[vector<16xi32>], vector<16xf32>,
      %add3A_587 = arith.constant 48 : i32
      %add3A_588 = vector.broadcast %add3A_587 : i32 to vector<16xi32>
      %add3A_589 = arith.addi %add3A_588, %iota3A : vector<16xi32>
      %broadcast_in_dim3A_590 = arith.constant 0.000000e+00 : f32
      %broadcast_in_dim3A_591 = vector.broadcast %broadcast_in_dim3A_590 : f32 to vector<16xf32>
      %broadcast_in_dim3A_592 = arith.constant 0 : i32
      %broadcast_in_dim3A_593 = vector.broadcast %broadcast_in_dim3A_592 : i32 to vector<16xi32>
      %gather3A_594 = tpu.vector_load_idx %arg11[%add3A_589, %broadcast_in_dim3A_593] : memref<128x16xf32, #tpu.memory_space<vmem>>[vector<16xi32>, vector<16xi32>], vector<16xf32>,
      %gather3A_595 = tpu.vector_load_idx %arg12[%add3A_589, %broadcast_in_dim3A_593] : memref<128x16xf32, #tpu.memory_space<vmem>>[vector<16xi32>, vector<16xi32>], vector<16xf32>,
      %mul3A_596 = arith.mulf %gather3A_594, %gather3A_595 : vector<16xf32>
      %add3A_597 = arith.addf %broadcast_in_dim3A_591, %mul3A_596 : vector<16xf32>
      %broadcast_in_dim3A_598 = arith.constant 1 : i32
      %broadcast_in_dim3A_599 = vector.broadcast %broadcast_in_dim3A_598 : i32 to vector<16xi32>
      %gather3A_600 = tpu.vector_load_idx %arg11[%add3A_589, %broadcast_in_dim3A_599] : memref<128x16xf32, #tpu.memory_space<vmem>>[vector<16xi32>, vector<16xi32>], vector<16xf32>,
      %gather3A_601 = tpu.vector_load_idx %arg12[%add3A_589, %broadcast_in_dim3A_599] : memref<128x16xf32, #tpu.memory_space<vmem>>[vector<16xi32>, vector<16xi32>], vector<16xf32>,
      %mul3A_602 = arith.mulf %gather3A_600, %gather3A_601 : vector<16xf32>
      %add3A_603 = arith.addf %add3A_597, %mul3A_602 : vector<16xf32>
      %broadcast_in_dim3A_604 = arith.constant 2 : i32
      %broadcast_in_dim3A_605 = vector.broadcast %broadcast_in_dim3A_604 : i32 to vector<16xi32>
      %gather3A_606 = tpu.vector_load_idx %arg11[%add3A_589, %broadcast_in_dim3A_605] : memref<128x16xf32, #tpu.memory_space<vmem>>[vector<16xi32>, vector<16xi32>], vector<16xf32>,
      %gather3A_607 = tpu.vector_load_idx %arg12[%add3A_589, %broadcast_in_dim3A_605] : memref<128x16xf32, #tpu.memory_space<vmem>>[vector<16xi32>, vector<16xi32>], vector<16xf32>,
      %mul3A_608 = arith.mulf %gather3A_606, %gather3A_607 : vector<16xf32>
      %add3A_609 = arith.addf %add3A_603, %mul3A_608 : vector<16xf32>
      %broadcast_in_dim3A_610 = arith.constant 3 : i32
      %broadcast_in_dim3A_611 = vector.broadcast %broadcast_in_dim3A_610 : i32 to vector<16xi32>
      %gather3A_612 = tpu.vector_load_idx %arg11[%add3A_589, %broadcast_in_dim3A_611] : memref<128x16xf32, #tpu.memory_space<vmem>>[vector<16xi32>, vector<16xi32>], vector<16xf32>,
      %gather3A_613 = tpu.vector_load_idx %arg12[%add3A_589, %broadcast_in_dim3A_611] : memref<128x16xf32, #tpu.memory_space<vmem>>[vector<16xi32>, vector<16xi32>], vector<16xf32>,
      %mul3A_614 = arith.mulf %gather3A_612, %gather3A_613 : vector<16xf32>
      %add3A_615 = arith.addf %add3A_609, %mul3A_614 : vector<16xf32>
      %broadcast_in_dim3A_616 = arith.constant 4 : i32
      %broadcast_in_dim3A_617 = vector.broadcast %broadcast_in_dim3A_616 : i32 to vector<16xi32>
      %gather3A_618 = tpu.vector_load_idx %arg11[%add3A_589, %broadcast_in_dim3A_617] : memref<128x16xf32, #tpu.memory_space<vmem>>[vector<16xi32>, vector<16xi32>], vector<16xf32>,
      %gather3A_619 = tpu.vector_load_idx %arg12[%add3A_589, %broadcast_in_dim3A_617] : memref<128x16xf32, #tpu.memory_space<vmem>>[vector<16xi32>, vector<16xi32>], vector<16xf32>,
      %mul3A_620 = arith.mulf %gather3A_618, %gather3A_619 : vector<16xf32>
      %add3A_621 = arith.addf %add3A_615, %mul3A_620 : vector<16xf32>
      %broadcast_in_dim3A_622 = arith.constant 5 : i32
      %broadcast_in_dim3A_623 = vector.broadcast %broadcast_in_dim3A_622 : i32 to vector<16xi32>
      %gather3A_624 = tpu.vector_load_idx %arg11[%add3A_589, %broadcast_in_dim3A_623] : memref<128x16xf32, #tpu.memory_space<vmem>>[vector<16xi32>, vector<16xi32>], vector<16xf32>,
      %gather3A_625 = tpu.vector_load_idx %arg12[%add3A_589, %broadcast_in_dim3A_623] : memref<128x16xf32, #tpu.memory_space<vmem>>[vector<16xi32>, vector<16xi32>], vector<16xf32>,
      %mul3A_626 = arith.mulf %gather3A_624, %gather3A_625 : vector<16xf32>
      %add3A_627 = arith.addf %add3A_621, %mul3A_626 : vector<16xf32>
      %broadcast_in_dim3A_628 = arith.constant 6 : i32
      %broadcast_in_dim3A_629 = vector.broadcast %broadcast_in_dim3A_628 : i32 to vector<16xi32>
      %gather3A_630 = tpu.vector_load_idx %arg11[%add3A_589, %broadcast_in_dim3A_629] : memref<128x16xf32, #tpu.memory_space<vmem>>[vector<16xi32>, vector<16xi32>], vector<16xf32>,
      %gather3A_631 = tpu.vector_load_idx %arg12[%add3A_589, %broadcast_in_dim3A_629] : memref<128x16xf32, #tpu.memory_space<vmem>>[vector<16xi32>, vector<16xi32>], vector<16xf32>,
      %mul3A_632 = arith.mulf %gather3A_630, %gather3A_631 : vector<16xf32>
      %add3A_633 = arith.addf %add3A_627, %mul3A_632 : vector<16xf32>
      %broadcast_in_dim3A_634 = arith.constant 7 : i32
      %broadcast_in_dim3A_635 = vector.broadcast %broadcast_in_dim3A_634 : i32 to vector<16xi32>
      %gather3A_636 = tpu.vector_load_idx %arg11[%add3A_589, %broadcast_in_dim3A_635] : memref<128x16xf32, #tpu.memory_space<vmem>>[vector<16xi32>, vector<16xi32>], vector<16xf32>,
      %gather3A_637 = tpu.vector_load_idx %arg12[%add3A_589, %broadcast_in_dim3A_635] : memref<128x16xf32, #tpu.memory_space<vmem>>[vector<16xi32>, vector<16xi32>], vector<16xf32>,
      %mul3A_638 = arith.mulf %gather3A_636, %gather3A_637 : vector<16xf32>
      %add3A_639 = arith.addf %add3A_633, %mul3A_638 : vector<16xf32>
      %broadcast_in_dim3A_640 = arith.constant 8 : i32
      %broadcast_in_dim3A_641 = vector.broadcast %broadcast_in_dim3A_640 : i32 to vector<16xi32>
      %gather3A_642 = tpu.vector_load_idx %arg11[%add3A_589, %broadcast_in_dim3A_641] : memref<128x16xf32, #tpu.memory_space<vmem>>[vector<16xi32>, vector<16xi32>], vector<16xf32>,
      %gather3A_643 = tpu.vector_load_idx %arg12[%add3A_589, %broadcast_in_dim3A_641] : memref<128x16xf32, #tpu.memory_space<vmem>>[vector<16xi32>, vector<16xi32>], vector<16xf32>,
      %mul3A_644 = arith.mulf %gather3A_642, %gather3A_643 : vector<16xf32>
      %add3A_645 = arith.addf %add3A_639, %mul3A_644 : vector<16xf32>
      %broadcast_in_dim3A_646 = arith.constant 9 : i32
      %broadcast_in_dim3A_647 = vector.broadcast %broadcast_in_dim3A_646 : i32 to vector<16xi32>
      %gather3A_648 = tpu.vector_load_idx %arg11[%add3A_589, %broadcast_in_dim3A_647] : memref<128x16xf32, #tpu.memory_space<vmem>>[vector<16xi32>, vector<16xi32>], vector<16xf32>,
      %gather3A_649 = tpu.vector_load_idx %arg12[%add3A_589, %broadcast_in_dim3A_647] : memref<128x16xf32, #tpu.memory_space<vmem>>[vector<16xi32>, vector<16xi32>], vector<16xf32>,
      %mul3A_650 = arith.mulf %gather3A_648, %gather3A_649 : vector<16xf32>
      %add3A_651 = arith.addf %add3A_645, %mul3A_650 : vector<16xf32>
      %broadcast_in_dim3A_652 = arith.constant 10 : i32
      %broadcast_in_dim3A_653 = vector.broadcast %broadcast_in_dim3A_652 : i32 to vector<16xi32>
      %gather3A_654 = tpu.vector_load_idx %arg11[%add3A_589, %broadcast_in_dim3A_653] : memref<128x16xf32, #tpu.memory_space<vmem>>[vector<16xi32>, vector<16xi32>], vector<16xf32>,
      %gather3A_655 = tpu.vector_load_idx %arg12[%add3A_589, %broadcast_in_dim3A_653] : memref<128x16xf32, #tpu.memory_space<vmem>>[vector<16xi32>, vector<16xi32>], vector<16xf32>,
      %mul3A_656 = arith.mulf %gather3A_654, %gather3A_655 : vector<16xf32>
      %add3A_657 = arith.addf %add3A_651, %mul3A_656 : vector<16xf32>
      %broadcast_in_dim3A_658 = arith.constant 11 : i32
      %broadcast_in_dim3A_659 = vector.broadcast %broadcast_in_dim3A_658 : i32 to vector<16xi32>
      %gather3A_660 = tpu.vector_load_idx %arg11[%add3A_589, %broadcast_in_dim3A_659] : memref<128x16xf32, #tpu.memory_space<vmem>>[vector<16xi32>, vector<16xi32>], vector<16xf32>,
      %gather3A_661 = tpu.vector_load_idx %arg12[%add3A_589, %broadcast_in_dim3A_659] : memref<128x16xf32, #tpu.memory_space<vmem>>[vector<16xi32>, vector<16xi32>], vector<16xf32>,
      %mul3A_662 = arith.mulf %gather3A_660, %gather3A_661 : vector<16xf32>
      %add3A_663 = arith.addf %add3A_657, %mul3A_662 : vector<16xf32>
      %broadcast_in_dim3A_664 = arith.constant 12 : i32
      %broadcast_in_dim3A_665 = vector.broadcast %broadcast_in_dim3A_664 : i32 to vector<16xi32>
      %gather3A_666 = tpu.vector_load_idx %arg11[%add3A_589, %broadcast_in_dim3A_665] : memref<128x16xf32, #tpu.memory_space<vmem>>[vector<16xi32>, vector<16xi32>], vector<16xf32>,
      %gather3A_667 = tpu.vector_load_idx %arg12[%add3A_589, %broadcast_in_dim3A_665] : memref<128x16xf32, #tpu.memory_space<vmem>>[vector<16xi32>, vector<16xi32>], vector<16xf32>,
      %mul3A_668 = arith.mulf %gather3A_666, %gather3A_667 : vector<16xf32>
      %add3A_669 = arith.addf %add3A_663, %mul3A_668 : vector<16xf32>
      %broadcast_in_dim3A_670 = arith.constant 13 : i32
      %broadcast_in_dim3A_671 = vector.broadcast %broadcast_in_dim3A_670 : i32 to vector<16xi32>
      %gather3A_672 = tpu.vector_load_idx %arg11[%add3A_589, %broadcast_in_dim3A_671] : memref<128x16xf32, #tpu.memory_space<vmem>>[vector<16xi32>, vector<16xi32>], vector<16xf32>,
      %gather3A_673 = tpu.vector_load_idx %arg12[%add3A_589, %broadcast_in_dim3A_671] : memref<128x16xf32, #tpu.memory_space<vmem>>[vector<16xi32>, vector<16xi32>], vector<16xf32>,
      %mul3A_674 = arith.mulf %gather3A_672, %gather3A_673 : vector<16xf32>
      %add3A_675 = arith.addf %add3A_669, %mul3A_674 : vector<16xf32>
      %broadcast_in_dim3A_676 = arith.constant 14 : i32
      %broadcast_in_dim3A_677 = vector.broadcast %broadcast_in_dim3A_676 : i32 to vector<16xi32>
      %gather3A_678 = tpu.vector_load_idx %arg11[%add3A_589, %broadcast_in_dim3A_677] : memref<128x16xf32, #tpu.memory_space<vmem>>[vector<16xi32>, vector<16xi32>], vector<16xf32>,
      %gather3A_679 = tpu.vector_load_idx %arg12[%add3A_589, %broadcast_in_dim3A_677] : memref<128x16xf32, #tpu.memory_space<vmem>>[vector<16xi32>, vector<16xi32>], vector<16xf32>,
      %mul3A_680 = arith.mulf %gather3A_678, %gather3A_679 : vector<16xf32>
      %add3A_681 = arith.addf %add3A_675, %mul3A_680 : vector<16xf32>
      %broadcast_in_dim3A_682 = arith.constant 15 : i32
      %broadcast_in_dim3A_683 = vector.broadcast %broadcast_in_dim3A_682 : i32 to vector<16xi32>
      %gather3A_684 = tpu.vector_load_idx %arg11[%add3A_589, %broadcast_in_dim3A_683] : memref<128x16xf32, #tpu.memory_space<vmem>>[vector<16xi32>, vector<16xi32>], vector<16xf32>,
      %gather3A_685 = tpu.vector_load_idx %arg12[%add3A_589, %broadcast_in_dim3A_683] : memref<128x16xf32, #tpu.memory_space<vmem>>[vector<16xi32>, vector<16xi32>], vector<16xf32>,
      %mul3A_686 = arith.mulf %gather3A_684, %gather3A_685 : vector<16xf32>
      %add3A_687 = arith.addf %add3A_681, %mul3A_686 : vector<16xf32>
      %mul3A_688 = arith.constant 128 : i32
      %mul3A_689 = arith.muli %mul3A_221, %mul3A_688 : i32
      %add3A_690 = arith.addi %mul3A_95, %mul3A_689 : i32
      %add3A_691 = arith.constant 48 : i32
      %add3A_692 = arith.addi %add3A_690, %add3A_691 : i32
      %add3A_693 = vector.broadcast %add3A_692 : i32 to vector<16xi32>
      %add3A_694 = arith.addi %add3A_693, %iota3A : vector<16xi32>
      %lt3A_695 = arith.constant 160000 : i32
      %lt3A_696 = vector.broadcast %lt3A_695 : i32 to vector<16xi32>
      %lt3A_697 = arith.cmpi slt, %add3A_694, %lt3A_696 : vector<16xi32>
      %exp3A_698 = math.exp %add3A_687 : vector<16xf32>
      %jit3A_699 = arith.constant 0.000000e+00 : f32
      %broadcast_in_dim3A_700 = vector.broadcast %jit3A_699 : f32 to vector<16xf32>
      %select_n3A_701 = arith.select %lt3A_697, %exp3A_698, %broadcast_in_dim3A_700 : vector<16xi1>, vector<16xf32>
      %swap3A_702 = arith.constant 48 : index
      %swap3A_703 = tpu.vector_load %arg15[%swap3A_702] {strides = array<i32>} : memref<128xf32, #tpu.memory_space<vmem>>, vector<16xf32>,
      tpu.vector_store %arg15[%swap3A_702], %select_n3A_701 {strides = array<i32>} : memref<128xf32, #tpu.memory_space<vmem>>, vector<16xf32>,
      %get3A_704 = arith.index_cast %mul3A_221 : i32 to index
      %get3A_705 = arith.constant 48 : index
      %get3A_706 = tpu.vector_load %arg9[%get3A_704, %get3A_705] {strides = array<i32>} : memref<80x128xi32, #tpu.memory_space<vmem>>, vector<16xi32>,
      tpu.vector_store_idx %arg16[%get3A_706], %select_n3A_701 {add = true} : memref<10000xf32, #tpu.memory_space<vmem>>[vector<16xi32>], vector<16xf32>,
      %add3A_707 = arith.constant 64 : i32
      %add3A_708 = vector.broadcast %add3A_707 : i32 to vector<16xi32>
      %add3A_709 = arith.addi %add3A_708, %iota3A : vector<16xi32>
      %broadcast_in_dim3A_710 = arith.constant 0.000000e+00 : f32
      %broadcast_in_dim3A_711 = vector.broadcast %broadcast_in_dim3A_710 : f32 to vector<16xf32>
      %broadcast_in_dim3A_712 = arith.constant 0 : i32
      %broadcast_in_dim3A_713 = vector.broadcast %broadcast_in_dim3A_712 : i32 to vector<16xi32>
      %gather3A_714 = tpu.vector_load_idx %arg11[%add3A_709, %broadcast_in_dim3A_713] : memref<128x16xf32, #tpu.memory_space<vmem>>[vector<16xi32>, vector<16xi32>], vector<16xf32>,
      %gather3A_715 = tpu.vector_load_idx %arg12[%add3A_709, %broadcast_in_dim3A_713] : memref<128x16xf32, #tpu.memory_space<vmem>>[vector<16xi32>, vector<16xi32>], vector<16xf32>,
      %mul3A_716 = arith.mulf %gather3A_714, %gather3A_715 : vector<16xf32>
      %add3A_717 = arith.addf %broadcast_in_dim3A_711, %mul3A_716 : vector<16xf32>
      %broadcast_in_dim3A_718 = arith.constant 1 : i32
      %broadcast_in_dim3A_719 = vector.broadcast %broadcast_in_dim3A_718 : i32 to vector<16xi32>
      %gather3A_720 = tpu.vector_load_idx %arg11[%add3A_709, %broadcast_in_dim3A_719] : memref<128x16xf32, #tpu.memory_space<vmem>>[vector<16xi32>, vector<16xi32>], vector<16xf32>,
      %gather3A_721 = tpu.vector_load_idx %arg12[%add3A_709, %broadcast_in_dim3A_719] : memref<128x16xf32, #tpu.memory_space<vmem>>[vector<16xi32>, vector<16xi32>], vector<16xf32>,
      %mul3A_722 = arith.mulf %gather3A_720, %gather3A_721 : vector<16xf32>
      %add3A_723 = arith.addf %add3A_717, %mul3A_722 : vector<16xf32>
      %broadcast_in_dim3A_724 = arith.constant 2 : i32
      %broadcast_in_dim3A_725 = vector.broadcast %broadcast_in_dim3A_724 : i32 to vector<16xi32>
      %gather3A_726 = tpu.vector_load_idx %arg11[%add3A_709, %broadcast_in_dim3A_725] : memref<128x16xf32, #tpu.memory_space<vmem>>[vector<16xi32>, vector<16xi32>], vector<16xf32>,
      %gather3A_727 = tpu.vector_load_idx %arg12[%add3A_709, %broadcast_in_dim3A_725] : memref<128x16xf32, #tpu.memory_space<vmem>>[vector<16xi32>, vector<16xi32>], vector<16xf32>,
      %mul3A_728 = arith.mulf %gather3A_726, %gather3A_727 : vector<16xf32>
      %add3A_729 = arith.addf %add3A_723, %mul3A_728 : vector<16xf32>
      %broadcast_in_dim3A_730 = arith.constant 3 : i32
      %broadcast_in_dim3A_731 = vector.broadcast %broadcast_in_dim3A_730 : i32 to vector<16xi32>
      %gather3A_732 = tpu.vector_load_idx %arg11[%add3A_709, %broadcast_in_dim3A_731] : memref<128x16xf32, #tpu.memory_space<vmem>>[vector<16xi32>, vector<16xi32>], vector<16xf32>,
      %gather3A_733 = tpu.vector_load_idx %arg12[%add3A_709, %broadcast_in_dim3A_731] : memref<128x16xf32, #tpu.memory_space<vmem>>[vector<16xi32>, vector<16xi32>], vector<16xf32>,
      %mul3A_734 = arith.mulf %gather3A_732, %gather3A_733 : vector<16xf32>
      %add3A_735 = arith.addf %add3A_729, %mul3A_734 : vector<16xf32>
      %broadcast_in_dim3A_736 = arith.constant 4 : i32
      %broadcast_in_dim3A_737 = vector.broadcast %broadcast_in_dim3A_736 : i32 to vector<16xi32>
      %gather3A_738 = tpu.vector_load_idx %arg11[%add3A_709, %broadcast_in_dim3A_737] : memref<128x16xf32, #tpu.memory_space<vmem>>[vector<16xi32>, vector<16xi32>], vector<16xf32>,
      %gather3A_739 = tpu.vector_load_idx %arg12[%add3A_709, %broadcast_in_dim3A_737] : memref<128x16xf32, #tpu.memory_space<vmem>>[vector<16xi32>, vector<16xi32>], vector<16xf32>,
      %mul3A_740 = arith.mulf %gather3A_738, %gather3A_739 : vector<16xf32>
      %add3A_741 = arith.addf %add3A_735, %mul3A_740 : vector<16xf32>
      %broadcast_in_dim3A_742 = arith.constant 5 : i32
      %broadcast_in_dim3A_743 = vector.broadcast %broadcast_in_dim3A_742 : i32 to vector<16xi32>
      %gather3A_744 = tpu.vector_load_idx %arg11[%add3A_709, %broadcast_in_dim3A_743] : memref<128x16xf32, #tpu.memory_space<vmem>>[vector<16xi32>, vector<16xi32>], vector<16xf32>,
      %gather3A_745 = tpu.vector_load_idx %arg12[%add3A_709, %broadcast_in_dim3A_743] : memref<128x16xf32, #tpu.memory_space<vmem>>[vector<16xi32>, vector<16xi32>], vector<16xf32>,
      %mul3A_746 = arith.mulf %gather3A_744, %gather3A_745 : vector<16xf32>
      %add3A_747 = arith.addf %add3A_741, %mul3A_746 : vector<16xf32>
      %broadcast_in_dim3A_748 = arith.constant 6 : i32
      %broadcast_in_dim3A_749 = vector.broadcast %broadcast_in_dim3A_748 : i32 to vector<16xi32>
      %gather3A_750 = tpu.vector_load_idx %arg11[%add3A_709, %broadcast_in_dim3A_749] : memref<128x16xf32, #tpu.memory_space<vmem>>[vector<16xi32>, vector<16xi32>], vector<16xf32>,
      %gather3A_751 = tpu.vector_load_idx %arg12[%add3A_709, %broadcast_in_dim3A_749] : memref<128x16xf32, #tpu.memory_space<vmem>>[vector<16xi32>, vector<16xi32>], vector<16xf32>,
      %mul3A_752 = arith.mulf %gather3A_750, %gather3A_751 : vector<16xf32>
      %add3A_753 = arith.addf %add3A_747, %mul3A_752 : vector<16xf32>
      %broadcast_in_dim3A_754 = arith.constant 7 : i32
      %broadcast_in_dim3A_755 = vector.broadcast %broadcast_in_dim3A_754 : i32 to vector<16xi32>
      %gather3A_756 = tpu.vector_load_idx %arg11[%add3A_709, %broadcast_in_dim3A_755] : memref<128x16xf32, #tpu.memory_space<vmem>>[vector<16xi32>, vector<16xi32>], vector<16xf32>,
      %gather3A_757 = tpu.vector_load_idx %arg12[%add3A_709, %broadcast_in_dim3A_755] : memref<128x16xf32, #tpu.memory_space<vmem>>[vector<16xi32>, vector<16xi32>], vector<16xf32>,
      %mul3A_758 = arith.mulf %gather3A_756, %gather3A_757 : vector<16xf32>
      %add3A_759 = arith.addf %add3A_753, %mul3A_758 : vector<16xf32>
      %broadcast_in_dim3A_760 = arith.constant 8 : i32
      %broadcast_in_dim3A_761 = vector.broadcast %broadcast_in_dim3A_760 : i32 to vector<16xi32>
      %gather3A_762 = tpu.vector_load_idx %arg11[%add3A_709, %broadcast_in_dim3A_761] : memref<128x16xf32, #tpu.memory_space<vmem>>[vector<16xi32>, vector<16xi32>], vector<16xf32>,
      %gather3A_763 = tpu.vector_load_idx %arg12[%add3A_709, %broadcast_in_dim3A_761] : memref<128x16xf32, #tpu.memory_space<vmem>>[vector<16xi32>, vector<16xi32>], vector<16xf32>,
      %mul3A_764 = arith.mulf %gather3A_762, %gather3A_763 : vector<16xf32>
      %add3A_765 = arith.addf %add3A_759, %mul3A_764 : vector<16xf32>
      %broadcast_in_dim3A_766 = arith.constant 9 : i32
      %broadcast_in_dim3A_767 = vector.broadcast %broadcast_in_dim3A_766 : i32 to vector<16xi32>
      %gather3A_768 = tpu.vector_load_idx %arg11[%add3A_709, %broadcast_in_dim3A_767] : memref<128x16xf32, #tpu.memory_space<vmem>>[vector<16xi32>, vector<16xi32>], vector<16xf32>,
      %gather3A_769 = tpu.vector_load_idx %arg12[%add3A_709, %broadcast_in_dim3A_767] : memref<128x16xf32, #tpu.memory_space<vmem>>[vector<16xi32>, vector<16xi32>], vector<16xf32>,
      %mul3A_770 = arith.mulf %gather3A_768, %gather3A_769 : vector<16xf32>
      %add3A_771 = arith.addf %add3A_765, %mul3A_770 : vector<16xf32>
      %broadcast_in_dim3A_772 = arith.constant 10 : i32
      %broadcast_in_dim3A_773 = vector.broadcast %broadcast_in_dim3A_772 : i32 to vector<16xi32>
      %gather3A_774 = tpu.vector_load_idx %arg11[%add3A_709, %broadcast_in_dim3A_773] : memref<128x16xf32, #tpu.memory_space<vmem>>[vector<16xi32>, vector<16xi32>], vector<16xf32>,
      %gather3A_775 = tpu.vector_load_idx %arg12[%add3A_709, %broadcast_in_dim3A_773] : memref<128x16xf32, #tpu.memory_space<vmem>>[vector<16xi32>, vector<16xi32>], vector<16xf32>,
      %mul3A_776 = arith.mulf %gather3A_774, %gather3A_775 : vector<16xf32>
      %add3A_777 = arith.addf %add3A_771, %mul3A_776 : vector<16xf32>
      %broadcast_in_dim3A_778 = arith.constant 11 : i32
      %broadcast_in_dim3A_779 = vector.broadcast %broadcast_in_dim3A_778 : i32 to vector<16xi32>
      %gather3A_780 = tpu.vector_load_idx %arg11[%add3A_709, %broadcast_in_dim3A_779] : memref<128x16xf32, #tpu.memory_space<vmem>>[vector<16xi32>, vector<16xi32>], vector<16xf32>,
      %gather3A_781 = tpu.vector_load_idx %arg12[%add3A_709, %broadcast_in_dim3A_779] : memref<128x16xf32, #tpu.memory_space<vmem>>[vector<16xi32>, vector<16xi32>], vector<16xf32>,
      %mul3A_782 = arith.mulf %gather3A_780, %gather3A_781 : vector<16xf32>
      %add3A_783 = arith.addf %add3A_777, %mul3A_782 : vector<16xf32>
      %broadcast_in_dim3A_784 = arith.constant 12 : i32
      %broadcast_in_dim3A_785 = vector.broadcast %broadcast_in_dim3A_784 : i32 to vector<16xi32>
      %gather3A_786 = tpu.vector_load_idx %arg11[%add3A_709, %broadcast_in_dim3A_785] : memref<128x16xf32, #tpu.memory_space<vmem>>[vector<16xi32>, vector<16xi32>], vector<16xf32>,
      %gather3A_787 = tpu.vector_load_idx %arg12[%add3A_709, %broadcast_in_dim3A_785] : memref<128x16xf32, #tpu.memory_space<vmem>>[vector<16xi32>, vector<16xi32>], vector<16xf32>,
      %mul3A_788 = arith.mulf %gather3A_786, %gather3A_787 : vector<16xf32>
      %add3A_789 = arith.addf %add3A_783, %mul3A_788 : vector<16xf32>
      %broadcast_in_dim3A_790 = arith.constant 13 : i32
      %broadcast_in_dim3A_791 = vector.broadcast %broadcast_in_dim3A_790 : i32 to vector<16xi32>
      %gather3A_792 = tpu.vector_load_idx %arg11[%add3A_709, %broadcast_in_dim3A_791] : memref<128x16xf32, #tpu.memory_space<vmem>>[vector<16xi32>, vector<16xi32>], vector<16xf32>,
      %gather3A_793 = tpu.vector_load_idx %arg12[%add3A_709, %broadcast_in_dim3A_791] : memref<128x16xf32, #tpu.memory_space<vmem>>[vector<16xi32>, vector<16xi32>], vector<16xf32>,
      %mul3A_794 = arith.mulf %gather3A_792, %gather3A_793 : vector<16xf32>
      %add3A_795 = arith.addf %add3A_789, %mul3A_794 : vector<16xf32>
      %broadcast_in_dim3A_796 = arith.constant 14 : i32
      %broadcast_in_dim3A_797 = vector.broadcast %broadcast_in_dim3A_796 : i32 to vector<16xi32>
      %gather3A_798 = tpu.vector_load_idx %arg11[%add3A_709, %broadcast_in_dim3A_797] : memref<128x16xf32, #tpu.memory_space<vmem>>[vector<16xi32>, vector<16xi32>], vector<16xf32>,
      %gather3A_799 = tpu.vector_load_idx %arg12[%add3A_709, %broadcast_in_dim3A_797] : memref<128x16xf32, #tpu.memory_space<vmem>>[vector<16xi32>, vector<16xi32>], vector<16xf32>,
      %mul3A_800 = arith.mulf %gather3A_798, %gather3A_799 : vector<16xf32>
      %add3A_801 = arith.addf %add3A_795, %mul3A_800 : vector<16xf32>
      %broadcast_in_dim3A_802 = arith.constant 15 : i32
      %broadcast_in_dim3A_803 = vector.broadcast %broadcast_in_dim3A_802 : i32 to vector<16xi32>
      %gather3A_804 = tpu.vector_load_idx %arg11[%add3A_709, %broadcast_in_dim3A_803] : memref<128x16xf32, #tpu.memory_space<vmem>>[vector<16xi32>, vector<16xi32>], vector<16xf32>,
      %gather3A_805 = tpu.vector_load_idx %arg12[%add3A_709, %broadcast_in_dim3A_803] : memref<128x16xf32, #tpu.memory_space<vmem>>[vector<16xi32>, vector<16xi32>], vector<16xf32>,
      %mul3A_806 = arith.mulf %gather3A_804, %gather3A_805 : vector<16xf32>
      %add3A_807 = arith.addf %add3A_801, %mul3A_806 : vector<16xf32>
      %mul3A_808 = arith.constant 128 : i32
      %mul3A_809 = arith.muli %mul3A_221, %mul3A_808 : i32
      %add3A_810 = arith.addi %mul3A_95, %mul3A_809 : i32
      %add3A_811 = arith.constant 64 : i32
      %add3A_812 = arith.addi %add3A_810, %add3A_811 : i32
      %add3A_813 = vector.broadcast %add3A_812 : i32 to vector<16xi32>
      %add3A_814 = arith.addi %add3A_813, %iota3A : vector<16xi32>
      %lt3A_815 = arith.constant 160000 : i32
      %lt3A_816 = vector.broadcast %lt3A_815 : i32 to vector<16xi32>
      %lt3A_817 = arith.cmpi slt, %add3A_814, %lt3A_816 : vector<16xi32>
      %exp3A_818 = math.exp %add3A_807 : vector<16xf32>
      %jit3A_819 = arith.constant 0.000000e+00 : f32
      %broadcast_in_dim3A_820 = vector.broadcast %jit3A_819 : f32 to vector<16xf32>
      %select_n3A_821 = arith.select %lt3A_817, %exp3A_818, %broadcast_in_dim3A_820 : vector<16xi1>, vector<16xf32>
      %swap3A_822 = arith.constant 64 : index
      %swap3A_823 = tpu.vector_load %arg15[%swap3A_822] {strides = array<i32>} : memref<128xf32, #tpu.memory_space<vmem>>, vector<16xf32>,
      tpu.vector_store %arg15[%swap3A_822], %select_n3A_821 {strides = array<i32>} : memref<128xf32, #tpu.memory_space<vmem>>, vector<16xf32>,
      %get3A_824 = arith.index_cast %mul3A_221 : i32 to index
      %get3A_825 = arith.constant 64 : index
      %get3A_826 = tpu.vector_load %arg9[%get3A_824, %get3A_825] {strides = array<i32>} : memref<80x128xi32, #tpu.memory_space<vmem>>, vector<16xi32>,
      tpu.vector_store_idx %arg16[%get3A_826], %select_n3A_821 {add = true} : memref<10000xf32, #tpu.memory_space<vmem>>[vector<16xi32>], vector<16xf32>,
      %add3A_827 = arith.constant 80 : i32
      %add3A_828 = vector.broadcast %add3A_827 : i32 to vector<16xi32>
      %add3A_829 = arith.addi %add3A_828, %iota3A : vector<16xi32>
      %broadcast_in_dim3A_830 = arith.constant 0.000000e+00 : f32
      %broadcast_in_dim3A_831 = vector.broadcast %broadcast_in_dim3A_830 : f32 to vector<16xf32>
      %broadcast_in_dim3A_832 = arith.constant 0 : i32
      %broadcast_in_dim3A_833 = vector.broadcast %broadcast_in_dim3A_832 : i32 to vector<16xi32>
      %gather3A_834 = tpu.vector_load_idx %arg11[%add3A_829, %broadcast_in_dim3A_833] : memref<128x16xf32, #tpu.memory_space<vmem>>[vector<16xi32>, vector<16xi32>], vector<16xf32>,
      %gather3A_835 = tpu.vector_load_idx %arg12[%add3A_829, %broadcast_in_dim3A_833] : memref<128x16xf32, #tpu.memory_space<vmem>>[vector<16xi32>, vector<16xi32>], vector<16xf32>,
      %mul3A_836 = arith.mulf %gather3A_834, %gather3A_835 : vector<16xf32>
      %add3A_837 = arith.addf %broadcast_in_dim3A_831, %mul3A_836 : vector<16xf32>
      %broadcast_in_dim3A_838 = arith.constant 1 : i32
      %broadcast_in_dim3A_839 = vector.broadcast %broadcast_in_dim3A_838 : i32 to vector<16xi32>
      %gather3A_840 = tpu.vector_load_idx %arg11[%add3A_829, %broadcast_in_dim3A_839] : memref<128x16xf32, #tpu.memory_space<vmem>>[vector<16xi32>, vector<16xi32>], vector<16xf32>,
      %gather3A_841 = tpu.vector_load_idx %arg12[%add3A_829, %broadcast_in_dim3A_839] : memref<128x16xf32, #tpu.memory_space<vmem>>[vector<16xi32>, vector<16xi32>], vector<16xf32>,
      %mul3A_842 = arith.mulf %gather3A_840, %gather3A_841 : vector<16xf32>
      %add3A_843 = arith.addf %add3A_837, %mul3A_842 : vector<16xf32>
      %broadcast_in_dim3A_844 = arith.constant 2 : i32
      %broadcast_in_dim3A_845 = vector.broadcast %broadcast_in_dim3A_844 : i32 to vector<16xi32>
      %gather3A_846 = tpu.vector_load_idx %arg11[%add3A_829, %broadcast_in_dim3A_845] : memref<128x16xf32, #tpu.memory_space<vmem>>[vector<16xi32>, vector<16xi32>], vector<16xf32>,
      %gather3A_847 = tpu.vector_load_idx %arg12[%add3A_829, %broadcast_in_dim3A_845] : memref<128x16xf32, #tpu.memory_space<vmem>>[vector<16xi32>, vector<16xi32>], vector<16xf32>,
      %mul3A_848 = arith.mulf %gather3A_846, %gather3A_847 : vector<16xf32>
      %add3A_849 = arith.addf %add3A_843, %mul3A_848 : vector<16xf32>
      %broadcast_in_dim3A_850 = arith.constant 3 : i32
      %broadcast_in_dim3A_851 = vector.broadcast %broadcast_in_dim3A_850 : i32 to vector<16xi32>
      %gather3A_852 = tpu.vector_load_idx %arg11[%add3A_829, %broadcast_in_dim3A_851] : memref<128x16xf32, #tpu.memory_space<vmem>>[vector<16xi32>, vector<16xi32>], vector<16xf32>,
      %gather3A_853 = tpu.vector_load_idx %arg12[%add3A_829, %broadcast_in_dim3A_851] : memref<128x16xf32, #tpu.memory_space<vmem>>[vector<16xi32>, vector<16xi32>], vector<16xf32>,
      %mul3A_854 = arith.mulf %gather3A_852, %gather3A_853 : vector<16xf32>
      %add3A_855 = arith.addf %add3A_849, %mul3A_854 : vector<16xf32>
      %broadcast_in_dim3A_856 = arith.constant 4 : i32
      %broadcast_in_dim3A_857 = vector.broadcast %broadcast_in_dim3A_856 : i32 to vector<16xi32>
      %gather3A_858 = tpu.vector_load_idx %arg11[%add3A_829, %broadcast_in_dim3A_857] : memref<128x16xf32, #tpu.memory_space<vmem>>[vector<16xi32>, vector<16xi32>], vector<16xf32>,
      %gather3A_859 = tpu.vector_load_idx %arg12[%add3A_829, %broadcast_in_dim3A_857] : memref<128x16xf32, #tpu.memory_space<vmem>>[vector<16xi32>, vector<16xi32>], vector<16xf32>,
      %mul3A_860 = arith.mulf %gather3A_858, %gather3A_859 : vector<16xf32>
      %add3A_861 = arith.addf %add3A_855, %mul3A_860 : vector<16xf32>
      %broadcast_in_dim3A_862 = arith.constant 5 : i32
      %broadcast_in_dim3A_863 = vector.broadcast %broadcast_in_dim3A_862 : i32 to vector<16xi32>
      %gather3A_864 = tpu.vector_load_idx %arg11[%add3A_829, %broadcast_in_dim3A_863] : memref<128x16xf32, #tpu.memory_space<vmem>>[vector<16xi32>, vector<16xi32>], vector<16xf32>,
      %gather3A_865 = tpu.vector_load_idx %arg12[%add3A_829, %broadcast_in_dim3A_863] : memref<128x16xf32, #tpu.memory_space<vmem>>[vector<16xi32>, vector<16xi32>], vector<16xf32>,
      %mul3A_866 = arith.mulf %gather3A_864, %gather3A_865 : vector<16xf32>
      %add3A_867 = arith.addf %add3A_861, %mul3A_866 : vector<16xf32>
      %broadcast_in_dim3A_868 = arith.constant 6 : i32
      %broadcast_in_dim3A_869 = vector.broadcast %broadcast_in_dim3A_868 : i32 to vector<16xi32>
      %gather3A_870 = tpu.vector_load_idx %arg11[%add3A_829, %broadcast_in_dim3A_869] : memref<128x16xf32, #tpu.memory_space<vmem>>[vector<16xi32>, vector<16xi32>], vector<16xf32>,
      %gather3A_871 = tpu.vector_load_idx %arg12[%add3A_829, %broadcast_in_dim3A_869] : memref<128x16xf32, #tpu.memory_space<vmem>>[vector<16xi32>, vector<16xi32>], vector<16xf32>,
      %mul3A_872 = arith.mulf %gather3A_870, %gather3A_871 : vector<16xf32>
      %add3A_873 = arith.addf %add3A_867, %mul3A_872 : vector<16xf32>
      %broadcast_in_dim3A_874 = arith.constant 7 : i32
      %broadcast_in_dim3A_875 = vector.broadcast %broadcast_in_dim3A_874 : i32 to vector<16xi32>
      %gather3A_876 = tpu.vector_load_idx %arg11[%add3A_829, %broadcast_in_dim3A_875] : memref<128x16xf32, #tpu.memory_space<vmem>>[vector<16xi32>, vector<16xi32>], vector<16xf32>,
      %gather3A_877 = tpu.vector_load_idx %arg12[%add3A_829, %broadcast_in_dim3A_875] : memref<128x16xf32, #tpu.memory_space<vmem>>[vector<16xi32>, vector<16xi32>], vector<16xf32>,
      %mul3A_878 = arith.mulf %gather3A_876, %gather3A_877 : vector<16xf32>
      %add3A_879 = arith.addf %add3A_873, %mul3A_878 : vector<16xf32>
      %broadcast_in_dim3A_880 = arith.constant 8 : i32
      %broadcast_in_dim3A_881 = vector.broadcast %broadcast_in_dim3A_880 : i32 to vector<16xi32>
      %gather3A_882 = tpu.vector_load_idx %arg11[%add3A_829, %broadcast_in_dim3A_881] : memref<128x16xf32, #tpu.memory_space<vmem>>[vector<16xi32>, vector<16xi32>], vector<16xf32>,
      %gather3A_883 = tpu.vector_load_idx %arg12[%add3A_829, %broadcast_in_dim3A_881] : memref<128x16xf32, #tpu.memory_space<vmem>>[vector<16xi32>, vector<16xi32>], vector<16xf32>,
      %mul3A_884 = arith.mulf %gather3A_882, %gather3A_883 : vector<16xf32>
      %add3A_885 = arith.addf %add3A_879, %mul3A_884 : vector<16xf32>
      %broadcast_in_dim3A_886 = arith.constant 9 : i32
      %broadcast_in_dim3A_887 = vector.broadcast %broadcast_in_dim3A_886 : i32 to vector<16xi32>
      %gather3A_888 = tpu.vector_load_idx %arg11[%add3A_829, %broadcast_in_dim3A_887] : memref<128x16xf32, #tpu.memory_space<vmem>>[vector<16xi32>, vector<16xi32>], vector<16xf32>,
      %gather3A_889 = tpu.vector_load_idx %arg12[%add3A_829, %broadcast_in_dim3A_887] : memref<128x16xf32, #tpu.memory_space<vmem>>[vector<16xi32>, vector<16xi32>], vector<16xf32>,
      %mul3A_890 = arith.mulf %gather3A_888, %gather3A_889 : vector<16xf32>
      %add3A_891 = arith.addf %add3A_885, %mul3A_890 : vector<16xf32>
      %broadcast_in_dim3A_892 = arith.constant 10 : i32
      %broadcast_in_dim3A_893 = vector.broadcast %broadcast_in_dim3A_892 : i32 to vector<16xi32>
      %gather3A_894 = tpu.vector_load_idx %arg11[%add3A_829, %broadcast_in_dim3A_893] : memref<128x16xf32, #tpu.memory_space<vmem>>[vector<16xi32>, vector<16xi32>], vector<16xf32>,
      %gather3A_895 = tpu.vector_load_idx %arg12[%add3A_829, %broadcast_in_dim3A_893] : memref<128x16xf32, #tpu.memory_space<vmem>>[vector<16xi32>, vector<16xi32>], vector<16xf32>,
      %mul3A_896 = arith.mulf %gather3A_894, %gather3A_895 : vector<16xf32>
      %add3A_897 = arith.addf %add3A_891, %mul3A_896 : vector<16xf32>
      %broadcast_in_dim3A_898 = arith.constant 11 : i32
      %broadcast_in_dim3A_899 = vector.broadcast %broadcast_in_dim3A_898 : i32 to vector<16xi32>
      %gather3A_900 = tpu.vector_load_idx %arg11[%add3A_829, %broadcast_in_dim3A_899] : memref<128x16xf32, #tpu.memory_space<vmem>>[vector<16xi32>, vector<16xi32>], vector<16xf32>,
      %gather3A_901 = tpu.vector_load_idx %arg12[%add3A_829, %broadcast_in_dim3A_899] : memref<128x16xf32, #tpu.memory_space<vmem>>[vector<16xi32>, vector<16xi32>], vector<16xf32>,
      %mul3A_902 = arith.mulf %gather3A_900, %gather3A_901 : vector<16xf32>
      %add3A_903 = arith.addf %add3A_897, %mul3A_902 : vector<16xf32>
      %broadcast_in_dim3A_904 = arith.constant 12 : i32
      %broadcast_in_dim3A_905 = vector.broadcast %broadcast_in_dim3A_904 : i32 to vector<16xi32>
      %gather3A_906 = tpu.vector_load_idx %arg11[%add3A_829, %broadcast_in_dim3A_905] : memref<128x16xf32, #tpu.memory_space<vmem>>[vector<16xi32>, vector<16xi32>], vector<16xf32>,
      %gather3A_907 = tpu.vector_load_idx %arg12[%add3A_829, %broadcast_in_dim3A_905] : memref<128x16xf32, #tpu.memory_space<vmem>>[vector<16xi32>, vector<16xi32>], vector<16xf32>,
      %mul3A_908 = arith.mulf %gather3A_906, %gather3A_907 : vector<16xf32>
      %add3A_909 = arith.addf %add3A_903, %mul3A_908 : vector<16xf32>
      %broadcast_in_dim3A_910 = arith.constant 13 : i32
      %broadcast_in_dim3A_911 = vector.broadcast %broadcast_in_dim3A_910 : i32 to vector<16xi32>
      %gather3A_912 = tpu.vector_load_idx %arg11[%add3A_829, %broadcast_in_dim3A_911] : memref<128x16xf32, #tpu.memory_space<vmem>>[vector<16xi32>, vector<16xi32>], vector<16xf32>,
      %gather3A_913 = tpu.vector_load_idx %arg12[%add3A_829, %broadcast_in_dim3A_911] : memref<128x16xf32, #tpu.memory_space<vmem>>[vector<16xi32>, vector<16xi32>], vector<16xf32>,
      %mul3A_914 = arith.mulf %gather3A_912, %gather3A_913 : vector<16xf32>
      %add3A_915 = arith.addf %add3A_909, %mul3A_914 : vector<16xf32>
      %broadcast_in_dim3A_916 = arith.constant 14 : i32
      %broadcast_in_dim3A_917 = vector.broadcast %broadcast_in_dim3A_916 : i32 to vector<16xi32>
      %gather3A_918 = tpu.vector_load_idx %arg11[%add3A_829, %broadcast_in_dim3A_917] : memref<128x16xf32, #tpu.memory_space<vmem>>[vector<16xi32>, vector<16xi32>], vector<16xf32>,
      %gather3A_919 = tpu.vector_load_idx %arg12[%add3A_829, %broadcast_in_dim3A_917] : memref<128x16xf32, #tpu.memory_space<vmem>>[vector<16xi32>, vector<16xi32>], vector<16xf32>,
      %mul3A_920 = arith.mulf %gather3A_918, %gather3A_919 : vector<16xf32>
      %add3A_921 = arith.addf %add3A_915, %mul3A_920 : vector<16xf32>
      %broadcast_in_dim3A_922 = arith.constant 15 : i32
      %broadcast_in_dim3A_923 = vector.broadcast %broadcast_in_dim3A_922 : i32 to vector<16xi32>
      %gather3A_924 = tpu.vector_load_idx %arg11[%add3A_829, %broadcast_in_dim3A_923] : memref<128x16xf32, #tpu.memory_space<vmem>>[vector<16xi32>, vector<16xi32>], vector<16xf32>,
      %gather3A_925 = tpu.vector_load_idx %arg12[%add3A_829, %broadcast_in_dim3A_923] : memref<128x16xf32, #tpu.memory_space<vmem>>[vector<16xi32>, vector<16xi32>], vector<16xf32>,
      %mul3A_926 = arith.mulf %gather3A_924, %gather3A_925 : vector<16xf32>
      %add3A_927 = arith.addf %add3A_921, %mul3A_926 : vector<16xf32>
      %mul3A_928 = arith.constant 128 : i32
      %mul3A_929 = arith.muli %mul3A_221, %mul3A_928 : i32
      %add3A_930 = arith.addi %mul3A_95, %mul3A_929 : i32
      %add3A_931 = arith.constant 80 : i32
      %add3A_932 = arith.addi %add3A_930, %add3A_931 : i32
      %add3A_933 = vector.broadcast %add3A_932 : i32 to vector<16xi32>
      %add3A_934 = arith.addi %add3A_933, %iota3A : vector<16xi32>
      %lt3A_935 = arith.constant 160000 : i32
      %lt3A_936 = vector.broadcast %lt3A_935 : i32 to vector<16xi32>
      %lt3A_937 = arith.cmpi slt, %add3A_934, %lt3A_936 : vector<16xi32>
      %exp3A_938 = math.exp %add3A_927 : vector<16xf32>
      %jit3A_939 = arith.constant 0.000000e+00 : f32
      %broadcast_in_dim3A_940 = vector.broadcast %jit3A_939 : f32 to vector<16xf32>
      %select_n3A_941 = arith.select %lt3A_937, %exp3A_938, %broadcast_in_dim3A_940 : vector<16xi1>, vector<16xf32>
      %swap3A_942 = arith.constant 80 : index
      %swap3A_943 = tpu.vector_load %arg15[%swap3A_942] {strides = array<i32>} : memref<128xf32, #tpu.memory_space<vmem>>, vector<16xf32>,
      tpu.vector_store %arg15[%swap3A_942], %select_n3A_941 {strides = array<i32>} : memref<128xf32, #tpu.memory_space<vmem>>, vector<16xf32>,
      %get3A_944 = arith.index_cast %mul3A_221 : i32 to index
      %get3A_945 = arith.constant 80 : index
      %get3A_946 = tpu.vector_load %arg9[%get3A_944, %get3A_945] {strides = array<i32>} : memref<80x128xi32, #tpu.memory_space<vmem>>, vector<16xi32>,
      tpu.vector_store_idx %arg16[%get3A_946], %select_n3A_941 {add = true} : memref<10000xf32, #tpu.memory_space<vmem>>[vector<16xi32>], vector<16xf32>,
      %add3A_947 = arith.constant 96 : i32
      %add3A_948 = vector.broadcast %add3A_947 : i32 to vector<16xi32>
      %add3A_949 = arith.addi %add3A_948, %iota3A : vector<16xi32>
      %broadcast_in_dim3A_950 = arith.constant 0.000000e+00 : f32
      %broadcast_in_dim3A_951 = vector.broadcast %broadcast_in_dim3A_950 : f32 to vector<16xf32>
      %broadcast_in_dim3A_952 = arith.constant 0 : i32
      %broadcast_in_dim3A_953 = vector.broadcast %broadcast_in_dim3A_952 : i32 to vector<16xi32>
      %gather3A_954 = tpu.vector_load_idx %arg11[%add3A_949, %broadcast_in_dim3A_953] : memref<128x16xf32, #tpu.memory_space<vmem>>[vector<16xi32>, vector<16xi32>], vector<16xf32>,
      %gather3A_955 = tpu.vector_load_idx %arg12[%add3A_949, %broadcast_in_dim3A_953] : memref<128x16xf32, #tpu.memory_space<vmem>>[vector<16xi32>, vector<16xi32>], vector<16xf32>,
      %mul3A_956 = arith.mulf %gather3A_954, %gather3A_955 : vector<16xf32>
      %add3A_957 = arith.addf %broadcast_in_dim3A_951, %mul3A_956 : vector<16xf32>
      %broadcast_in_dim3A_958 = arith.constant 1 : i32
      %broadcast_in_dim3A_959 = vector.broadcast %broadcast_in_dim3A_958 : i32 to vector<16xi32>
      %gather3A_960 = tpu.vector_load_idx %arg11[%add3A_949, %broadcast_in_dim3A_959] : memref<128x16xf32, #tpu.memory_space<vmem>>[vector<16xi32>, vector<16xi32>], vector<16xf32>,
      %gather3A_961 = tpu.vector_load_idx %arg12[%add3A_949, %broadcast_in_dim3A_959] : memref<128x16xf32, #tpu.memory_space<vmem>>[vector<16xi32>, vector<16xi32>], vector<16xf32>,
      %mul3A_962 = arith.mulf %gather3A_960, %gather3A_961 : vector<16xf32>
      %add3A_963 = arith.addf %add3A_957, %mul3A_962 : vector<16xf32>
      %broadcast_in_dim3A_964 = arith.constant 2 : i32
      %broadcast_in_dim3A_965 = vector.broadcast %broadcast_in_dim3A_964 : i32 to vector<16xi32>
      %gather3A_966 = tpu.vector_load_idx %arg11[%add3A_949, %broadcast_in_dim3A_965] : memref<128x16xf32, #tpu.memory_space<vmem>>[vector<16xi32>, vector<16xi32>], vector<16xf32>,
      %gather3A_967 = tpu.vector_load_idx %arg12[%add3A_949, %broadcast_in_dim3A_965] : memref<128x16xf32, #tpu.memory_space<vmem>>[vector<16xi32>, vector<16xi32>], vector<16xf32>,
      %mul3A_968 = arith.mulf %gather3A_966, %gather3A_967 : vector<16xf32>
      %add3A_969 = arith.addf %add3A_963, %mul3A_968 : vector<16xf32>
      %broadcast_in_dim3A_970 = arith.constant 3 : i32
      %broadcast_in_dim3A_971 = vector.broadcast %broadcast_in_dim3A_970 : i32 to vector<16xi32>
      %gather3A_972 = tpu.vector_load_idx %arg11[%add3A_949, %broadcast_in_dim3A_971] : memref<128x16xf32, #tpu.memory_space<vmem>>[vector<16xi32>, vector<16xi32>], vector<16xf32>,
      %gather3A_973 = tpu.vector_load_idx %arg12[%add3A_949, %broadcast_in_dim3A_971] : memref<128x16xf32, #tpu.memory_space<vmem>>[vector<16xi32>, vector<16xi32>], vector<16xf32>,
      %mul3A_974 = arith.mulf %gather3A_972, %gather3A_973 : vector<16xf32>
      %add3A_975 = arith.addf %add3A_969, %mul3A_974 : vector<16xf32>
      %broadcast_in_dim3A_976 = arith.constant 4 : i32
      %broadcast_in_dim3A_977 = vector.broadcast %broadcast_in_dim3A_976 : i32 to vector<16xi32>
      %gather3A_978 = tpu.vector_load_idx %arg11[%add3A_949, %broadcast_in_dim3A_977] : memref<128x16xf32, #tpu.memory_space<vmem>>[vector<16xi32>, vector<16xi32>], vector<16xf32>,
      %gather3A_979 = tpu.vector_load_idx %arg12[%add3A_949, %broadcast_in_dim3A_977] : memref<128x16xf32, #tpu.memory_space<vmem>>[vector<16xi32>, vector<16xi32>], vector<16xf32>,
      %mul3A_980 = arith.mulf %gather3A_978, %gather3A_979 : vector<16xf32>
      %add3A_981 = arith.addf %add3A_975, %mul3A_980 : vector<16xf32>
      %broadcast_in_dim3A_982 = arith.constant 5 : i32
      %broadcast_in_dim3A_983 = vector.broadcast %broadcast_in_dim3A_982 : i32 to vector<16xi32>
      %gather3A_984 = tpu.vector_load_idx %arg11[%add3A_949, %broadcast_in_dim3A_983] : memref<128x16xf32, #tpu.memory_space<vmem>>[vector<16xi32>, vector<16xi32>], vector<16xf32>,
      %gather3A_985 = tpu.vector_load_idx %arg12[%add3A_949, %broadcast_in_dim3A_983] : memref<128x16xf32, #tpu.memory_space<vmem>>[vector<16xi32>, vector<16xi32>], vector<16xf32>,
      %mul3A_986 = arith.mulf %gather3A_984, %gather3A_985 : vector<16xf32>
      %add3A_987 = arith.addf %add3A_981, %mul3A_986 : vector<16xf32>
      %broadcast_in_dim3A_988 = arith.constant 6 : i32
      %broadcast_in_dim3A_989 = vector.broadcast %broadcast_in_dim3A_988 : i32 to vector<16xi32>
      %gather3A_990 = tpu.vector_load_idx %arg11[%add3A_949, %broadcast_in_dim3A_989] : memref<128x16xf32, #tpu.memory_space<vmem>>[vector<16xi32>, vector<16xi32>], vector<16xf32>,
      %gather3A_991 = tpu.vector_load_idx %arg12[%add3A_949, %broadcast_in_dim3A_989] : memref<128x16xf32, #tpu.memory_space<vmem>>[vector<16xi32>, vector<16xi32>], vector<16xf32>,
      %mul3A_992 = arith.mulf %gather3A_990, %gather3A_991 : vector<16xf32>
      %add3A_993 = arith.addf %add3A_987, %mul3A_992 : vector<16xf32>
      %broadcast_in_dim3A_994 = arith.constant 7 : i32
      %broadcast_in_dim3A_995 = vector.broadcast %broadcast_in_dim3A_994 : i32 to vector<16xi32>
      %gather3A_996 = tpu.vector_load_idx %arg11[%add3A_949, %broadcast_in_dim3A_995] : memref<128x16xf32, #tpu.memory_space<vmem>>[vector<16xi32>, vector<16xi32>], vector<16xf32>,
      %gather3A_997 = tpu.vector_load_idx %arg12[%add3A_949, %broadcast_in_dim3A_995] : memref<128x16xf32, #tpu.memory_space<vmem>>[vector<16xi32>, vector<16xi32>], vector<16xf32>,
      %mul3A_998 = arith.mulf %gather3A_996, %gather3A_997 : vector<16xf32>
      %add3A_999 = arith.addf %add3A_993, %mul3A_998 : vector<16xf32>
      %broadcast_in_dim3A_1000 = arith.constant 8 : i32
      %broadcast_in_dim3A_1001 = vector.broadcast %broadcast_in_dim3A_1000 : i32 to vector<16xi32>
      %gather3A_1002 = tpu.vector_load_idx %arg11[%add3A_949, %broadcast_in_dim3A_1001] : memref<128x16xf32, #tpu.memory_space<vmem>>[vector<16xi32>, vector<16xi32>], vector<16xf32>,
      %gather3A_1003 = tpu.vector_load_idx %arg12[%add3A_949, %broadcast_in_dim3A_1001] : memref<128x16xf32, #tpu.memory_space<vmem>>[vector<16xi32>, vector<16xi32>], vector<16xf32>,
      %mul3A_1004 = arith.mulf %gather3A_1002, %gather3A_1003 : vector<16xf32>
      %add3A_1005 = arith.addf %add3A_999, %mul3A_1004 : vector<16xf32>
      %broadcast_in_dim3A_1006 = arith.constant 9 : i32
      %broadcast_in_dim3A_1007 = vector.broadcast %broadcast_in_dim3A_1006 : i32 to vector<16xi32>
      %gather3A_1008 = tpu.vector_load_idx %arg11[%add3A_949, %broadcast_in_dim3A_1007] : memref<128x16xf32, #tpu.memory_space<vmem>>[vector<16xi32>, vector<16xi32>], vector<16xf32>,
      %gather3A_1009 = tpu.vector_load_idx %arg12[%add3A_949, %broadcast_in_dim3A_1007] : memref<128x16xf32, #tpu.memory_space<vmem>>[vector<16xi32>, vector<16xi32>], vector<16xf32>,
      %mul3A_1010 = arith.mulf %gather3A_1008, %gather3A_1009 : vector<16xf32>
      %add3A_1011 = arith.addf %add3A_1005, %mul3A_1010 : vector<16xf32>
      %broadcast_in_dim3A_1012 = arith.constant 10 : i32
      %broadcast_in_dim3A_1013 = vector.broadcast %broadcast_in_dim3A_1012 : i32 to vector<16xi32>
      %gather3A_1014 = tpu.vector_load_idx %arg11[%add3A_949, %broadcast_in_dim3A_1013] : memref<128x16xf32, #tpu.memory_space<vmem>>[vector<16xi32>, vector<16xi32>], vector<16xf32>,
      %gather3A_1015 = tpu.vector_load_idx %arg12[%add3A_949, %broadcast_in_dim3A_1013] : memref<128x16xf32, #tpu.memory_space<vmem>>[vector<16xi32>, vector<16xi32>], vector<16xf32>,
      %mul3A_1016 = arith.mulf %gather3A_1014, %gather3A_1015 : vector<16xf32>
      %add3A_1017 = arith.addf %add3A_1011, %mul3A_1016 : vector<16xf32>
      %broadcast_in_dim3A_1018 = arith.constant 11 : i32
      %broadcast_in_dim3A_1019 = vector.broadcast %broadcast_in_dim3A_1018 : i32 to vector<16xi32>
      %gather3A_1020 = tpu.vector_load_idx %arg11[%add3A_949, %broadcast_in_dim3A_1019] : memref<128x16xf32, #tpu.memory_space<vmem>>[vector<16xi32>, vector<16xi32>], vector<16xf32>,
      %gather3A_1021 = tpu.vector_load_idx %arg12[%add3A_949, %broadcast_in_dim3A_1019] : memref<128x16xf32, #tpu.memory_space<vmem>>[vector<16xi32>, vector<16xi32>], vector<16xf32>,
      %mul3A_1022 = arith.mulf %gather3A_1020, %gather3A_1021 : vector<16xf32>
      %add3A_1023 = arith.addf %add3A_1017, %mul3A_1022 : vector<16xf32>
      %broadcast_in_dim3A_1024 = arith.constant 12 : i32
      %broadcast_in_dim3A_1025 = vector.broadcast %broadcast_in_dim3A_1024 : i32 to vector<16xi32>
      %gather3A_1026 = tpu.vector_load_idx %arg11[%add3A_949, %broadcast_in_dim3A_1025] : memref<128x16xf32, #tpu.memory_space<vmem>>[vector<16xi32>, vector<16xi32>], vector<16xf32>,
      %gather3A_1027 = tpu.vector_load_idx %arg12[%add3A_949, %broadcast_in_dim3A_1025] : memref<128x16xf32, #tpu.memory_space<vmem>>[vector<16xi32>, vector<16xi32>], vector<16xf32>,
      %mul3A_1028 = arith.mulf %gather3A_1026, %gather3A_1027 : vector<16xf32>
      %add3A_1029 = arith.addf %add3A_1023, %mul3A_1028 : vector<16xf32>
      %broadcast_in_dim3A_1030 = arith.constant 13 : i32
      %broadcast_in_dim3A_1031 = vector.broadcast %broadcast_in_dim3A_1030 : i32 to vector<16xi32>
      %gather3A_1032 = tpu.vector_load_idx %arg11[%add3A_949, %broadcast_in_dim3A_1031] : memref<128x16xf32, #tpu.memory_space<vmem>>[vector<16xi32>, vector<16xi32>], vector<16xf32>,
      %gather3A_1033 = tpu.vector_load_idx %arg12[%add3A_949, %broadcast_in_dim3A_1031] : memref<128x16xf32, #tpu.memory_space<vmem>>[vector<16xi32>, vector<16xi32>], vector<16xf32>,
      %mul3A_1034 = arith.mulf %gather3A_1032, %gather3A_1033 : vector<16xf32>
      %add3A_1035 = arith.addf %add3A_1029, %mul3A_1034 : vector<16xf32>
      %broadcast_in_dim3A_1036 = arith.constant 14 : i32
      %broadcast_in_dim3A_1037 = vector.broadcast %broadcast_in_dim3A_1036 : i32 to vector<16xi32>
      %gather3A_1038 = tpu.vector_load_idx %arg11[%add3A_949, %broadcast_in_dim3A_1037] : memref<128x16xf32, #tpu.memory_space<vmem>>[vector<16xi32>, vector<16xi32>], vector<16xf32>,
      %gather3A_1039 = tpu.vector_load_idx %arg12[%add3A_949, %broadcast_in_dim3A_1037] : memref<128x16xf32, #tpu.memory_space<vmem>>[vector<16xi32>, vector<16xi32>], vector<16xf32>,
      %mul3A_1040 = arith.mulf %gather3A_1038, %gather3A_1039 : vector<16xf32>
      %add3A_1041 = arith.addf %add3A_1035, %mul3A_1040 : vector<16xf32>
      %broadcast_in_dim3A_1042 = arith.constant 15 : i32
      %broadcast_in_dim3A_1043 = vector.broadcast %broadcast_in_dim3A_1042 : i32 to vector<16xi32>
      %gather3A_1044 = tpu.vector_load_idx %arg11[%add3A_949, %broadcast_in_dim3A_1043] : memref<128x16xf32, #tpu.memory_space<vmem>>[vector<16xi32>, vector<16xi32>], vector<16xf32>,
      %gather3A_1045 = tpu.vector_load_idx %arg12[%add3A_949, %broadcast_in_dim3A_1043] : memref<128x16xf32, #tpu.memory_space<vmem>>[vector<16xi32>, vector<16xi32>], vector<16xf32>,
      %mul3A_1046 = arith.mulf %gather3A_1044, %gather3A_1045 : vector<16xf32>
      %add3A_1047 = arith.addf %add3A_1041, %mul3A_1046 : vector<16xf32>
      %mul3A_1048 = arith.constant 128 : i32
      %mul3A_1049 = arith.muli %mul3A_221, %mul3A_1048 : i32
      %add3A_1050 = arith.addi %mul3A_95, %mul3A_1049 : i32
      %add3A_1051 = arith.constant 96 : i32
      %add3A_1052 = arith.addi %add3A_1050, %add3A_1051 : i32
      %add3A_1053 = vector.broadcast %add3A_1052 : i32 to vector<16xi32>
      %add3A_1054 = arith.addi %add3A_1053, %iota3A : vector<16xi32>
      %lt3A_1055 = arith.constant 160000 : i32
      %lt3A_1056 = vector.broadcast %lt3A_1055 : i32 to vector<16xi32>
      %lt3A_1057 = arith.cmpi slt, %add3A_1054, %lt3A_1056 : vector<16xi32>
      %exp3A_1058 = math.exp %add3A_1047 : vector<16xf32>
      %jit3A_1059 = arith.constant 0.000000e+00 : f32
      %broadcast_in_dim3A_1060 = vector.broadcast %jit3A_1059 : f32 to vector<16xf32>
      %select_n3A_1061 = arith.select %lt3A_1057, %exp3A_1058, %broadcast_in_dim3A_1060 : vector<16xi1>, vector<16xf32>
      %swap3A_1062 = arith.constant 96 : index
      %swap3A_1063 = tpu.vector_load %arg15[%swap3A_1062] {strides = array<i32>} : memref<128xf32, #tpu.memory_space<vmem>>, vector<16xf32>,
      tpu.vector_store %arg15[%swap3A_1062], %select_n3A_1061 {strides = array<i32>} : memref<128xf32, #tpu.memory_space<vmem>>, vector<16xf32>,
      %get3A_1064 = arith.index_cast %mul3A_221 : i32 to index
      %get3A_1065 = arith.constant 96 : index
      %get3A_1066 = tpu.vector_load %arg9[%get3A_1064, %get3A_1065] {strides = array<i32>} : memref<80x128xi32, #tpu.memory_space<vmem>>, vector<16xi32>,
      tpu.vector_store_idx %arg16[%get3A_1066], %select_n3A_1061 {add = true} : memref<10000xf32, #tpu.memory_space<vmem>>[vector<16xi32>], vector<16xf32>,
      %add3A_1067 = arith.constant 112 : i32
      %add3A_1068 = vector.broadcast %add3A_1067 : i32 to vector<16xi32>
      %add3A_1069 = arith.addi %add3A_1068, %iota3A : vector<16xi32>
      %broadcast_in_dim3A_1070 = arith.constant 0.000000e+00 : f32
      %broadcast_in_dim3A_1071 = vector.broadcast %broadcast_in_dim3A_1070 : f32 to vector<16xf32>
      %broadcast_in_dim3A_1072 = arith.constant 0 : i32
      %broadcast_in_dim3A_1073 = vector.broadcast %broadcast_in_dim3A_1072 : i32 to vector<16xi32>
      %gather3A_1074 = tpu.vector_load_idx %arg11[%add3A_1069, %broadcast_in_dim3A_1073] : memref<128x16xf32, #tpu.memory_space<vmem>>[vector<16xi32>, vector<16xi32>], vector<16xf32>,
      %gather3A_1075 = tpu.vector_load_idx %arg12[%add3A_1069, %broadcast_in_dim3A_1073] : memref<128x16xf32, #tpu.memory_space<vmem>>[vector<16xi32>, vector<16xi32>], vector<16xf32>,
      %mul3A_1076 = arith.mulf %gather3A_1074, %gather3A_1075 : vector<16xf32>
      %add3A_1077 = arith.addf %broadcast_in_dim3A_1071, %mul3A_1076 : vector<16xf32>
      %broadcast_in_dim3A_1078 = arith.constant 1 : i32
      %broadcast_in_dim3A_1079 = vector.broadcast %broadcast_in_dim3A_1078 : i32 to vector<16xi32>
      %gather3A_1080 = tpu.vector_load_idx %arg11[%add3A_1069, %broadcast_in_dim3A_1079] : memref<128x16xf32, #tpu.memory_space<vmem>>[vector<16xi32>, vector<16xi32>], vector<16xf32>,
      %gather3A_1081 = tpu.vector_load_idx %arg12[%add3A_1069, %broadcast_in_dim3A_1079] : memref<128x16xf32, #tpu.memory_space<vmem>>[vector<16xi32>, vector<16xi32>], vector<16xf32>,
      %mul3A_1082 = arith.mulf %gather3A_1080, %gather3A_1081 : vector<16xf32>
      %add3A_1083 = arith.addf %add3A_1077, %mul3A_1082 : vector<16xf32>
      %broadcast_in_dim3A_1084 = arith.constant 2 : i32
      %broadcast_in_dim3A_1085 = vector.broadcast %broadcast_in_dim3A_1084 : i32 to vector<16xi32>
      %gather3A_1086 = tpu.vector_load_idx %arg11[%add3A_1069, %broadcast_in_dim3A_1085] : memref<128x16xf32, #tpu.memory_space<vmem>>[vector<16xi32>, vector<16xi32>], vector<16xf32>,
      %gather3A_1087 = tpu.vector_load_idx %arg12[%add3A_1069, %broadcast_in_dim3A_1085] : memref<128x16xf32, #tpu.memory_space<vmem>>[vector<16xi32>, vector<16xi32>], vector<16xf32>,
      %mul3A_1088 = arith.mulf %gather3A_1086, %gather3A_1087 : vector<16xf32>
      %add3A_1089 = arith.addf %add3A_1083, %mul3A_1088 : vector<16xf32>
      %broadcast_in_dim3A_1090 = arith.constant 3 : i32
      %broadcast_in_dim3A_1091 = vector.broadcast %broadcast_in_dim3A_1090 : i32 to vector<16xi32>
      %gather3A_1092 = tpu.vector_load_idx %arg11[%add3A_1069, %broadcast_in_dim3A_1091] : memref<128x16xf32, #tpu.memory_space<vmem>>[vector<16xi32>, vector<16xi32>], vector<16xf32>,
      %gather3A_1093 = tpu.vector_load_idx %arg12[%add3A_1069, %broadcast_in_dim3A_1091] : memref<128x16xf32, #tpu.memory_space<vmem>>[vector<16xi32>, vector<16xi32>], vector<16xf32>,
      %mul3A_1094 = arith.mulf %gather3A_1092, %gather3A_1093 : vector<16xf32>
      %add3A_1095 = arith.addf %add3A_1089, %mul3A_1094 : vector<16xf32>
      %broadcast_in_dim3A_1096 = arith.constant 4 : i32
      %broadcast_in_dim3A_1097 = vector.broadcast %broadcast_in_dim3A_1096 : i32 to vector<16xi32>
      %gather3A_1098 = tpu.vector_load_idx %arg11[%add3A_1069, %broadcast_in_dim3A_1097] : memref<128x16xf32, #tpu.memory_space<vmem>>[vector<16xi32>, vector<16xi32>], vector<16xf32>,
      %gather3A_1099 = tpu.vector_load_idx %arg12[%add3A_1069, %broadcast_in_dim3A_1097] : memref<128x16xf32, #tpu.memory_space<vmem>>[vector<16xi32>, vector<16xi32>], vector<16xf32>,
      %mul3A_1100 = arith.mulf %gather3A_1098, %gather3A_1099 : vector<16xf32>
      %add3A_1101 = arith.addf %add3A_1095, %mul3A_1100 : vector<16xf32>
      %broadcast_in_dim3A_1102 = arith.constant 5 : i32
      %broadcast_in_dim3A_1103 = vector.broadcast %broadcast_in_dim3A_1102 : i32 to vector<16xi32>
      %gather3A_1104 = tpu.vector_load_idx %arg11[%add3A_1069, %broadcast_in_dim3A_1103] : memref<128x16xf32, #tpu.memory_space<vmem>>[vector<16xi32>, vector<16xi32>], vector<16xf32>,
      %gather3A_1105 = tpu.vector_load_idx %arg12[%add3A_1069, %broadcast_in_dim3A_1103] : memref<128x16xf32, #tpu.memory_space<vmem>>[vector<16xi32>, vector<16xi32>], vector<16xf32>,
      %mul3A_1106 = arith.mulf %gather3A_1104, %gather3A_1105 : vector<16xf32>
      %add3A_1107 = arith.addf %add3A_1101, %mul3A_1106 : vector<16xf32>
      %broadcast_in_dim3A_1108 = arith.constant 6 : i32
      %broadcast_in_dim3A_1109 = vector.broadcast %broadcast_in_dim3A_1108 : i32 to vector<16xi32>
      %gather3A_1110 = tpu.vector_load_idx %arg11[%add3A_1069, %broadcast_in_dim3A_1109] : memref<128x16xf32, #tpu.memory_space<vmem>>[vector<16xi32>, vector<16xi32>], vector<16xf32>,
      %gather3A_1111 = tpu.vector_load_idx %arg12[%add3A_1069, %broadcast_in_dim3A_1109] : memref<128x16xf32, #tpu.memory_space<vmem>>[vector<16xi32>, vector<16xi32>], vector<16xf32>,
      %mul3A_1112 = arith.mulf %gather3A_1110, %gather3A_1111 : vector<16xf32>
      %add3A_1113 = arith.addf %add3A_1107, %mul3A_1112 : vector<16xf32>
      %broadcast_in_dim3A_1114 = arith.constant 7 : i32
      %broadcast_in_dim3A_1115 = vector.broadcast %broadcast_in_dim3A_1114 : i32 to vector<16xi32>
      %gather3A_1116 = tpu.vector_load_idx %arg11[%add3A_1069, %broadcast_in_dim3A_1115] : memref<128x16xf32, #tpu.memory_space<vmem>>[vector<16xi32>, vector<16xi32>], vector<16xf32>,
      %gather3A_1117 = tpu.vector_load_idx %arg12[%add3A_1069, %broadcast_in_dim3A_1115] : memref<128x16xf32, #tpu.memory_space<vmem>>[vector<16xi32>, vector<16xi32>], vector<16xf32>,
      %mul3A_1118 = arith.mulf %gather3A_1116, %gather3A_1117 : vector<16xf32>
      %add3A_1119 = arith.addf %add3A_1113, %mul3A_1118 : vector<16xf32>
      %broadcast_in_dim3A_1120 = arith.constant 8 : i32
      %broadcast_in_dim3A_1121 = vector.broadcast %broadcast_in_dim3A_1120 : i32 to vector<16xi32>
      %gather3A_1122 = tpu.vector_load_idx %arg11[%add3A_1069, %broadcast_in_dim3A_1121] : memref<128x16xf32, #tpu.memory_space<vmem>>[vector<16xi32>, vector<16xi32>], vector<16xf32>,
      %gather3A_1123 = tpu.vector_load_idx %arg12[%add3A_1069, %broadcast_in_dim3A_1121] : memref<128x16xf32, #tpu.memory_space<vmem>>[vector<16xi32>, vector<16xi32>], vector<16xf32>,
      %mul3A_1124 = arith.mulf %gather3A_1122, %gather3A_1123 : vector<16xf32>
      %add3A_1125 = arith.addf %add3A_1119, %mul3A_1124 : vector<16xf32>
      %broadcast_in_dim3A_1126 = arith.constant 9 : i32
      %broadcast_in_dim3A_1127 = vector.broadcast %broadcast_in_dim3A_1126 : i32 to vector<16xi32>
      %gather3A_1128 = tpu.vector_load_idx %arg11[%add3A_1069, %broadcast_in_dim3A_1127] : memref<128x16xf32, #tpu.memory_space<vmem>>[vector<16xi32>, vector<16xi32>], vector<16xf32>,
      %gather3A_1129 = tpu.vector_load_idx %arg12[%add3A_1069, %broadcast_in_dim3A_1127] : memref<128x16xf32, #tpu.memory_space<vmem>>[vector<16xi32>, vector<16xi32>], vector<16xf32>,
      %mul3A_1130 = arith.mulf %gather3A_1128, %gather3A_1129 : vector<16xf32>
      %add3A_1131 = arith.addf %add3A_1125, %mul3A_1130 : vector<16xf32>
      %broadcast_in_dim3A_1132 = arith.constant 10 : i32
      %broadcast_in_dim3A_1133 = vector.broadcast %broadcast_in_dim3A_1132 : i32 to vector<16xi32>
      %gather3A_1134 = tpu.vector_load_idx %arg11[%add3A_1069, %broadcast_in_dim3A_1133] : memref<128x16xf32, #tpu.memory_space<vmem>>[vector<16xi32>, vector<16xi32>], vector<16xf32>,
      %gather3A_1135 = tpu.vector_load_idx %arg12[%add3A_1069, %broadcast_in_dim3A_1133] : memref<128x16xf32, #tpu.memory_space<vmem>>[vector<16xi32>, vector<16xi32>], vector<16xf32>,
      %mul3A_1136 = arith.mulf %gather3A_1134, %gather3A_1135 : vector<16xf32>
      %add3A_1137 = arith.addf %add3A_1131, %mul3A_1136 : vector<16xf32>
      %broadcast_in_dim3A_1138 = arith.constant 11 : i32
      %broadcast_in_dim3A_1139 = vector.broadcast %broadcast_in_dim3A_1138 : i32 to vector<16xi32>
      %gather3A_1140 = tpu.vector_load_idx %arg11[%add3A_1069, %broadcast_in_dim3A_1139] : memref<128x16xf32, #tpu.memory_space<vmem>>[vector<16xi32>, vector<16xi32>], vector<16xf32>,
      %gather3A_1141 = tpu.vector_load_idx %arg12[%add3A_1069, %broadcast_in_dim3A_1139] : memref<128x16xf32, #tpu.memory_space<vmem>>[vector<16xi32>, vector<16xi32>], vector<16xf32>,
      %mul3A_1142 = arith.mulf %gather3A_1140, %gather3A_1141 : vector<16xf32>
      %add3A_1143 = arith.addf %add3A_1137, %mul3A_1142 : vector<16xf32>
      %broadcast_in_dim3A_1144 = arith.constant 12 : i32
      %broadcast_in_dim3A_1145 = vector.broadcast %broadcast_in_dim3A_1144 : i32 to vector<16xi32>
      %gather3A_1146 = tpu.vector_load_idx %arg11[%add3A_1069, %broadcast_in_dim3A_1145] : memref<128x16xf32, #tpu.memory_space<vmem>>[vector<16xi32>, vector<16xi32>], vector<16xf32>,
      %gather3A_1147 = tpu.vector_load_idx %arg12[%add3A_1069, %broadcast_in_dim3A_1145] : memref<128x16xf32, #tpu.memory_space<vmem>>[vector<16xi32>, vector<16xi32>], vector<16xf32>,
      %mul3A_1148 = arith.mulf %gather3A_1146, %gather3A_1147 : vector<16xf32>
      %add3A_1149 = arith.addf %add3A_1143, %mul3A_1148 : vector<16xf32>
      %broadcast_in_dim3A_1150 = arith.constant 13 : i32
      %broadcast_in_dim3A_1151 = vector.broadcast %broadcast_in_dim3A_1150 : i32 to vector<16xi32>
      %gather3A_1152 = tpu.vector_load_idx %arg11[%add3A_1069, %broadcast_in_dim3A_1151] : memref<128x16xf32, #tpu.memory_space<vmem>>[vector<16xi32>, vector<16xi32>], vector<16xf32>,
      %gather3A_1153 = tpu.vector_load_idx %arg12[%add3A_1069, %broadcast_in_dim3A_1151] : memref<128x16xf32, #tpu.memory_space<vmem>>[vector<16xi32>, vector<16xi32>], vector<16xf32>,
      %mul3A_1154 = arith.mulf %gather3A_1152, %gather3A_1153 : vector<16xf32>
      %add3A_1155 = arith.addf %add3A_1149, %mul3A_1154 : vector<16xf32>
      %broadcast_in_dim3A_1156 = arith.constant 14 : i32
      %broadcast_in_dim3A_1157 = vector.broadcast %broadcast_in_dim3A_1156 : i32 to vector<16xi32>
      %gather3A_1158 = tpu.vector_load_idx %arg11[%add3A_1069, %broadcast_in_dim3A_1157] : memref<128x16xf32, #tpu.memory_space<vmem>>[vector<16xi32>, vector<16xi32>], vector<16xf32>,
      %gather3A_1159 = tpu.vector_load_idx %arg12[%add3A_1069, %broadcast_in_dim3A_1157] : memref<128x16xf32, #tpu.memory_space<vmem>>[vector<16xi32>, vector<16xi32>], vector<16xf32>,
      %mul3A_1160 = arith.mulf %gather3A_1158, %gather3A_1159 : vector<16xf32>
      %add3A_1161 = arith.addf %add3A_1155, %mul3A_1160 : vector<16xf32>
      %broadcast_in_dim3A_1162 = arith.constant 15 : i32
      %broadcast_in_dim3A_1163 = vector.broadcast %broadcast_in_dim3A_1162 : i32 to vector<16xi32>
      %gather3A_1164 = tpu.vector_load_idx %arg11[%add3A_1069, %broadcast_in_dim3A_1163] : memref<128x16xf32, #tpu.memory_space<vmem>>[vector<16xi32>, vector<16xi32>], vector<16xf32>,
      %gather3A_1165 = tpu.vector_load_idx %arg12[%add3A_1069, %broadcast_in_dim3A_1163] : memref<128x16xf32, #tpu.memory_space<vmem>>[vector<16xi32>, vector<16xi32>], vector<16xf32>,
      %mul3A_1166 = arith.mulf %gather3A_1164, %gather3A_1165 : vector<16xf32>
      %add3A_1167 = arith.addf %add3A_1161, %mul3A_1166 : vector<16xf32>
      %mul3A_1168 = arith.constant 128 : i32
      %mul3A_1169 = arith.muli %mul3A_221, %mul3A_1168 : i32
      %add3A_1170 = arith.addi %mul3A_95, %mul3A_1169 : i32
      %add3A_1171 = arith.constant 112 : i32
      %add3A_1172 = arith.addi %add3A_1170, %add3A_1171 : i32
      %add3A_1173 = vector.broadcast %add3A_1172 : i32 to vector<16xi32>
      %add3A_1174 = arith.addi %add3A_1173, %iota3A : vector<16xi32>
      %lt3A_1175 = arith.constant 160000 : i32
      %lt3A_1176 = vector.broadcast %lt3A_1175 : i32 to vector<16xi32>
      %lt3A_1177 = arith.cmpi slt, %add3A_1174, %lt3A_1176 : vector<16xi32>
      %exp3A_1178 = math.exp %add3A_1167 : vector<16xf32>
      %jit3A_1179 = arith.constant 0.000000e+00 : f32
      %broadcast_in_dim3A_1180 = vector.broadcast %jit3A_1179 : f32 to vector<16xf32>
      %select_n3A_1181 = arith.select %lt3A_1177, %exp3A_1178, %broadcast_in_dim3A_1180 : vector<16xi1>, vector<16xf32>
      %swap3A_1182 = arith.constant 112 : index
      %swap3A_1183 = tpu.vector_load %arg15[%swap3A_1182] {strides = array<i32>} : memref<128xf32, #tpu.memory_space<vmem>>, vector<16xf32>,
      tpu.vector_store %arg15[%swap3A_1182], %select_n3A_1181 {strides = array<i32>} : memref<128xf32, #tpu.memory_space<vmem>>, vector<16xf32>,
      %get3A_1184 = arith.index_cast %mul3A_221 : i32 to index
      %get3A_1185 = arith.constant 112 : index
      %get3A_1186 = tpu.vector_load %arg9[%get3A_1184, %get3A_1185] {strides = array<i32>} : memref<80x128xi32, #tpu.memory_space<vmem>>, vector<16xi32>,
      tpu.vector_store_idx %arg16[%get3A_1186], %select_n3A_1181 {add = true} : memref<10000xf32, #tpu.memory_space<vmem>>[vector<16xi32>], vector<16xf32>,
      %add3A_1187 = arith.constant 1 : i32
      %add3A_1188 = arith.addi %mul3A_221, %add3A_1187 : i32
      %lt3A_1189 = arith.constant 80 : i32
      %lt3A_1190 = arith.cmpi slt, %add3A_1188, %lt3A_1189 : i32
      %convert_element_type3A_1191 = arith.extui %lt3A_1190 : i1 to i32
      %cond3A_1192 = arith.constant 0 : i32
      %cond3A_1193 = arith.cmpi ne, %convert_element_type3A_1191, %cond3A_1192 : i32
      scf.if %cond3A_1193 {
        %add3A_2239 = arith.constant 1 : i32
        %add3A_2240 = arith.addi %mul3A_221, %add3A_2239 : i32
        %dma_start3A_2241 = arith.constant 0 : i32
        %dma_start3A_2242 = tpu.memref_slice %arg9[%add3A_2240, %dma_start3A_2241] : memref<80x128xi32, #tpu.memory_space<vmem>> -> memref<1x128xi32, #tpu.memory_space<vmem>>
        %dma_start3A_2243 = tpu.memref_squeeze %dma_start3A_2242 : memref<1x128xi32, #tpu.memory_space<vmem>> -> memref<128xi32, #tpu.memory_space<vmem>>
        %dma_start3A_2244 = arith.constant 0 : i32
        %dma_start3A_2245 = arith.constant 0 : i32
        %dma_start3A_2246 = tpu.memref_slice %arg2[%dma_start3A_2244, %dma_start3A_2245] : memref<10000x16xf32, #tpu.memory_space<hbm>> -> memref<10000x16xf32, #tpu.memory_space<hbm>>
        tpu.enqueue_indirect_dma source(%dma_start3A_2246 : memref<10000x16xf32, #tpu.memory_space<hbm>>) target(%arg11 : memref<128x16xf32, #tpu.memory_space<vmem>>) offsets(%dma_start3A_2243 : memref<128xi32, #tpu.memory_space<vmem>>) semaphore(%arg19 : memref<!tpu.dma_semaphore, #tpu.memory_space<semaphore_mem>>)
        %dma_start3A_2247 = arith.constant 0 : i32
        %dma_start3A_2248 = tpu.memref_slice %arg10[%add3A_2240, %dma_start3A_2247] : memref<80x128xi32, #tpu.memory_space<vmem>> -> memref<1x128xi32, #tpu.memory_space<vmem>>
        %dma_start3A_2249 = tpu.memref_squeeze %dma_start3A_2248 : memref<1x128xi32, #tpu.memory_space<vmem>> -> memref<128xi32, #tpu.memory_space<vmem>>
        %dma_start3A_2250 = arith.constant 0 : i32
        %dma_start3A_2251 = arith.constant 0 : i32
        %dma_start3A_2252 = tpu.memref_slice %arg2[%dma_start3A_2250, %dma_start3A_2251] : memref<10000x16xf32, #tpu.memory_space<hbm>> -> memref<10000x16xf32, #tpu.memory_space<hbm>>
        tpu.enqueue_indirect_dma source(%dma_start3A_2252 : memref<10000x16xf32, #tpu.memory_space<hbm>>) target(%arg12 : memref<128x16xf32, #tpu.memory_space<vmem>>) offsets(%dma_start3A_2249 : memref<128xi32, #tpu.memory_space<vmem>>) semaphore(%arg20 : memref<!tpu.dma_semaphore, #tpu.memory_space<semaphore_mem>>)
      } else {
      }
      %ge3A = arith.constant 1 : i32
      %ge3A_1194 = arith.cmpi sge, %mul3A_221, %ge3A : i32
      %convert_element_type3A_1195 = arith.extui %ge3A_1194 : i1 to i32
      %cond3A_1196 = arith.constant 0 : i32
      %cond3A_1197 = arith.cmpi ne, %convert_element_type3A_1195, %cond3A_1196 : i32
      scf.if %cond3A_1197 {
        %dma_wait3A_2239 = arith.constant 0 : i32
        %dma_wait3A_2240 = tpu.memref_slice %arg9[%mul3A_221, %dma_wait3A_2239] : memref<80x128xi32, #tpu.memory_space<vmem>> -> memref<1x128xi32, #tpu.memory_space<vmem>>
        %dma_wait3A_2241 = tpu.memref_squeeze %dma_wait3A_2240 : memref<1x128xi32, #tpu.memory_space<vmem>> -> memref<128xi32, #tpu.memory_space<vmem>>
        %dma_wait3A_2242 = arith.constant 0 : i32
        %dma_wait3A_2243 = arith.constant 0 : i32
        %dma_wait3A_2244 = tpu.memref_slice %arg18[%dma_wait3A_2242, %dma_wait3A_2243] : memref<10000x64xf32, #tpu.memory_space<vmem_shared>> -> memref<10000x64xf32, #tpu.memory_space<vmem_shared>>
        tpu.wait_indirect_dma semaphore(%arg24 : memref<!tpu.dma_semaphore, #tpu.memory_space<semaphore_mem>>) src(%arg14 : memref<128x64xf32, #tpu.memory_space<vmem>>) dst(%dma_wait3A_2244 : memref<10000x64xf32, #tpu.memory_space<vmem_shared>>)
      } else {
      }
      %add3A_1198 = arith.constant 1 : i32
      %add3A_1199 = arith.addi %mul3A_221, %add3A_1198 : i32
      %lt3A_1200 = arith.constant 80 : i32
      %lt3A_1201 = arith.cmpi slt, %add3A_1199, %lt3A_1200 : i32
      %convert_element_type3A_1202 = arith.extui %lt3A_1201 : i1 to i32
      %cond3A_1203 = arith.constant 0 : i32
      %cond3A_1204 = arith.cmpi ne, %convert_element_type3A_1202, %cond3A_1203 : i32
      scf.if %cond3A_1204 {
        %add3A_2239 = arith.constant 1 : i32
        %add3A_2240 = arith.addi %mul3A_221, %add3A_2239 : i32
        %eq3A_2241 = arith.constant 0 : i32
        %eq3A_2242 = arith.cmpi eq, %arg0, %eq3A_2241 : i32
        %convert_element_type3A_2243 = arith.extui %eq3A_2242 : i1 to i32
        %cond3A_2244 = arith.constant 0 : i32
        %cond3A_2245 = arith.cmpi ne, %convert_element_type3A_2243, %cond3A_2244 : i32
        scf.if %cond3A_2245 {
          %dma_start3A_2251 = arith.constant 0 : i32
          %dma_start3A_2252 = tpu.memref_slice %arg10[%add3A_2240, %dma_start3A_2251] : memref<80x128xi32, #tpu.memory_space<vmem>> -> memref<1x128xi32, #tpu.memory_space<vmem>>
          %dma_start3A_2253 = tpu.memref_squeeze %dma_start3A_2252 : memref<1x128xi32, #tpu.memory_space<vmem>> -> memref<128xi32, #tpu.memory_space<vmem>>
          %dma_start3A_2254 = arith.constant 0 : i32
          %dma_start3A_2255 = arith.constant 0 : i32
          %dma_start3A_2256 = tpu.memref_slice %arg3[%dma_start3A_2254, %dma_start3A_2255] : memref<10000x64xf32, #tpu.memory_space<hbm>> -> memref<10000x64xf32, #tpu.memory_space<hbm>>
          tpu.enqueue_indirect_dma source(%dma_start3A_2256 : memref<10000x64xf32, #tpu.memory_space<hbm>>) target(%arg14 : memref<128x64xf32, #tpu.memory_space<vmem>>) offsets(%dma_start3A_2253 : memref<128xi32, #tpu.memory_space<vmem>>) semaphore(%arg22 : memref<!tpu.dma_semaphore, #tpu.memory_space<semaphore_mem>>)
        } else {
        }
        %eq3A_2246 = arith.constant 1 : i32
        %eq3A_2247 = arith.cmpi eq, %arg0, %eq3A_2246 : i32
        %convert_element_type3A_2248 = arith.extui %eq3A_2247 : i1 to i32
        %cond3A_2249 = arith.constant 0 : i32
        %cond3A_2250 = arith.cmpi ne, %convert_element_type3A_2248, %cond3A_2249 : i32
        scf.if %cond3A_2250 {
          %dma_start3A_2251 = arith.constant 0 : i32
          %dma_start3A_2252 = tpu.memref_slice %arg10[%add3A_2240, %dma_start3A_2251] : memref<80x128xi32, #tpu.memory_space<vmem>> -> memref<1x128xi32, #tpu.memory_space<vmem>>
          %dma_start3A_2253 = tpu.memref_squeeze %dma_start3A_2252 : memref<1x128xi32, #tpu.memory_space<vmem>> -> memref<128xi32, #tpu.memory_space<vmem>>
          %dma_start3A_2254 = arith.constant 0 : i32
          %dma_start3A_2255 = arith.constant 0 : i32
          %dma_start3A_2256 = tpu.memref_slice %arg4[%dma_start3A_2254, %dma_start3A_2255] : memref<10000x64xf32, #tpu.memory_space<hbm>> -> memref<10000x64xf32, #tpu.memory_space<hbm>>
          tpu.enqueue_indirect_dma source(%dma_start3A_2256 : memref<10000x64xf32, #tpu.memory_space<hbm>>) target(%arg14 : memref<128x64xf32, #tpu.memory_space<vmem>>) offsets(%dma_start3A_2253 : memref<128xi32, #tpu.memory_space<vmem>>) semaphore(%arg22 : memref<!tpu.dma_semaphore, #tpu.memory_space<semaphore_mem>>)
        } else {
        }
      } else {
      }
      %dma_wait3A_1205 = arith.constant 0 : i32
      %dma_wait3A_1206 = tpu.memref_slice %arg10[%mul3A_221, %dma_wait3A_1205] : memref<80x128xi32, #tpu.memory_space<vmem>> -> memref<1x128xi32, #tpu.memory_space<vmem>>
      %dma_wait3A_1207 = tpu.memref_squeeze %dma_wait3A_1206 : memref<1x128xi32, #tpu.memory_space<vmem>> -> memref<128xi32, #tpu.memory_space<vmem>>
      %dma_wait3A_1208 = arith.constant 0 : i32
      %dma_wait3A_1209 = arith.constant 0 : i32
      %dma_wait3A_1210 = tpu.memref_slice %arg3[%dma_wait3A_1208, %dma_wait3A_1209] : memref<10000x64xf32, #tpu.memory_space<hbm>> -> memref<10000x64xf32, #tpu.memory_space<hbm>>
      tpu.wait_indirect_dma semaphore(%arg21 : memref<!tpu.dma_semaphore, #tpu.memory_space<semaphore_mem>>) src(%dma_wait3A_1210 : memref<10000x64xf32, #tpu.memory_space<hbm>>) dst(%arg13 : memref<128x64xf32, #tpu.memory_space<vmem>>)
      %scan3A_1211 = arith.constant 0 : i32
      %scan3A_1212 = arith.constant 0 : i32
      %scan3A_1213 = arith.constant 128 : i32
      %scan3A_1214 = arith.addi %scan3A_1212, %scan3A_1213 : i32
      %scan3A_1215 = arith.constant 4 : i32
      %scan3A_1216 = scf.for %scan3A_2239 = %scan3A_1212 to %scan3A_1214 step %scan3A_1215 iter_args(%scan3A_2240 = %scan3A_1211) -> (i32)  : i32 {
        %broadcast_in_dim3A_2241 = vector.broadcast %scan3A_2239 : i32 to vector<16xi32>
        %gather3A_2242 = tpu.vector_load_idx %arg15[%broadcast_in_dim3A_2241] : memref<128xf32, #tpu.memory_space<vmem>>[vector<16xi32>], vector<16xf32>,
        %get3A_2243 = arith.index_cast %scan3A_2239 : i32 to index
        %get3A_2244 = arith.constant 0 : index
        %get3A_2245 = tpu.vector_load %arg13[%get3A_2243, %get3A_2244] {strides = array<i32>} : memref<128x64xf32, #tpu.memory_space<vmem>>, vector<16xf32>,
        %mul3A_2246 = arith.mulf %get3A_2245, %gather3A_2242 : vector<16xf32>
        %swap3A_2247 = arith.index_cast %scan3A_2239 : i32 to index
        %swap3A_2248 = arith.constant 0 : index
        %swap3A_2249 = tpu.vector_load %arg13[%swap3A_2247, %swap3A_2248] {strides = array<i32>} : memref<128x64xf32, #tpu.memory_space<vmem>>, vector<16xf32>,
        tpu.vector_store %arg13[%swap3A_2247, %swap3A_2248], %mul3A_2246 {strides = array<i32>} : memref<128x64xf32, #tpu.memory_space<vmem>>, vector<16xf32>,
        %get3A_2250 = arith.index_cast %scan3A_2239 : i32 to index
        %get3A_2251 = arith.constant 16 : index
        %get3A_2252 = tpu.vector_load %arg13[%get3A_2250, %get3A_2251] {strides = array<i32>} : memref<128x64xf32, #tpu.memory_space<vmem>>, vector<16xf32>,
        %mul3A_2253 = arith.mulf %get3A_2252, %gather3A_2242 : vector<16xf32>
        %swap3A_2254 = arith.index_cast %scan3A_2239 : i32 to index
        %swap3A_2255 = arith.constant 16 : index
        %swap3A_2256 = tpu.vector_load %arg13[%swap3A_2254, %swap3A_2255] {strides = array<i32>} : memref<128x64xf32, #tpu.memory_space<vmem>>, vector<16xf32>,
        tpu.vector_store %arg13[%swap3A_2254, %swap3A_2255], %mul3A_2253 {strides = array<i32>} : memref<128x64xf32, #tpu.memory_space<vmem>>, vector<16xf32>,
        %get3A_2257 = arith.index_cast %scan3A_2239 : i32 to index
        %get3A_2258 = arith.constant 32 : index
        %get3A_2259 = tpu.vector_load %arg13[%get3A_2257, %get3A_2258] {strides = array<i32>} : memref<128x64xf32, #tpu.memory_space<vmem>>, vector<16xf32>,
        %mul3A_2260 = arith.mulf %get3A_2259, %gather3A_2242 : vector<16xf32>
        %swap3A_2261 = arith.index_cast %scan3A_2239 : i32 to index
        %swap3A_2262 = arith.constant 32 : index
        %swap3A_2263 = tpu.vector_load %arg13[%swap3A_2261, %swap3A_2262] {strides = array<i32>} : memref<128x64xf32, #tpu.memory_space<vmem>>, vector<16xf32>,
        tpu.vector_store %arg13[%swap3A_2261, %swap3A_2262], %mul3A_2260 {strides = array<i32>} : memref<128x64xf32, #tpu.memory_space<vmem>>, vector<16xf32>,
        %get3A_2264 = arith.index_cast %scan3A_2239 : i32 to index
        %get3A_2265 = arith.constant 48 : index
        %get3A_2266 = tpu.vector_load %arg13[%get3A_2264, %get3A_2265] {strides = array<i32>} : memref<128x64xf32, #tpu.memory_space<vmem>>, vector<16xf32>,
        %mul3A_2267 = arith.mulf %get3A_2266, %gather3A_2242 : vector<16xf32>
        %swap3A_2268 = arith.index_cast %scan3A_2239 : i32 to index
        %swap3A_2269 = arith.constant 48 : index
        %swap3A_2270 = tpu.vector_load %arg13[%swap3A_2268, %swap3A_2269] {strides = array<i32>} : memref<128x64xf32, #tpu.memory_space<vmem>>, vector<16xf32>,
        tpu.vector_store %arg13[%swap3A_2268, %swap3A_2269], %mul3A_2267 {strides = array<i32>} : memref<128x64xf32, #tpu.memory_space<vmem>>, vector<16xf32>,
        %scan3A_2271 = arith.constant 0 : i32
        %scan3A_2272 = arith.constant 1 : i32
        %scan3A_2273 = arith.addi %scan3A_2239, %scan3A_2272 : i32
        %broadcast_in_dim3A_2274 = vector.broadcast %scan3A_2273 : i32 to vector<16xi32>
        %gather3A_2275 = tpu.vector_load_idx %arg15[%broadcast_in_dim3A_2274] : memref<128xf32, #tpu.memory_space<vmem>>[vector<16xi32>], vector<16xf32>,
        %get3A_2276 = arith.index_cast %scan3A_2273 : i32 to index
        %get3A_2277 = arith.constant 0 : index
        %get3A_2278 = tpu.vector_load %arg13[%get3A_2276, %get3A_2277] {strides = array<i32>} : memref<128x64xf32, #tpu.memory_space<vmem>>, vector<16xf32>,
        %mul3A_2279 = arith.mulf %get3A_2278, %gather3A_2275 : vector<16xf32>
        %swap3A_2280 = arith.index_cast %scan3A_2273 : i32 to index
        %swap3A_2281 = arith.constant 0 : index
        %swap3A_2282 = tpu.vector_load %arg13[%swap3A_2280, %swap3A_2281] {strides = array<i32>} : memref<128x64xf32, #tpu.memory_space<vmem>>, vector<16xf32>,
        tpu.vector_store %arg13[%swap3A_2280, %swap3A_2281], %mul3A_2279 {strides = array<i32>} : memref<128x64xf32, #tpu.memory_space<vmem>>, vector<16xf32>,
        %get3A_2283 = arith.index_cast %scan3A_2273 : i32 to index
        %get3A_2284 = arith.constant 16 : index
        %get3A_2285 = tpu.vector_load %arg13[%get3A_2283, %get3A_2284] {strides = array<i32>} : memref<128x64xf32, #tpu.memory_space<vmem>>, vector<16xf32>,
        %mul3A_2286 = arith.mulf %get3A_2285, %gather3A_2275 : vector<16xf32>
        %swap3A_2287 = arith.index_cast %scan3A_2273 : i32 to index
        %swap3A_2288 = arith.constant 16 : index
        %swap3A_2289 = tpu.vector_load %arg13[%swap3A_2287, %swap3A_2288] {strides = array<i32>} : memref<128x64xf32, #tpu.memory_space<vmem>>, vector<16xf32>,
        tpu.vector_store %arg13[%swap3A_2287, %swap3A_2288], %mul3A_2286 {strides = array<i32>} : memref<128x64xf32, #tpu.memory_space<vmem>>, vector<16xf32>,
        %get3A_2290 = arith.index_cast %scan3A_2273 : i32 to index
        %get3A_2291 = arith.constant 32 : index
        %get3A_2292 = tpu.vector_load %arg13[%get3A_2290, %get3A_2291] {strides = array<i32>} : memref<128x64xf32, #tpu.memory_space<vmem>>, vector<16xf32>,
        %mul3A_2293 = arith.mulf %get3A_2292, %gather3A_2275 : vector<16xf32>
        %swap3A_2294 = arith.index_cast %scan3A_2273 : i32 to index
        %swap3A_2295 = arith.constant 32 : index
        %swap3A_2296 = tpu.vector_load %arg13[%swap3A_2294, %swap3A_2295] {strides = array<i32>} : memref<128x64xf32, #tpu.memory_space<vmem>>, vector<16xf32>,
        tpu.vector_store %arg13[%swap3A_2294, %swap3A_2295], %mul3A_2293 {strides = array<i32>} : memref<128x64xf32, #tpu.memory_space<vmem>>, vector<16xf32>,
        %get3A_2297 = arith.index_cast %scan3A_2273 : i32 to index
        %get3A_2298 = arith.constant 48 : index
        %get3A_2299 = tpu.vector_load %arg13[%get3A_2297, %get3A_2298] {strides = array<i32>} : memref<128x64xf32, #tpu.memory_space<vmem>>, vector<16xf32>,
        %mul3A_2300 = arith.mulf %get3A_2299, %gather3A_2275 : vector<16xf32>
        %swap3A_2301 = arith.index_cast %scan3A_2273 : i32 to index
        %swap3A_2302 = arith.constant 48 : index
        %swap3A_2303 = tpu.vector_load %arg13[%swap3A_2301, %swap3A_2302] {strides = array<i32>} : memref<128x64xf32, #tpu.memory_space<vmem>>, vector<16xf32>,
        tpu.vector_store %arg13[%swap3A_2301, %swap3A_2302], %mul3A_2300 {strides = array<i32>} : memref<128x64xf32, #tpu.memory_space<vmem>>, vector<16xf32>,
        %scan3A_2304 = arith.constant 0 : i32
        %scan3A_2305 = arith.constant 2 : i32
        %scan3A_2306 = arith.addi %scan3A_2239, %scan3A_2305 : i32
        %broadcast_in_dim3A_2307 = vector.broadcast %scan3A_2306 : i32 to vector<16xi32>
        %gather3A_2308 = tpu.vector_load_idx %arg15[%broadcast_in_dim3A_2307] : memref<128xf32, #tpu.memory_space<vmem>>[vector<16xi32>], vector<16xf32>,
        %get3A_2309 = arith.index_cast %scan3A_2306 : i32 to index
        %get3A_2310 = arith.constant 0 : index
        %get3A_2311 = tpu.vector_load %arg13[%get3A_2309, %get3A_2310] {strides = array<i32>} : memref<128x64xf32, #tpu.memory_space<vmem>>, vector<16xf32>,
        %mul3A_2312 = arith.mulf %get3A_2311, %gather3A_2308 : vector<16xf32>
        %swap3A_2313 = arith.index_cast %scan3A_2306 : i32 to index
        %swap3A_2314 = arith.constant 0 : index
        %swap3A_2315 = tpu.vector_load %arg13[%swap3A_2313, %swap3A_2314] {strides = array<i32>} : memref<128x64xf32, #tpu.memory_space<vmem>>, vector<16xf32>,
        tpu.vector_store %arg13[%swap3A_2313, %swap3A_2314], %mul3A_2312 {strides = array<i32>} : memref<128x64xf32, #tpu.memory_space<vmem>>, vector<16xf32>,
        %get3A_2316 = arith.index_cast %scan3A_2306 : i32 to index
        %get3A_2317 = arith.constant 16 : index
        %get3A_2318 = tpu.vector_load %arg13[%get3A_2316, %get3A_2317] {strides = array<i32>} : memref<128x64xf32, #tpu.memory_space<vmem>>, vector<16xf32>,
        %mul3A_2319 = arith.mulf %get3A_2318, %gather3A_2308 : vector<16xf32>
        %swap3A_2320 = arith.index_cast %scan3A_2306 : i32 to index
        %swap3A_2321 = arith.constant 16 : index
        %swap3A_2322 = tpu.vector_load %arg13[%swap3A_2320, %swap3A_2321] {strides = array<i32>} : memref<128x64xf32, #tpu.memory_space<vmem>>, vector<16xf32>,
        tpu.vector_store %arg13[%swap3A_2320, %swap3A_2321], %mul3A_2319 {strides = array<i32>} : memref<128x64xf32, #tpu.memory_space<vmem>>, vector<16xf32>,
        %get3A_2323 = arith.index_cast %scan3A_2306 : i32 to index
        %get3A_2324 = arith.constant 32 : index
        %get3A_2325 = tpu.vector_load %arg13[%get3A_2323, %get3A_2324] {strides = array<i32>} : memref<128x64xf32, #tpu.memory_space<vmem>>, vector<16xf32>,
        %mul3A_2326 = arith.mulf %get3A_2325, %gather3A_2308 : vector<16xf32>
        %swap3A_2327 = arith.index_cast %scan3A_2306 : i32 to index
        %swap3A_2328 = arith.constant 32 : index
        %swap3A_2329 = tpu.vector_load %arg13[%swap3A_2327, %swap3A_2328] {strides = array<i32>} : memref<128x64xf32, #tpu.memory_space<vmem>>, vector<16xf32>,
        tpu.vector_store %arg13[%swap3A_2327, %swap3A_2328], %mul3A_2326 {strides = array<i32>} : memref<128x64xf32, #tpu.memory_space<vmem>>, vector<16xf32>,
        %get3A_2330 = arith.index_cast %scan3A_2306 : i32 to index
        %get3A_2331 = arith.constant 48 : index
        %get3A_2332 = tpu.vector_load %arg13[%get3A_2330, %get3A_2331] {strides = array<i32>} : memref<128x64xf32, #tpu.memory_space<vmem>>, vector<16xf32>,
        %mul3A_2333 = arith.mulf %get3A_2332, %gather3A_2308 : vector<16xf32>
        %swap3A_2334 = arith.index_cast %scan3A_2306 : i32 to index
        %swap3A_2335 = arith.constant 48 : index
        %swap3A_2336 = tpu.vector_load %arg13[%swap3A_2334, %swap3A_2335] {strides = array<i32>} : memref<128x64xf32, #tpu.memory_space<vmem>>, vector<16xf32>,
        tpu.vector_store %arg13[%swap3A_2334, %swap3A_2335], %mul3A_2333 {strides = array<i32>} : memref<128x64xf32, #tpu.memory_space<vmem>>, vector<16xf32>,
        %scan3A_2337 = arith.constant 0 : i32
        %scan3A_2338 = arith.constant 3 : i32
        %scan3A_2339 = arith.addi %scan3A_2239, %scan3A_2338 : i32
        %broadcast_in_dim3A_2340 = vector.broadcast %scan3A_2339 : i32 to vector<16xi32>
        %gather3A_2341 = tpu.vector_load_idx %arg15[%broadcast_in_dim3A_2340] : memref<128xf32, #tpu.memory_space<vmem>>[vector<16xi32>], vector<16xf32>,
        %get3A_2342 = arith.index_cast %scan3A_2339 : i32 to index
        %get3A_2343 = arith.constant 0 : index
        %get3A_2344 = tpu.vector_load %arg13[%get3A_2342, %get3A_2343] {strides = array<i32>} : memref<128x64xf32, #tpu.memory_space<vmem>>, vector<16xf32>,
        %mul3A_2345 = arith.mulf %get3A_2344, %gather3A_2341 : vector<16xf32>
        %swap3A_2346 = arith.index_cast %scan3A_2339 : i32 to index
        %swap3A_2347 = arith.constant 0 : index
        %swap3A_2348 = tpu.vector_load %arg13[%swap3A_2346, %swap3A_2347] {strides = array<i32>} : memref<128x64xf32, #tpu.memory_space<vmem>>, vector<16xf32>,
        tpu.vector_store %arg13[%swap3A_2346, %swap3A_2347], %mul3A_2345 {strides = array<i32>} : memref<128x64xf32, #tpu.memory_space<vmem>>, vector<16xf32>,
        %get3A_2349 = arith.index_cast %scan3A_2339 : i32 to index
        %get3A_2350 = arith.constant 16 : index
        %get3A_2351 = tpu.vector_load %arg13[%get3A_2349, %get3A_2350] {strides = array<i32>} : memref<128x64xf32, #tpu.memory_space<vmem>>, vector<16xf32>,
        %mul3A_2352 = arith.mulf %get3A_2351, %gather3A_2341 : vector<16xf32>
        %swap3A_2353 = arith.index_cast %scan3A_2339 : i32 to index
        %swap3A_2354 = arith.constant 16 : index
        %swap3A_2355 = tpu.vector_load %arg13[%swap3A_2353, %swap3A_2354] {strides = array<i32>} : memref<128x64xf32, #tpu.memory_space<vmem>>, vector<16xf32>,
        tpu.vector_store %arg13[%swap3A_2353, %swap3A_2354], %mul3A_2352 {strides = array<i32>} : memref<128x64xf32, #tpu.memory_space<vmem>>, vector<16xf32>,
        %get3A_2356 = arith.index_cast %scan3A_2339 : i32 to index
        %get3A_2357 = arith.constant 32 : index
        %get3A_2358 = tpu.vector_load %arg13[%get3A_2356, %get3A_2357] {strides = array<i32>} : memref<128x64xf32, #tpu.memory_space<vmem>>, vector<16xf32>,
        %mul3A_2359 = arith.mulf %get3A_2358, %gather3A_2341 : vector<16xf32>
        %swap3A_2360 = arith.index_cast %scan3A_2339 : i32 to index
        %swap3A_2361 = arith.constant 32 : index
        %swap3A_2362 = tpu.vector_load %arg13[%swap3A_2360, %swap3A_2361] {strides = array<i32>} : memref<128x64xf32, #tpu.memory_space<vmem>>, vector<16xf32>,
        tpu.vector_store %arg13[%swap3A_2360, %swap3A_2361], %mul3A_2359 {strides = array<i32>} : memref<128x64xf32, #tpu.memory_space<vmem>>, vector<16xf32>,
        %get3A_2363 = arith.index_cast %scan3A_2339 : i32 to index
        %get3A_2364 = arith.constant 48 : index
        %get3A_2365 = tpu.vector_load %arg13[%get3A_2363, %get3A_2364] {strides = array<i32>} : memref<128x64xf32, #tpu.memory_space<vmem>>, vector<16xf32>,
        %mul3A_2366 = arith.mulf %get3A_2365, %gather3A_2341 : vector<16xf32>
        %swap3A_2367 = arith.index_cast %scan3A_2339 : i32 to index
        %swap3A_2368 = arith.constant 48 : index
        %swap3A_2369 = tpu.vector_load %arg13[%swap3A_2367, %swap3A_2368] {strides = array<i32>} : memref<128x64xf32, #tpu.memory_space<vmem>>, vector<16xf32>,
        tpu.vector_store %arg13[%swap3A_2367, %swap3A_2368], %mul3A_2366 {strides = array<i32>} : memref<128x64xf32, #tpu.memory_space<vmem>>, vector<16xf32>,
        %scan3A_2370 = arith.constant 0 : i32
        scf.yield %scan3A_2370 : i32
      }
      %scan3A_1217 = arith.constant 128 : i32
      %dma_start3A_1218 = arith.constant 0 : i32
      %dma_start3A_1219 = tpu.memref_slice %arg9[%mul3A_221, %dma_start3A_1218] : memref<80x128xi32, #tpu.memory_space<vmem>> -> memref<1x128xi32, #tpu.memory_space<vmem>>
      %dma_start3A_1220 = tpu.memref_squeeze %dma_start3A_1219 : memref<1x128xi32, #tpu.memory_space<vmem>> -> memref<128xi32, #tpu.memory_space<vmem>>
      %dma_start3A_1221 = arith.constant 0 : i32
      %dma_start3A_1222 = arith.constant 0 : i32
      %dma_start3A_1223 = tpu.memref_slice %arg18[%dma_start3A_1221, %dma_start3A_1222] : memref<10000x64xf32, #tpu.memory_space<vmem_shared>> -> memref<10000x64xf32, #tpu.memory_space<vmem_shared>>
      tpu.enqueue_indirect_dma source(%arg13 : memref<128x64xf32, #tpu.memory_space<vmem>>) target(%dma_start3A_1223 : memref<10000x64xf32, #tpu.memory_space<vmem_shared>>) offsets(%dma_start3A_1220 : memref<128xi32, #tpu.memory_space<vmem>>) semaphore(%arg23 : memref<!tpu.dma_semaphore, #tpu.memory_space<semaphore_mem>>) {add = true}
      %mul3A_1224 = arith.constant 2 : i32
      %mul3A_1225 = arith.muli %mul3A_1224, %scan3A_218 : i32
      %add3A_1226 = arith.constant 1 : i32
      %add3A_1227 = arith.addi %mul3A_1225, %add3A_1226 : i32
      %dma_wait3A_1228 = arith.constant 0 : i32
      %dma_wait3A_1229 = tpu.memref_slice %arg9[%add3A_1227, %dma_wait3A_1228] : memref<80x128xi32, #tpu.memory_space<vmem>> -> memref<1x128xi32, #tpu.memory_space<vmem>>
      %dma_wait3A_1230 = tpu.memref_squeeze %dma_wait3A_1229 : memref<1x128xi32, #tpu.memory_space<vmem>> -> memref<128xi32, #tpu.memory_space<vmem>>
      %dma_wait3A_1231 = arith.constant 0 : i32
      %dma_wait3A_1232 = arith.constant 0 : i32
      %dma_wait3A_1233 = tpu.memref_slice %arg2[%dma_wait3A_1231, %dma_wait3A_1232] : memref<10000x16xf32, #tpu.memory_space<hbm>> -> memref<10000x16xf32, #tpu.memory_space<hbm>>
      tpu.wait_indirect_dma semaphore(%arg19 : memref<!tpu.dma_semaphore, #tpu.memory_space<semaphore_mem>>) src(%dma_wait3A_1233 : memref<10000x16xf32, #tpu.memory_space<hbm>>) dst(%arg11 : memref<128x16xf32, #tpu.memory_space<vmem>>)
      %dma_wait3A_1234 = arith.constant 0 : i32
      %dma_wait3A_1235 = tpu.memref_slice %arg10[%add3A_1227, %dma_wait3A_1234] : memref<80x128xi32, #tpu.memory_space<vmem>> -> memref<1x128xi32, #tpu.memory_space<vmem>>
      %dma_wait3A_1236 = tpu.memref_squeeze %dma_wait3A_1235 : memref<1x128xi32, #tpu.memory_space<vmem>> -> memref<128xi32, #tpu.memory_space<vmem>>
      %dma_wait3A_1237 = arith.constant 0 : i32
      %dma_wait3A_1238 = arith.constant 0 : i32
      %dma_wait3A_1239 = tpu.memref_slice %arg2[%dma_wait3A_1237, %dma_wait3A_1238] : memref<10000x16xf32, #tpu.memory_space<hbm>> -> memref<10000x16xf32, #tpu.memory_space<hbm>>
      tpu.wait_indirect_dma semaphore(%arg20 : memref<!tpu.dma_semaphore, #tpu.memory_space<semaphore_mem>>) src(%dma_wait3A_1239 : memref<10000x16xf32, #tpu.memory_space<hbm>>) dst(%arg12 : memref<128x16xf32, #tpu.memory_space<vmem>>)
      %add3A_1240 = arith.constant 0 : i32
      %add3A_1241 = vector.broadcast %add3A_1240 : i32 to vector<16xi32>
      %add3A_1242 = arith.addi %add3A_1241, %iota3A : vector<16xi32>
      %broadcast_in_dim3A_1243 = arith.constant 0.000000e+00 : f32
      %broadcast_in_dim3A_1244 = vector.broadcast %broadcast_in_dim3A_1243 : f32 to vector<16xf32>
      %broadcast_in_dim3A_1245 = arith.constant 0 : i32
      %broadcast_in_dim3A_1246 = vector.broadcast %broadcast_in_dim3A_1245 : i32 to vector<16xi32>
      %gather3A_1247 = tpu.vector_load_idx %arg11[%add3A_1242, %broadcast_in_dim3A_1246] : memref<128x16xf32, #tpu.memory_space<vmem>>[vector<16xi32>, vector<16xi32>], vector<16xf32>,
      %gather3A_1248 = tpu.vector_load_idx %arg12[%add3A_1242, %broadcast_in_dim3A_1246] : memref<128x16xf32, #tpu.memory_space<vmem>>[vector<16xi32>, vector<16xi32>], vector<16xf32>,
      %mul3A_1249 = arith.mulf %gather3A_1247, %gather3A_1248 : vector<16xf32>
      %add3A_1250 = arith.addf %broadcast_in_dim3A_1244, %mul3A_1249 : vector<16xf32>
      %broadcast_in_dim3A_1251 = arith.constant 1 : i32
      %broadcast_in_dim3A_1252 = vector.broadcast %broadcast_in_dim3A_1251 : i32 to vector<16xi32>
      %gather3A_1253 = tpu.vector_load_idx %arg11[%add3A_1242, %broadcast_in_dim3A_1252] : memref<128x16xf32, #tpu.memory_space<vmem>>[vector<16xi32>, vector<16xi32>], vector<16xf32>,
      %gather3A_1254 = tpu.vector_load_idx %arg12[%add3A_1242, %broadcast_in_dim3A_1252] : memref<128x16xf32, #tpu.memory_space<vmem>>[vector<16xi32>, vector<16xi32>], vector<16xf32>,
      %mul3A_1255 = arith.mulf %gather3A_1253, %gather3A_1254 : vector<16xf32>
      %add3A_1256 = arith.addf %add3A_1250, %mul3A_1255 : vector<16xf32>
      %broadcast_in_dim3A_1257 = arith.constant 2 : i32
      %broadcast_in_dim3A_1258 = vector.broadcast %broadcast_in_dim3A_1257 : i32 to vector<16xi32>
      %gather3A_1259 = tpu.vector_load_idx %arg11[%add3A_1242, %broadcast_in_dim3A_1258] : memref<128x16xf32, #tpu.memory_space<vmem>>[vector<16xi32>, vector<16xi32>], vector<16xf32>,
      %gather3A_1260 = tpu.vector_load_idx %arg12[%add3A_1242, %broadcast_in_dim3A_1258] : memref<128x16xf32, #tpu.memory_space<vmem>>[vector<16xi32>, vector<16xi32>], vector<16xf32>,
      %mul3A_1261 = arith.mulf %gather3A_1259, %gather3A_1260 : vector<16xf32>
      %add3A_1262 = arith.addf %add3A_1256, %mul3A_1261 : vector<16xf32>
      %broadcast_in_dim3A_1263 = arith.constant 3 : i32
      %broadcast_in_dim3A_1264 = vector.broadcast %broadcast_in_dim3A_1263 : i32 to vector<16xi32>
      %gather3A_1265 = tpu.vector_load_idx %arg11[%add3A_1242, %broadcast_in_dim3A_1264] : memref<128x16xf32, #tpu.memory_space<vmem>>[vector<16xi32>, vector<16xi32>], vector<16xf32>,
      %gather3A_1266 = tpu.vector_load_idx %arg12[%add3A_1242, %broadcast_in_dim3A_1264] : memref<128x16xf32, #tpu.memory_space<vmem>>[vector<16xi32>, vector<16xi32>], vector<16xf32>,
      %mul3A_1267 = arith.mulf %gather3A_1265, %gather3A_1266 : vector<16xf32>
      %add3A_1268 = arith.addf %add3A_1262, %mul3A_1267 : vector<16xf32>
      %broadcast_in_dim3A_1269 = arith.constant 4 : i32
      %broadcast_in_dim3A_1270 = vector.broadcast %broadcast_in_dim3A_1269 : i32 to vector<16xi32>
      %gather3A_1271 = tpu.vector_load_idx %arg11[%add3A_1242, %broadcast_in_dim3A_1270] : memref<128x16xf32, #tpu.memory_space<vmem>>[vector<16xi32>, vector<16xi32>], vector<16xf32>,
      %gather3A_1272 = tpu.vector_load_idx %arg12[%add3A_1242, %broadcast_in_dim3A_1270] : memref<128x16xf32, #tpu.memory_space<vmem>>[vector<16xi32>, vector<16xi32>], vector<16xf32>,
      %mul3A_1273 = arith.mulf %gather3A_1271, %gather3A_1272 : vector<16xf32>
      %add3A_1274 = arith.addf %add3A_1268, %mul3A_1273 : vector<16xf32>
      %broadcast_in_dim3A_1275 = arith.constant 5 : i32
      %broadcast_in_dim3A_1276 = vector.broadcast %broadcast_in_dim3A_1275 : i32 to vector<16xi32>
      %gather3A_1277 = tpu.vector_load_idx %arg11[%add3A_1242, %broadcast_in_dim3A_1276] : memref<128x16xf32, #tpu.memory_space<vmem>>[vector<16xi32>, vector<16xi32>], vector<16xf32>,
      %gather3A_1278 = tpu.vector_load_idx %arg12[%add3A_1242, %broadcast_in_dim3A_1276] : memref<128x16xf32, #tpu.memory_space<vmem>>[vector<16xi32>, vector<16xi32>], vector<16xf32>,
      %mul3A_1279 = arith.mulf %gather3A_1277, %gather3A_1278 : vector<16xf32>
      %add3A_1280 = arith.addf %add3A_1274, %mul3A_1279 : vector<16xf32>
      %broadcast_in_dim3A_1281 = arith.constant 6 : i32
      %broadcast_in_dim3A_1282 = vector.broadcast %broadcast_in_dim3A_1281 : i32 to vector<16xi32>
      %gather3A_1283 = tpu.vector_load_idx %arg11[%add3A_1242, %broadcast_in_dim3A_1282] : memref<128x16xf32, #tpu.memory_space<vmem>>[vector<16xi32>, vector<16xi32>], vector<16xf32>,
      %gather3A_1284 = tpu.vector_load_idx %arg12[%add3A_1242, %broadcast_in_dim3A_1282] : memref<128x16xf32, #tpu.memory_space<vmem>>[vector<16xi32>, vector<16xi32>], vector<16xf32>,
      %mul3A_1285 = arith.mulf %gather3A_1283, %gather3A_1284 : vector<16xf32>
      %add3A_1286 = arith.addf %add3A_1280, %mul3A_1285 : vector<16xf32>
      %broadcast_in_dim3A_1287 = arith.constant 7 : i32
      %broadcast_in_dim3A_1288 = vector.broadcast %broadcast_in_dim3A_1287 : i32 to vector<16xi32>
      %gather3A_1289 = tpu.vector_load_idx %arg11[%add3A_1242, %broadcast_in_dim3A_1288] : memref<128x16xf32, #tpu.memory_space<vmem>>[vector<16xi32>, vector<16xi32>], vector<16xf32>,
      %gather3A_1290 = tpu.vector_load_idx %arg12[%add3A_1242, %broadcast_in_dim3A_1288] : memref<128x16xf32, #tpu.memory_space<vmem>>[vector<16xi32>, vector<16xi32>], vector<16xf32>,
      %mul3A_1291 = arith.mulf %gather3A_1289, %gather3A_1290 : vector<16xf32>
      %add3A_1292 = arith.addf %add3A_1286, %mul3A_1291 : vector<16xf32>
      %broadcast_in_dim3A_1293 = arith.constant 8 : i32
      %broadcast_in_dim3A_1294 = vector.broadcast %broadcast_in_dim3A_1293 : i32 to vector<16xi32>
      %gather3A_1295 = tpu.vector_load_idx %arg11[%add3A_1242, %broadcast_in_dim3A_1294] : memref<128x16xf32, #tpu.memory_space<vmem>>[vector<16xi32>, vector<16xi32>], vector<16xf32>,
      %gather3A_1296 = tpu.vector_load_idx %arg12[%add3A_1242, %broadcast_in_dim3A_1294] : memref<128x16xf32, #tpu.memory_space<vmem>>[vector<16xi32>, vector<16xi32>], vector<16xf32>,
      %mul3A_1297 = arith.mulf %gather3A_1295, %gather3A_1296 : vector<16xf32>
      %add3A_1298 = arith.addf %add3A_1292, %mul3A_1297 : vector<16xf32>
      %broadcast_in_dim3A_1299 = arith.constant 9 : i32
      %broadcast_in_dim3A_1300 = vector.broadcast %broadcast_in_dim3A_1299 : i32 to vector<16xi32>
      %gather3A_1301 = tpu.vector_load_idx %arg11[%add3A_1242, %broadcast_in_dim3A_1300] : memref<128x16xf32, #tpu.memory_space<vmem>>[vector<16xi32>, vector<16xi32>], vector<16xf32>,
      %gather3A_1302 = tpu.vector_load_idx %arg12[%add3A_1242, %broadcast_in_dim3A_1300] : memref<128x16xf32, #tpu.memory_space<vmem>>[vector<16xi32>, vector<16xi32>], vector<16xf32>,
      %mul3A_1303 = arith.mulf %gather3A_1301, %gather3A_1302 : vector<16xf32>
      %add3A_1304 = arith.addf %add3A_1298, %mul3A_1303 : vector<16xf32>
      %broadcast_in_dim3A_1305 = arith.constant 10 : i32
      %broadcast_in_dim3A_1306 = vector.broadcast %broadcast_in_dim3A_1305 : i32 to vector<16xi32>
      %gather3A_1307 = tpu.vector_load_idx %arg11[%add3A_1242, %broadcast_in_dim3A_1306] : memref<128x16xf32, #tpu.memory_space<vmem>>[vector<16xi32>, vector<16xi32>], vector<16xf32>,
      %gather3A_1308 = tpu.vector_load_idx %arg12[%add3A_1242, %broadcast_in_dim3A_1306] : memref<128x16xf32, #tpu.memory_space<vmem>>[vector<16xi32>, vector<16xi32>], vector<16xf32>,
      %mul3A_1309 = arith.mulf %gather3A_1307, %gather3A_1308 : vector<16xf32>
      %add3A_1310 = arith.addf %add3A_1304, %mul3A_1309 : vector<16xf32>
      %broadcast_in_dim3A_1311 = arith.constant 11 : i32
      %broadcast_in_dim3A_1312 = vector.broadcast %broadcast_in_dim3A_1311 : i32 to vector<16xi32>
      %gather3A_1313 = tpu.vector_load_idx %arg11[%add3A_1242, %broadcast_in_dim3A_1312] : memref<128x16xf32, #tpu.memory_space<vmem>>[vector<16xi32>, vector<16xi32>], vector<16xf32>,
      %gather3A_1314 = tpu.vector_load_idx %arg12[%add3A_1242, %broadcast_in_dim3A_1312] : memref<128x16xf32, #tpu.memory_space<vmem>>[vector<16xi32>, vector<16xi32>], vector<16xf32>,
      %mul3A_1315 = arith.mulf %gather3A_1313, %gather3A_1314 : vector<16xf32>
      %add3A_1316 = arith.addf %add3A_1310, %mul3A_1315 : vector<16xf32>
      %broadcast_in_dim3A_1317 = arith.constant 12 : i32
      %broadcast_in_dim3A_1318 = vector.broadcast %broadcast_in_dim3A_1317 : i32 to vector<16xi32>
      %gather3A_1319 = tpu.vector_load_idx %arg11[%add3A_1242, %broadcast_in_dim3A_1318] : memref<128x16xf32, #tpu.memory_space<vmem>>[vector<16xi32>, vector<16xi32>], vector<16xf32>,
      %gather3A_1320 = tpu.vector_load_idx %arg12[%add3A_1242, %broadcast_in_dim3A_1318] : memref<128x16xf32, #tpu.memory_space<vmem>>[vector<16xi32>, vector<16xi32>], vector<16xf32>,
      %mul3A_1321 = arith.mulf %gather3A_1319, %gather3A_1320 : vector<16xf32>
      %add3A_1322 = arith.addf %add3A_1316, %mul3A_1321 : vector<16xf32>
      %broadcast_in_dim3A_1323 = arith.constant 13 : i32
      %broadcast_in_dim3A_1324 = vector.broadcast %broadcast_in_dim3A_1323 : i32 to vector<16xi32>
      %gather3A_1325 = tpu.vector_load_idx %arg11[%add3A_1242, %broadcast_in_dim3A_1324] : memref<128x16xf32, #tpu.memory_space<vmem>>[vector<16xi32>, vector<16xi32>], vector<16xf32>,
      %gather3A_1326 = tpu.vector_load_idx %arg12[%add3A_1242, %broadcast_in_dim3A_1324] : memref<128x16xf32, #tpu.memory_space<vmem>>[vector<16xi32>, vector<16xi32>], vector<16xf32>,
      %mul3A_1327 = arith.mulf %gather3A_1325, %gather3A_1326 : vector<16xf32>
      %add3A_1328 = arith.addf %add3A_1322, %mul3A_1327 : vector<16xf32>
      %broadcast_in_dim3A_1329 = arith.constant 14 : i32
      %broadcast_in_dim3A_1330 = vector.broadcast %broadcast_in_dim3A_1329 : i32 to vector<16xi32>
      %gather3A_1331 = tpu.vector_load_idx %arg11[%add3A_1242, %broadcast_in_dim3A_1330] : memref<128x16xf32, #tpu.memory_space<vmem>>[vector<16xi32>, vector<16xi32>], vector<16xf32>,
      %gather3A_1332 = tpu.vector_load_idx %arg12[%add3A_1242, %broadcast_in_dim3A_1330] : memref<128x16xf32, #tpu.memory_space<vmem>>[vector<16xi32>, vector<16xi32>], vector<16xf32>,
      %mul3A_1333 = arith.mulf %gather3A_1331, %gather3A_1332 : vector<16xf32>
      %add3A_1334 = arith.addf %add3A_1328, %mul3A_1333 : vector<16xf32>
      %broadcast_in_dim3A_1335 = arith.constant 15 : i32
      %broadcast_in_dim3A_1336 = vector.broadcast %broadcast_in_dim3A_1335 : i32 to vector<16xi32>
      %gather3A_1337 = tpu.vector_load_idx %arg11[%add3A_1242, %broadcast_in_dim3A_1336] : memref<128x16xf32, #tpu.memory_space<vmem>>[vector<16xi32>, vector<16xi32>], vector<16xf32>,
      %gather3A_1338 = tpu.vector_load_idx %arg12[%add3A_1242, %broadcast_in_dim3A_1336] : memref<128x16xf32, #tpu.memory_space<vmem>>[vector<16xi32>, vector<16xi32>], vector<16xf32>,
      %mul3A_1339 = arith.mulf %gather3A_1337, %gather3A_1338 : vector<16xf32>
      %add3A_1340 = arith.addf %add3A_1334, %mul3A_1339 : vector<16xf32>
      %mul3A_1341 = arith.constant 128 : i32
      %mul3A_1342 = arith.muli %add3A_1227, %mul3A_1341 : i32
      %add3A_1343 = arith.addi %mul3A_95, %mul3A_1342 : i32
      %add3A_1344 = arith.constant 0 : i32
      %add3A_1345 = arith.addi %add3A_1343, %add3A_1344 : i32
      %add3A_1346 = vector.broadcast %add3A_1345 : i32 to vector<16xi32>
      %add3A_1347 = arith.addi %add3A_1346, %iota3A : vector<16xi32>
      %lt3A_1348 = arith.constant 160000 : i32
      %lt3A_1349 = vector.broadcast %lt3A_1348 : i32 to vector<16xi32>
      %lt3A_1350 = arith.cmpi slt, %add3A_1347, %lt3A_1349 : vector<16xi32>
      %exp3A_1351 = math.exp %add3A_1340 : vector<16xf32>
      %jit3A_1352 = arith.constant 0.000000e+00 : f32
      %broadcast_in_dim3A_1353 = vector.broadcast %jit3A_1352 : f32 to vector<16xf32>
      %select_n3A_1354 = arith.select %lt3A_1350, %exp3A_1351, %broadcast_in_dim3A_1353 : vector<16xi1>, vector<16xf32>
      %swap3A_1355 = arith.constant 0 : index
      %swap3A_1356 = tpu.vector_load %arg15[%swap3A_1355] {strides = array<i32>} : memref<128xf32, #tpu.memory_space<vmem>>, vector<16xf32>,
      tpu.vector_store %arg15[%swap3A_1355], %select_n3A_1354 {strides = array<i32>} : memref<128xf32, #tpu.memory_space<vmem>>, vector<16xf32>,
      %get3A_1357 = arith.index_cast %add3A_1227 : i32 to index
      %get3A_1358 = arith.constant 0 : index
      %get3A_1359 = tpu.vector_load %arg9[%get3A_1357, %get3A_1358] {strides = array<i32>} : memref<80x128xi32, #tpu.memory_space<vmem>>, vector<16xi32>,
      tpu.vector_store_idx %arg16[%get3A_1359], %select_n3A_1354 {add = true} : memref<10000xf32, #tpu.memory_space<vmem>>[vector<16xi32>], vector<16xf32>,
      %add3A_1360 = arith.constant 16 : i32
      %add3A_1361 = vector.broadcast %add3A_1360 : i32 to vector<16xi32>
      %add3A_1362 = arith.addi %add3A_1361, %iota3A : vector<16xi32>
      %broadcast_in_dim3A_1363 = arith.constant 0.000000e+00 : f32
      %broadcast_in_dim3A_1364 = vector.broadcast %broadcast_in_dim3A_1363 : f32 to vector<16xf32>
      %broadcast_in_dim3A_1365 = arith.constant 0 : i32
      %broadcast_in_dim3A_1366 = vector.broadcast %broadcast_in_dim3A_1365 : i32 to vector<16xi32>
      %gather3A_1367 = tpu.vector_load_idx %arg11[%add3A_1362, %broadcast_in_dim3A_1366] : memref<128x16xf32, #tpu.memory_space<vmem>>[vector<16xi32>, vector<16xi32>], vector<16xf32>,
      %gather3A_1368 = tpu.vector_load_idx %arg12[%add3A_1362, %broadcast_in_dim3A_1366] : memref<128x16xf32, #tpu.memory_space<vmem>>[vector<16xi32>, vector<16xi32>], vector<16xf32>,
      %mul3A_1369 = arith.mulf %gather3A_1367, %gather3A_1368 : vector<16xf32>
      %add3A_1370 = arith.addf %broadcast_in_dim3A_1364, %mul3A_1369 : vector<16xf32>
      %broadcast_in_dim3A_1371 = arith.constant 1 : i32
      %broadcast_in_dim3A_1372 = vector.broadcast %broadcast_in_dim3A_1371 : i32 to vector<16xi32>
      %gather3A_1373 = tpu.vector_load_idx %arg11[%add3A_1362, %broadcast_in_dim3A_1372] : memref<128x16xf32, #tpu.memory_space<vmem>>[vector<16xi32>, vector<16xi32>], vector<16xf32>,
      %gather3A_1374 = tpu.vector_load_idx %arg12[%add3A_1362, %broadcast_in_dim3A_1372] : memref<128x16xf32, #tpu.memory_space<vmem>>[vector<16xi32>, vector<16xi32>], vector<16xf32>,
      %mul3A_1375 = arith.mulf %gather3A_1373, %gather3A_1374 : vector<16xf32>
      %add3A_1376 = arith.addf %add3A_1370, %mul3A_1375 : vector<16xf32>
      %broadcast_in_dim3A_1377 = arith.constant 2 : i32
      %broadcast_in_dim3A_1378 = vector.broadcast %broadcast_in_dim3A_1377 : i32 to vector<16xi32>
      %gather3A_1379 = tpu.vector_load_idx %arg11[%add3A_1362, %broadcast_in_dim3A_1378] : memref<128x16xf32, #tpu.memory_space<vmem>>[vector<16xi32>, vector<16xi32>], vector<16xf32>,
      %gather3A_1380 = tpu.vector_load_idx %arg12[%add3A_1362, %broadcast_in_dim3A_1378] : memref<128x16xf32, #tpu.memory_space<vmem>>[vector<16xi32>, vector<16xi32>], vector<16xf32>,
      %mul3A_1381 = arith.mulf %gather3A_1379, %gather3A_1380 : vector<16xf32>
      %add3A_1382 = arith.addf %add3A_1376, %mul3A_1381 : vector<16xf32>
      %broadcast_in_dim3A_1383 = arith.constant 3 : i32
      %broadcast_in_dim3A_1384 = vector.broadcast %broadcast_in_dim3A_1383 : i32 to vector<16xi32>
      %gather3A_1385 = tpu.vector_load_idx %arg11[%add3A_1362, %broadcast_in_dim3A_1384] : memref<128x16xf32, #tpu.memory_space<vmem>>[vector<16xi32>, vector<16xi32>], vector<16xf32>,
      %gather3A_1386 = tpu.vector_load_idx %arg12[%add3A_1362, %broadcast_in_dim3A_1384] : memref<128x16xf32, #tpu.memory_space<vmem>>[vector<16xi32>, vector<16xi32>], vector<16xf32>,
      %mul3A_1387 = arith.mulf %gather3A_1385, %gather3A_1386 : vector<16xf32>
      %add3A_1388 = arith.addf %add3A_1382, %mul3A_1387 : vector<16xf32>
      %broadcast_in_dim3A_1389 = arith.constant 4 : i32
      %broadcast_in_dim3A_1390 = vector.broadcast %broadcast_in_dim3A_1389 : i32 to vector<16xi32>
      %gather3A_1391 = tpu.vector_load_idx %arg11[%add3A_1362, %broadcast_in_dim3A_1390] : memref<128x16xf32, #tpu.memory_space<vmem>>[vector<16xi32>, vector<16xi32>], vector<16xf32>,
      %gather3A_1392 = tpu.vector_load_idx %arg12[%add3A_1362, %broadcast_in_dim3A_1390] : memref<128x16xf32, #tpu.memory_space<vmem>>[vector<16xi32>, vector<16xi32>], vector<16xf32>,
      %mul3A_1393 = arith.mulf %gather3A_1391, %gather3A_1392 : vector<16xf32>
      %add3A_1394 = arith.addf %add3A_1388, %mul3A_1393 : vector<16xf32>
      %broadcast_in_dim3A_1395 = arith.constant 5 : i32
      %broadcast_in_dim3A_1396 = vector.broadcast %broadcast_in_dim3A_1395 : i32 to vector<16xi32>
      %gather3A_1397 = tpu.vector_load_idx %arg11[%add3A_1362, %broadcast_in_dim3A_1396] : memref<128x16xf32, #tpu.memory_space<vmem>>[vector<16xi32>, vector<16xi32>], vector<16xf32>,
      %gather3A_1398 = tpu.vector_load_idx %arg12[%add3A_1362, %broadcast_in_dim3A_1396] : memref<128x16xf32, #tpu.memory_space<vmem>>[vector<16xi32>, vector<16xi32>], vector<16xf32>,
      %mul3A_1399 = arith.mulf %gather3A_1397, %gather3A_1398 : vector<16xf32>
      %add3A_1400 = arith.addf %add3A_1394, %mul3A_1399 : vector<16xf32>
      %broadcast_in_dim3A_1401 = arith.constant 6 : i32
      %broadcast_in_dim3A_1402 = vector.broadcast %broadcast_in_dim3A_1401 : i32 to vector<16xi32>
      %gather3A_1403 = tpu.vector_load_idx %arg11[%add3A_1362, %broadcast_in_dim3A_1402] : memref<128x16xf32, #tpu.memory_space<vmem>>[vector<16xi32>, vector<16xi32>], vector<16xf32>,
      %gather3A_1404 = tpu.vector_load_idx %arg12[%add3A_1362, %broadcast_in_dim3A_1402] : memref<128x16xf32, #tpu.memory_space<vmem>>[vector<16xi32>, vector<16xi32>], vector<16xf32>,
      %mul3A_1405 = arith.mulf %gather3A_1403, %gather3A_1404 : vector<16xf32>
      %add3A_1406 = arith.addf %add3A_1400, %mul3A_1405 : vector<16xf32>
      %broadcast_in_dim3A_1407 = arith.constant 7 : i32
      %broadcast_in_dim3A_1408 = vector.broadcast %broadcast_in_dim3A_1407 : i32 to vector<16xi32>
      %gather3A_1409 = tpu.vector_load_idx %arg11[%add3A_1362, %broadcast_in_dim3A_1408] : memref<128x16xf32, #tpu.memory_space<vmem>>[vector<16xi32>, vector<16xi32>], vector<16xf32>,
      %gather3A_1410 = tpu.vector_load_idx %arg12[%add3A_1362, %broadcast_in_dim3A_1408] : memref<128x16xf32, #tpu.memory_space<vmem>>[vector<16xi32>, vector<16xi32>], vector<16xf32>,
      %mul3A_1411 = arith.mulf %gather3A_1409, %gather3A_1410 : vector<16xf32>
      %add3A_1412 = arith.addf %add3A_1406, %mul3A_1411 : vector<16xf32>
      %broadcast_in_dim3A_1413 = arith.constant 8 : i32
      %broadcast_in_dim3A_1414 = vector.broadcast %broadcast_in_dim3A_1413 : i32 to vector<16xi32>
      %gather3A_1415 = tpu.vector_load_idx %arg11[%add3A_1362, %broadcast_in_dim3A_1414] : memref<128x16xf32, #tpu.memory_space<vmem>>[vector<16xi32>, vector<16xi32>], vector<16xf32>,
      %gather3A_1416 = tpu.vector_load_idx %arg12[%add3A_1362, %broadcast_in_dim3A_1414] : memref<128x16xf32, #tpu.memory_space<vmem>>[vector<16xi32>, vector<16xi32>], vector<16xf32>,
      %mul3A_1417 = arith.mulf %gather3A_1415, %gather3A_1416 : vector<16xf32>
      %add3A_1418 = arith.addf %add3A_1412, %mul3A_1417 : vector<16xf32>
      %broadcast_in_dim3A_1419 = arith.constant 9 : i32
      %broadcast_in_dim3A_1420 = vector.broadcast %broadcast_in_dim3A_1419 : i32 to vector<16xi32>
      %gather3A_1421 = tpu.vector_load_idx %arg11[%add3A_1362, %broadcast_in_dim3A_1420] : memref<128x16xf32, #tpu.memory_space<vmem>>[vector<16xi32>, vector<16xi32>], vector<16xf32>,
      %gather3A_1422 = tpu.vector_load_idx %arg12[%add3A_1362, %broadcast_in_dim3A_1420] : memref<128x16xf32, #tpu.memory_space<vmem>>[vector<16xi32>, vector<16xi32>], vector<16xf32>,
      %mul3A_1423 = arith.mulf %gather3A_1421, %gather3A_1422 : vector<16xf32>
      %add3A_1424 = arith.addf %add3A_1418, %mul3A_1423 : vector<16xf32>
      %broadcast_in_dim3A_1425 = arith.constant 10 : i32
      %broadcast_in_dim3A_1426 = vector.broadcast %broadcast_in_dim3A_1425 : i32 to vector<16xi32>
      %gather3A_1427 = tpu.vector_load_idx %arg11[%add3A_1362, %broadcast_in_dim3A_1426] : memref<128x16xf32, #tpu.memory_space<vmem>>[vector<16xi32>, vector<16xi32>], vector<16xf32>,
      %gather3A_1428 = tpu.vector_load_idx %arg12[%add3A_1362, %broadcast_in_dim3A_1426] : memref<128x16xf32, #tpu.memory_space<vmem>>[vector<16xi32>, vector<16xi32>], vector<16xf32>,
      %mul3A_1429 = arith.mulf %gather3A_1427, %gather3A_1428 : vector<16xf32>
      %add3A_1430 = arith.addf %add3A_1424, %mul3A_1429 : vector<16xf32>
      %broadcast_in_dim3A_1431 = arith.constant 11 : i32
      %broadcast_in_dim3A_1432 = vector.broadcast %broadcast_in_dim3A_1431 : i32 to vector<16xi32>
      %gather3A_1433 = tpu.vector_load_idx %arg11[%add3A_1362, %broadcast_in_dim3A_1432] : memref<128x16xf32, #tpu.memory_space<vmem>>[vector<16xi32>, vector<16xi32>], vector<16xf32>,
      %gather3A_1434 = tpu.vector_load_idx %arg12[%add3A_1362, %broadcast_in_dim3A_1432] : memref<128x16xf32, #tpu.memory_space<vmem>>[vector<16xi32>, vector<16xi32>], vector<16xf32>,
      %mul3A_1435 = arith.mulf %gather3A_1433, %gather3A_1434 : vector<16xf32>
      %add3A_1436 = arith.addf %add3A_1430, %mul3A_1435 : vector<16xf32>
      %broadcast_in_dim3A_1437 = arith.constant 12 : i32
      %broadcast_in_dim3A_1438 = vector.broadcast %broadcast_in_dim3A_1437 : i32 to vector<16xi32>
      %gather3A_1439 = tpu.vector_load_idx %arg11[%add3A_1362, %broadcast_in_dim3A_1438] : memref<128x16xf32, #tpu.memory_space<vmem>>[vector<16xi32>, vector<16xi32>], vector<16xf32>,
      %gather3A_1440 = tpu.vector_load_idx %arg12[%add3A_1362, %broadcast_in_dim3A_1438] : memref<128x16xf32, #tpu.memory_space<vmem>>[vector<16xi32>, vector<16xi32>], vector<16xf32>,
      %mul3A_1441 = arith.mulf %gather3A_1439, %gather3A_1440 : vector<16xf32>
      %add3A_1442 = arith.addf %add3A_1436, %mul3A_1441 : vector<16xf32>
      %broadcast_in_dim3A_1443 = arith.constant 13 : i32
      %broadcast_in_dim3A_1444 = vector.broadcast %broadcast_in_dim3A_1443 : i32 to vector<16xi32>
      %gather3A_1445 = tpu.vector_load_idx %arg11[%add3A_1362, %broadcast_in_dim3A_1444] : memref<128x16xf32, #tpu.memory_space<vmem>>[vector<16xi32>, vector<16xi32>], vector<16xf32>,
      %gather3A_1446 = tpu.vector_load_idx %arg12[%add3A_1362, %broadcast_in_dim3A_1444] : memref<128x16xf32, #tpu.memory_space<vmem>>[vector<16xi32>, vector<16xi32>], vector<16xf32>,
      %mul3A_1447 = arith.mulf %gather3A_1445, %gather3A_1446 : vector<16xf32>
      %add3A_1448 = arith.addf %add3A_1442, %mul3A_1447 : vector<16xf32>
      %broadcast_in_dim3A_1449 = arith.constant 14 : i32
      %broadcast_in_dim3A_1450 = vector.broadcast %broadcast_in_dim3A_1449 : i32 to vector<16xi32>
      %gather3A_1451 = tpu.vector_load_idx %arg11[%add3A_1362, %broadcast_in_dim3A_1450] : memref<128x16xf32, #tpu.memory_space<vmem>>[vector<16xi32>, vector<16xi32>], vector<16xf32>,
      %gather3A_1452 = tpu.vector_load_idx %arg12[%add3A_1362, %broadcast_in_dim3A_1450] : memref<128x16xf32, #tpu.memory_space<vmem>>[vector<16xi32>, vector<16xi32>], vector<16xf32>,
      %mul3A_1453 = arith.mulf %gather3A_1451, %gather3A_1452 : vector<16xf32>
      %add3A_1454 = arith.addf %add3A_1448, %mul3A_1453 : vector<16xf32>
      %broadcast_in_dim3A_1455 = arith.constant 15 : i32
      %broadcast_in_dim3A_1456 = vector.broadcast %broadcast_in_dim3A_1455 : i32 to vector<16xi32>
      %gather3A_1457 = tpu.vector_load_idx %arg11[%add3A_1362, %broadcast_in_dim3A_1456] : memref<128x16xf32, #tpu.memory_space<vmem>>[vector<16xi32>, vector<16xi32>], vector<16xf32>,
      %gather3A_1458 = tpu.vector_load_idx %arg12[%add3A_1362, %broadcast_in_dim3A_1456] : memref<128x16xf32, #tpu.memory_space<vmem>>[vector<16xi32>, vector<16xi32>], vector<16xf32>,
      %mul3A_1459 = arith.mulf %gather3A_1457, %gather3A_1458 : vector<16xf32>
      %add3A_1460 = arith.addf %add3A_1454, %mul3A_1459 : vector<16xf32>
      %mul3A_1461 = arith.constant 128 : i32
      %mul3A_1462 = arith.muli %add3A_1227, %mul3A_1461 : i32
      %add3A_1463 = arith.addi %mul3A_95, %mul3A_1462 : i32
      %add3A_1464 = arith.constant 16 : i32
      %add3A_1465 = arith.addi %add3A_1463, %add3A_1464 : i32
      %add3A_1466 = vector.broadcast %add3A_1465 : i32 to vector<16xi32>
      %add3A_1467 = arith.addi %add3A_1466, %iota3A : vector<16xi32>
      %lt3A_1468 = arith.constant 160000 : i32
      %lt3A_1469 = vector.broadcast %lt3A_1468 : i32 to vector<16xi32>
      %lt3A_1470 = arith.cmpi slt, %add3A_1467, %lt3A_1469 : vector<16xi32>
      %exp3A_1471 = math.exp %add3A_1460 : vector<16xf32>
      %jit3A_1472 = arith.constant 0.000000e+00 : f32
      %broadcast_in_dim3A_1473 = vector.broadcast %jit3A_1472 : f32 to vector<16xf32>
      %select_n3A_1474 = arith.select %lt3A_1470, %exp3A_1471, %broadcast_in_dim3A_1473 : vector<16xi1>, vector<16xf32>
      %swap3A_1475 = arith.constant 16 : index
      %swap3A_1476 = tpu.vector_load %arg15[%swap3A_1475] {strides = array<i32>} : memref<128xf32, #tpu.memory_space<vmem>>, vector<16xf32>,
      tpu.vector_store %arg15[%swap3A_1475], %select_n3A_1474 {strides = array<i32>} : memref<128xf32, #tpu.memory_space<vmem>>, vector<16xf32>,
      %get3A_1477 = arith.index_cast %add3A_1227 : i32 to index
      %get3A_1478 = arith.constant 16 : index
      %get3A_1479 = tpu.vector_load %arg9[%get3A_1477, %get3A_1478] {strides = array<i32>} : memref<80x128xi32, #tpu.memory_space<vmem>>, vector<16xi32>,
      tpu.vector_store_idx %arg16[%get3A_1479], %select_n3A_1474 {add = true} : memref<10000xf32, #tpu.memory_space<vmem>>[vector<16xi32>], vector<16xf32>,
      %add3A_1480 = arith.constant 32 : i32
      %add3A_1481 = vector.broadcast %add3A_1480 : i32 to vector<16xi32>
      %add3A_1482 = arith.addi %add3A_1481, %iota3A : vector<16xi32>
      %broadcast_in_dim3A_1483 = arith.constant 0.000000e+00 : f32
      %broadcast_in_dim3A_1484 = vector.broadcast %broadcast_in_dim3A_1483 : f32 to vector<16xf32>
      %broadcast_in_dim3A_1485 = arith.constant 0 : i32
      %broadcast_in_dim3A_1486 = vector.broadcast %broadcast_in_dim3A_1485 : i32 to vector<16xi32>
      %gather3A_1487 = tpu.vector_load_idx %arg11[%add3A_1482, %broadcast_in_dim3A_1486] : memref<128x16xf32, #tpu.memory_space<vmem>>[vector<16xi32>, vector<16xi32>], vector<16xf32>,
      %gather3A_1488 = tpu.vector_load_idx %arg12[%add3A_1482, %broadcast_in_dim3A_1486] : memref<128x16xf32, #tpu.memory_space<vmem>>[vector<16xi32>, vector<16xi32>], vector<16xf32>,
      %mul3A_1489 = arith.mulf %gather3A_1487, %gather3A_1488 : vector<16xf32>
      %add3A_1490 = arith.addf %broadcast_in_dim3A_1484, %mul3A_1489 : vector<16xf32>
      %broadcast_in_dim3A_1491 = arith.constant 1 : i32
      %broadcast_in_dim3A_1492 = vector.broadcast %broadcast_in_dim3A_1491 : i32 to vector<16xi32>
      %gather3A_1493 = tpu.vector_load_idx %arg11[%add3A_1482, %broadcast_in_dim3A_1492] : memref<128x16xf32, #tpu.memory_space<vmem>>[vector<16xi32>, vector<16xi32>], vector<16xf32>,
      %gather3A_1494 = tpu.vector_load_idx %arg12[%add3A_1482, %broadcast_in_dim3A_1492] : memref<128x16xf32, #tpu.memory_space<vmem>>[vector<16xi32>, vector<16xi32>], vector<16xf32>,
      %mul3A_1495 = arith.mulf %gather3A_1493, %gather3A_1494 : vector<16xf32>
      %add3A_1496 = arith.addf %add3A_1490, %mul3A_1495 : vector<16xf32>
      %broadcast_in_dim3A_1497 = arith.constant 2 : i32
      %broadcast_in_dim3A_1498 = vector.broadcast %broadcast_in_dim3A_1497 : i32 to vector<16xi32>
      %gather3A_1499 = tpu.vector_load_idx %arg11[%add3A_1482, %broadcast_in_dim3A_1498] : memref<128x16xf32, #tpu.memory_space<vmem>>[vector<16xi32>, vector<16xi32>], vector<16xf32>,
      %gather3A_1500 = tpu.vector_load_idx %arg12[%add3A_1482, %broadcast_in_dim3A_1498] : memref<128x16xf32, #tpu.memory_space<vmem>>[vector<16xi32>, vector<16xi32>], vector<16xf32>,
      %mul3A_1501 = arith.mulf %gather3A_1499, %gather3A_1500 : vector<16xf32>
      %add3A_1502 = arith.addf %add3A_1496, %mul3A_1501 : vector<16xf32>
      %broadcast_in_dim3A_1503 = arith.constant 3 : i32
      %broadcast_in_dim3A_1504 = vector.broadcast %broadcast_in_dim3A_1503 : i32 to vector<16xi32>
      %gather3A_1505 = tpu.vector_load_idx %arg11[%add3A_1482, %broadcast_in_dim3A_1504] : memref<128x16xf32, #tpu.memory_space<vmem>>[vector<16xi32>, vector<16xi32>], vector<16xf32>,
      %gather3A_1506 = tpu.vector_load_idx %arg12[%add3A_1482, %broadcast_in_dim3A_1504] : memref<128x16xf32, #tpu.memory_space<vmem>>[vector<16xi32>, vector<16xi32>], vector<16xf32>,
      %mul3A_1507 = arith.mulf %gather3A_1505, %gather3A_1506 : vector<16xf32>
      %add3A_1508 = arith.addf %add3A_1502, %mul3A_1507 : vector<16xf32>
      %broadcast_in_dim3A_1509 = arith.constant 4 : i32
      %broadcast_in_dim3A_1510 = vector.broadcast %broadcast_in_dim3A_1509 : i32 to vector<16xi32>
      %gather3A_1511 = tpu.vector_load_idx %arg11[%add3A_1482, %broadcast_in_dim3A_1510] : memref<128x16xf32, #tpu.memory_space<vmem>>[vector<16xi32>, vector<16xi32>], vector<16xf32>,
      %gather3A_1512 = tpu.vector_load_idx %arg12[%add3A_1482, %broadcast_in_dim3A_1510] : memref<128x16xf32, #tpu.memory_space<vmem>>[vector<16xi32>, vector<16xi32>], vector<16xf32>,
      %mul3A_1513 = arith.mulf %gather3A_1511, %gather3A_1512 : vector<16xf32>
      %add3A_1514 = arith.addf %add3A_1508, %mul3A_1513 : vector<16xf32>
      %broadcast_in_dim3A_1515 = arith.constant 5 : i32
      %broadcast_in_dim3A_1516 = vector.broadcast %broadcast_in_dim3A_1515 : i32 to vector<16xi32>
      %gather3A_1517 = tpu.vector_load_idx %arg11[%add3A_1482, %broadcast_in_dim3A_1516] : memref<128x16xf32, #tpu.memory_space<vmem>>[vector<16xi32>, vector<16xi32>], vector<16xf32>,
      %gather3A_1518 = tpu.vector_load_idx %arg12[%add3A_1482, %broadcast_in_dim3A_1516] : memref<128x16xf32, #tpu.memory_space<vmem>>[vector<16xi32>, vector<16xi32>], vector<16xf32>,
      %mul3A_1519 = arith.mulf %gather3A_1517, %gather3A_1518 : vector<16xf32>
      %add3A_1520 = arith.addf %add3A_1514, %mul3A_1519 : vector<16xf32>
      %broadcast_in_dim3A_1521 = arith.constant 6 : i32
      %broadcast_in_dim3A_1522 = vector.broadcast %broadcast_in_dim3A_1521 : i32 to vector<16xi32>
      %gather3A_1523 = tpu.vector_load_idx %arg11[%add3A_1482, %broadcast_in_dim3A_1522] : memref<128x16xf32, #tpu.memory_space<vmem>>[vector<16xi32>, vector<16xi32>], vector<16xf32>,
      %gather3A_1524 = tpu.vector_load_idx %arg12[%add3A_1482, %broadcast_in_dim3A_1522] : memref<128x16xf32, #tpu.memory_space<vmem>>[vector<16xi32>, vector<16xi32>], vector<16xf32>,
      %mul3A_1525 = arith.mulf %gather3A_1523, %gather3A_1524 : vector<16xf32>
      %add3A_1526 = arith.addf %add3A_1520, %mul3A_1525 : vector<16xf32>
      %broadcast_in_dim3A_1527 = arith.constant 7 : i32
      %broadcast_in_dim3A_1528 = vector.broadcast %broadcast_in_dim3A_1527 : i32 to vector<16xi32>
      %gather3A_1529 = tpu.vector_load_idx %arg11[%add3A_1482, %broadcast_in_dim3A_1528] : memref<128x16xf32, #tpu.memory_space<vmem>>[vector<16xi32>, vector<16xi32>], vector<16xf32>,
      %gather3A_1530 = tpu.vector_load_idx %arg12[%add3A_1482, %broadcast_in_dim3A_1528] : memref<128x16xf32, #tpu.memory_space<vmem>>[vector<16xi32>, vector<16xi32>], vector<16xf32>,
      %mul3A_1531 = arith.mulf %gather3A_1529, %gather3A_1530 : vector<16xf32>
      %add3A_1532 = arith.addf %add3A_1526, %mul3A_1531 : vector<16xf32>
      %broadcast_in_dim3A_1533 = arith.constant 8 : i32
      %broadcast_in_dim3A_1534 = vector.broadcast %broadcast_in_dim3A_1533 : i32 to vector<16xi32>
      %gather3A_1535 = tpu.vector_load_idx %arg11[%add3A_1482, %broadcast_in_dim3A_1534] : memref<128x16xf32, #tpu.memory_space<vmem>>[vector<16xi32>, vector<16xi32>], vector<16xf32>,
      %gather3A_1536 = tpu.vector_load_idx %arg12[%add3A_1482, %broadcast_in_dim3A_1534] : memref<128x16xf32, #tpu.memory_space<vmem>>[vector<16xi32>, vector<16xi32>], vector<16xf32>,
      %mul3A_1537 = arith.mulf %gather3A_1535, %gather3A_1536 : vector<16xf32>
      %add3A_1538 = arith.addf %add3A_1532, %mul3A_1537 : vector<16xf32>
      %broadcast_in_dim3A_1539 = arith.constant 9 : i32
      %broadcast_in_dim3A_1540 = vector.broadcast %broadcast_in_dim3A_1539 : i32 to vector<16xi32>
      %gather3A_1541 = tpu.vector_load_idx %arg11[%add3A_1482, %broadcast_in_dim3A_1540] : memref<128x16xf32, #tpu.memory_space<vmem>>[vector<16xi32>, vector<16xi32>], vector<16xf32>,
      %gather3A_1542 = tpu.vector_load_idx %arg12[%add3A_1482, %broadcast_in_dim3A_1540] : memref<128x16xf32, #tpu.memory_space<vmem>>[vector<16xi32>, vector<16xi32>], vector<16xf32>,
      %mul3A_1543 = arith.mulf %gather3A_1541, %gather3A_1542 : vector<16xf32>
      %add3A_1544 = arith.addf %add3A_1538, %mul3A_1543 : vector<16xf32>
      %broadcast_in_dim3A_1545 = arith.constant 10 : i32
      %broadcast_in_dim3A_1546 = vector.broadcast %broadcast_in_dim3A_1545 : i32 to vector<16xi32>
      %gather3A_1547 = tpu.vector_load_idx %arg11[%add3A_1482, %broadcast_in_dim3A_1546] : memref<128x16xf32, #tpu.memory_space<vmem>>[vector<16xi32>, vector<16xi32>], vector<16xf32>,
      %gather3A_1548 = tpu.vector_load_idx %arg12[%add3A_1482, %broadcast_in_dim3A_1546] : memref<128x16xf32, #tpu.memory_space<vmem>>[vector<16xi32>, vector<16xi32>], vector<16xf32>,
      %mul3A_1549 = arith.mulf %gather3A_1547, %gather3A_1548 : vector<16xf32>
      %add3A_1550 = arith.addf %add3A_1544, %mul3A_1549 : vector<16xf32>
      %broadcast_in_dim3A_1551 = arith.constant 11 : i32
      %broadcast_in_dim3A_1552 = vector.broadcast %broadcast_in_dim3A_1551 : i32 to vector<16xi32>
      %gather3A_1553 = tpu.vector_load_idx %arg11[%add3A_1482, %broadcast_in_dim3A_1552] : memref<128x16xf32, #tpu.memory_space<vmem>>[vector<16xi32>, vector<16xi32>], vector<16xf32>,
      %gather3A_1554 = tpu.vector_load_idx %arg12[%add3A_1482, %broadcast_in_dim3A_1552] : memref<128x16xf32, #tpu.memory_space<vmem>>[vector<16xi32>, vector<16xi32>], vector<16xf32>,
      %mul3A_1555 = arith.mulf %gather3A_1553, %gather3A_1554 : vector<16xf32>
      %add3A_1556 = arith.addf %add3A_1550, %mul3A_1555 : vector<16xf32>
      %broadcast_in_dim3A_1557 = arith.constant 12 : i32
      %broadcast_in_dim3A_1558 = vector.broadcast %broadcast_in_dim3A_1557 : i32 to vector<16xi32>
      %gather3A_1559 = tpu.vector_load_idx %arg11[%add3A_1482, %broadcast_in_dim3A_1558] : memref<128x16xf32, #tpu.memory_space<vmem>>[vector<16xi32>, vector<16xi32>], vector<16xf32>,
      %gather3A_1560 = tpu.vector_load_idx %arg12[%add3A_1482, %broadcast_in_dim3A_1558] : memref<128x16xf32, #tpu.memory_space<vmem>>[vector<16xi32>, vector<16xi32>], vector<16xf32>,
      %mul3A_1561 = arith.mulf %gather3A_1559, %gather3A_1560 : vector<16xf32>
      %add3A_1562 = arith.addf %add3A_1556, %mul3A_1561 : vector<16xf32>
      %broadcast_in_dim3A_1563 = arith.constant 13 : i32
      %broadcast_in_dim3A_1564 = vector.broadcast %broadcast_in_dim3A_1563 : i32 to vector<16xi32>
      %gather3A_1565 = tpu.vector_load_idx %arg11[%add3A_1482, %broadcast_in_dim3A_1564] : memref<128x16xf32, #tpu.memory_space<vmem>>[vector<16xi32>, vector<16xi32>], vector<16xf32>,
      %gather3A_1566 = tpu.vector_load_idx %arg12[%add3A_1482, %broadcast_in_dim3A_1564] : memref<128x16xf32, #tpu.memory_space<vmem>>[vector<16xi32>, vector<16xi32>], vector<16xf32>,
      %mul3A_1567 = arith.mulf %gather3A_1565, %gather3A_1566 : vector<16xf32>
      %add3A_1568 = arith.addf %add3A_1562, %mul3A_1567 : vector<16xf32>
      %broadcast_in_dim3A_1569 = arith.constant 14 : i32
      %broadcast_in_dim3A_1570 = vector.broadcast %broadcast_in_dim3A_1569 : i32 to vector<16xi32>
      %gather3A_1571 = tpu.vector_load_idx %arg11[%add3A_1482, %broadcast_in_dim3A_1570] : memref<128x16xf32, #tpu.memory_space<vmem>>[vector<16xi32>, vector<16xi32>], vector<16xf32>,
      %gather3A_1572 = tpu.vector_load_idx %arg12[%add3A_1482, %broadcast_in_dim3A_1570] : memref<128x16xf32, #tpu.memory_space<vmem>>[vector<16xi32>, vector<16xi32>], vector<16xf32>,
      %mul3A_1573 = arith.mulf %gather3A_1571, %gather3A_1572 : vector<16xf32>
      %add3A_1574 = arith.addf %add3A_1568, %mul3A_1573 : vector<16xf32>
      %broadcast_in_dim3A_1575 = arith.constant 15 : i32
      %broadcast_in_dim3A_1576 = vector.broadcast %broadcast_in_dim3A_1575 : i32 to vector<16xi32>
      %gather3A_1577 = tpu.vector_load_idx %arg11[%add3A_1482, %broadcast_in_dim3A_1576] : memref<128x16xf32, #tpu.memory_space<vmem>>[vector<16xi32>, vector<16xi32>], vector<16xf32>,
      %gather3A_1578 = tpu.vector_load_idx %arg12[%add3A_1482, %broadcast_in_dim3A_1576] : memref<128x16xf32, #tpu.memory_space<vmem>>[vector<16xi32>, vector<16xi32>], vector<16xf32>,
      %mul3A_1579 = arith.mulf %gather3A_1577, %gather3A_1578 : vector<16xf32>
      %add3A_1580 = arith.addf %add3A_1574, %mul3A_1579 : vector<16xf32>
      %mul3A_1581 = arith.constant 128 : i32
      %mul3A_1582 = arith.muli %add3A_1227, %mul3A_1581 : i32
      %add3A_1583 = arith.addi %mul3A_95, %mul3A_1582 : i32
      %add3A_1584 = arith.constant 32 : i32
      %add3A_1585 = arith.addi %add3A_1583, %add3A_1584 : i32
      %add3A_1586 = vector.broadcast %add3A_1585 : i32 to vector<16xi32>
      %add3A_1587 = arith.addi %add3A_1586, %iota3A : vector<16xi32>
      %lt3A_1588 = arith.constant 160000 : i32
      %lt3A_1589 = vector.broadcast %lt3A_1588 : i32 to vector<16xi32>
      %lt3A_1590 = arith.cmpi slt, %add3A_1587, %lt3A_1589 : vector<16xi32>
      %exp3A_1591 = math.exp %add3A_1580 : vector<16xf32>
      %jit3A_1592 = arith.constant 0.000000e+00 : f32
      %broadcast_in_dim3A_1593 = vector.broadcast %jit3A_1592 : f32 to vector<16xf32>
      %select_n3A_1594 = arith.select %lt3A_1590, %exp3A_1591, %broadcast_in_dim3A_1593 : vector<16xi1>, vector<16xf32>
      %swap3A_1595 = arith.constant 32 : index
      %swap3A_1596 = tpu.vector_load %arg15[%swap3A_1595] {strides = array<i32>} : memref<128xf32, #tpu.memory_space<vmem>>, vector<16xf32>,
      tpu.vector_store %arg15[%swap3A_1595], %select_n3A_1594 {strides = array<i32>} : memref<128xf32, #tpu.memory_space<vmem>>, vector<16xf32>,
      %get3A_1597 = arith.index_cast %add3A_1227 : i32 to index
      %get3A_1598 = arith.constant 32 : index
      %get3A_1599 = tpu.vector_load %arg9[%get3A_1597, %get3A_1598] {strides = array<i32>} : memref<80x128xi32, #tpu.memory_space<vmem>>, vector<16xi32>,
      tpu.vector_store_idx %arg16[%get3A_1599], %select_n3A_1594 {add = true} : memref<10000xf32, #tpu.memory_space<vmem>>[vector<16xi32>], vector<16xf32>,
      %add3A_1600 = arith.constant 48 : i32
      %add3A_1601 = vector.broadcast %add3A_1600 : i32 to vector<16xi32>
      %add3A_1602 = arith.addi %add3A_1601, %iota3A : vector<16xi32>
      %broadcast_in_dim3A_1603 = arith.constant 0.000000e+00 : f32
      %broadcast_in_dim3A_1604 = vector.broadcast %broadcast_in_dim3A_1603 : f32 to vector<16xf32>
      %broadcast_in_dim3A_1605 = arith.constant 0 : i32
      %broadcast_in_dim3A_1606 = vector.broadcast %broadcast_in_dim3A_1605 : i32 to vector<16xi32>
      %gather3A_1607 = tpu.vector_load_idx %arg11[%add3A_1602, %broadcast_in_dim3A_1606] : memref<128x16xf32, #tpu.memory_space<vmem>>[vector<16xi32>, vector<16xi32>], vector<16xf32>,
      %gather3A_1608 = tpu.vector_load_idx %arg12[%add3A_1602, %broadcast_in_dim3A_1606] : memref<128x16xf32, #tpu.memory_space<vmem>>[vector<16xi32>, vector<16xi32>], vector<16xf32>,
      %mul3A_1609 = arith.mulf %gather3A_1607, %gather3A_1608 : vector<16xf32>
      %add3A_1610 = arith.addf %broadcast_in_dim3A_1604, %mul3A_1609 : vector<16xf32>
      %broadcast_in_dim3A_1611 = arith.constant 1 : i32
      %broadcast_in_dim3A_1612 = vector.broadcast %broadcast_in_dim3A_1611 : i32 to vector<16xi32>
      %gather3A_1613 = tpu.vector_load_idx %arg11[%add3A_1602, %broadcast_in_dim3A_1612] : memref<128x16xf32, #tpu.memory_space<vmem>>[vector<16xi32>, vector<16xi32>], vector<16xf32>,
      %gather3A_1614 = tpu.vector_load_idx %arg12[%add3A_1602, %broadcast_in_dim3A_1612] : memref<128x16xf32, #tpu.memory_space<vmem>>[vector<16xi32>, vector<16xi32>], vector<16xf32>,
      %mul3A_1615 = arith.mulf %gather3A_1613, %gather3A_1614 : vector<16xf32>
      %add3A_1616 = arith.addf %add3A_1610, %mul3A_1615 : vector<16xf32>
      %broadcast_in_dim3A_1617 = arith.constant 2 : i32
      %broadcast_in_dim3A_1618 = vector.broadcast %broadcast_in_dim3A_1617 : i32 to vector<16xi32>
      %gather3A_1619 = tpu.vector_load_idx %arg11[%add3A_1602, %broadcast_in_dim3A_1618] : memref<128x16xf32, #tpu.memory_space<vmem>>[vector<16xi32>, vector<16xi32>], vector<16xf32>,
      %gather3A_1620 = tpu.vector_load_idx %arg12[%add3A_1602, %broadcast_in_dim3A_1618] : memref<128x16xf32, #tpu.memory_space<vmem>>[vector<16xi32>, vector<16xi32>], vector<16xf32>,
      %mul3A_1621 = arith.mulf %gather3A_1619, %gather3A_1620 : vector<16xf32>
      %add3A_1622 = arith.addf %add3A_1616, %mul3A_1621 : vector<16xf32>
      %broadcast_in_dim3A_1623 = arith.constant 3 : i32
      %broadcast_in_dim3A_1624 = vector.broadcast %broadcast_in_dim3A_1623 : i32 to vector<16xi32>
      %gather3A_1625 = tpu.vector_load_idx %arg11[%add3A_1602, %broadcast_in_dim3A_1624] : memref<128x16xf32, #tpu.memory_space<vmem>>[vector<16xi32>, vector<16xi32>], vector<16xf32>,
      %gather3A_1626 = tpu.vector_load_idx %arg12[%add3A_1602, %broadcast_in_dim3A_1624] : memref<128x16xf32, #tpu.memory_space<vmem>>[vector<16xi32>, vector<16xi32>], vector<16xf32>,
      %mul3A_1627 = arith.mulf %gather3A_1625, %gather3A_1626 : vector<16xf32>
      %add3A_1628 = arith.addf %add3A_1622, %mul3A_1627 : vector<16xf32>
      %broadcast_in_dim3A_1629 = arith.constant 4 : i32
      %broadcast_in_dim3A_1630 = vector.broadcast %broadcast_in_dim3A_1629 : i32 to vector<16xi32>
      %gather3A_1631 = tpu.vector_load_idx %arg11[%add3A_1602, %broadcast_in_dim3A_1630] : memref<128x16xf32, #tpu.memory_space<vmem>>[vector<16xi32>, vector<16xi32>], vector<16xf32>,
      %gather3A_1632 = tpu.vector_load_idx %arg12[%add3A_1602, %broadcast_in_dim3A_1630] : memref<128x16xf32, #tpu.memory_space<vmem>>[vector<16xi32>, vector<16xi32>], vector<16xf32>,
      %mul3A_1633 = arith.mulf %gather3A_1631, %gather3A_1632 : vector<16xf32>
      %add3A_1634 = arith.addf %add3A_1628, %mul3A_1633 : vector<16xf32>
      %broadcast_in_dim3A_1635 = arith.constant 5 : i32
      %broadcast_in_dim3A_1636 = vector.broadcast %broadcast_in_dim3A_1635 : i32 to vector<16xi32>
      %gather3A_1637 = tpu.vector_load_idx %arg11[%add3A_1602, %broadcast_in_dim3A_1636] : memref<128x16xf32, #tpu.memory_space<vmem>>[vector<16xi32>, vector<16xi32>], vector<16xf32>,
      %gather3A_1638 = tpu.vector_load_idx %arg12[%add3A_1602, %broadcast_in_dim3A_1636] : memref<128x16xf32, #tpu.memory_space<vmem>>[vector<16xi32>, vector<16xi32>], vector<16xf32>,
      %mul3A_1639 = arith.mulf %gather3A_1637, %gather3A_1638 : vector<16xf32>
      %add3A_1640 = arith.addf %add3A_1634, %mul3A_1639 : vector<16xf32>
      %broadcast_in_dim3A_1641 = arith.constant 6 : i32
      %broadcast_in_dim3A_1642 = vector.broadcast %broadcast_in_dim3A_1641 : i32 to vector<16xi32>
      %gather3A_1643 = tpu.vector_load_idx %arg11[%add3A_1602, %broadcast_in_dim3A_1642] : memref<128x16xf32, #tpu.memory_space<vmem>>[vector<16xi32>, vector<16xi32>], vector<16xf32>,
      %gather3A_1644 = tpu.vector_load_idx %arg12[%add3A_1602, %broadcast_in_dim3A_1642] : memref<128x16xf32, #tpu.memory_space<vmem>>[vector<16xi32>, vector<16xi32>], vector<16xf32>,
      %mul3A_1645 = arith.mulf %gather3A_1643, %gather3A_1644 : vector<16xf32>
      %add3A_1646 = arith.addf %add3A_1640, %mul3A_1645 : vector<16xf32>
      %broadcast_in_dim3A_1647 = arith.constant 7 : i32
      %broadcast_in_dim3A_1648 = vector.broadcast %broadcast_in_dim3A_1647 : i32 to vector<16xi32>
      %gather3A_1649 = tpu.vector_load_idx %arg11[%add3A_1602, %broadcast_in_dim3A_1648] : memref<128x16xf32, #tpu.memory_space<vmem>>[vector<16xi32>, vector<16xi32>], vector<16xf32>,
      %gather3A_1650 = tpu.vector_load_idx %arg12[%add3A_1602, %broadcast_in_dim3A_1648] : memref<128x16xf32, #tpu.memory_space<vmem>>[vector<16xi32>, vector<16xi32>], vector<16xf32>,
      %mul3A_1651 = arith.mulf %gather3A_1649, %gather3A_1650 : vector<16xf32>
      %add3A_1652 = arith.addf %add3A_1646, %mul3A_1651 : vector<16xf32>
      %broadcast_in_dim3A_1653 = arith.constant 8 : i32
      %broadcast_in_dim3A_1654 = vector.broadcast %broadcast_in_dim3A_1653 : i32 to vector<16xi32>
      %gather3A_1655 = tpu.vector_load_idx %arg11[%add3A_1602, %broadcast_in_dim3A_1654] : memref<128x16xf32, #tpu.memory_space<vmem>>[vector<16xi32>, vector<16xi32>], vector<16xf32>,
      %gather3A_1656 = tpu.vector_load_idx %arg12[%add3A_1602, %broadcast_in_dim3A_1654] : memref<128x16xf32, #tpu.memory_space<vmem>>[vector<16xi32>, vector<16xi32>], vector<16xf32>,
      %mul3A_1657 = arith.mulf %gather3A_1655, %gather3A_1656 : vector<16xf32>
      %add3A_1658 = arith.addf %add3A_1652, %mul3A_1657 : vector<16xf32>
      %broadcast_in_dim3A_1659 = arith.constant 9 : i32
      %broadcast_in_dim3A_1660 = vector.broadcast %broadcast_in_dim3A_1659 : i32 to vector<16xi32>
      %gather3A_1661 = tpu.vector_load_idx %arg11[%add3A_1602, %broadcast_in_dim3A_1660] : memref<128x16xf32, #tpu.memory_space<vmem>>[vector<16xi32>, vector<16xi32>], vector<16xf32>,
      %gather3A_1662 = tpu.vector_load_idx %arg12[%add3A_1602, %broadcast_in_dim3A_1660] : memref<128x16xf32, #tpu.memory_space<vmem>>[vector<16xi32>, vector<16xi32>], vector<16xf32>,
      %mul3A_1663 = arith.mulf %gather3A_1661, %gather3A_1662 : vector<16xf32>
      %add3A_1664 = arith.addf %add3A_1658, %mul3A_1663 : vector<16xf32>
      %broadcast_in_dim3A_1665 = arith.constant 10 : i32
      %broadcast_in_dim3A_1666 = vector.broadcast %broadcast_in_dim3A_1665 : i32 to vector<16xi32>
      %gather3A_1667 = tpu.vector_load_idx %arg11[%add3A_1602, %broadcast_in_dim3A_1666] : memref<128x16xf32, #tpu.memory_space<vmem>>[vector<16xi32>, vector<16xi32>], vector<16xf32>,
      %gather3A_1668 = tpu.vector_load_idx %arg12[%add3A_1602, %broadcast_in_dim3A_1666] : memref<128x16xf32, #tpu.memory_space<vmem>>[vector<16xi32>, vector<16xi32>], vector<16xf32>,
      %mul3A_1669 = arith.mulf %gather3A_1667, %gather3A_1668 : vector<16xf32>
      %add3A_1670 = arith.addf %add3A_1664, %mul3A_1669 : vector<16xf32>
      %broadcast_in_dim3A_1671 = arith.constant 11 : i32
      %broadcast_in_dim3A_1672 = vector.broadcast %broadcast_in_dim3A_1671 : i32 to vector<16xi32>
      %gather3A_1673 = tpu.vector_load_idx %arg11[%add3A_1602, %broadcast_in_dim3A_1672] : memref<128x16xf32, #tpu.memory_space<vmem>>[vector<16xi32>, vector<16xi32>], vector<16xf32>,
      %gather3A_1674 = tpu.vector_load_idx %arg12[%add3A_1602, %broadcast_in_dim3A_1672] : memref<128x16xf32, #tpu.memory_space<vmem>>[vector<16xi32>, vector<16xi32>], vector<16xf32>,
      %mul3A_1675 = arith.mulf %gather3A_1673, %gather3A_1674 : vector<16xf32>
      %add3A_1676 = arith.addf %add3A_1670, %mul3A_1675 : vector<16xf32>
      %broadcast_in_dim3A_1677 = arith.constant 12 : i32
      %broadcast_in_dim3A_1678 = vector.broadcast %broadcast_in_dim3A_1677 : i32 to vector<16xi32>
      %gather3A_1679 = tpu.vector_load_idx %arg11[%add3A_1602, %broadcast_in_dim3A_1678] : memref<128x16xf32, #tpu.memory_space<vmem>>[vector<16xi32>, vector<16xi32>], vector<16xf32>,
      %gather3A_1680 = tpu.vector_load_idx %arg12[%add3A_1602, %broadcast_in_dim3A_1678] : memref<128x16xf32, #tpu.memory_space<vmem>>[vector<16xi32>, vector<16xi32>], vector<16xf32>,
      %mul3A_1681 = arith.mulf %gather3A_1679, %gather3A_1680 : vector<16xf32>
      %add3A_1682 = arith.addf %add3A_1676, %mul3A_1681 : vector<16xf32>
      %broadcast_in_dim3A_1683 = arith.constant 13 : i32
      %broadcast_in_dim3A_1684 = vector.broadcast %broadcast_in_dim3A_1683 : i32 to vector<16xi32>
      %gather3A_1685 = tpu.vector_load_idx %arg11[%add3A_1602, %broadcast_in_dim3A_1684] : memref<128x16xf32, #tpu.memory_space<vmem>>[vector<16xi32>, vector<16xi32>], vector<16xf32>,
      %gather3A_1686 = tpu.vector_load_idx %arg12[%add3A_1602, %broadcast_in_dim3A_1684] : memref<128x16xf32, #tpu.memory_space<vmem>>[vector<16xi32>, vector<16xi32>], vector<16xf32>,
      %mul3A_1687 = arith.mulf %gather3A_1685, %gather3A_1686 : vector<16xf32>
      %add3A_1688 = arith.addf %add3A_1682, %mul3A_1687 : vector<16xf32>
      %broadcast_in_dim3A_1689 = arith.constant 14 : i32
      %broadcast_in_dim3A_1690 = vector.broadcast %broadcast_in_dim3A_1689 : i32 to vector<16xi32>
      %gather3A_1691 = tpu.vector_load_idx %arg11[%add3A_1602, %broadcast_in_dim3A_1690] : memref<128x16xf32, #tpu.memory_space<vmem>>[vector<16xi32>, vector<16xi32>], vector<16xf32>,
      %gather3A_1692 = tpu.vector_load_idx %arg12[%add3A_1602, %broadcast_in_dim3A_1690] : memref<128x16xf32, #tpu.memory_space<vmem>>[vector<16xi32>, vector<16xi32>], vector<16xf32>,
      %mul3A_1693 = arith.mulf %gather3A_1691, %gather3A_1692 : vector<16xf32>
      %add3A_1694 = arith.addf %add3A_1688, %mul3A_1693 : vector<16xf32>
      %broadcast_in_dim3A_1695 = arith.constant 15 : i32
      %broadcast_in_dim3A_1696 = vector.broadcast %broadcast_in_dim3A_1695 : i32 to vector<16xi32>
      %gather3A_1697 = tpu.vector_load_idx %arg11[%add3A_1602, %broadcast_in_dim3A_1696] : memref<128x16xf32, #tpu.memory_space<vmem>>[vector<16xi32>, vector<16xi32>], vector<16xf32>,
      %gather3A_1698 = tpu.vector_load_idx %arg12[%add3A_1602, %broadcast_in_dim3A_1696] : memref<128x16xf32, #tpu.memory_space<vmem>>[vector<16xi32>, vector<16xi32>], vector<16xf32>,
      %mul3A_1699 = arith.mulf %gather3A_1697, %gather3A_1698 : vector<16xf32>
      %add3A_1700 = arith.addf %add3A_1694, %mul3A_1699 : vector<16xf32>
      %mul3A_1701 = arith.constant 128 : i32
      %mul3A_1702 = arith.muli %add3A_1227, %mul3A_1701 : i32
      %add3A_1703 = arith.addi %mul3A_95, %mul3A_1702 : i32
      %add3A_1704 = arith.constant 48 : i32
      %add3A_1705 = arith.addi %add3A_1703, %add3A_1704 : i32
      %add3A_1706 = vector.broadcast %add3A_1705 : i32 to vector<16xi32>
      %add3A_1707 = arith.addi %add3A_1706, %iota3A : vector<16xi32>
      %lt3A_1708 = arith.constant 160000 : i32
      %lt3A_1709 = vector.broadcast %lt3A_1708 : i32 to vector<16xi32>
      %lt3A_1710 = arith.cmpi slt, %add3A_1707, %lt3A_1709 : vector<16xi32>
      %exp3A_1711 = math.exp %add3A_1700 : vector<16xf32>
      %jit3A_1712 = arith.constant 0.000000e+00 : f32
      %broadcast_in_dim3A_1713 = vector.broadcast %jit3A_1712 : f32 to vector<16xf32>
      %select_n3A_1714 = arith.select %lt3A_1710, %exp3A_1711, %broadcast_in_dim3A_1713 : vector<16xi1>, vector<16xf32>
      %swap3A_1715 = arith.constant 48 : index
      %swap3A_1716 = tpu.vector_load %arg15[%swap3A_1715] {strides = array<i32>} : memref<128xf32, #tpu.memory_space<vmem>>, vector<16xf32>,
      tpu.vector_store %arg15[%swap3A_1715], %select_n3A_1714 {strides = array<i32>} : memref<128xf32, #tpu.memory_space<vmem>>, vector<16xf32>,
      %get3A_1717 = arith.index_cast %add3A_1227 : i32 to index
      %get3A_1718 = arith.constant 48 : index
      %get3A_1719 = tpu.vector_load %arg9[%get3A_1717, %get3A_1718] {strides = array<i32>} : memref<80x128xi32, #tpu.memory_space<vmem>>, vector<16xi32>,
      tpu.vector_store_idx %arg16[%get3A_1719], %select_n3A_1714 {add = true} : memref<10000xf32, #tpu.memory_space<vmem>>[vector<16xi32>], vector<16xf32>,
      %add3A_1720 = arith.constant 64 : i32
      %add3A_1721 = vector.broadcast %add3A_1720 : i32 to vector<16xi32>
      %add3A_1722 = arith.addi %add3A_1721, %iota3A : vector<16xi32>
      %broadcast_in_dim3A_1723 = arith.constant 0.000000e+00 : f32
      %broadcast_in_dim3A_1724 = vector.broadcast %broadcast_in_dim3A_1723 : f32 to vector<16xf32>
      %broadcast_in_dim3A_1725 = arith.constant 0 : i32
      %broadcast_in_dim3A_1726 = vector.broadcast %broadcast_in_dim3A_1725 : i32 to vector<16xi32>
      %gather3A_1727 = tpu.vector_load_idx %arg11[%add3A_1722, %broadcast_in_dim3A_1726] : memref<128x16xf32, #tpu.memory_space<vmem>>[vector<16xi32>, vector<16xi32>], vector<16xf32>,
      %gather3A_1728 = tpu.vector_load_idx %arg12[%add3A_1722, %broadcast_in_dim3A_1726] : memref<128x16xf32, #tpu.memory_space<vmem>>[vector<16xi32>, vector<16xi32>], vector<16xf32>,
      %mul3A_1729 = arith.mulf %gather3A_1727, %gather3A_1728 : vector<16xf32>
      %add3A_1730 = arith.addf %broadcast_in_dim3A_1724, %mul3A_1729 : vector<16xf32>
      %broadcast_in_dim3A_1731 = arith.constant 1 : i32
      %broadcast_in_dim3A_1732 = vector.broadcast %broadcast_in_dim3A_1731 : i32 to vector<16xi32>
      %gather3A_1733 = tpu.vector_load_idx %arg11[%add3A_1722, %broadcast_in_dim3A_1732] : memref<128x16xf32, #tpu.memory_space<vmem>>[vector<16xi32>, vector<16xi32>], vector<16xf32>,
      %gather3A_1734 = tpu.vector_load_idx %arg12[%add3A_1722, %broadcast_in_dim3A_1732] : memref<128x16xf32, #tpu.memory_space<vmem>>[vector<16xi32>, vector<16xi32>], vector<16xf32>,
      %mul3A_1735 = arith.mulf %gather3A_1733, %gather3A_1734 : vector<16xf32>
      %add3A_1736 = arith.addf %add3A_1730, %mul3A_1735 : vector<16xf32>
      %broadcast_in_dim3A_1737 = arith.constant 2 : i32
      %broadcast_in_dim3A_1738 = vector.broadcast %broadcast_in_dim3A_1737 : i32 to vector<16xi32>
      %gather3A_1739 = tpu.vector_load_idx %arg11[%add3A_1722, %broadcast_in_dim3A_1738] : memref<128x16xf32, #tpu.memory_space<vmem>>[vector<16xi32>, vector<16xi32>], vector<16xf32>,
      %gather3A_1740 = tpu.vector_load_idx %arg12[%add3A_1722, %broadcast_in_dim3A_1738] : memref<128x16xf32, #tpu.memory_space<vmem>>[vector<16xi32>, vector<16xi32>], vector<16xf32>,
      %mul3A_1741 = arith.mulf %gather3A_1739, %gather3A_1740 : vector<16xf32>
      %add3A_1742 = arith.addf %add3A_1736, %mul3A_1741 : vector<16xf32>
      %broadcast_in_dim3A_1743 = arith.constant 3 : i32
      %broadcast_in_dim3A_1744 = vector.broadcast %broadcast_in_dim3A_1743 : i32 to vector<16xi32>
      %gather3A_1745 = tpu.vector_load_idx %arg11[%add3A_1722, %broadcast_in_dim3A_1744] : memref<128x16xf32, #tpu.memory_space<vmem>>[vector<16xi32>, vector<16xi32>], vector<16xf32>,
      %gather3A_1746 = tpu.vector_load_idx %arg12[%add3A_1722, %broadcast_in_dim3A_1744] : memref<128x16xf32, #tpu.memory_space<vmem>>[vector<16xi32>, vector<16xi32>], vector<16xf32>,
      %mul3A_1747 = arith.mulf %gather3A_1745, %gather3A_1746 : vector<16xf32>
      %add3A_1748 = arith.addf %add3A_1742, %mul3A_1747 : vector<16xf32>
      %broadcast_in_dim3A_1749 = arith.constant 4 : i32
      %broadcast_in_dim3A_1750 = vector.broadcast %broadcast_in_dim3A_1749 : i32 to vector<16xi32>
      %gather3A_1751 = tpu.vector_load_idx %arg11[%add3A_1722, %broadcast_in_dim3A_1750] : memref<128x16xf32, #tpu.memory_space<vmem>>[vector<16xi32>, vector<16xi32>], vector<16xf32>,
      %gather3A_1752 = tpu.vector_load_idx %arg12[%add3A_1722, %broadcast_in_dim3A_1750] : memref<128x16xf32, #tpu.memory_space<vmem>>[vector<16xi32>, vector<16xi32>], vector<16xf32>,
      %mul3A_1753 = arith.mulf %gather3A_1751, %gather3A_1752 : vector<16xf32>
      %add3A_1754 = arith.addf %add3A_1748, %mul3A_1753 : vector<16xf32>
      %broadcast_in_dim3A_1755 = arith.constant 5 : i32
      %broadcast_in_dim3A_1756 = vector.broadcast %broadcast_in_dim3A_1755 : i32 to vector<16xi32>
      %gather3A_1757 = tpu.vector_load_idx %arg11[%add3A_1722, %broadcast_in_dim3A_1756] : memref<128x16xf32, #tpu.memory_space<vmem>>[vector<16xi32>, vector<16xi32>], vector<16xf32>,
      %gather3A_1758 = tpu.vector_load_idx %arg12[%add3A_1722, %broadcast_in_dim3A_1756] : memref<128x16xf32, #tpu.memory_space<vmem>>[vector<16xi32>, vector<16xi32>], vector<16xf32>,
      %mul3A_1759 = arith.mulf %gather3A_1757, %gather3A_1758 : vector<16xf32>
      %add3A_1760 = arith.addf %add3A_1754, %mul3A_1759 : vector<16xf32>
      %broadcast_in_dim3A_1761 = arith.constant 6 : i32
      %broadcast_in_dim3A_1762 = vector.broadcast %broadcast_in_dim3A_1761 : i32 to vector<16xi32>
      %gather3A_1763 = tpu.vector_load_idx %arg11[%add3A_1722, %broadcast_in_dim3A_1762] : memref<128x16xf32, #tpu.memory_space<vmem>>[vector<16xi32>, vector<16xi32>], vector<16xf32>,
      %gather3A_1764 = tpu.vector_load_idx %arg12[%add3A_1722, %broadcast_in_dim3A_1762] : memref<128x16xf32, #tpu.memory_space<vmem>>[vector<16xi32>, vector<16xi32>], vector<16xf32>,
      %mul3A_1765 = arith.mulf %gather3A_1763, %gather3A_1764 : vector<16xf32>
      %add3A_1766 = arith.addf %add3A_1760, %mul3A_1765 : vector<16xf32>
      %broadcast_in_dim3A_1767 = arith.constant 7 : i32
      %broadcast_in_dim3A_1768 = vector.broadcast %broadcast_in_dim3A_1767 : i32 to vector<16xi32>
      %gather3A_1769 = tpu.vector_load_idx %arg11[%add3A_1722, %broadcast_in_dim3A_1768] : memref<128x16xf32, #tpu.memory_space<vmem>>[vector<16xi32>, vector<16xi32>], vector<16xf32>,
      %gather3A_1770 = tpu.vector_load_idx %arg12[%add3A_1722, %broadcast_in_dim3A_1768] : memref<128x16xf32, #tpu.memory_space<vmem>>[vector<16xi32>, vector<16xi32>], vector<16xf32>,
      %mul3A_1771 = arith.mulf %gather3A_1769, %gather3A_1770 : vector<16xf32>
      %add3A_1772 = arith.addf %add3A_1766, %mul3A_1771 : vector<16xf32>
      %broadcast_in_dim3A_1773 = arith.constant 8 : i32
      %broadcast_in_dim3A_1774 = vector.broadcast %broadcast_in_dim3A_1773 : i32 to vector<16xi32>
      %gather3A_1775 = tpu.vector_load_idx %arg11[%add3A_1722, %broadcast_in_dim3A_1774] : memref<128x16xf32, #tpu.memory_space<vmem>>[vector<16xi32>, vector<16xi32>], vector<16xf32>,
      %gather3A_1776 = tpu.vector_load_idx %arg12[%add3A_1722, %broadcast_in_dim3A_1774] : memref<128x16xf32, #tpu.memory_space<vmem>>[vector<16xi32>, vector<16xi32>], vector<16xf32>,
      %mul3A_1777 = arith.mulf %gather3A_1775, %gather3A_1776 : vector<16xf32>
      %add3A_1778 = arith.addf %add3A_1772, %mul3A_1777 : vector<16xf32>
      %broadcast_in_dim3A_1779 = arith.constant 9 : i32
      %broadcast_in_dim3A_1780 = vector.broadcast %broadcast_in_dim3A_1779 : i32 to vector<16xi32>
      %gather3A_1781 = tpu.vector_load_idx %arg11[%add3A_1722, %broadcast_in_dim3A_1780] : memref<128x16xf32, #tpu.memory_space<vmem>>[vector<16xi32>, vector<16xi32>], vector<16xf32>,
      %gather3A_1782 = tpu.vector_load_idx %arg12[%add3A_1722, %broadcast_in_dim3A_1780] : memref<128x16xf32, #tpu.memory_space<vmem>>[vector<16xi32>, vector<16xi32>], vector<16xf32>,
      %mul3A_1783 = arith.mulf %gather3A_1781, %gather3A_1782 : vector<16xf32>
      %add3A_1784 = arith.addf %add3A_1778, %mul3A_1783 : vector<16xf32>
      %broadcast_in_dim3A_1785 = arith.constant 10 : i32
      %broadcast_in_dim3A_1786 = vector.broadcast %broadcast_in_dim3A_1785 : i32 to vector<16xi32>
      %gather3A_1787 = tpu.vector_load_idx %arg11[%add3A_1722, %broadcast_in_dim3A_1786] : memref<128x16xf32, #tpu.memory_space<vmem>>[vector<16xi32>, vector<16xi32>], vector<16xf32>,
      %gather3A_1788 = tpu.vector_load_idx %arg12[%add3A_1722, %broadcast_in_dim3A_1786] : memref<128x16xf32, #tpu.memory_space<vmem>>[vector<16xi32>, vector<16xi32>], vector<16xf32>,
      %mul3A_1789 = arith.mulf %gather3A_1787, %gather3A_1788 : vector<16xf32>
      %add3A_1790 = arith.addf %add3A_1784, %mul3A_1789 : vector<16xf32>
      %broadcast_in_dim3A_1791 = arith.constant 11 : i32
      %broadcast_in_dim3A_1792 = vector.broadcast %broadcast_in_dim3A_1791 : i32 to vector<16xi32>
      %gather3A_1793 = tpu.vector_load_idx %arg11[%add3A_1722, %broadcast_in_dim3A_1792] : memref<128x16xf32, #tpu.memory_space<vmem>>[vector<16xi32>, vector<16xi32>], vector<16xf32>,
      %gather3A_1794 = tpu.vector_load_idx %arg12[%add3A_1722, %broadcast_in_dim3A_1792] : memref<128x16xf32, #tpu.memory_space<vmem>>[vector<16xi32>, vector<16xi32>], vector<16xf32>,
      %mul3A_1795 = arith.mulf %gather3A_1793, %gather3A_1794 : vector<16xf32>
      %add3A_1796 = arith.addf %add3A_1790, %mul3A_1795 : vector<16xf32>
      %broadcast_in_dim3A_1797 = arith.constant 12 : i32
      %broadcast_in_dim3A_1798 = vector.broadcast %broadcast_in_dim3A_1797 : i32 to vector<16xi32>
      %gather3A_1799 = tpu.vector_load_idx %arg11[%add3A_1722, %broadcast_in_dim3A_1798] : memref<128x16xf32, #tpu.memory_space<vmem>>[vector<16xi32>, vector<16xi32>], vector<16xf32>,
      %gather3A_1800 = tpu.vector_load_idx %arg12[%add3A_1722, %broadcast_in_dim3A_1798] : memref<128x16xf32, #tpu.memory_space<vmem>>[vector<16xi32>, vector<16xi32>], vector<16xf32>,
      %mul3A_1801 = arith.mulf %gather3A_1799, %gather3A_1800 : vector<16xf32>
      %add3A_1802 = arith.addf %add3A_1796, %mul3A_1801 : vector<16xf32>
      %broadcast_in_dim3A_1803 = arith.constant 13 : i32
      %broadcast_in_dim3A_1804 = vector.broadcast %broadcast_in_dim3A_1803 : i32 to vector<16xi32>
      %gather3A_1805 = tpu.vector_load_idx %arg11[%add3A_1722, %broadcast_in_dim3A_1804] : memref<128x16xf32, #tpu.memory_space<vmem>>[vector<16xi32>, vector<16xi32>], vector<16xf32>,
      %gather3A_1806 = tpu.vector_load_idx %arg12[%add3A_1722, %broadcast_in_dim3A_1804] : memref<128x16xf32, #tpu.memory_space<vmem>>[vector<16xi32>, vector<16xi32>], vector<16xf32>,
      %mul3A_1807 = arith.mulf %gather3A_1805, %gather3A_1806 : vector<16xf32>
      %add3A_1808 = arith.addf %add3A_1802, %mul3A_1807 : vector<16xf32>
      %broadcast_in_dim3A_1809 = arith.constant 14 : i32
      %broadcast_in_dim3A_1810 = vector.broadcast %broadcast_in_dim3A_1809 : i32 to vector<16xi32>
      %gather3A_1811 = tpu.vector_load_idx %arg11[%add3A_1722, %broadcast_in_dim3A_1810] : memref<128x16xf32, #tpu.memory_space<vmem>>[vector<16xi32>, vector<16xi32>], vector<16xf32>,
      %gather3A_1812 = tpu.vector_load_idx %arg12[%add3A_1722, %broadcast_in_dim3A_1810] : memref<128x16xf32, #tpu.memory_space<vmem>>[vector<16xi32>, vector<16xi32>], vector<16xf32>,
      %mul3A_1813 = arith.mulf %gather3A_1811, %gather3A_1812 : vector<16xf32>
      %add3A_1814 = arith.addf %add3A_1808, %mul3A_1813 : vector<16xf32>
      %broadcast_in_dim3A_1815 = arith.constant 15 : i32
      %broadcast_in_dim3A_1816 = vector.broadcast %broadcast_in_dim3A_1815 : i32 to vector<16xi32>
      %gather3A_1817 = tpu.vector_load_idx %arg11[%add3A_1722, %broadcast_in_dim3A_1816] : memref<128x16xf32, #tpu.memory_space<vmem>>[vector<16xi32>, vector<16xi32>], vector<16xf32>,
      %gather3A_1818 = tpu.vector_load_idx %arg12[%add3A_1722, %broadcast_in_dim3A_1816] : memref<128x16xf32, #tpu.memory_space<vmem>>[vector<16xi32>, vector<16xi32>], vector<16xf32>,
      %mul3A_1819 = arith.mulf %gather3A_1817, %gather3A_1818 : vector<16xf32>
      %add3A_1820 = arith.addf %add3A_1814, %mul3A_1819 : vector<16xf32>
      %mul3A_1821 = arith.constant 128 : i32
      %mul3A_1822 = arith.muli %add3A_1227, %mul3A_1821 : i32
      %add3A_1823 = arith.addi %mul3A_95, %mul3A_1822 : i32
      %add3A_1824 = arith.constant 64 : i32
      %add3A_1825 = arith.addi %add3A_1823, %add3A_1824 : i32
      %add3A_1826 = vector.broadcast %add3A_1825 : i32 to vector<16xi32>
      %add3A_1827 = arith.addi %add3A_1826, %iota3A : vector<16xi32>
      %lt3A_1828 = arith.constant 160000 : i32
      %lt3A_1829 = vector.broadcast %lt3A_1828 : i32 to vector<16xi32>
      %lt3A_1830 = arith.cmpi slt, %add3A_1827, %lt3A_1829 : vector<16xi32>
      %exp3A_1831 = math.exp %add3A_1820 : vector<16xf32>
      %jit3A_1832 = arith.constant 0.000000e+00 : f32
      %broadcast_in_dim3A_1833 = vector.broadcast %jit3A_1832 : f32 to vector<16xf32>
      %select_n3A_1834 = arith.select %lt3A_1830, %exp3A_1831, %broadcast_in_dim3A_1833 : vector<16xi1>, vector<16xf32>
      %swap3A_1835 = arith.constant 64 : index
      %swap3A_1836 = tpu.vector_load %arg15[%swap3A_1835] {strides = array<i32>} : memref<128xf32, #tpu.memory_space<vmem>>, vector<16xf32>,
      tpu.vector_store %arg15[%swap3A_1835], %select_n3A_1834 {strides = array<i32>} : memref<128xf32, #tpu.memory_space<vmem>>, vector<16xf32>,
      %get3A_1837 = arith.index_cast %add3A_1227 : i32 to index
      %get3A_1838 = arith.constant 64 : index
      %get3A_1839 = tpu.vector_load %arg9[%get3A_1837, %get3A_1838] {strides = array<i32>} : memref<80x128xi32, #tpu.memory_space<vmem>>, vector<16xi32>,
      tpu.vector_store_idx %arg16[%get3A_1839], %select_n3A_1834 {add = true} : memref<10000xf32, #tpu.memory_space<vmem>>[vector<16xi32>], vector<16xf32>,
      %add3A_1840 = arith.constant 80 : i32
      %add3A_1841 = vector.broadcast %add3A_1840 : i32 to vector<16xi32>
      %add3A_1842 = arith.addi %add3A_1841, %iota3A : vector<16xi32>
      %broadcast_in_dim3A_1843 = arith.constant 0.000000e+00 : f32
      %broadcast_in_dim3A_1844 = vector.broadcast %broadcast_in_dim3A_1843 : f32 to vector<16xf32>
      %broadcast_in_dim3A_1845 = arith.constant 0 : i32
      %broadcast_in_dim3A_1846 = vector.broadcast %broadcast_in_dim3A_1845 : i32 to vector<16xi32>
      %gather3A_1847 = tpu.vector_load_idx %arg11[%add3A_1842, %broadcast_in_dim3A_1846] : memref<128x16xf32, #tpu.memory_space<vmem>>[vector<16xi32>, vector<16xi32>], vector<16xf32>,
      %gather3A_1848 = tpu.vector_load_idx %arg12[%add3A_1842, %broadcast_in_dim3A_1846] : memref<128x16xf32, #tpu.memory_space<vmem>>[vector<16xi32>, vector<16xi32>], vector<16xf32>,
      %mul3A_1849 = arith.mulf %gather3A_1847, %gather3A_1848 : vector<16xf32>
      %add3A_1850 = arith.addf %broadcast_in_dim3A_1844, %mul3A_1849 : vector<16xf32>
      %broadcast_in_dim3A_1851 = arith.constant 1 : i32
      %broadcast_in_dim3A_1852 = vector.broadcast %broadcast_in_dim3A_1851 : i32 to vector<16xi32>
      %gather3A_1853 = tpu.vector_load_idx %arg11[%add3A_1842, %broadcast_in_dim3A_1852] : memref<128x16xf32, #tpu.memory_space<vmem>>[vector<16xi32>, vector<16xi32>], vector<16xf32>,
      %gather3A_1854 = tpu.vector_load_idx %arg12[%add3A_1842, %broadcast_in_dim3A_1852] : memref<128x16xf32, #tpu.memory_space<vmem>>[vector<16xi32>, vector<16xi32>], vector<16xf32>,
      %mul3A_1855 = arith.mulf %gather3A_1853, %gather3A_1854 : vector<16xf32>
      %add3A_1856 = arith.addf %add3A_1850, %mul3A_1855 : vector<16xf32>
      %broadcast_in_dim3A_1857 = arith.constant 2 : i32
      %broadcast_in_dim3A_1858 = vector.broadcast %broadcast_in_dim3A_1857 : i32 to vector<16xi32>
      %gather3A_1859 = tpu.vector_load_idx %arg11[%add3A_1842, %broadcast_in_dim3A_1858] : memref<128x16xf32, #tpu.memory_space<vmem>>[vector<16xi32>, vector<16xi32>], vector<16xf32>,
      %gather3A_1860 = tpu.vector_load_idx %arg12[%add3A_1842, %broadcast_in_dim3A_1858] : memref<128x16xf32, #tpu.memory_space<vmem>>[vector<16xi32>, vector<16xi32>], vector<16xf32>,
      %mul3A_1861 = arith.mulf %gather3A_1859, %gather3A_1860 : vector<16xf32>
      %add3A_1862 = arith.addf %add3A_1856, %mul3A_1861 : vector<16xf32>
      %broadcast_in_dim3A_1863 = arith.constant 3 : i32
      %broadcast_in_dim3A_1864 = vector.broadcast %broadcast_in_dim3A_1863 : i32 to vector<16xi32>
      %gather3A_1865 = tpu.vector_load_idx %arg11[%add3A_1842, %broadcast_in_dim3A_1864] : memref<128x16xf32, #tpu.memory_space<vmem>>[vector<16xi32>, vector<16xi32>], vector<16xf32>,
      %gather3A_1866 = tpu.vector_load_idx %arg12[%add3A_1842, %broadcast_in_dim3A_1864] : memref<128x16xf32, #tpu.memory_space<vmem>>[vector<16xi32>, vector<16xi32>], vector<16xf32>,
      %mul3A_1867 = arith.mulf %gather3A_1865, %gather3A_1866 : vector<16xf32>
      %add3A_1868 = arith.addf %add3A_1862, %mul3A_1867 : vector<16xf32>
      %broadcast_in_dim3A_1869 = arith.constant 4 : i32
      %broadcast_in_dim3A_1870 = vector.broadcast %broadcast_in_dim3A_1869 : i32 to vector<16xi32>
      %gather3A_1871 = tpu.vector_load_idx %arg11[%add3A_1842, %broadcast_in_dim3A_1870] : memref<128x16xf32, #tpu.memory_space<vmem>>[vector<16xi32>, vector<16xi32>], vector<16xf32>,
      %gather3A_1872 = tpu.vector_load_idx %arg12[%add3A_1842, %broadcast_in_dim3A_1870] : memref<128x16xf32, #tpu.memory_space<vmem>>[vector<16xi32>, vector<16xi32>], vector<16xf32>,
      %mul3A_1873 = arith.mulf %gather3A_1871, %gather3A_1872 : vector<16xf32>
      %add3A_1874 = arith.addf %add3A_1868, %mul3A_1873 : vector<16xf32>
      %broadcast_in_dim3A_1875 = arith.constant 5 : i32
      %broadcast_in_dim3A_1876 = vector.broadcast %broadcast_in_dim3A_1875 : i32 to vector<16xi32>
      %gather3A_1877 = tpu.vector_load_idx %arg11[%add3A_1842, %broadcast_in_dim3A_1876] : memref<128x16xf32, #tpu.memory_space<vmem>>[vector<16xi32>, vector<16xi32>], vector<16xf32>,
      %gather3A_1878 = tpu.vector_load_idx %arg12[%add3A_1842, %broadcast_in_dim3A_1876] : memref<128x16xf32, #tpu.memory_space<vmem>>[vector<16xi32>, vector<16xi32>], vector<16xf32>,
      %mul3A_1879 = arith.mulf %gather3A_1877, %gather3A_1878 : vector<16xf32>
      %add3A_1880 = arith.addf %add3A_1874, %mul3A_1879 : vector<16xf32>
      %broadcast_in_dim3A_1881 = arith.constant 6 : i32
      %broadcast_in_dim3A_1882 = vector.broadcast %broadcast_in_dim3A_1881 : i32 to vector<16xi32>
      %gather3A_1883 = tpu.vector_load_idx %arg11[%add3A_1842, %broadcast_in_dim3A_1882] : memref<128x16xf32, #tpu.memory_space<vmem>>[vector<16xi32>, vector<16xi32>], vector<16xf32>,
      %gather3A_1884 = tpu.vector_load_idx %arg12[%add3A_1842, %broadcast_in_dim3A_1882] : memref<128x16xf32, #tpu.memory_space<vmem>>[vector<16xi32>, vector<16xi32>], vector<16xf32>,
      %mul3A_1885 = arith.mulf %gather3A_1883, %gather3A_1884 : vector<16xf32>
      %add3A_1886 = arith.addf %add3A_1880, %mul3A_1885 : vector<16xf32>
      %broadcast_in_dim3A_1887 = arith.constant 7 : i32
      %broadcast_in_dim3A_1888 = vector.broadcast %broadcast_in_dim3A_1887 : i32 to vector<16xi32>
      %gather3A_1889 = tpu.vector_load_idx %arg11[%add3A_1842, %broadcast_in_dim3A_1888] : memref<128x16xf32, #tpu.memory_space<vmem>>[vector<16xi32>, vector<16xi32>], vector<16xf32>,
      %gather3A_1890 = tpu.vector_load_idx %arg12[%add3A_1842, %broadcast_in_dim3A_1888] : memref<128x16xf32, #tpu.memory_space<vmem>>[vector<16xi32>, vector<16xi32>], vector<16xf32>,
      %mul3A_1891 = arith.mulf %gather3A_1889, %gather3A_1890 : vector<16xf32>
      %add3A_1892 = arith.addf %add3A_1886, %mul3A_1891 : vector<16xf32>
      %broadcast_in_dim3A_1893 = arith.constant 8 : i32
      %broadcast_in_dim3A_1894 = vector.broadcast %broadcast_in_dim3A_1893 : i32 to vector<16xi32>
      %gather3A_1895 = tpu.vector_load_idx %arg11[%add3A_1842, %broadcast_in_dim3A_1894] : memref<128x16xf32, #tpu.memory_space<vmem>>[vector<16xi32>, vector<16xi32>], vector<16xf32>,
      %gather3A_1896 = tpu.vector_load_idx %arg12[%add3A_1842, %broadcast_in_dim3A_1894] : memref<128x16xf32, #tpu.memory_space<vmem>>[vector<16xi32>, vector<16xi32>], vector<16xf32>,
      %mul3A_1897 = arith.mulf %gather3A_1895, %gather3A_1896 : vector<16xf32>
      %add3A_1898 = arith.addf %add3A_1892, %mul3A_1897 : vector<16xf32>
      %broadcast_in_dim3A_1899 = arith.constant 9 : i32
      %broadcast_in_dim3A_1900 = vector.broadcast %broadcast_in_dim3A_1899 : i32 to vector<16xi32>
      %gather3A_1901 = tpu.vector_load_idx %arg11[%add3A_1842, %broadcast_in_dim3A_1900] : memref<128x16xf32, #tpu.memory_space<vmem>>[vector<16xi32>, vector<16xi32>], vector<16xf32>,
      %gather3A_1902 = tpu.vector_load_idx %arg12[%add3A_1842, %broadcast_in_dim3A_1900] : memref<128x16xf32, #tpu.memory_space<vmem>>[vector<16xi32>, vector<16xi32>], vector<16xf32>,
      %mul3A_1903 = arith.mulf %gather3A_1901, %gather3A_1902 : vector<16xf32>
      %add3A_1904 = arith.addf %add3A_1898, %mul3A_1903 : vector<16xf32>
      %broadcast_in_dim3A_1905 = arith.constant 10 : i32
      %broadcast_in_dim3A_1906 = vector.broadcast %broadcast_in_dim3A_1905 : i32 to vector<16xi32>
      %gather3A_1907 = tpu.vector_load_idx %arg11[%add3A_1842, %broadcast_in_dim3A_1906] : memref<128x16xf32, #tpu.memory_space<vmem>>[vector<16xi32>, vector<16xi32>], vector<16xf32>,
      %gather3A_1908 = tpu.vector_load_idx %arg12[%add3A_1842, %broadcast_in_dim3A_1906] : memref<128x16xf32, #tpu.memory_space<vmem>>[vector<16xi32>, vector<16xi32>], vector<16xf32>,
      %mul3A_1909 = arith.mulf %gather3A_1907, %gather3A_1908 : vector<16xf32>
      %add3A_1910 = arith.addf %add3A_1904, %mul3A_1909 : vector<16xf32>
      %broadcast_in_dim3A_1911 = arith.constant 11 : i32
      %broadcast_in_dim3A_1912 = vector.broadcast %broadcast_in_dim3A_1911 : i32 to vector<16xi32>
      %gather3A_1913 = tpu.vector_load_idx %arg11[%add3A_1842, %broadcast_in_dim3A_1912] : memref<128x16xf32, #tpu.memory_space<vmem>>[vector<16xi32>, vector<16xi32>], vector<16xf32>,
      %gather3A_1914 = tpu.vector_load_idx %arg12[%add3A_1842, %broadcast_in_dim3A_1912] : memref<128x16xf32, #tpu.memory_space<vmem>>[vector<16xi32>, vector<16xi32>], vector<16xf32>,
      %mul3A_1915 = arith.mulf %gather3A_1913, %gather3A_1914 : vector<16xf32>
      %add3A_1916 = arith.addf %add3A_1910, %mul3A_1915 : vector<16xf32>
      %broadcast_in_dim3A_1917 = arith.constant 12 : i32
      %broadcast_in_dim3A_1918 = vector.broadcast %broadcast_in_dim3A_1917 : i32 to vector<16xi32>
      %gather3A_1919 = tpu.vector_load_idx %arg11[%add3A_1842, %broadcast_in_dim3A_1918] : memref<128x16xf32, #tpu.memory_space<vmem>>[vector<16xi32>, vector<16xi32>], vector<16xf32>,
      %gather3A_1920 = tpu.vector_load_idx %arg12[%add3A_1842, %broadcast_in_dim3A_1918] : memref<128x16xf32, #tpu.memory_space<vmem>>[vector<16xi32>, vector<16xi32>], vector<16xf32>,
      %mul3A_1921 = arith.mulf %gather3A_1919, %gather3A_1920 : vector<16xf32>
      %add3A_1922 = arith.addf %add3A_1916, %mul3A_1921 : vector<16xf32>
      %broadcast_in_dim3A_1923 = arith.constant 13 : i32
      %broadcast_in_dim3A_1924 = vector.broadcast %broadcast_in_dim3A_1923 : i32 to vector<16xi32>
      %gather3A_1925 = tpu.vector_load_idx %arg11[%add3A_1842, %broadcast_in_dim3A_1924] : memref<128x16xf32, #tpu.memory_space<vmem>>[vector<16xi32>, vector<16xi32>], vector<16xf32>,
      %gather3A_1926 = tpu.vector_load_idx %arg12[%add3A_1842, %broadcast_in_dim3A_1924] : memref<128x16xf32, #tpu.memory_space<vmem>>[vector<16xi32>, vector<16xi32>], vector<16xf32>,
      %mul3A_1927 = arith.mulf %gather3A_1925, %gather3A_1926 : vector<16xf32>
      %add3A_1928 = arith.addf %add3A_1922, %mul3A_1927 : vector<16xf32>
      %broadcast_in_dim3A_1929 = arith.constant 14 : i32
      %broadcast_in_dim3A_1930 = vector.broadcast %broadcast_in_dim3A_1929 : i32 to vector<16xi32>
      %gather3A_1931 = tpu.vector_load_idx %arg11[%add3A_1842, %broadcast_in_dim3A_1930] : memref<128x16xf32, #tpu.memory_space<vmem>>[vector<16xi32>, vector<16xi32>], vector<16xf32>,
      %gather3A_1932 = tpu.vector_load_idx %arg12[%add3A_1842, %broadcast_in_dim3A_1930] : memref<128x16xf32, #tpu.memory_space<vmem>>[vector<16xi32>, vector<16xi32>], vector<16xf32>,
      %mul3A_1933 = arith.mulf %gather3A_1931, %gather3A_1932 : vector<16xf32>
      %add3A_1934 = arith.addf %add3A_1928, %mul3A_1933 : vector<16xf32>
      %broadcast_in_dim3A_1935 = arith.constant 15 : i32
      %broadcast_in_dim3A_1936 = vector.broadcast %broadcast_in_dim3A_1935 : i32 to vector<16xi32>
      %gather3A_1937 = tpu.vector_load_idx %arg11[%add3A_1842, %broadcast_in_dim3A_1936] : memref<128x16xf32, #tpu.memory_space<vmem>>[vector<16xi32>, vector<16xi32>], vector<16xf32>,
      %gather3A_1938 = tpu.vector_load_idx %arg12[%add3A_1842, %broadcast_in_dim3A_1936] : memref<128x16xf32, #tpu.memory_space<vmem>>[vector<16xi32>, vector<16xi32>], vector<16xf32>,
      %mul3A_1939 = arith.mulf %gather3A_1937, %gather3A_1938 : vector<16xf32>
      %add3A_1940 = arith.addf %add3A_1934, %mul3A_1939 : vector<16xf32>
      %mul3A_1941 = arith.constant 128 : i32
      %mul3A_1942 = arith.muli %add3A_1227, %mul3A_1941 : i32
      %add3A_1943 = arith.addi %mul3A_95, %mul3A_1942 : i32
      %add3A_1944 = arith.constant 80 : i32
      %add3A_1945 = arith.addi %add3A_1943, %add3A_1944 : i32
      %add3A_1946 = vector.broadcast %add3A_1945 : i32 to vector<16xi32>
      %add3A_1947 = arith.addi %add3A_1946, %iota3A : vector<16xi32>
      %lt3A_1948 = arith.constant 160000 : i32
      %lt3A_1949 = vector.broadcast %lt3A_1948 : i32 to vector<16xi32>
      %lt3A_1950 = arith.cmpi slt, %add3A_1947, %lt3A_1949 : vector<16xi32>
      %exp3A_1951 = math.exp %add3A_1940 : vector<16xf32>
      %jit3A_1952 = arith.constant 0.000000e+00 : f32
      %broadcast_in_dim3A_1953 = vector.broadcast %jit3A_1952 : f32 to vector<16xf32>
      %select_n3A_1954 = arith.select %lt3A_1950, %exp3A_1951, %broadcast_in_dim3A_1953 : vector<16xi1>, vector<16xf32>
      %swap3A_1955 = arith.constant 80 : index
      %swap3A_1956 = tpu.vector_load %arg15[%swap3A_1955] {strides = array<i32>} : memref<128xf32, #tpu.memory_space<vmem>>, vector<16xf32>,
      tpu.vector_store %arg15[%swap3A_1955], %select_n3A_1954 {strides = array<i32>} : memref<128xf32, #tpu.memory_space<vmem>>, vector<16xf32>,
      %get3A_1957 = arith.index_cast %add3A_1227 : i32 to index
      %get3A_1958 = arith.constant 80 : index
      %get3A_1959 = tpu.vector_load %arg9[%get3A_1957, %get3A_1958] {strides = array<i32>} : memref<80x128xi32, #tpu.memory_space<vmem>>, vector<16xi32>,
      tpu.vector_store_idx %arg16[%get3A_1959], %select_n3A_1954 {add = true} : memref<10000xf32, #tpu.memory_space<vmem>>[vector<16xi32>], vector<16xf32>,
      %add3A_1960 = arith.constant 96 : i32
      %add3A_1961 = vector.broadcast %add3A_1960 : i32 to vector<16xi32>
      %add3A_1962 = arith.addi %add3A_1961, %iota3A : vector<16xi32>
      %broadcast_in_dim3A_1963 = arith.constant 0.000000e+00 : f32
      %broadcast_in_dim3A_1964 = vector.broadcast %broadcast_in_dim3A_1963 : f32 to vector<16xf32>
      %broadcast_in_dim3A_1965 = arith.constant 0 : i32
      %broadcast_in_dim3A_1966 = vector.broadcast %broadcast_in_dim3A_1965 : i32 to vector<16xi32>
      %gather3A_1967 = tpu.vector_load_idx %arg11[%add3A_1962, %broadcast_in_dim3A_1966] : memref<128x16xf32, #tpu.memory_space<vmem>>[vector<16xi32>, vector<16xi32>], vector<16xf32>,
      %gather3A_1968 = tpu.vector_load_idx %arg12[%add3A_1962, %broadcast_in_dim3A_1966] : memref<128x16xf32, #tpu.memory_space<vmem>>[vector<16xi32>, vector<16xi32>], vector<16xf32>,
      %mul3A_1969 = arith.mulf %gather3A_1967, %gather3A_1968 : vector<16xf32>
      %add3A_1970 = arith.addf %broadcast_in_dim3A_1964, %mul3A_1969 : vector<16xf32>
      %broadcast_in_dim3A_1971 = arith.constant 1 : i32
      %broadcast_in_dim3A_1972 = vector.broadcast %broadcast_in_dim3A_1971 : i32 to vector<16xi32>
      %gather3A_1973 = tpu.vector_load_idx %arg11[%add3A_1962, %broadcast_in_dim3A_1972] : memref<128x16xf32, #tpu.memory_space<vmem>>[vector<16xi32>, vector<16xi32>], vector<16xf32>,
      %gather3A_1974 = tpu.vector_load_idx %arg12[%add3A_1962, %broadcast_in_dim3A_1972] : memref<128x16xf32, #tpu.memory_space<vmem>>[vector<16xi32>, vector<16xi32>], vector<16xf32>,
      %mul3A_1975 = arith.mulf %gather3A_1973, %gather3A_1974 : vector<16xf32>
      %add3A_1976 = arith.addf %add3A_1970, %mul3A_1975 : vector<16xf32>
      %broadcast_in_dim3A_1977 = arith.constant 2 : i32
      %broadcast_in_dim3A_1978 = vector.broadcast %broadcast_in_dim3A_1977 : i32 to vector<16xi32>
      %gather3A_1979 = tpu.vector_load_idx %arg11[%add3A_1962, %broadcast_in_dim3A_1978] : memref<128x16xf32, #tpu.memory_space<vmem>>[vector<16xi32>, vector<16xi32>], vector<16xf32>,
      %gather3A_1980 = tpu.vector_load_idx %arg12[%add3A_1962, %broadcast_in_dim3A_1978] : memref<128x16xf32, #tpu.memory_space<vmem>>[vector<16xi32>, vector<16xi32>], vector<16xf32>,
      %mul3A_1981 = arith.mulf %gather3A_1979, %gather3A_1980 : vector<16xf32>
      %add3A_1982 = arith.addf %add3A_1976, %mul3A_1981 : vector<16xf32>
      %broadcast_in_dim3A_1983 = arith.constant 3 : i32
      %broadcast_in_dim3A_1984 = vector.broadcast %broadcast_in_dim3A_1983 : i32 to vector<16xi32>
      %gather3A_1985 = tpu.vector_load_idx %arg11[%add3A_1962, %broadcast_in_dim3A_1984] : memref<128x16xf32, #tpu.memory_space<vmem>>[vector<16xi32>, vector<16xi32>], vector<16xf32>,
      %gather3A_1986 = tpu.vector_load_idx %arg12[%add3A_1962, %broadcast_in_dim3A_1984] : memref<128x16xf32, #tpu.memory_space<vmem>>[vector<16xi32>, vector<16xi32>], vector<16xf32>,
      %mul3A_1987 = arith.mulf %gather3A_1985, %gather3A_1986 : vector<16xf32>
      %add3A_1988 = arith.addf %add3A_1982, %mul3A_1987 : vector<16xf32>
      %broadcast_in_dim3A_1989 = arith.constant 4 : i32
      %broadcast_in_dim3A_1990 = vector.broadcast %broadcast_in_dim3A_1989 : i32 to vector<16xi32>
      %gather3A_1991 = tpu.vector_load_idx %arg11[%add3A_1962, %broadcast_in_dim3A_1990] : memref<128x16xf32, #tpu.memory_space<vmem>>[vector<16xi32>, vector<16xi32>], vector<16xf32>,
      %gather3A_1992 = tpu.vector_load_idx %arg12[%add3A_1962, %broadcast_in_dim3A_1990] : memref<128x16xf32, #tpu.memory_space<vmem>>[vector<16xi32>, vector<16xi32>], vector<16xf32>,
      %mul3A_1993 = arith.mulf %gather3A_1991, %gather3A_1992 : vector<16xf32>
      %add3A_1994 = arith.addf %add3A_1988, %mul3A_1993 : vector<16xf32>
      %broadcast_in_dim3A_1995 = arith.constant 5 : i32
      %broadcast_in_dim3A_1996 = vector.broadcast %broadcast_in_dim3A_1995 : i32 to vector<16xi32>
      %gather3A_1997 = tpu.vector_load_idx %arg11[%add3A_1962, %broadcast_in_dim3A_1996] : memref<128x16xf32, #tpu.memory_space<vmem>>[vector<16xi32>, vector<16xi32>], vector<16xf32>,
      %gather3A_1998 = tpu.vector_load_idx %arg12[%add3A_1962, %broadcast_in_dim3A_1996] : memref<128x16xf32, #tpu.memory_space<vmem>>[vector<16xi32>, vector<16xi32>], vector<16xf32>,
      %mul3A_1999 = arith.mulf %gather3A_1997, %gather3A_1998 : vector<16xf32>
      %add3A_2000 = arith.addf %add3A_1994, %mul3A_1999 : vector<16xf32>
      %broadcast_in_dim3A_2001 = arith.constant 6 : i32
      %broadcast_in_dim3A_2002 = vector.broadcast %broadcast_in_dim3A_2001 : i32 to vector<16xi32>
      %gather3A_2003 = tpu.vector_load_idx %arg11[%add3A_1962, %broadcast_in_dim3A_2002] : memref<128x16xf32, #tpu.memory_space<vmem>>[vector<16xi32>, vector<16xi32>], vector<16xf32>,
      %gather3A_2004 = tpu.vector_load_idx %arg12[%add3A_1962, %broadcast_in_dim3A_2002] : memref<128x16xf32, #tpu.memory_space<vmem>>[vector<16xi32>, vector<16xi32>], vector<16xf32>,
      %mul3A_2005 = arith.mulf %gather3A_2003, %gather3A_2004 : vector<16xf32>
      %add3A_2006 = arith.addf %add3A_2000, %mul3A_2005 : vector<16xf32>
      %broadcast_in_dim3A_2007 = arith.constant 7 : i32
      %broadcast_in_dim3A_2008 = vector.broadcast %broadcast_in_dim3A_2007 : i32 to vector<16xi32>
      %gather3A_2009 = tpu.vector_load_idx %arg11[%add3A_1962, %broadcast_in_dim3A_2008] : memref<128x16xf32, #tpu.memory_space<vmem>>[vector<16xi32>, vector<16xi32>], vector<16xf32>,
      %gather3A_2010 = tpu.vector_load_idx %arg12[%add3A_1962, %broadcast_in_dim3A_2008] : memref<128x16xf32, #tpu.memory_space<vmem>>[vector<16xi32>, vector<16xi32>], vector<16xf32>,
      %mul3A_2011 = arith.mulf %gather3A_2009, %gather3A_2010 : vector<16xf32>
      %add3A_2012 = arith.addf %add3A_2006, %mul3A_2011 : vector<16xf32>
      %broadcast_in_dim3A_2013 = arith.constant 8 : i32
      %broadcast_in_dim3A_2014 = vector.broadcast %broadcast_in_dim3A_2013 : i32 to vector<16xi32>
      %gather3A_2015 = tpu.vector_load_idx %arg11[%add3A_1962, %broadcast_in_dim3A_2014] : memref<128x16xf32, #tpu.memory_space<vmem>>[vector<16xi32>, vector<16xi32>], vector<16xf32>,
      %gather3A_2016 = tpu.vector_load_idx %arg12[%add3A_1962, %broadcast_in_dim3A_2014] : memref<128x16xf32, #tpu.memory_space<vmem>>[vector<16xi32>, vector<16xi32>], vector<16xf32>,
      %mul3A_2017 = arith.mulf %gather3A_2015, %gather3A_2016 : vector<16xf32>
      %add3A_2018 = arith.addf %add3A_2012, %mul3A_2017 : vector<16xf32>
      %broadcast_in_dim3A_2019 = arith.constant 9 : i32
      %broadcast_in_dim3A_2020 = vector.broadcast %broadcast_in_dim3A_2019 : i32 to vector<16xi32>
      %gather3A_2021 = tpu.vector_load_idx %arg11[%add3A_1962, %broadcast_in_dim3A_2020] : memref<128x16xf32, #tpu.memory_space<vmem>>[vector<16xi32>, vector<16xi32>], vector<16xf32>,
      %gather3A_2022 = tpu.vector_load_idx %arg12[%add3A_1962, %broadcast_in_dim3A_2020] : memref<128x16xf32, #tpu.memory_space<vmem>>[vector<16xi32>, vector<16xi32>], vector<16xf32>,
      %mul3A_2023 = arith.mulf %gather3A_2021, %gather3A_2022 : vector<16xf32>
      %add3A_2024 = arith.addf %add3A_2018, %mul3A_2023 : vector<16xf32>
      %broadcast_in_dim3A_2025 = arith.constant 10 : i32
      %broadcast_in_dim3A_2026 = vector.broadcast %broadcast_in_dim3A_2025 : i32 to vector<16xi32>
      %gather3A_2027 = tpu.vector_load_idx %arg11[%add3A_1962, %broadcast_in_dim3A_2026] : memref<128x16xf32, #tpu.memory_space<vmem>>[vector<16xi32>, vector<16xi32>], vector<16xf32>,
      %gather3A_2028 = tpu.vector_load_idx %arg12[%add3A_1962, %broadcast_in_dim3A_2026] : memref<128x16xf32, #tpu.memory_space<vmem>>[vector<16xi32>, vector<16xi32>], vector<16xf32>,
      %mul3A_2029 = arith.mulf %gather3A_2027, %gather3A_2028 : vector<16xf32>
      %add3A_2030 = arith.addf %add3A_2024, %mul3A_2029 : vector<16xf32>
      %broadcast_in_dim3A_2031 = arith.constant 11 : i32
      %broadcast_in_dim3A_2032 = vector.broadcast %broadcast_in_dim3A_2031 : i32 to vector<16xi32>
      %gather3A_2033 = tpu.vector_load_idx %arg11[%add3A_1962, %broadcast_in_dim3A_2032] : memref<128x16xf32, #tpu.memory_space<vmem>>[vector<16xi32>, vector<16xi32>], vector<16xf32>,
      %gather3A_2034 = tpu.vector_load_idx %arg12[%add3A_1962, %broadcast_in_dim3A_2032] : memref<128x16xf32, #tpu.memory_space<vmem>>[vector<16xi32>, vector<16xi32>], vector<16xf32>,
      %mul3A_2035 = arith.mulf %gather3A_2033, %gather3A_2034 : vector<16xf32>
      %add3A_2036 = arith.addf %add3A_2030, %mul3A_2035 : vector<16xf32>
      %broadcast_in_dim3A_2037 = arith.constant 12 : i32
      %broadcast_in_dim3A_2038 = vector.broadcast %broadcast_in_dim3A_2037 : i32 to vector<16xi32>
      %gather3A_2039 = tpu.vector_load_idx %arg11[%add3A_1962, %broadcast_in_dim3A_2038] : memref<128x16xf32, #tpu.memory_space<vmem>>[vector<16xi32>, vector<16xi32>], vector<16xf32>,
      %gather3A_2040 = tpu.vector_load_idx %arg12[%add3A_1962, %broadcast_in_dim3A_2038] : memref<128x16xf32, #tpu.memory_space<vmem>>[vector<16xi32>, vector<16xi32>], vector<16xf32>,
      %mul3A_2041 = arith.mulf %gather3A_2039, %gather3A_2040 : vector<16xf32>
      %add3A_2042 = arith.addf %add3A_2036, %mul3A_2041 : vector<16xf32>
      %broadcast_in_dim3A_2043 = arith.constant 13 : i32
      %broadcast_in_dim3A_2044 = vector.broadcast %broadcast_in_dim3A_2043 : i32 to vector<16xi32>
      %gather3A_2045 = tpu.vector_load_idx %arg11[%add3A_1962, %broadcast_in_dim3A_2044] : memref<128x16xf32, #tpu.memory_space<vmem>>[vector<16xi32>, vector<16xi32>], vector<16xf32>,
      %gather3A_2046 = tpu.vector_load_idx %arg12[%add3A_1962, %broadcast_in_dim3A_2044] : memref<128x16xf32, #tpu.memory_space<vmem>>[vector<16xi32>, vector<16xi32>], vector<16xf32>,
      %mul3A_2047 = arith.mulf %gather3A_2045, %gather3A_2046 : vector<16xf32>
      %add3A_2048 = arith.addf %add3A_2042, %mul3A_2047 : vector<16xf32>
      %broadcast_in_dim3A_2049 = arith.constant 14 : i32
      %broadcast_in_dim3A_2050 = vector.broadcast %broadcast_in_dim3A_2049 : i32 to vector<16xi32>
      %gather3A_2051 = tpu.vector_load_idx %arg11[%add3A_1962, %broadcast_in_dim3A_2050] : memref<128x16xf32, #tpu.memory_space<vmem>>[vector<16xi32>, vector<16xi32>], vector<16xf32>,
      %gather3A_2052 = tpu.vector_load_idx %arg12[%add3A_1962, %broadcast_in_dim3A_2050] : memref<128x16xf32, #tpu.memory_space<vmem>>[vector<16xi32>, vector<16xi32>], vector<16xf32>,
      %mul3A_2053 = arith.mulf %gather3A_2051, %gather3A_2052 : vector<16xf32>
      %add3A_2054 = arith.addf %add3A_2048, %mul3A_2053 : vector<16xf32>
      %broadcast_in_dim3A_2055 = arith.constant 15 : i32
      %broadcast_in_dim3A_2056 = vector.broadcast %broadcast_in_dim3A_2055 : i32 to vector<16xi32>
      %gather3A_2057 = tpu.vector_load_idx %arg11[%add3A_1962, %broadcast_in_dim3A_2056] : memref<128x16xf32, #tpu.memory_space<vmem>>[vector<16xi32>, vector<16xi32>], vector<16xf32>,
      %gather3A_2058 = tpu.vector_load_idx %arg12[%add3A_1962, %broadcast_in_dim3A_2056] : memref<128x16xf32, #tpu.memory_space<vmem>>[vector<16xi32>, vector<16xi32>], vector<16xf32>,
      %mul3A_2059 = arith.mulf %gather3A_2057, %gather3A_2058 : vector<16xf32>
      %add3A_2060 = arith.addf %add3A_2054, %mul3A_2059 : vector<16xf32>
      %mul3A_2061 = arith.constant 128 : i32
      %mul3A_2062 = arith.muli %add3A_1227, %mul3A_2061 : i32
      %add3A_2063 = arith.addi %mul3A_95, %mul3A_2062 : i32
      %add3A_2064 = arith.constant 96 : i32
      %add3A_2065 = arith.addi %add3A_2063, %add3A_2064 : i32
      %add3A_2066 = vector.broadcast %add3A_2065 : i32 to vector<16xi32>
      %add3A_2067 = arith.addi %add3A_2066, %iota3A : vector<16xi32>
      %lt3A_2068 = arith.constant 160000 : i32
      %lt3A_2069 = vector.broadcast %lt3A_2068 : i32 to vector<16xi32>
      %lt3A_2070 = arith.cmpi slt, %add3A_2067, %lt3A_2069 : vector<16xi32>
      %exp3A_2071 = math.exp %add3A_2060 : vector<16xf32>
      %jit3A_2072 = arith.constant 0.000000e+00 : f32
      %broadcast_in_dim3A_2073 = vector.broadcast %jit3A_2072 : f32 to vector<16xf32>
      %select_n3A_2074 = arith.select %lt3A_2070, %exp3A_2071, %broadcast_in_dim3A_2073 : vector<16xi1>, vector<16xf32>
      %swap3A_2075 = arith.constant 96 : index
      %swap3A_2076 = tpu.vector_load %arg15[%swap3A_2075] {strides = array<i32>} : memref<128xf32, #tpu.memory_space<vmem>>, vector<16xf32>,
      tpu.vector_store %arg15[%swap3A_2075], %select_n3A_2074 {strides = array<i32>} : memref<128xf32, #tpu.memory_space<vmem>>, vector<16xf32>,
      %get3A_2077 = arith.index_cast %add3A_1227 : i32 to index
      %get3A_2078 = arith.constant 96 : index
      %get3A_2079 = tpu.vector_load %arg9[%get3A_2077, %get3A_2078] {strides = array<i32>} : memref<80x128xi32, #tpu.memory_space<vmem>>, vector<16xi32>,
      tpu.vector_store_idx %arg16[%get3A_2079], %select_n3A_2074 {add = true} : memref<10000xf32, #tpu.memory_space<vmem>>[vector<16xi32>], vector<16xf32>,
      %add3A_2080 = arith.constant 112 : i32
      %add3A_2081 = vector.broadcast %add3A_2080 : i32 to vector<16xi32>
      %add3A_2082 = arith.addi %add3A_2081, %iota3A : vector<16xi32>
      %broadcast_in_dim3A_2083 = arith.constant 0.000000e+00 : f32
      %broadcast_in_dim3A_2084 = vector.broadcast %broadcast_in_dim3A_2083 : f32 to vector<16xf32>
      %broadcast_in_dim3A_2085 = arith.constant 0 : i32
      %broadcast_in_dim3A_2086 = vector.broadcast %broadcast_in_dim3A_2085 : i32 to vector<16xi32>
      %gather3A_2087 = tpu.vector_load_idx %arg11[%add3A_2082, %broadcast_in_dim3A_2086] : memref<128x16xf32, #tpu.memory_space<vmem>>[vector<16xi32>, vector<16xi32>], vector<16xf32>,
      %gather3A_2088 = tpu.vector_load_idx %arg12[%add3A_2082, %broadcast_in_dim3A_2086] : memref<128x16xf32, #tpu.memory_space<vmem>>[vector<16xi32>, vector<16xi32>], vector<16xf32>,
      %mul3A_2089 = arith.mulf %gather3A_2087, %gather3A_2088 : vector<16xf32>
      %add3A_2090 = arith.addf %broadcast_in_dim3A_2084, %mul3A_2089 : vector<16xf32>
      %broadcast_in_dim3A_2091 = arith.constant 1 : i32
      %broadcast_in_dim3A_2092 = vector.broadcast %broadcast_in_dim3A_2091 : i32 to vector<16xi32>
      %gather3A_2093 = tpu.vector_load_idx %arg11[%add3A_2082, %broadcast_in_dim3A_2092] : memref<128x16xf32, #tpu.memory_space<vmem>>[vector<16xi32>, vector<16xi32>], vector<16xf32>,
      %gather3A_2094 = tpu.vector_load_idx %arg12[%add3A_2082, %broadcast_in_dim3A_2092] : memref<128x16xf32, #tpu.memory_space<vmem>>[vector<16xi32>, vector<16xi32>], vector<16xf32>,
      %mul3A_2095 = arith.mulf %gather3A_2093, %gather3A_2094 : vector<16xf32>
      %add3A_2096 = arith.addf %add3A_2090, %mul3A_2095 : vector<16xf32>
      %broadcast_in_dim3A_2097 = arith.constant 2 : i32
      %broadcast_in_dim3A_2098 = vector.broadcast %broadcast_in_dim3A_2097 : i32 to vector<16xi32>
      %gather3A_2099 = tpu.vector_load_idx %arg11[%add3A_2082, %broadcast_in_dim3A_2098] : memref<128x16xf32, #tpu.memory_space<vmem>>[vector<16xi32>, vector<16xi32>], vector<16xf32>,
      %gather3A_2100 = tpu.vector_load_idx %arg12[%add3A_2082, %broadcast_in_dim3A_2098] : memref<128x16xf32, #tpu.memory_space<vmem>>[vector<16xi32>, vector<16xi32>], vector<16xf32>,
      %mul3A_2101 = arith.mulf %gather3A_2099, %gather3A_2100 : vector<16xf32>
      %add3A_2102 = arith.addf %add3A_2096, %mul3A_2101 : vector<16xf32>
      %broadcast_in_dim3A_2103 = arith.constant 3 : i32
      %broadcast_in_dim3A_2104 = vector.broadcast %broadcast_in_dim3A_2103 : i32 to vector<16xi32>
      %gather3A_2105 = tpu.vector_load_idx %arg11[%add3A_2082, %broadcast_in_dim3A_2104] : memref<128x16xf32, #tpu.memory_space<vmem>>[vector<16xi32>, vector<16xi32>], vector<16xf32>,
      %gather3A_2106 = tpu.vector_load_idx %arg12[%add3A_2082, %broadcast_in_dim3A_2104] : memref<128x16xf32, #tpu.memory_space<vmem>>[vector<16xi32>, vector<16xi32>], vector<16xf32>,
      %mul3A_2107 = arith.mulf %gather3A_2105, %gather3A_2106 : vector<16xf32>
      %add3A_2108 = arith.addf %add3A_2102, %mul3A_2107 : vector<16xf32>
      %broadcast_in_dim3A_2109 = arith.constant 4 : i32
      %broadcast_in_dim3A_2110 = vector.broadcast %broadcast_in_dim3A_2109 : i32 to vector<16xi32>
      %gather3A_2111 = tpu.vector_load_idx %arg11[%add3A_2082, %broadcast_in_dim3A_2110] : memref<128x16xf32, #tpu.memory_space<vmem>>[vector<16xi32>, vector<16xi32>], vector<16xf32>,
      %gather3A_2112 = tpu.vector_load_idx %arg12[%add3A_2082, %broadcast_in_dim3A_2110] : memref<128x16xf32, #tpu.memory_space<vmem>>[vector<16xi32>, vector<16xi32>], vector<16xf32>,
      %mul3A_2113 = arith.mulf %gather3A_2111, %gather3A_2112 : vector<16xf32>
      %add3A_2114 = arith.addf %add3A_2108, %mul3A_2113 : vector<16xf32>
      %broadcast_in_dim3A_2115 = arith.constant 5 : i32
      %broadcast_in_dim3A_2116 = vector.broadcast %broadcast_in_dim3A_2115 : i32 to vector<16xi32>
      %gather3A_2117 = tpu.vector_load_idx %arg11[%add3A_2082, %broadcast_in_dim3A_2116] : memref<128x16xf32, #tpu.memory_space<vmem>>[vector<16xi32>, vector<16xi32>], vector<16xf32>,
      %gather3A_2118 = tpu.vector_load_idx %arg12[%add3A_2082, %broadcast_in_dim3A_2116] : memref<128x16xf32, #tpu.memory_space<vmem>>[vector<16xi32>, vector<16xi32>], vector<16xf32>,
      %mul3A_2119 = arith.mulf %gather3A_2117, %gather3A_2118 : vector<16xf32>
      %add3A_2120 = arith.addf %add3A_2114, %mul3A_2119 : vector<16xf32>
      %broadcast_in_dim3A_2121 = arith.constant 6 : i32
      %broadcast_in_dim3A_2122 = vector.broadcast %broadcast_in_dim3A_2121 : i32 to vector<16xi32>
      %gather3A_2123 = tpu.vector_load_idx %arg11[%add3A_2082, %broadcast_in_dim3A_2122] : memref<128x16xf32, #tpu.memory_space<vmem>>[vector<16xi32>, vector<16xi32>], vector<16xf32>,
      %gather3A_2124 = tpu.vector_load_idx %arg12[%add3A_2082, %broadcast_in_dim3A_2122] : memref<128x16xf32, #tpu.memory_space<vmem>>[vector<16xi32>, vector<16xi32>], vector<16xf32>,
      %mul3A_2125 = arith.mulf %gather3A_2123, %gather3A_2124 : vector<16xf32>
      %add3A_2126 = arith.addf %add3A_2120, %mul3A_2125 : vector<16xf32>
      %broadcast_in_dim3A_2127 = arith.constant 7 : i32
      %broadcast_in_dim3A_2128 = vector.broadcast %broadcast_in_dim3A_2127 : i32 to vector<16xi32>
      %gather3A_2129 = tpu.vector_load_idx %arg11[%add3A_2082, %broadcast_in_dim3A_2128] : memref<128x16xf32, #tpu.memory_space<vmem>>[vector<16xi32>, vector<16xi32>], vector<16xf32>,
      %gather3A_2130 = tpu.vector_load_idx %arg12[%add3A_2082, %broadcast_in_dim3A_2128] : memref<128x16xf32, #tpu.memory_space<vmem>>[vector<16xi32>, vector<16xi32>], vector<16xf32>,
      %mul3A_2131 = arith.mulf %gather3A_2129, %gather3A_2130 : vector<16xf32>
      %add3A_2132 = arith.addf %add3A_2126, %mul3A_2131 : vector<16xf32>
      %broadcast_in_dim3A_2133 = arith.constant 8 : i32
      %broadcast_in_dim3A_2134 = vector.broadcast %broadcast_in_dim3A_2133 : i32 to vector<16xi32>
      %gather3A_2135 = tpu.vector_load_idx %arg11[%add3A_2082, %broadcast_in_dim3A_2134] : memref<128x16xf32, #tpu.memory_space<vmem>>[vector<16xi32>, vector<16xi32>], vector<16xf32>,
      %gather3A_2136 = tpu.vector_load_idx %arg12[%add3A_2082, %broadcast_in_dim3A_2134] : memref<128x16xf32, #tpu.memory_space<vmem>>[vector<16xi32>, vector<16xi32>], vector<16xf32>,
      %mul3A_2137 = arith.mulf %gather3A_2135, %gather3A_2136 : vector<16xf32>
      %add3A_2138 = arith.addf %add3A_2132, %mul3A_2137 : vector<16xf32>
      %broadcast_in_dim3A_2139 = arith.constant 9 : i32
      %broadcast_in_dim3A_2140 = vector.broadcast %broadcast_in_dim3A_2139 : i32 to vector<16xi32>
      %gather3A_2141 = tpu.vector_load_idx %arg11[%add3A_2082, %broadcast_in_dim3A_2140] : memref<128x16xf32, #tpu.memory_space<vmem>>[vector<16xi32>, vector<16xi32>], vector<16xf32>,
      %gather3A_2142 = tpu.vector_load_idx %arg12[%add3A_2082, %broadcast_in_dim3A_2140] : memref<128x16xf32, #tpu.memory_space<vmem>>[vector<16xi32>, vector<16xi32>], vector<16xf32>,
      %mul3A_2143 = arith.mulf %gather3A_2141, %gather3A_2142 : vector<16xf32>
      %add3A_2144 = arith.addf %add3A_2138, %mul3A_2143 : vector<16xf32>
      %broadcast_in_dim3A_2145 = arith.constant 10 : i32
      %broadcast_in_dim3A_2146 = vector.broadcast %broadcast_in_dim3A_2145 : i32 to vector<16xi32>
      %gather3A_2147 = tpu.vector_load_idx %arg11[%add3A_2082, %broadcast_in_dim3A_2146] : memref<128x16xf32, #tpu.memory_space<vmem>>[vector<16xi32>, vector<16xi32>], vector<16xf32>,
      %gather3A_2148 = tpu.vector_load_idx %arg12[%add3A_2082, %broadcast_in_dim3A_2146] : memref<128x16xf32, #tpu.memory_space<vmem>>[vector<16xi32>, vector<16xi32>], vector<16xf32>,
      %mul3A_2149 = arith.mulf %gather3A_2147, %gather3A_2148 : vector<16xf32>
      %add3A_2150 = arith.addf %add3A_2144, %mul3A_2149 : vector<16xf32>
      %broadcast_in_dim3A_2151 = arith.constant 11 : i32
      %broadcast_in_dim3A_2152 = vector.broadcast %broadcast_in_dim3A_2151 : i32 to vector<16xi32>
      %gather3A_2153 = tpu.vector_load_idx %arg11[%add3A_2082, %broadcast_in_dim3A_2152] : memref<128x16xf32, #tpu.memory_space<vmem>>[vector<16xi32>, vector<16xi32>], vector<16xf32>,
      %gather3A_2154 = tpu.vector_load_idx %arg12[%add3A_2082, %broadcast_in_dim3A_2152] : memref<128x16xf32, #tpu.memory_space<vmem>>[vector<16xi32>, vector<16xi32>], vector<16xf32>,
      %mul3A_2155 = arith.mulf %gather3A_2153, %gather3A_2154 : vector<16xf32>
      %add3A_2156 = arith.addf %add3A_2150, %mul3A_2155 : vector<16xf32>
      %broadcast_in_dim3A_2157 = arith.constant 12 : i32
      %broadcast_in_dim3A_2158 = vector.broadcast %broadcast_in_dim3A_2157 : i32 to vector<16xi32>
      %gather3A_2159 = tpu.vector_load_idx %arg11[%add3A_2082, %broadcast_in_dim3A_2158] : memref<128x16xf32, #tpu.memory_space<vmem>>[vector<16xi32>, vector<16xi32>], vector<16xf32>,
      %gather3A_2160 = tpu.vector_load_idx %arg12[%add3A_2082, %broadcast_in_dim3A_2158] : memref<128x16xf32, #tpu.memory_space<vmem>>[vector<16xi32>, vector<16xi32>], vector<16xf32>,
      %mul3A_2161 = arith.mulf %gather3A_2159, %gather3A_2160 : vector<16xf32>
      %add3A_2162 = arith.addf %add3A_2156, %mul3A_2161 : vector<16xf32>
      %broadcast_in_dim3A_2163 = arith.constant 13 : i32
      %broadcast_in_dim3A_2164 = vector.broadcast %broadcast_in_dim3A_2163 : i32 to vector<16xi32>
      %gather3A_2165 = tpu.vector_load_idx %arg11[%add3A_2082, %broadcast_in_dim3A_2164] : memref<128x16xf32, #tpu.memory_space<vmem>>[vector<16xi32>, vector<16xi32>], vector<16xf32>,
      %gather3A_2166 = tpu.vector_load_idx %arg12[%add3A_2082, %broadcast_in_dim3A_2164] : memref<128x16xf32, #tpu.memory_space<vmem>>[vector<16xi32>, vector<16xi32>], vector<16xf32>,
      %mul3A_2167 = arith.mulf %gather3A_2165, %gather3A_2166 : vector<16xf32>
      %add3A_2168 = arith.addf %add3A_2162, %mul3A_2167 : vector<16xf32>
      %broadcast_in_dim3A_2169 = arith.constant 14 : i32
      %broadcast_in_dim3A_2170 = vector.broadcast %broadcast_in_dim3A_2169 : i32 to vector<16xi32>
      %gather3A_2171 = tpu.vector_load_idx %arg11[%add3A_2082, %broadcast_in_dim3A_2170] : memref<128x16xf32, #tpu.memory_space<vmem>>[vector<16xi32>, vector<16xi32>], vector<16xf32>,
      %gather3A_2172 = tpu.vector_load_idx %arg12[%add3A_2082, %broadcast_in_dim3A_2170] : memref<128x16xf32, #tpu.memory_space<vmem>>[vector<16xi32>, vector<16xi32>], vector<16xf32>,
      %mul3A_2173 = arith.mulf %gather3A_2171, %gather3A_2172 : vector<16xf32>
      %add3A_2174 = arith.addf %add3A_2168, %mul3A_2173 : vector<16xf32>
      %broadcast_in_dim3A_2175 = arith.constant 15 : i32
      %broadcast_in_dim3A_2176 = vector.broadcast %broadcast_in_dim3A_2175 : i32 to vector<16xi32>
      %gather3A_2177 = tpu.vector_load_idx %arg11[%add3A_2082, %broadcast_in_dim3A_2176] : memref<128x16xf32, #tpu.memory_space<vmem>>[vector<16xi32>, vector<16xi32>], vector<16xf32>,
      %gather3A_2178 = tpu.vector_load_idx %arg12[%add3A_2082, %broadcast_in_dim3A_2176] : memref<128x16xf32, #tpu.memory_space<vmem>>[vector<16xi32>, vector<16xi32>], vector<16xf32>,
      %mul3A_2179 = arith.mulf %gather3A_2177, %gather3A_2178 : vector<16xf32>
      %add3A_2180 = arith.addf %add3A_2174, %mul3A_2179 : vector<16xf32>
      %mul3A_2181 = arith.constant 128 : i32
      %mul3A_2182 = arith.muli %add3A_1227, %mul3A_2181 : i32
      %add3A_2183 = arith.addi %mul3A_95, %mul3A_2182 : i32
      %add3A_2184 = arith.constant 112 : i32
      %add3A_2185 = arith.addi %add3A_2183, %add3A_2184 : i32
      %add3A_2186 = vector.broadcast %add3A_2185 : i32 to vector<16xi32>
      %add3A_2187 = arith.addi %add3A_2186, %iota3A : vector<16xi32>
      %lt3A_2188 = arith.constant 160000 : i32
      %lt3A_2189 = vector.broadcast %lt3A_2188 : i32 to vector<16xi32>
      %lt3A_2190 = arith.cmpi slt, %add3A_2187, %lt3A_2189 : vector<16xi32>
      %exp3A_2191 = math.exp %add3A_2180 : vector<16xf32>
      %jit3A_2192 = arith.constant 0.000000e+00 : f32
      %broadcast_in_dim3A_2193 = vector.broadcast %jit3A_2192 : f32 to vector<16xf32>
      %select_n3A_2194 = arith.select %lt3A_2190, %exp3A_2191, %broadcast_in_dim3A_2193 : vector<16xi1>, vector<16xf32>
      %swap3A_2195 = arith.constant 112 : index
      %swap3A_2196 = tpu.vector_load %arg15[%swap3A_2195] {strides = array<i32>} : memref<128xf32, #tpu.memory_space<vmem>>, vector<16xf32>,
      tpu.vector_store %arg15[%swap3A_2195], %select_n3A_2194 {strides = array<i32>} : memref<128xf32, #tpu.memory_space<vmem>>, vector<16xf32>,
      %get3A_2197 = arith.index_cast %add3A_1227 : i32 to index
      %get3A_2198 = arith.constant 112 : index
      %get3A_2199 = tpu.vector_load %arg9[%get3A_2197, %get3A_2198] {strides = array<i32>} : memref<80x128xi32, #tpu.memory_space<vmem>>, vector<16xi32>,
      tpu.vector_store_idx %arg16[%get3A_2199], %select_n3A_2194 {add = true} : memref<10000xf32, #tpu.memory_space<vmem>>[vector<16xi32>], vector<16xf32>,
      %add3A_2200 = arith.constant 1 : i32
      %add3A_2201 = arith.addi %add3A_1227, %add3A_2200 : i32
      %lt3A_2202 = arith.constant 80 : i32
      %lt3A_2203 = arith.cmpi slt, %add3A_2201, %lt3A_2202 : i32
      %convert_element_type3A_2204 = arith.extui %lt3A_2203 : i1 to i32
      %cond3A_2205 = arith.constant 0 : i32
      %cond3A_2206 = arith.cmpi ne, %convert_element_type3A_2204, %cond3A_2205 : i32
      scf.if %cond3A_2206 {
        %add3A_2239 = arith.constant 1 : i32
        %add3A_2240 = arith.addi %add3A_1227, %add3A_2239 : i32
        %dma_start3A_2241 = arith.constant 0 : i32
        %dma_start3A_2242 = tpu.memref_slice %arg9[%add3A_2240, %dma_start3A_2241] : memref<80x128xi32, #tpu.memory_space<vmem>> -> memref<1x128xi32, #tpu.memory_space<vmem>>
        %dma_start3A_2243 = tpu.memref_squeeze %dma_start3A_2242 : memref<1x128xi32, #tpu.memory_space<vmem>> -> memref<128xi32, #tpu.memory_space<vmem>>
        %dma_start3A_2244 = arith.constant 0 : i32
        %dma_start3A_2245 = arith.constant 0 : i32
        %dma_start3A_2246 = tpu.memref_slice %arg2[%dma_start3A_2244, %dma_start3A_2245] : memref<10000x16xf32, #tpu.memory_space<hbm>> -> memref<10000x16xf32, #tpu.memory_space<hbm>>
        tpu.enqueue_indirect_dma source(%dma_start3A_2246 : memref<10000x16xf32, #tpu.memory_space<hbm>>) target(%arg11 : memref<128x16xf32, #tpu.memory_space<vmem>>) offsets(%dma_start3A_2243 : memref<128xi32, #tpu.memory_space<vmem>>) semaphore(%arg19 : memref<!tpu.dma_semaphore, #tpu.memory_space<semaphore_mem>>)
        %dma_start3A_2247 = arith.constant 0 : i32
        %dma_start3A_2248 = tpu.memref_slice %arg10[%add3A_2240, %dma_start3A_2247] : memref<80x128xi32, #tpu.memory_space<vmem>> -> memref<1x128xi32, #tpu.memory_space<vmem>>
        %dma_start3A_2249 = tpu.memref_squeeze %dma_start3A_2248 : memref<1x128xi32, #tpu.memory_space<vmem>> -> memref<128xi32, #tpu.memory_space<vmem>>
        %dma_start3A_2250 = arith.constant 0 : i32
        %dma_start3A_2251 = arith.constant 0 : i32
        %dma_start3A_2252 = tpu.memref_slice %arg2[%dma_start3A_2250, %dma_start3A_2251] : memref<10000x16xf32, #tpu.memory_space<hbm>> -> memref<10000x16xf32, #tpu.memory_space<hbm>>
        tpu.enqueue_indirect_dma source(%dma_start3A_2252 : memref<10000x16xf32, #tpu.memory_space<hbm>>) target(%arg12 : memref<128x16xf32, #tpu.memory_space<vmem>>) offsets(%dma_start3A_2249 : memref<128xi32, #tpu.memory_space<vmem>>) semaphore(%arg20 : memref<!tpu.dma_semaphore, #tpu.memory_space<semaphore_mem>>)
      } else {
      }
      %ge3A_2207 = arith.constant 1 : i32
      %ge3A_2208 = arith.cmpi sge, %add3A_1227, %ge3A_2207 : i32
      %convert_element_type3A_2209 = arith.extui %ge3A_2208 : i1 to i32
      %cond3A_2210 = arith.constant 0 : i32
      %cond3A_2211 = arith.cmpi ne, %convert_element_type3A_2209, %cond3A_2210 : i32
      scf.if %cond3A_2211 {
        %dma_wait3A_2239 = arith.constant 0 : i32
        %dma_wait3A_2240 = tpu.memref_slice %arg9[%add3A_1227, %dma_wait3A_2239] : memref<80x128xi32, #tpu.memory_space<vmem>> -> memref<1x128xi32, #tpu.memory_space<vmem>>
        %dma_wait3A_2241 = tpu.memref_squeeze %dma_wait3A_2240 : memref<1x128xi32, #tpu.memory_space<vmem>> -> memref<128xi32, #tpu.memory_space<vmem>>
        %dma_wait3A_2242 = arith.constant 0 : i32
        %dma_wait3A_2243 = arith.constant 0 : i32
        %dma_wait3A_2244 = tpu.memref_slice %arg18[%dma_wait3A_2242, %dma_wait3A_2243] : memref<10000x64xf32, #tpu.memory_space<vmem_shared>> -> memref<10000x64xf32, #tpu.memory_space<vmem_shared>>
        tpu.wait_indirect_dma semaphore(%arg23 : memref<!tpu.dma_semaphore, #tpu.memory_space<semaphore_mem>>) src(%arg13 : memref<128x64xf32, #tpu.memory_space<vmem>>) dst(%dma_wait3A_2244 : memref<10000x64xf32, #tpu.memory_space<vmem_shared>>)
      } else {
      }
      %add3A_2212 = arith.constant 1 : i32
      %add3A_2213 = arith.addi %add3A_1227, %add3A_2212 : i32
      %lt3A_2214 = arith.constant 80 : i32
      %lt3A_2215 = arith.cmpi slt, %add3A_2213, %lt3A_2214 : i32
      %convert_element_type3A_2216 = arith.extui %lt3A_2215 : i1 to i32
      %cond3A_2217 = arith.constant 0 : i32
      %cond3A_2218 = arith.cmpi ne, %convert_element_type3A_2216, %cond3A_2217 : i32
      scf.if %cond3A_2218 {
        %add3A_2239 = arith.constant 1 : i32
        %add3A_2240 = arith.addi %add3A_1227, %add3A_2239 : i32
        %eq3A_2241 = arith.constant 0 : i32
        %eq3A_2242 = arith.cmpi eq, %arg0, %eq3A_2241 : i32
        %convert_element_type3A_2243 = arith.extui %eq3A_2242 : i1 to i32
        %cond3A_2244 = arith.constant 0 : i32
        %cond3A_2245 = arith.cmpi ne, %convert_element_type3A_2243, %cond3A_2244 : i32
        scf.if %cond3A_2245 {
          %dma_start3A_2251 = arith.constant 0 : i32
          %dma_start3A_2252 = tpu.memref_slice %arg10[%add3A_2240, %dma_start3A_2251] : memref<80x128xi32, #tpu.memory_space<vmem>> -> memref<1x128xi32, #tpu.memory_space<vmem>>
          %dma_start3A_2253 = tpu.memref_squeeze %dma_start3A_2252 : memref<1x128xi32, #tpu.memory_space<vmem>> -> memref<128xi32, #tpu.memory_space<vmem>>
          %dma_start3A_2254 = arith.constant 0 : i32
          %dma_start3A_2255 = arith.constant 0 : i32
          %dma_start3A_2256 = tpu.memref_slice %arg3[%dma_start3A_2254, %dma_start3A_2255] : memref<10000x64xf32, #tpu.memory_space<hbm>> -> memref<10000x64xf32, #tpu.memory_space<hbm>>
          tpu.enqueue_indirect_dma source(%dma_start3A_2256 : memref<10000x64xf32, #tpu.memory_space<hbm>>) target(%arg13 : memref<128x64xf32, #tpu.memory_space<vmem>>) offsets(%dma_start3A_2253 : memref<128xi32, #tpu.memory_space<vmem>>) semaphore(%arg21 : memref<!tpu.dma_semaphore, #tpu.memory_space<semaphore_mem>>)
        } else {
        }
        %eq3A_2246 = arith.constant 1 : i32
        %eq3A_2247 = arith.cmpi eq, %arg0, %eq3A_2246 : i32
        %convert_element_type3A_2248 = arith.extui %eq3A_2247 : i1 to i32
        %cond3A_2249 = arith.constant 0 : i32
        %cond3A_2250 = arith.cmpi ne, %convert_element_type3A_2248, %cond3A_2249 : i32
        scf.if %cond3A_2250 {
          %dma_start3A_2251 = arith.constant 0 : i32
          %dma_start3A_2252 = tpu.memref_slice %arg10[%add3A_2240, %dma_start3A_2251] : memref<80x128xi32, #tpu.memory_space<vmem>> -> memref<1x128xi32, #tpu.memory_space<vmem>>
          %dma_start3A_2253 = tpu.memref_squeeze %dma_start3A_2252 : memref<1x128xi32, #tpu.memory_space<vmem>> -> memref<128xi32, #tpu.memory_space<vmem>>
          %dma_start3A_2254 = arith.constant 0 : i32
          %dma_start3A_2255 = arith.constant 0 : i32
          %dma_start3A_2256 = tpu.memref_slice %arg4[%dma_start3A_2254, %dma_start3A_2255] : memref<10000x64xf32, #tpu.memory_space<hbm>> -> memref<10000x64xf32, #tpu.memory_space<hbm>>
          tpu.enqueue_indirect_dma source(%dma_start3A_2256 : memref<10000x64xf32, #tpu.memory_space<hbm>>) target(%arg13 : memref<128x64xf32, #tpu.memory_space<vmem>>) offsets(%dma_start3A_2253 : memref<128xi32, #tpu.memory_space<vmem>>) semaphore(%arg21 : memref<!tpu.dma_semaphore, #tpu.memory_space<semaphore_mem>>)
        } else {
        }
      } else {
      }
      %dma_wait3A_2219 = arith.constant 0 : i32
      %dma_wait3A_2220 = tpu.memref_slice %arg10[%add3A_1227, %dma_wait3A_2219] : memref<80x128xi32, #tpu.memory_space<vmem>> -> memref<1x128xi32, #tpu.memory_space<vmem>>
      %dma_wait3A_2221 = tpu.memref_squeeze %dma_wait3A_2220 : memref<1x128xi32, #tpu.memory_space<vmem>> -> memref<128xi32, #tpu.memory_space<vmem>>
      %dma_wait3A_2222 = arith.constant 0 : i32
      %dma_wait3A_2223 = arith.constant 0 : i32
      %dma_wait3A_2224 = tpu.memref_slice %arg3[%dma_wait3A_2222, %dma_wait3A_2223] : memref<10000x64xf32, #tpu.memory_space<hbm>> -> memref<10000x64xf32, #tpu.memory_space<hbm>>
      tpu.wait_indirect_dma semaphore(%arg22 : memref<!tpu.dma_semaphore, #tpu.memory_space<semaphore_mem>>) src(%dma_wait3A_2224 : memref<10000x64xf32, #tpu.memory_space<hbm>>) dst(%arg14 : memref<128x64xf32, #tpu.memory_space<vmem>>)
      %scan3A_2225 = arith.constant 0 : i32
      %scan3A_2226 = arith.constant 0 : i32
      %scan3A_2227 = arith.constant 128 : i32
      %scan3A_2228 = arith.addi %scan3A_2226, %scan3A_2227 : i32
      %scan3A_2229 = arith.constant 4 : i32
      %scan3A_2230 = scf.for %scan3A_2239 = %scan3A_2226 to %scan3A_2228 step %scan3A_2229 iter_args(%scan3A_2240 = %scan3A_2225) -> (i32)  : i32 {
        %broadcast_in_dim3A_2241 = vector.broadcast %scan3A_2239 : i32 to vector<16xi32>
        %gather3A_2242 = tpu.vector_load_idx %arg15[%broadcast_in_dim3A_2241] : memref<128xf32, #tpu.memory_space<vmem>>[vector<16xi32>], vector<16xf32>,
        %get3A_2243 = arith.index_cast %scan3A_2239 : i32 to index
        %get3A_2244 = arith.constant 0 : index
        %get3A_2245 = tpu.vector_load %arg14[%get3A_2243, %get3A_2244] {strides = array<i32>} : memref<128x64xf32, #tpu.memory_space<vmem>>, vector<16xf32>,
        %mul3A_2246 = arith.mulf %get3A_2245, %gather3A_2242 : vector<16xf32>
        %swap3A_2247 = arith.index_cast %scan3A_2239 : i32 to index
        %swap3A_2248 = arith.constant 0 : index
        %swap3A_2249 = tpu.vector_load %arg14[%swap3A_2247, %swap3A_2248] {strides = array<i32>} : memref<128x64xf32, #tpu.memory_space<vmem>>, vector<16xf32>,
        tpu.vector_store %arg14[%swap3A_2247, %swap3A_2248], %mul3A_2246 {strides = array<i32>} : memref<128x64xf32, #tpu.memory_space<vmem>>, vector<16xf32>,
        %get3A_2250 = arith.index_cast %scan3A_2239 : i32 to index
        %get3A_2251 = arith.constant 16 : index
        %get3A_2252 = tpu.vector_load %arg14[%get3A_2250, %get3A_2251] {strides = array<i32>} : memref<128x64xf32, #tpu.memory_space<vmem>>, vector<16xf32>,
        %mul3A_2253 = arith.mulf %get3A_2252, %gather3A_2242 : vector<16xf32>
        %swap3A_2254 = arith.index_cast %scan3A_2239 : i32 to index
        %swap3A_2255 = arith.constant 16 : index
        %swap3A_2256 = tpu.vector_load %arg14[%swap3A_2254, %swap3A_2255] {strides = array<i32>} : memref<128x64xf32, #tpu.memory_space<vmem>>, vector<16xf32>,
        tpu.vector_store %arg14[%swap3A_2254, %swap3A_2255], %mul3A_2253 {strides = array<i32>} : memref<128x64xf32, #tpu.memory_space<vmem>>, vector<16xf32>,
        %get3A_2257 = arith.index_cast %scan3A_2239 : i32 to index
        %get3A_2258 = arith.constant 32 : index
        %get3A_2259 = tpu.vector_load %arg14[%get3A_2257, %get3A_2258] {strides = array<i32>} : memref<128x64xf32, #tpu.memory_space<vmem>>, vector<16xf32>,
        %mul3A_2260 = arith.mulf %get3A_2259, %gather3A_2242 : vector<16xf32>
        %swap3A_2261 = arith.index_cast %scan3A_2239 : i32 to index
        %swap3A_2262 = arith.constant 32 : index
        %swap3A_2263 = tpu.vector_load %arg14[%swap3A_2261, %swap3A_2262] {strides = array<i32>} : memref<128x64xf32, #tpu.memory_space<vmem>>, vector<16xf32>,
        tpu.vector_store %arg14[%swap3A_2261, %swap3A_2262], %mul3A_2260 {strides = array<i32>} : memref<128x64xf32, #tpu.memory_space<vmem>>, vector<16xf32>,
        %get3A_2264 = arith.index_cast %scan3A_2239 : i32 to index
        %get3A_2265 = arith.constant 48 : index
        %get3A_2266 = tpu.vector_load %arg14[%get3A_2264, %get3A_2265] {strides = array<i32>} : memref<128x64xf32, #tpu.memory_space<vmem>>, vector<16xf32>,
        %mul3A_2267 = arith.mulf %get3A_2266, %gather3A_2242 : vector<16xf32>
        %swap3A_2268 = arith.index_cast %scan3A_2239 : i32 to index
        %swap3A_2269 = arith.constant 48 : index
        %swap3A_2270 = tpu.vector_load %arg14[%swap3A_2268, %swap3A_2269] {strides = array<i32>} : memref<128x64xf32, #tpu.memory_space<vmem>>, vector<16xf32>,
        tpu.vector_store %arg14[%swap3A_2268, %swap3A_2269], %mul3A_2267 {strides = array<i32>} : memref<128x64xf32, #tpu.memory_space<vmem>>, vector<16xf32>,
        %scan3A_2271 = arith.constant 0 : i32
        %scan3A_2272 = arith.constant 1 : i32
        %scan3A_2273 = arith.addi %scan3A_2239, %scan3A_2272 : i32
        %broadcast_in_dim3A_2274 = vector.broadcast %scan3A_2273 : i32 to vector<16xi32>
        %gather3A_2275 = tpu.vector_load_idx %arg15[%broadcast_in_dim3A_2274] : memref<128xf32, #tpu.memory_space<vmem>>[vector<16xi32>], vector<16xf32>,
        %get3A_2276 = arith.index_cast %scan3A_2273 : i32 to index
        %get3A_2277 = arith.constant 0 : index
        %get3A_2278 = tpu.vector_load %arg14[%get3A_2276, %get3A_2277] {strides = array<i32>} : memref<128x64xf32, #tpu.memory_space<vmem>>, vector<16xf32>,
        %mul3A_2279 = arith.mulf %get3A_2278, %gather3A_2275 : vector<16xf32>
        %swap3A_2280 = arith.index_cast %scan3A_2273 : i32 to index
        %swap3A_2281 = arith.constant 0 : index
        %swap3A_2282 = tpu.vector_load %arg14[%swap3A_2280, %swap3A_2281] {strides = array<i32>} : memref<128x64xf32, #tpu.memory_space<vmem>>, vector<16xf32>,
        tpu.vector_store %arg14[%swap3A_2280, %swap3A_2281], %mul3A_2279 {strides = array<i32>} : memref<128x64xf32, #tpu.memory_space<vmem>>, vector<16xf32>,
        %get3A_2283 = arith.index_cast %scan3A_2273 : i32 to index
        %get3A_2284 = arith.constant 16 : index
        %get3A_2285 = tpu.vector_load %arg14[%get3A_2283, %get3A_2284] {strides = array<i32>} : memref<128x64xf32, #tpu.memory_space<vmem>>, vector<16xf32>,
        %mul3A_2286 = arith.mulf %get3A_2285, %gather3A_2275 : vector<16xf32>
        %swap3A_2287 = arith.index_cast %scan3A_2273 : i32 to index
        %swap3A_2288 = arith.constant 16 : index
        %swap3A_2289 = tpu.vector_load %arg14[%swap3A_2287, %swap3A_2288] {strides = array<i32>} : memref<128x64xf32, #tpu.memory_space<vmem>>, vector<16xf32>,
        tpu.vector_store %arg14[%swap3A_2287, %swap3A_2288], %mul3A_2286 {strides = array<i32>} : memref<128x64xf32, #tpu.memory_space<vmem>>, vector<16xf32>,
        %get3A_2290 = arith.index_cast %scan3A_2273 : i32 to index
        %get3A_2291 = arith.constant 32 : index
        %get3A_2292 = tpu.vector_load %arg14[%get3A_2290, %get3A_2291] {strides = array<i32>} : memref<128x64xf32, #tpu.memory_space<vmem>>, vector<16xf32>,
        %mul3A_2293 = arith.mulf %get3A_2292, %gather3A_2275 : vector<16xf32>
        %swap3A_2294 = arith.index_cast %scan3A_2273 : i32 to index
        %swap3A_2295 = arith.constant 32 : index
        %swap3A_2296 = tpu.vector_load %arg14[%swap3A_2294, %swap3A_2295] {strides = array<i32>} : memref<128x64xf32, #tpu.memory_space<vmem>>, vector<16xf32>,
        tpu.vector_store %arg14[%swap3A_2294, %swap3A_2295], %mul3A_2293 {strides = array<i32>} : memref<128x64xf32, #tpu.memory_space<vmem>>, vector<16xf32>,
        %get3A_2297 = arith.index_cast %scan3A_2273 : i32 to index
        %get3A_2298 = arith.constant 48 : index
        %get3A_2299 = tpu.vector_load %arg14[%get3A_2297, %get3A_2298] {strides = array<i32>} : memref<128x64xf32, #tpu.memory_space<vmem>>, vector<16xf32>,
        %mul3A_2300 = arith.mulf %get3A_2299, %gather3A_2275 : vector<16xf32>
        %swap3A_2301 = arith.index_cast %scan3A_2273 : i32 to index
        %swap3A_2302 = arith.constant 48 : index
        %swap3A_2303 = tpu.vector_load %arg14[%swap3A_2301, %swap3A_2302] {strides = array<i32>} : memref<128x64xf32, #tpu.memory_space<vmem>>, vector<16xf32>,
        tpu.vector_store %arg14[%swap3A_2301, %swap3A_2302], %mul3A_2300 {strides = array<i32>} : memref<128x64xf32, #tpu.memory_space<vmem>>, vector<16xf32>,
        %scan3A_2304 = arith.constant 0 : i32
        %scan3A_2305 = arith.constant 2 : i32
        %scan3A_2306 = arith.addi %scan3A_2239, %scan3A_2305 : i32
        %broadcast_in_dim3A_2307 = vector.broadcast %scan3A_2306 : i32 to vector<16xi32>
        %gather3A_2308 = tpu.vector_load_idx %arg15[%broadcast_in_dim3A_2307] : memref<128xf32, #tpu.memory_space<vmem>>[vector<16xi32>], vector<16xf32>,
        %get3A_2309 = arith.index_cast %scan3A_2306 : i32 to index
        %get3A_2310 = arith.constant 0 : index
        %get3A_2311 = tpu.vector_load %arg14[%get3A_2309, %get3A_2310] {strides = array<i32>} : memref<128x64xf32, #tpu.memory_space<vmem>>, vector<16xf32>,
        %mul3A_2312 = arith.mulf %get3A_2311, %gather3A_2308 : vector<16xf32>
        %swap3A_2313 = arith.index_cast %scan3A_2306 : i32 to index
        %swap3A_2314 = arith.constant 0 : index
        %swap3A_2315 = tpu.vector_load %arg14[%swap3A_2313, %swap3A_2314] {strides = array<i32>} : memref<128x64xf32, #tpu.memory_space<vmem>>, vector<16xf32>,
        tpu.vector_store %arg14[%swap3A_2313, %swap3A_2314], %mul3A_2312 {strides = array<i32>} : memref<128x64xf32, #tpu.memory_space<vmem>>, vector<16xf32>,
        %get3A_2316 = arith.index_cast %scan3A_2306 : i32 to index
        %get3A_2317 = arith.constant 16 : index
        %get3A_2318 = tpu.vector_load %arg14[%get3A_2316, %get3A_2317] {strides = array<i32>} : memref<128x64xf32, #tpu.memory_space<vmem>>, vector<16xf32>,
        %mul3A_2319 = arith.mulf %get3A_2318, %gather3A_2308 : vector<16xf32>
        %swap3A_2320 = arith.index_cast %scan3A_2306 : i32 to index
        %swap3A_2321 = arith.constant 16 : index
        %swap3A_2322 = tpu.vector_load %arg14[%swap3A_2320, %swap3A_2321] {strides = array<i32>} : memref<128x64xf32, #tpu.memory_space<vmem>>, vector<16xf32>,
        tpu.vector_store %arg14[%swap3A_2320, %swap3A_2321], %mul3A_2319 {strides = array<i32>} : memref<128x64xf32, #tpu.memory_space<vmem>>, vector<16xf32>,
        %get3A_2323 = arith.index_cast %scan3A_2306 : i32 to index
        %get3A_2324 = arith.constant 32 : index
        %get3A_2325 = tpu.vector_load %arg14[%get3A_2323, %get3A_2324] {strides = array<i32>} : memref<128x64xf32, #tpu.memory_space<vmem>>, vector<16xf32>,
        %mul3A_2326 = arith.mulf %get3A_2325, %gather3A_2308 : vector<16xf32>
        %swap3A_2327 = arith.index_cast %scan3A_2306 : i32 to index
        %swap3A_2328 = arith.constant 32 : index
        %swap3A_2329 = tpu.vector_load %arg14[%swap3A_2327, %swap3A_2328] {strides = array<i32>} : memref<128x64xf32, #tpu.memory_space<vmem>>, vector<16xf32>,
        tpu.vector_store %arg14[%swap3A_2327, %swap3A_2328], %mul3A_2326 {strides = array<i32>} : memref<128x64xf32, #tpu.memory_space<vmem>>, vector<16xf32>,
        %get3A_2330 = arith.index_cast %scan3A_2306 : i32 to index
        %get3A_2331 = arith.constant 48 : index
        %get3A_2332 = tpu.vector_load %arg14[%get3A_2330, %get3A_2331] {strides = array<i32>} : memref<128x64xf32, #tpu.memory_space<vmem>>, vector<16xf32>,
        %mul3A_2333 = arith.mulf %get3A_2332, %gather3A_2308 : vector<16xf32>
        %swap3A_2334 = arith.index_cast %scan3A_2306 : i32 to index
        %swap3A_2335 = arith.constant 48 : index
        %swap3A_2336 = tpu.vector_load %arg14[%swap3A_2334, %swap3A_2335] {strides = array<i32>} : memref<128x64xf32, #tpu.memory_space<vmem>>, vector<16xf32>,
        tpu.vector_store %arg14[%swap3A_2334, %swap3A_2335], %mul3A_2333 {strides = array<i32>} : memref<128x64xf32, #tpu.memory_space<vmem>>, vector<16xf32>,
        %scan3A_2337 = arith.constant 0 : i32
        %scan3A_2338 = arith.constant 3 : i32
        %scan3A_2339 = arith.addi %scan3A_2239, %scan3A_2338 : i32
        %broadcast_in_dim3A_2340 = vector.broadcast %scan3A_2339 : i32 to vector<16xi32>
        %gather3A_2341 = tpu.vector_load_idx %arg15[%broadcast_in_dim3A_2340] : memref<128xf32, #tpu.memory_space<vmem>>[vector<16xi32>], vector<16xf32>,
        %get3A_2342 = arith.index_cast %scan3A_2339 : i32 to index
        %get3A_2343 = arith.constant 0 : index
        %get3A_2344 = tpu.vector_load %arg14[%get3A_2342, %get3A_2343] {strides = array<i32>} : memref<128x64xf32, #tpu.memory_space<vmem>>, vector<16xf32>,
        %mul3A_2345 = arith.mulf %get3A_2344, %gather3A_2341 : vector<16xf32>
        %swap3A_2346 = arith.index_cast %scan3A_2339 : i32 to index
        %swap3A_2347 = arith.constant 0 : index
        %swap3A_2348 = tpu.vector_load %arg14[%swap3A_2346, %swap3A_2347] {strides = array<i32>} : memref<128x64xf32, #tpu.memory_space<vmem>>, vector<16xf32>,
        tpu.vector_store %arg14[%swap3A_2346, %swap3A_2347], %mul3A_2345 {strides = array<i32>} : memref<128x64xf32, #tpu.memory_space<vmem>>, vector<16xf32>,
        %get3A_2349 = arith.index_cast %scan3A_2339 : i32 to index
        %get3A_2350 = arith.constant 16 : index
        %get3A_2351 = tpu.vector_load %arg14[%get3A_2349, %get3A_2350] {strides = array<i32>} : memref<128x64xf32, #tpu.memory_space<vmem>>, vector<16xf32>,
        %mul3A_2352 = arith.mulf %get3A_2351, %gather3A_2341 : vector<16xf32>
        %swap3A_2353 = arith.index_cast %scan3A_2339 : i32 to index
        %swap3A_2354 = arith.constant 16 : index
        %swap3A_2355 = tpu.vector_load %arg14[%swap3A_2353, %swap3A_2354] {strides = array<i32>} : memref<128x64xf32, #tpu.memory_space<vmem>>, vector<16xf32>,
        tpu.vector_store %arg14[%swap3A_2353, %swap3A_2354], %mul3A_2352 {strides = array<i32>} : memref<128x64xf32, #tpu.memory_space<vmem>>, vector<16xf32>,
        %get3A_2356 = arith.index_cast %scan3A_2339 : i32 to index
        %get3A_2357 = arith.constant 32 : index
        %get3A_2358 = tpu.vector_load %arg14[%get3A_2356, %get3A_2357] {strides = array<i32>} : memref<128x64xf32, #tpu.memory_space<vmem>>, vector<16xf32>,
        %mul3A_2359 = arith.mulf %get3A_2358, %gather3A_2341 : vector<16xf32>
        %swap3A_2360 = arith.index_cast %scan3A_2339 : i32 to index
        %swap3A_2361 = arith.constant 32 : index
        %swap3A_2362 = tpu.vector_load %arg14[%swap3A_2360, %swap3A_2361] {strides = array<i32>} : memref<128x64xf32, #tpu.memory_space<vmem>>, vector<16xf32>,
        tpu.vector_store %arg14[%swap3A_2360, %swap3A_2361], %mul3A_2359 {strides = array<i32>} : memref<128x64xf32, #tpu.memory_space<vmem>>, vector<16xf32>,
        %get3A_2363 = arith.index_cast %scan3A_2339 : i32 to index
        %get3A_2364 = arith.constant 48 : index
        %get3A_2365 = tpu.vector_load %arg14[%get3A_2363, %get3A_2364] {strides = array<i32>} : memref<128x64xf32, #tpu.memory_space<vmem>>, vector<16xf32>,
        %mul3A_2366 = arith.mulf %get3A_2365, %gather3A_2341 : vector<16xf32>
        %swap3A_2367 = arith.index_cast %scan3A_2339 : i32 to index
        %swap3A_2368 = arith.constant 48 : index
        %swap3A_2369 = tpu.vector_load %arg14[%swap3A_2367, %swap3A_2368] {strides = array<i32>} : memref<128x64xf32, #tpu.memory_space<vmem>>, vector<16xf32>,
        tpu.vector_store %arg14[%swap3A_2367, %swap3A_2368], %mul3A_2366 {strides = array<i32>} : memref<128x64xf32, #tpu.memory_space<vmem>>, vector<16xf32>,
        %scan3A_2370 = arith.constant 0 : i32
        scf.yield %scan3A_2370 : i32
      }
      %scan3A_2231 = arith.constant 128 : i32
      %dma_start3A_2232 = arith.constant 0 : i32
      %dma_start3A_2233 = tpu.memref_slice %arg9[%add3A_1227, %dma_start3A_2232] : memref<80x128xi32, #tpu.memory_space<vmem>> -> memref<1x128xi32, #tpu.memory_space<vmem>>
      %dma_start3A_2234 = tpu.memref_squeeze %dma_start3A_2233 : memref<1x128xi32, #tpu.memory_space<vmem>> -> memref<128xi32, #tpu.memory_space<vmem>>
      %dma_start3A_2235 = arith.constant 0 : i32
      %dma_start3A_2236 = arith.constant 0 : i32
      %dma_start3A_2237 = tpu.memref_slice %arg18[%dma_start3A_2235, %dma_start3A_2236] : memref<10000x64xf32, #tpu.memory_space<vmem_shared>> -> memref<10000x64xf32, #tpu.memory_space<vmem_shared>>
      tpu.enqueue_indirect_dma source(%arg14 : memref<128x64xf32, #tpu.memory_space<vmem>>) target(%dma_start3A_2237 : memref<10000x64xf32, #tpu.memory_space<vmem_shared>>) offsets(%dma_start3A_2234 : memref<128xi32, #tpu.memory_space<vmem>>) semaphore(%arg24 : memref<!tpu.dma_semaphore, #tpu.memory_space<semaphore_mem>>) {add = true}
      %scan3A_2238 = arith.constant 0 : i32
      scf.yield %scan3A_2238 : i32
    }
    %scan3A_125 = arith.constant 40 : i32
    %dma_wait3A_126 = arith.constant 79 : i32
    %dma_wait3A_127 = arith.constant 0 : i32
    %dma_wait3A_128 = tpu.memref_slice %arg9[%dma_wait3A_126, %dma_wait3A_127] : memref<80x128xi32, #tpu.memory_space<vmem>> -> memref<1x128xi32, #tpu.memory_space<vmem>>
    %dma_wait3A_129 = tpu.memref_squeeze %dma_wait3A_128 : memref<1x128xi32, #tpu.memory_space<vmem>> -> memref<128xi32, #tpu.memory_space<vmem>>
    %dma_wait3A_130 = arith.constant 0 : i32
    %dma_wait3A_131 = arith.constant 0 : i32
    %dma_wait3A_132 = tpu.memref_slice %arg18[%dma_wait3A_130, %dma_wait3A_131] : memref<10000x64xf32, #tpu.memory_space<vmem_shared>> -> memref<10000x64xf32, #tpu.memory_space<vmem_shared>>
    tpu.wait_indirect_dma semaphore(%arg24 : memref<!tpu.dma_semaphore, #tpu.memory_space<semaphore_mem>>) src(%arg14 : memref<128x64xf32, #tpu.memory_space<vmem>>) dst(%dma_wait3A_132 : memref<10000x64xf32, #tpu.memory_space<vmem_shared>>)
    %dma_start3A_133 = arith.constant 0 : i32
    %dma_start3A_134 = arith.constant 0 : i32
    %dma_start3A_135 = tpu.memref_slice %arg8[%arg0, %dma_start3A_133, %dma_start3A_134] : memref<2x16x10000xf32, #tpu.memory_space<hbm>> -> memref<1x16x10000xf32, #tpu.memory_space<hbm>>
    %dma_start3A_136 = tpu.memref_squeeze %dma_start3A_135 : memref<1x16x10000xf32, #tpu.memory_space<hbm>> -> memref<16x10000xf32, #tpu.memory_space<hbm>>
    %dma_start3A_137 = arith.constant 0 : i32
    %dma_start3A_138 = tpu.memref_slice %dma_start3A_136[%arg1, %dma_start3A_137] : memref<16x10000xf32, #tpu.memory_space<hbm>> -> memref<1x10000xf32, #tpu.memory_space<hbm>>
    %dma_start3A_139 = tpu.memref_squeeze %dma_start3A_138 : memref<1x10000xf32, #tpu.memory_space<hbm>> -> memref<10000xf32, #tpu.memory_space<hbm>>
    %dma_start3A_140 = arith.constant 0 : i32
    %dma_start3A_141 = arith.constant 0 : i32
    %dma_start3A_142 = tpu.memref_slice %arg8[%arg0, %dma_start3A_140, %dma_start3A_141] : memref<2x16x10000xf32, #tpu.memory_space<hbm>> -> memref<1x16x10000xf32, #tpu.memory_space<hbm>>
    %dma_start3A_143 = tpu.memref_squeeze %dma_start3A_142 : memref<1x16x10000xf32, #tpu.memory_space<hbm>> -> memref<16x10000xf32, #tpu.memory_space<hbm>>
    %dma_start3A_144 = arith.constant 0 : i32
    %dma_start3A_145 = tpu.memref_slice %dma_start3A_143[%arg1, %dma_start3A_144] : memref<16x10000xf32, #tpu.memory_space<hbm>> -> memref<1x10000xf32, #tpu.memory_space<hbm>>
    %dma_start3A_146 = tpu.memref_squeeze %dma_start3A_145 : memref<1x10000xf32, #tpu.memory_space<hbm>> -> memref<10000xf32, #tpu.memory_space<hbm>>
    tpu.enqueue_dma source(%arg16 : memref<10000xf32, #tpu.memory_space<vmem>>) target(%dma_start3A_146 : memref<10000xf32, #tpu.memory_space<hbm>>) target_semaphore(%arg19 : memref<!tpu.dma_semaphore, #tpu.memory_space<semaphore_mem>>)
    %barrier3A_147 = arith.constant 0 : index
    tpu.barrier barrier_id(%barrier3A_147)
    %add3A_148 = arith.constant 0 : i32
    %add3A_149 = arith.addi %arg1, %add3A_148 : i32
    %lt3A_150 = arith.constant 50 : i32
    %lt3A_151 = arith.cmpi slt, %add3A_149, %lt3A_150 : i32
    %convert_element_type3A_152 = arith.extui %lt3A_151 : i1 to i32
    %cond3A_153 = arith.constant 0 : i32
    %cond3A_154 = arith.cmpi ne, %convert_element_type3A_152, %cond3A_153 : i32
    scf.if %cond3A_154 {
      %mul3A_218 = arith.constant 200 : i32
      %mul3A_219 = arith.muli %add3A_149, %mul3A_218 : i32
      %mul3A_220 = arith.constant 200 : i32
      %mul3A_221 = arith.muli %add3A_149, %mul3A_220 : i32
      %dma_start3A_222 = arith.constant 0 : i32
      %dma_start3A_223 = arith.constant 0 : i32
      %dma_start3A_224 = tpu.memref_slice %arg7[%arg0, %dma_start3A_222, %dma_start3A_223] : memref<2x10000x64xf32, #tpu.memory_space<hbm>> -> memref<1x10000x64xf32, #tpu.memory_space<hbm>>
      %dma_start3A_225 = tpu.memref_squeeze %dma_start3A_224 : memref<1x10000x64xf32, #tpu.memory_space<hbm>> -> memref<10000x64xf32, #tpu.memory_space<hbm>>
      %dma_start3A_226 = arith.constant 0 : i32
      %dma_start3A_227 = tpu.memref_slice %dma_start3A_225[%mul3A_221, %dma_start3A_226] : memref<10000x64xf32, #tpu.memory_space<hbm>> -> memref<200x64xf32, #tpu.memory_space<hbm>>
      %dma_start3A_228 = arith.constant 0 : i32
      %dma_start3A_229 = tpu.memref_slice %arg18[%mul3A_219, %dma_start3A_228] : memref<10000x64xf32, #tpu.memory_space<vmem_shared>> -> memref<200x64xf32, #tpu.memory_space<vmem_shared>>
      tpu.enqueue_dma source(%dma_start3A_229 : memref<200x64xf32, #tpu.memory_space<vmem_shared>>) target(%dma_start3A_227 : memref<200x64xf32, #tpu.memory_space<hbm>>) target_semaphore(%arg23 : memref<!tpu.dma_semaphore, #tpu.memory_space<semaphore_mem>>)
    } else {
    }
    %add3A_155 = arith.constant 16 : i32
    %add3A_156 = arith.addi %arg1, %add3A_155 : i32
    %lt3A_157 = arith.constant 50 : i32
    %lt3A_158 = arith.cmpi slt, %add3A_156, %lt3A_157 : i32
    %convert_element_type3A_159 = arith.extui %lt3A_158 : i1 to i32
    %cond3A_160 = arith.constant 0 : i32
    %cond3A_161 = arith.cmpi ne, %convert_element_type3A_159, %cond3A_160 : i32
    scf.if %cond3A_161 {
      %mul3A_218 = arith.constant 200 : i32
      %mul3A_219 = arith.muli %add3A_156, %mul3A_218 : i32
      %mul3A_220 = arith.constant 200 : i32
      %mul3A_221 = arith.muli %add3A_156, %mul3A_220 : i32
      %dma_start3A_222 = arith.constant 0 : i32
      %dma_start3A_223 = arith.constant 0 : i32
      %dma_start3A_224 = tpu.memref_slice %arg7[%arg0, %dma_start3A_222, %dma_start3A_223] : memref<2x10000x64xf32, #tpu.memory_space<hbm>> -> memref<1x10000x64xf32, #tpu.memory_space<hbm>>
      %dma_start3A_225 = tpu.memref_squeeze %dma_start3A_224 : memref<1x10000x64xf32, #tpu.memory_space<hbm>> -> memref<10000x64xf32, #tpu.memory_space<hbm>>
      %dma_start3A_226 = arith.constant 0 : i32
      %dma_start3A_227 = tpu.memref_slice %dma_start3A_225[%mul3A_221, %dma_start3A_226] : memref<10000x64xf32, #tpu.memory_space<hbm>> -> memref<200x64xf32, #tpu.memory_space<hbm>>
      %dma_start3A_228 = arith.constant 0 : i32
      %dma_start3A_229 = tpu.memref_slice %arg18[%mul3A_219, %dma_start3A_228] : memref<10000x64xf32, #tpu.memory_space<vmem_shared>> -> memref<200x64xf32, #tpu.memory_space<vmem_shared>>
      tpu.enqueue_dma source(%dma_start3A_229 : memref<200x64xf32, #tpu.memory_space<vmem_shared>>) target(%dma_start3A_227 : memref<200x64xf32, #tpu.memory_space<hbm>>) target_semaphore(%arg23 : memref<!tpu.dma_semaphore, #tpu.memory_space<semaphore_mem>>)
    } else {
    }
    %add3A_162 = arith.constant 32 : i32
    %add3A_163 = arith.addi %arg1, %add3A_162 : i32
    %lt3A_164 = arith.constant 50 : i32
    %lt3A_165 = arith.cmpi slt, %add3A_163, %lt3A_164 : i32
    %convert_element_type3A_166 = arith.extui %lt3A_165 : i1 to i32
    %cond3A_167 = arith.constant 0 : i32
    %cond3A_168 = arith.cmpi ne, %convert_element_type3A_166, %cond3A_167 : i32
    scf.if %cond3A_168 {
      %mul3A_218 = arith.constant 200 : i32
      %mul3A_219 = arith.muli %add3A_163, %mul3A_218 : i32
      %mul3A_220 = arith.constant 200 : i32
      %mul3A_221 = arith.muli %add3A_163, %mul3A_220 : i32
      %dma_start3A_222 = arith.constant 0 : i32
      %dma_start3A_223 = arith.constant 0 : i32
      %dma_start3A_224 = tpu.memref_slice %arg7[%arg0, %dma_start3A_222, %dma_start3A_223] : memref<2x10000x64xf32, #tpu.memory_space<hbm>> -> memref<1x10000x64xf32, #tpu.memory_space<hbm>>
      %dma_start3A_225 = tpu.memref_squeeze %dma_start3A_224 : memref<1x10000x64xf32, #tpu.memory_space<hbm>> -> memref<10000x64xf32, #tpu.memory_space<hbm>>
      %dma_start3A_226 = arith.constant 0 : i32
      %dma_start3A_227 = tpu.memref_slice %dma_start3A_225[%mul3A_221, %dma_start3A_226] : memref<10000x64xf32, #tpu.memory_space<hbm>> -> memref<200x64xf32, #tpu.memory_space<hbm>>
      %dma_start3A_228 = arith.constant 0 : i32
      %dma_start3A_229 = tpu.memref_slice %arg18[%mul3A_219, %dma_start3A_228] : memref<10000x64xf32, #tpu.memory_space<vmem_shared>> -> memref<200x64xf32, #tpu.memory_space<vmem_shared>>
      tpu.enqueue_dma source(%dma_start3A_229 : memref<200x64xf32, #tpu.memory_space<vmem_shared>>) target(%dma_start3A_227 : memref<200x64xf32, #tpu.memory_space<hbm>>) target_semaphore(%arg23 : memref<!tpu.dma_semaphore, #tpu.memory_space<semaphore_mem>>)
    } else {
    }
    %add3A_169 = arith.constant 48 : i32
    %add3A_170 = arith.addi %arg1, %add3A_169 : i32
    %lt3A_171 = arith.constant 50 : i32
    %lt3A_172 = arith.cmpi slt, %add3A_170, %lt3A_171 : i32
    %convert_element_type3A_173 = arith.extui %lt3A_172 : i1 to i32
    %cond3A_174 = arith.constant 0 : i32
    %cond3A_175 = arith.cmpi ne, %convert_element_type3A_173, %cond3A_174 : i32
    scf.if %cond3A_175 {
      %mul3A_218 = arith.constant 200 : i32
      %mul3A_219 = arith.muli %add3A_170, %mul3A_218 : i32
      %mul3A_220 = arith.constant 200 : i32
      %mul3A_221 = arith.muli %add3A_170, %mul3A_220 : i32
      %dma_start3A_222 = arith.constant 0 : i32
      %dma_start3A_223 = arith.constant 0 : i32
      %dma_start3A_224 = tpu.memref_slice %arg7[%arg0, %dma_start3A_222, %dma_start3A_223] : memref<2x10000x64xf32, #tpu.memory_space<hbm>> -> memref<1x10000x64xf32, #tpu.memory_space<hbm>>
      %dma_start3A_225 = tpu.memref_squeeze %dma_start3A_224 : memref<1x10000x64xf32, #tpu.memory_space<hbm>> -> memref<10000x64xf32, #tpu.memory_space<hbm>>
      %dma_start3A_226 = arith.constant 0 : i32
      %dma_start3A_227 = tpu.memref_slice %dma_start3A_225[%mul3A_221, %dma_start3A_226] : memref<10000x64xf32, #tpu.memory_space<hbm>> -> memref<200x64xf32, #tpu.memory_space<hbm>>
      %dma_start3A_228 = arith.constant 0 : i32
      %dma_start3A_229 = tpu.memref_slice %arg18[%mul3A_219, %dma_start3A_228] : memref<10000x64xf32, #tpu.memory_space<vmem_shared>> -> memref<200x64xf32, #tpu.memory_space<vmem_shared>>
      tpu.enqueue_dma source(%dma_start3A_229 : memref<200x64xf32, #tpu.memory_space<vmem_shared>>) target(%dma_start3A_227 : memref<200x64xf32, #tpu.memory_space<hbm>>) target_semaphore(%arg23 : memref<!tpu.dma_semaphore, #tpu.memory_space<semaphore_mem>>)
    } else {
    }
    %add3A_176 = arith.constant 0 : i32
    %add3A_177 = arith.addi %arg1, %add3A_176 : i32
    %lt3A_178 = arith.constant 50 : i32
    %lt3A_179 = arith.cmpi slt, %add3A_177, %lt3A_178 : i32
    %convert_element_type3A_180 = arith.extui %lt3A_179 : i1 to i32
    %cond3A_181 = arith.constant 0 : i32
    %cond3A_182 = arith.cmpi ne, %convert_element_type3A_180, %cond3A_181 : i32
    scf.if %cond3A_182 {
      %mul3A_218 = arith.constant 200 : i32
      %mul3A_219 = arith.muli %add3A_177, %mul3A_218 : i32
      %mul3A_220 = arith.constant 200 : i32
      %mul3A_221 = arith.muli %add3A_177, %mul3A_220 : i32
      %dma_wait3A_222 = arith.constant 0 : i32
      %dma_wait3A_223 = arith.constant 0 : i32
      %dma_wait3A_224 = tpu.memref_slice %arg7[%arg0, %dma_wait3A_222, %dma_wait3A_223] : memref<2x10000x64xf32, #tpu.memory_space<hbm>> -> memref<1x10000x64xf32, #tpu.memory_space<hbm>>
      %dma_wait3A_225 = tpu.memref_squeeze %dma_wait3A_224 : memref<1x10000x64xf32, #tpu.memory_space<hbm>> -> memref<10000x64xf32, #tpu.memory_space<hbm>>
      %dma_wait3A_226 = arith.constant 0 : i32
      %dma_wait3A_227 = tpu.memref_slice %dma_wait3A_225[%mul3A_221, %dma_wait3A_226] : memref<10000x64xf32, #tpu.memory_space<hbm>> -> memref<200x64xf32, #tpu.memory_space<hbm>>
      %dma_wait3A_228 = arith.constant 0 : i32
      %dma_wait3A_229 = tpu.memref_slice %arg18[%mul3A_219, %dma_wait3A_228] : memref<10000x64xf32, #tpu.memory_space<vmem_shared>> -> memref<200x64xf32, #tpu.memory_space<vmem_shared>>
      tpu.wait_dma2 semaphore(%arg23 : memref<!tpu.dma_semaphore, #tpu.memory_space<semaphore_mem>>) src(%dma_wait3A_229 : memref<200x64xf32, #tpu.memory_space<vmem_shared>>) dst(%dma_wait3A_227 : memref<200x64xf32, #tpu.memory_space<hbm>>)
    } else {
    }
    %add3A_183 = arith.constant 16 : i32
    %add3A_184 = arith.addi %arg1, %add3A_183 : i32
    %lt3A_185 = arith.constant 50 : i32
    %lt3A_186 = arith.cmpi slt, %add3A_184, %lt3A_185 : i32
    %convert_element_type3A_187 = arith.extui %lt3A_186 : i1 to i32
    %cond3A_188 = arith.constant 0 : i32
    %cond3A_189 = arith.cmpi ne, %convert_element_type3A_187, %cond3A_188 : i32
    scf.if %cond3A_189 {
      %mul3A_218 = arith.constant 200 : i32
      %mul3A_219 = arith.muli %add3A_184, %mul3A_218 : i32
      %mul3A_220 = arith.constant 200 : i32
      %mul3A_221 = arith.muli %add3A_184, %mul3A_220 : i32
      %dma_wait3A_222 = arith.constant 0 : i32
      %dma_wait3A_223 = arith.constant 0 : i32
      %dma_wait3A_224 = tpu.memref_slice %arg7[%arg0, %dma_wait3A_222, %dma_wait3A_223] : memref<2x10000x64xf32, #tpu.memory_space<hbm>> -> memref<1x10000x64xf32, #tpu.memory_space<hbm>>
      %dma_wait3A_225 = tpu.memref_squeeze %dma_wait3A_224 : memref<1x10000x64xf32, #tpu.memory_space<hbm>> -> memref<10000x64xf32, #tpu.memory_space<hbm>>
      %dma_wait3A_226 = arith.constant 0 : i32
      %dma_wait3A_227 = tpu.memref_slice %dma_wait3A_225[%mul3A_221, %dma_wait3A_226] : memref<10000x64xf32, #tpu.memory_space<hbm>> -> memref<200x64xf32, #tpu.memory_space<hbm>>
      %dma_wait3A_228 = arith.constant 0 : i32
      %dma_wait3A_229 = tpu.memref_slice %arg18[%mul3A_219, %dma_wait3A_228] : memref<10000x64xf32, #tpu.memory_space<vmem_shared>> -> memref<200x64xf32, #tpu.memory_space<vmem_shared>>
      tpu.wait_dma2 semaphore(%arg23 : memref<!tpu.dma_semaphore, #tpu.memory_space<semaphore_mem>>) src(%dma_wait3A_229 : memref<200x64xf32, #tpu.memory_space<vmem_shared>>) dst(%dma_wait3A_227 : memref<200x64xf32, #tpu.memory_space<hbm>>)
    } else {
    }
    %add3A_190 = arith.constant 32 : i32
    %add3A_191 = arith.addi %arg1, %add3A_190 : i32
    %lt3A_192 = arith.constant 50 : i32
    %lt3A_193 = arith.cmpi slt, %add3A_191, %lt3A_192 : i32
    %convert_element_type3A_194 = arith.extui %lt3A_193 : i1 to i32
    %cond3A_195 = arith.constant 0 : i32
    %cond3A_196 = arith.cmpi ne, %convert_element_type3A_194, %cond3A_195 : i32
    scf.if %cond3A_196 {
      %mul3A_218 = arith.constant 200 : i32
      %mul3A_219 = arith.muli %add3A_191, %mul3A_218 : i32
      %mul3A_220 = arith.constant 200 : i32
      %mul3A_221 = arith.muli %add3A_191, %mul3A_220 : i32
      %dma_wait3A_222 = arith.constant 0 : i32
      %dma_wait3A_223 = arith.constant 0 : i32
      %dma_wait3A_224 = tpu.memref_slice %arg7[%arg0, %dma_wait3A_222, %dma_wait3A_223] : memref<2x10000x64xf32, #tpu.memory_space<hbm>> -> memref<1x10000x64xf32, #tpu.memory_space<hbm>>
      %dma_wait3A_225 = tpu.memref_squeeze %dma_wait3A_224 : memref<1x10000x64xf32, #tpu.memory_space<hbm>> -> memref<10000x64xf32, #tpu.memory_space<hbm>>
      %dma_wait3A_226 = arith.constant 0 : i32
      %dma_wait3A_227 = tpu.memref_slice %dma_wait3A_225[%mul3A_221, %dma_wait3A_226] : memref<10000x64xf32, #tpu.memory_space<hbm>> -> memref<200x64xf32, #tpu.memory_space<hbm>>
      %dma_wait3A_228 = arith.constant 0 : i32
      %dma_wait3A_229 = tpu.memref_slice %arg18[%mul3A_219, %dma_wait3A_228] : memref<10000x64xf32, #tpu.memory_space<vmem_shared>> -> memref<200x64xf32, #tpu.memory_space<vmem_shared>>
      tpu.wait_dma2 semaphore(%arg23 : memref<!tpu.dma_semaphore, #tpu.memory_space<semaphore_mem>>) src(%dma_wait3A_229 : memref<200x64xf32, #tpu.memory_space<vmem_shared>>) dst(%dma_wait3A_227 : memref<200x64xf32, #tpu.memory_space<hbm>>)
    } else {
    }
    %add3A_197 = arith.constant 48 : i32
    %add3A_198 = arith.addi %arg1, %add3A_197 : i32
    %lt3A_199 = arith.constant 50 : i32
    %lt3A_200 = arith.cmpi slt, %add3A_198, %lt3A_199 : i32
    %convert_element_type3A_201 = arith.extui %lt3A_200 : i1 to i32
    %cond3A_202 = arith.constant 0 : i32
    %cond3A_203 = arith.cmpi ne, %convert_element_type3A_201, %cond3A_202 : i32
    scf.if %cond3A_203 {
      %mul3A_218 = arith.constant 200 : i32
      %mul3A_219 = arith.muli %add3A_198, %mul3A_218 : i32
      %mul3A_220 = arith.constant 200 : i32
      %mul3A_221 = arith.muli %add3A_198, %mul3A_220 : i32
      %dma_wait3A_222 = arith.constant 0 : i32
      %dma_wait3A_223 = arith.constant 0 : i32
      %dma_wait3A_224 = tpu.memref_slice %arg7[%arg0, %dma_wait3A_222, %dma_wait3A_223] : memref<2x10000x64xf32, #tpu.memory_space<hbm>> -> memref<1x10000x64xf32, #tpu.memory_space<hbm>>
      %dma_wait3A_225 = tpu.memref_squeeze %dma_wait3A_224 : memref<1x10000x64xf32, #tpu.memory_space<hbm>> -> memref<10000x64xf32, #tpu.memory_space<hbm>>
      %dma_wait3A_226 = arith.constant 0 : i32
      %dma_wait3A_227 = tpu.memref_slice %dma_wait3A_225[%mul3A_221, %dma_wait3A_226] : memref<10000x64xf32, #tpu.memory_space<hbm>> -> memref<200x64xf32, #tpu.memory_space<hbm>>
      %dma_wait3A_228 = arith.constant 0 : i32
      %dma_wait3A_229 = tpu.memref_slice %arg18[%mul3A_219, %dma_wait3A_228] : memref<10000x64xf32, #tpu.memory_space<vmem_shared>> -> memref<200x64xf32, #tpu.memory_space<vmem_shared>>
      tpu.wait_dma2 semaphore(%arg23 : memref<!tpu.dma_semaphore, #tpu.memory_space<semaphore_mem>>) src(%dma_wait3A_229 : memref<200x64xf32, #tpu.memory_space<vmem_shared>>) dst(%dma_wait3A_227 : memref<200x64xf32, #tpu.memory_space<hbm>>)
    } else {
    }
    %dma_wait3A_204 = arith.constant 0 : i32
    %dma_wait3A_205 = arith.constant 0 : i32
    %dma_wait3A_206 = tpu.memref_slice %arg8[%arg0, %dma_wait3A_204, %dma_wait3A_205] : memref<2x16x10000xf32, #tpu.memory_space<hbm>> -> memref<1x16x10000xf32, #tpu.memory_space<hbm>>
    %dma_wait3A_207 = tpu.memref_squeeze %dma_wait3A_206 : memref<1x16x10000xf32, #tpu.memory_space<hbm>> -> memref<16x10000xf32, #tpu.memory_space<hbm>>
    %dma_wait3A_208 = arith.constant 0 : i32
    %dma_wait3A_209 = tpu.memref_slice %dma_wait3A_207[%arg1, %dma_wait3A_208] : memref<16x10000xf32, #tpu.memory_space<hbm>> -> memref<1x10000xf32, #tpu.memory_space<hbm>>
    %dma_wait3A_210 = tpu.memref_squeeze %dma_wait3A_209 : memref<1x10000xf32, #tpu.memory_space<hbm>> -> memref<10000xf32, #tpu.memory_space<hbm>>
    %dma_wait3A_211 = arith.constant 0 : i32
    %dma_wait3A_212 = arith.constant 0 : i32
    %dma_wait3A_213 = tpu.memref_slice %arg8[%arg0, %dma_wait3A_211, %dma_wait3A_212] : memref<2x16x10000xf32, #tpu.memory_space<hbm>> -> memref<1x16x10000xf32, #tpu.memory_space<hbm>>
    %dma_wait3A_214 = tpu.memref_squeeze %dma_wait3A_213 : memref<1x16x10000xf32, #tpu.memory_space<hbm>> -> memref<16x10000xf32, #tpu.memory_space<hbm>>
    %dma_wait3A_215 = arith.constant 0 : i32
    %dma_wait3A_216 = tpu.memref_slice %dma_wait3A_214[%arg1, %dma_wait3A_215] : memref<16x10000xf32, #tpu.memory_space<hbm>> -> memref<1x10000xf32, #tpu.memory_space<hbm>>
    %dma_wait3A_217 = tpu.memref_squeeze %dma_wait3A_216 : memref<1x10000xf32, #tpu.memory_space<hbm>> -> memref<10000xf32, #tpu.memory_space<hbm>>
    tpu.wait_dma2 semaphore(%arg19 : memref<!tpu.dma_semaphore, #tpu.memory_space<semaphore_mem>>) src(%arg16 : memref<10000xf32, #tpu.memory_space<vmem>>) dst(%dma_wait3A_217 : memref<10000xf32, #tpu.memory_space<hbm>>)
    return
  }
}

module attributes {stable_mosaic.version = 14 : i64} {
  func.func @_encode_body(%arg0: i32, %arg1: memref<400x128xf32, #tpu.memory_space<vmem>>, %arg2: memref<128x128xf32, #tpu.memory_space<vmem>>, %arg3: memref<1x128xf32, #tpu.memory_space<vmem>>, %arg4: memref<128x16xf32, #tpu.memory_space<vmem>>, %arg5: memref<1x16xf32, #tpu.memory_space<vmem>>, %arg6: memref<128x128xf32, #tpu.memory_space<vmem>>, %arg7: memref<1x128xf32, #tpu.memory_space<vmem>>, %arg8: memref<400x128xf32, #tpu.memory_space<vmem>>, %arg9: memref<400x16xf32, #tpu.memory_space<vmem>>, %arg10: memref<400x64xf32, #tpu.memory_space<vmem>>, %arg11: memref<400x64xf32, #tpu.memory_space<vmem>>) attributes {dimension_semantics = [#tpu.dimension_semantics<arbitrary>], iteration_bounds = array<i64: 25>, scalar_prefetch = 0 : i64, scratch_operands = 0 : i64, tpu.core_type = #tpu.core_type<tc>, window_params = [{transform_indices = @transform_0, window_bounds = array<i64: 400, 128>}, {pipeline_mode = #tpu.pipeline_mode<synchronous>, transform_indices = @transform_1, window_bounds = array<i64: 128, 128>}, {pipeline_mode = #tpu.pipeline_mode<synchronous>, transform_indices = @transform_2, window_bounds = array<i64: 1, 128>}, {pipeline_mode = #tpu.pipeline_mode<synchronous>, transform_indices = @transform_3, window_bounds = array<i64: 128, 16>}, {pipeline_mode = #tpu.pipeline_mode<synchronous>, transform_indices = @transform_4, window_bounds = array<i64: 1, 16>}, {pipeline_mode = #tpu.pipeline_mode<synchronous>, transform_indices = @transform_5, window_bounds = array<i64: 128, 128>}, {pipeline_mode = #tpu.pipeline_mode<synchronous>, transform_indices = @transform_6, window_bounds = array<i64: 1, 128>}, {transform_indices = @transform_7, window_bounds = array<i64: 400, 128>}, {transform_indices = @transform_8, window_bounds = array<i64: 400, 16>}, {transform_indices = @transform_9, window_bounds = array<i64: 400, 64>}, {transform_indices = @transform_10, window_bounds = array<i64: 400, 64>}]} {
    %get3A = arith.constant 0 : index
    %get3A_0 = arith.constant 0 : index
    %get3A_1 = vector.load %arg1[%get3A, %get3A_0] : memref<400x128xf32, #tpu.memory_space<vmem>>, vector<400x128xf32>
    %get3A_2 = arith.constant 0 : index
    %get3A_3 = arith.constant 0 : index
    %get3A_4 = vector.load %arg2[%get3A_2, %get3A_3] : memref<128x128xf32, #tpu.memory_space<vmem>>, vector<128x128xf32>
    %dot_general3A = arith.constant dense<0.000000e+00> : vector<400x128xf32>
    %dot_general3A_5 = tpu.matmul %get3A_1, %get3A_4, %dot_general3A {dimension_numbers = #tpu.dot_dimension_numbers<[1], [0], [0], [1], [0, 0, 1, 1], [], []>, transpose_lhs_hint = false} : vector<400x128xf32>, vector<128x128xf32>, vector<400x128xf32> -> vector<400x128xf32>
    %get3A_6 = arith.constant 0 : index
    %get3A_7 = arith.constant 0 : index
    %get3A_8 = vector.load %arg3[%get3A_6, %get3A_7] : memref<1x128xf32, #tpu.memory_space<vmem>>, vector<1x128xf32>
    %add3A = vector.broadcast %get3A_8 : vector<1x128xf32> to vector<400x128xf32>
    %add3A_9 = arith.addf %dot_general3A_5, %add3A : vector<400x128xf32>
    %get3A_10 = arith.constant 0 : index
    %get3A_11 = arith.constant 0 : index
    %get3A_12 = vector.load %arg4[%get3A_10, %get3A_11] : memref<128x16xf32, #tpu.memory_space<vmem>>, vector<128x16xf32>
    %dot_general3A_13 = arith.constant dense<0.000000e+00> : vector<400x16xf32>
    %dot_general3A_14 = tpu.matmul %add3A_9, %get3A_12, %dot_general3A_13 {dimension_numbers = #tpu.dot_dimension_numbers<[1], [0], [0], [1], [0, 0, 1, 1], [], []>, transpose_lhs_hint = false} : vector<400x128xf32>, vector<128x16xf32>, vector<400x16xf32> -> vector<400x16xf32>
    %get3A_15 = arith.constant 0 : index
    %get3A_16 = arith.constant 0 : index
    %get3A_17 = vector.load %arg5[%get3A_15, %get3A_16] : memref<1x16xf32, #tpu.memory_space<vmem>>, vector<1x16xf32>
    %add3A_18 = vector.broadcast %get3A_17 : vector<1x16xf32> to vector<400x16xf32>
    %add3A_19 = arith.addf %dot_general3A_14, %add3A_18 : vector<400x16xf32>
    %mul3A = arith.mulf %add3A_19, %add3A_19 : vector<400x16xf32>
    %reduce_sum3A = arith.constant dense<0.000000e+00> : vector<400xf32>
    %reduce_sum3A_20 = vector.multi_reduction <add>, %mul3A, %reduce_sum3A [1] : vector<400x16xf32> to vector<400xf32>
    %broadcast_in_dim3A = vector.shape_cast %reduce_sum3A_20 : vector<400xf32> to vector<400x1xf32>
    %sqrt3A = math.sqrt %broadcast_in_dim3A : vector<400x1xf32>
    %max3A = arith.constant 9.99999996E-13 : f32
    %max3A_21 = vector.broadcast %max3A : f32 to vector<400x1xf32>
    %max3A_22 = arith.maximumf %sqrt3A, %max3A_21 : vector<400x1xf32>
    %div3A = vector.broadcast %max3A_22 : vector<400x1xf32> to vector<400x16xf32>
    %div3A_23 = arith.divf %add3A_19, %div3A : vector<400x16xf32>
    %swap3A = arith.constant 0 : index
    %swap3A_24 = arith.constant 0 : index
    %swap3A_25 = vector.load %arg9[%swap3A, %swap3A_24] : memref<400x16xf32, #tpu.memory_space<vmem>>, vector<400x16xf32>
    tpu.vector_store %arg9[%swap3A, %swap3A_24], %div3A_23 {strides = array<i32>} : memref<400x16xf32, #tpu.memory_space<vmem>>, vector<400x16xf32>,
    %get3A_26 = arith.constant 0 : index
    %get3A_27 = arith.constant 0 : index
    %get3A_28 = vector.load %arg6[%get3A_26, %get3A_27] : memref<128x128xf32, #tpu.memory_space<vmem>>, vector<128x128xf32>
    %dot_general3A_29 = arith.constant dense<0.000000e+00> : vector<400x128xf32>
    %dot_general3A_30 = tpu.matmul %add3A_9, %get3A_28, %dot_general3A_29 {dimension_numbers = #tpu.dot_dimension_numbers<[1], [0], [0], [1], [0, 0, 1, 1], [], []>, transpose_lhs_hint = false} : vector<400x128xf32>, vector<128x128xf32>, vector<400x128xf32> -> vector<400x128xf32>
    %get3A_31 = arith.constant 0 : index
    %get3A_32 = arith.constant 0 : index
    %get3A_33 = vector.load %arg7[%get3A_31, %get3A_32] : memref<1x128xf32, #tpu.memory_space<vmem>>, vector<1x128xf32>
    %add3A_34 = vector.broadcast %get3A_33 : vector<1x128xf32> to vector<400x128xf32>
    %add3A_35 = arith.addf %dot_general3A_30, %add3A_34 : vector<400x128xf32>
    %max3A_36 = arith.constant 0.000000e+00 : f32
    %max3A_37 = vector.broadcast %max3A_36 : f32 to vector<400x128xf32>
    %max3A_38 = arith.maximumf %add3A_35, %max3A_37 : vector<400x128xf32>
    %slice3A = vector.extract_strided_slice %max3A_38 {offsets = [0, 0], sizes = [400, 64], strides = [1, 1]} : vector<400x128xf32> to vector<400x64xf32>
    %swap3A_39 = arith.constant 0 : index
    %swap3A_40 = arith.constant 0 : index
    %swap3A_41 = vector.load %arg10[%swap3A_39, %swap3A_40] : memref<400x64xf32, #tpu.memory_space<vmem>>, vector<400x64xf32>
    tpu.vector_store %arg10[%swap3A_39, %swap3A_40], %slice3A {strides = array<i32>} : memref<400x64xf32, #tpu.memory_space<vmem>>, vector<400x64xf32>,
    %slice3A_42 = vector.extract_strided_slice %max3A_38 {offsets = [0, 64], sizes = [400, 64], strides = [1, 1]} : vector<400x128xf32> to vector<400x64xf32>
    %swap3A_43 = arith.constant 0 : index
    %swap3A_44 = arith.constant 0 : index
    %swap3A_45 = vector.load %arg11[%swap3A_43, %swap3A_44] : memref<400x64xf32, #tpu.memory_space<vmem>>, vector<400x64xf32>
    tpu.vector_store %arg11[%swap3A_43, %swap3A_44], %slice3A_42 {strides = array<i32>} : memref<400x64xf32, #tpu.memory_space<vmem>>, vector<400x64xf32>,
    %swap3A_46 = arith.constant 0 : index
    %swap3A_47 = arith.constant 0 : index
    %swap3A_48 = vector.load %arg8[%swap3A_46, %swap3A_47] : memref<400x128xf32, #tpu.memory_space<vmem>>, vector<400x128xf32>
    tpu.vector_store %arg8[%swap3A_46, %swap3A_47], %add3A_9 {strides = array<i32>} : memref<400x128xf32, #tpu.memory_space<vmem>>, vector<400x128xf32>,
    return
  }
  func.func @transform_0(%arg0: i32) -> (i32, i32) {
    %c0_i32 = arith.constant 0 : i32
    %c0_i32_0 = arith.constant 0 : i32
    return %arg0, %c0_i32 : i32, i32
  }
  func.func @transform_1(%arg0: i32) -> (i32, i32) {
    %c0_i32 = arith.constant 0 : i32
    %c0_i32_0 = arith.constant 0 : i32
    %c0_i32_1 = arith.constant 0 : i32
    return %c0_i32, %c0_i32_0 : i32, i32
  }
  func.func @transform_2(%arg0: i32) -> (i32, i32) {
    %c0_i32 = arith.constant 0 : i32
    %c0_i32_0 = arith.constant 0 : i32
    %c0_i32_1 = arith.constant 0 : i32
    return %c0_i32, %c0_i32_0 : i32, i32
  }
  func.func @transform_3(%arg0: i32) -> (i32, i32) {
    %c0_i32 = arith.constant 0 : i32
    %c0_i32_0 = arith.constant 0 : i32
    %c0_i32_1 = arith.constant 0 : i32
    return %c0_i32, %c0_i32_0 : i32, i32
  }
  func.func @transform_4(%arg0: i32) -> (i32, i32) {
    %c0_i32 = arith.constant 0 : i32
    %c0_i32_0 = arith.constant 0 : i32
    %c0_i32_1 = arith.constant 0 : i32
    return %c0_i32, %c0_i32_0 : i32, i32
  }
  func.func @transform_5(%arg0: i32) -> (i32, i32) {
    %c0_i32 = arith.constant 0 : i32
    %c0_i32_0 = arith.constant 0 : i32
    %c0_i32_1 = arith.constant 0 : i32
    return %c0_i32, %c0_i32_0 : i32, i32
  }
  func.func @transform_6(%arg0: i32) -> (i32, i32) {
    %c0_i32 = arith.constant 0 : i32
    %c0_i32_0 = arith.constant 0 : i32
    %c0_i32_1 = arith.constant 0 : i32
    return %c0_i32, %c0_i32_0 : i32, i32
  }
  func.func @transform_7(%arg0: i32) -> (i32, i32) {
    %c0_i32 = arith.constant 0 : i32
    %c0_i32_0 = arith.constant 0 : i32
    return %arg0, %c0_i32 : i32, i32
  }
  func.func @transform_8(%arg0: i32) -> (i32, i32) {
    %c0_i32 = arith.constant 0 : i32
    %c0_i32_0 = arith.constant 0 : i32
    return %arg0, %c0_i32 : i32, i32
  }
  func.func @transform_9(%arg0: i32) -> (i32, i32) {
    %c0_i32 = arith.constant 0 : i32
    %c0_i32_0 = arith.constant 0 : i32
    return %arg0, %c0_i32 : i32, i32
  }
  func.func @transform_10(%arg0: i32) -> (i32, i32) {
    %c0_i32 = arith.constant 0 : i32
    %c0_i32_0 = arith.constant 0 : i32
    return %arg0, %c0_i32 : i32, i32
  }
}

module attributes {stable_mosaic.version = 14 : i64} {
  func.func @_combine_body(%arg0: i32, %arg1: memref<400x128xf32, #tpu.memory_space<vmem>>, %arg2: memref<400x64xf32, #tpu.memory_space<vmem>>, %arg3: memref<400x64xf32, #tpu.memory_space<vmem>>, %arg4: memref<400x16xf32, #tpu.memory_space<vmem>>, %arg5: memref<400x16xf32, #tpu.memory_space<vmem>>, %arg6: memref<128x128xf32, #tpu.memory_space<vmem>>, %arg7: memref<64x128xf32, #tpu.memory_space<vmem>>, %arg8: memref<64x128xf32, #tpu.memory_space<vmem>>, %arg9: memref<1x128xf32, #tpu.memory_space<vmem>>, %arg10: memref<128x128xf32, #tpu.memory_space<vmem>>, %arg11: memref<1x128xf32, #tpu.memory_space<vmem>>, %arg12: memref<400x128xf32, #tpu.memory_space<vmem>>) attributes {dimension_semantics = [#tpu.dimension_semantics<arbitrary>], iteration_bounds = array<i64: 25>, scalar_prefetch = 0 : i64, scratch_operands = 0 : i64, tpu.core_type = #tpu.core_type<tc>, window_params = [{transform_indices = @transform_0, window_bounds = array<i64: 400, 128>}, {transform_indices = @transform_1, window_bounds = array<i64: 400, 64>}, {transform_indices = @transform_2, window_bounds = array<i64: 400, 64>}, {transform_indices = @transform_3, window_bounds = array<i64: 400, 16>}, {transform_indices = @transform_4, window_bounds = array<i64: 400, 16>}, {pipeline_mode = #tpu.pipeline_mode<synchronous>, transform_indices = @transform_5, window_bounds = array<i64: 128, 128>}, {pipeline_mode = #tpu.pipeline_mode<synchronous>, transform_indices = @transform_6, window_bounds = array<i64: 64, 128>}, {pipeline_mode = #tpu.pipeline_mode<synchronous>, transform_indices = @transform_7, window_bounds = array<i64: 64, 128>}, {pipeline_mode = #tpu.pipeline_mode<synchronous>, transform_indices = @transform_8, window_bounds = array<i64: 1, 128>}, {pipeline_mode = #tpu.pipeline_mode<synchronous>, transform_indices = @transform_9, window_bounds = array<i64: 128, 128>}, {pipeline_mode = #tpu.pipeline_mode<synchronous>, transform_indices = @transform_10, window_bounds = array<i64: 1, 128>}, {transform_indices = @transform_11, window_bounds = array<i64: 400, 128>}]} {
    %get3A = arith.constant 0 : index
    %get3A_0 = arith.constant 0 : index
    %get3A_1 = vector.load %arg4[%get3A, %get3A_0] : memref<400x16xf32, #tpu.memory_space<vmem>>, vector<400x16xf32>
    %reduce_sum3A = arith.constant dense<0.000000e+00> : vector<400xf32>
    %reduce_sum3A_2 = vector.multi_reduction <add>, %get3A_1, %reduce_sum3A [1] : vector<400x16xf32> to vector<400xf32>
    %broadcast_in_dim3A = vector.shape_cast %reduce_sum3A_2 : vector<400xf32> to vector<400x1xf32>
    %get3A_3 = arith.constant 0 : index
    %get3A_4 = arith.constant 0 : index
    %get3A_5 = vector.load %arg5[%get3A_3, %get3A_4] : memref<400x16xf32, #tpu.memory_space<vmem>>, vector<400x16xf32>
    %reduce_sum3A_6 = arith.constant dense<0.000000e+00> : vector<400xf32>
    %reduce_sum3A_7 = vector.multi_reduction <add>, %get3A_5, %reduce_sum3A_6 [1] : vector<400x16xf32> to vector<400xf32>
    %broadcast_in_dim3A_8 = vector.shape_cast %reduce_sum3A_7 : vector<400xf32> to vector<400x1xf32>
    %get3A_9 = arith.constant 0 : index
    %get3A_10 = arith.constant 0 : index
    %get3A_11 = vector.load %arg2[%get3A_9, %get3A_10] : memref<400x64xf32, #tpu.memory_space<vmem>>, vector<400x64xf32>
    %max3A = arith.constant 1.000000e-30 : f32
    %max3A_12 = vector.broadcast %max3A : f32 to vector<400x1xf32>
    %max3A_13 = arith.maximumf %broadcast_in_dim3A, %max3A_12 : vector<400x1xf32>
    %div3A = vector.broadcast %max3A_13 : vector<400x1xf32> to vector<400x64xf32>
    %div3A_14 = arith.divf %get3A_11, %div3A : vector<400x64xf32>
    %get3A_15 = arith.constant 0 : index
    %get3A_16 = arith.constant 0 : index
    %get3A_17 = vector.load %arg3[%get3A_15, %get3A_16] : memref<400x64xf32, #tpu.memory_space<vmem>>, vector<400x64xf32>
    %max3A_18 = arith.constant 1.000000e-30 : f32
    %max3A_19 = vector.broadcast %max3A_18 : f32 to vector<400x1xf32>
    %max3A_20 = arith.maximumf %broadcast_in_dim3A_8, %max3A_19 : vector<400x1xf32>
    %div3A_21 = vector.broadcast %max3A_20 : vector<400x1xf32> to vector<400x64xf32>
    %div3A_22 = arith.divf %get3A_17, %div3A_21 : vector<400x64xf32>
    %get3A_23 = arith.constant 0 : index
    %get3A_24 = arith.constant 0 : index
    %get3A_25 = vector.load %arg1[%get3A_23, %get3A_24] : memref<400x128xf32, #tpu.memory_space<vmem>>, vector<400x128xf32>
    %get3A_26 = arith.constant 0 : index
    %get3A_27 = arith.constant 0 : index
    %get3A_28 = vector.load %arg6[%get3A_26, %get3A_27] : memref<128x128xf32, #tpu.memory_space<vmem>>, vector<128x128xf32>
    %dot_general3A = arith.constant dense<0.000000e+00> : vector<400x128xf32>
    %dot_general3A_29 = tpu.matmul %get3A_25, %get3A_28, %dot_general3A {dimension_numbers = #tpu.dot_dimension_numbers<[1], [0], [0], [1], [0, 0, 1, 1], [], []>, transpose_lhs_hint = false} : vector<400x128xf32>, vector<128x128xf32>, vector<400x128xf32> -> vector<400x128xf32>
    %get3A_30 = arith.constant 0 : index
    %get3A_31 = arith.constant 0 : index
    %get3A_32 = vector.load %arg7[%get3A_30, %get3A_31] : memref<64x128xf32, #tpu.memory_space<vmem>>, vector<64x128xf32>
    %dot_general3A_33 = arith.constant dense<0.000000e+00> : vector<400x128xf32>
    %dot_general3A_34 = tpu.matmul %div3A_14, %get3A_32, %dot_general3A_33 {dimension_numbers = #tpu.dot_dimension_numbers<[1], [0], [0], [1], [0, 0, 1, 1], [], []>, transpose_lhs_hint = false} : vector<400x64xf32>, vector<64x128xf32>, vector<400x128xf32> -> vector<400x128xf32>
    %add3A = arith.addf %dot_general3A_29, %dot_general3A_34 : vector<400x128xf32>
    %get3A_35 = arith.constant 0 : index
    %get3A_36 = arith.constant 0 : index
    %get3A_37 = vector.load %arg8[%get3A_35, %get3A_36] : memref<64x128xf32, #tpu.memory_space<vmem>>, vector<64x128xf32>
    %dot_general3A_38 = arith.constant dense<0.000000e+00> : vector<400x128xf32>
    %dot_general3A_39 = tpu.matmul %div3A_22, %get3A_37, %dot_general3A_38 {dimension_numbers = #tpu.dot_dimension_numbers<[1], [0], [0], [1], [0, 0, 1, 1], [], []>, transpose_lhs_hint = false} : vector<400x64xf32>, vector<64x128xf32>, vector<400x128xf32> -> vector<400x128xf32>
    %add3A_40 = arith.addf %add3A, %dot_general3A_39 : vector<400x128xf32>
    %get3A_41 = arith.constant 0 : index
    %get3A_42 = arith.constant 0 : index
    %get3A_43 = vector.load %arg9[%get3A_41, %get3A_42] : memref<1x128xf32, #tpu.memory_space<vmem>>, vector<1x128xf32>
    %add3A_44 = vector.broadcast %get3A_43 : vector<1x128xf32> to vector<400x128xf32>
    %add3A_45 = arith.addf %add3A_40, %add3A_44 : vector<400x128xf32>
    %max3A_46 = arith.constant 0.000000e+00 : f32
    %max3A_47 = vector.broadcast %max3A_46 : f32 to vector<400x128xf32>
    %max3A_48 = arith.maximumf %add3A_45, %max3A_47 : vector<400x128xf32>
    %get3A_49 = arith.constant 0 : index
    %get3A_50 = arith.constant 0 : index
    %get3A_51 = vector.load %arg10[%get3A_49, %get3A_50] : memref<128x128xf32, #tpu.memory_space<vmem>>, vector<128x128xf32>
    %dot_general3A_52 = arith.constant dense<0.000000e+00> : vector<400x128xf32>
    %dot_general3A_53 = tpu.matmul %max3A_48, %get3A_51, %dot_general3A_52 {dimension_numbers = #tpu.dot_dimension_numbers<[1], [0], [0], [1], [0, 0, 1, 1], [], []>, transpose_lhs_hint = false} : vector<400x128xf32>, vector<128x128xf32>, vector<400x128xf32> -> vector<400x128xf32>
    %get3A_54 = arith.constant 0 : index
    %get3A_55 = arith.constant 0 : index
    %get3A_56 = vector.load %arg11[%get3A_54, %get3A_55] : memref<1x128xf32, #tpu.memory_space<vmem>>, vector<1x128xf32>
    %add3A_57 = vector.broadcast %get3A_56 : vector<1x128xf32> to vector<400x128xf32>
    %add3A_58 = arith.addf %dot_general3A_53, %add3A_57 : vector<400x128xf32>
    %swap3A = arith.constant 0 : index
    %swap3A_59 = arith.constant 0 : index
    %swap3A_60 = vector.load %arg12[%swap3A, %swap3A_59] : memref<400x128xf32, #tpu.memory_space<vmem>>, vector<400x128xf32>
    tpu.vector_store %arg12[%swap3A, %swap3A_59], %add3A_58 {strides = array<i32>} : memref<400x128xf32, #tpu.memory_space<vmem>>, vector<400x128xf32>,
    return
  }
  func.func @transform_0(%arg0: i32) -> (i32, i32) {
    %c0_i32 = arith.constant 0 : i32
    %c0_i32_0 = arith.constant 0 : i32
    return %arg0, %c0_i32 : i32, i32
  }
  func.func @transform_1(%arg0: i32) -> (i32, i32) {
    %c0_i32 = arith.constant 0 : i32
    %c0_i32_0 = arith.constant 0 : i32
    return %arg0, %c0_i32 : i32, i32
  }
  func.func @transform_2(%arg0: i32) -> (i32, i32) {
    %c0_i32 = arith.constant 0 : i32
    %c0_i32_0 = arith.constant 0 : i32
    return %arg0, %c0_i32 : i32, i32
  }
  func.func @transform_3(%arg0: i32) -> (i32, i32) {
    %c0_i32 = arith.constant 0 : i32
    %c0_i32_0 = arith.constant 0 : i32
    return %arg0, %c0_i32 : i32, i32
  }
  func.func @transform_4(%arg0: i32) -> (i32, i32) {
    %c0_i32 = arith.constant 0 : i32
    %c0_i32_0 = arith.constant 0 : i32
    return %arg0, %c0_i32 : i32, i32
  }
  func.func @transform_5(%arg0: i32) -> (i32, i32) {
    %c0_i32 = arith.constant 0 : i32
    %c0_i32_0 = arith.constant 0 : i32
    %c0_i32_1 = arith.constant 0 : i32
    return %c0_i32, %c0_i32_0 : i32, i32
  }
  func.func @transform_6(%arg0: i32) -> (i32, i32) {
    %c0_i32 = arith.constant 0 : i32
    %c0_i32_0 = arith.constant 0 : i32
    %c0_i32_1 = arith.constant 0 : i32
    return %c0_i32, %c0_i32_0 : i32, i32
  }
  func.func @transform_7(%arg0: i32) -> (i32, i32) {
    %c0_i32 = arith.constant 0 : i32
    %c0_i32_0 = arith.constant 0 : i32
    %c0_i32_1 = arith.constant 0 : i32
    return %c0_i32, %c0_i32_0 : i32, i32
  }
  func.func @transform_8(%arg0: i32) -> (i32, i32) {
    %c0_i32 = arith.constant 0 : i32
    %c0_i32_0 = arith.constant 0 : i32
    %c0_i32_1 = arith.constant 0 : i32
    return %c0_i32, %c0_i32_0 : i32, i32
  }
  func.func @transform_9(%arg0: i32) -> (i32, i32) {
    %c0_i32 = arith.constant 0 : i32
    %c0_i32_0 = arith.constant 0 : i32
    %c0_i32_1 = arith.constant 0 : i32
    return %c0_i32, %c0_i32_0 : i32, i32
  }
  func.func @transform_10(%arg0: i32) -> (i32, i32) {
    %c0_i32 = arith.constant 0 : i32
    %c0_i32_0 = arith.constant 0 : i32
    %c0_i32_1 = arith.constant 0 : i32
    return %c0_i32, %c0_i32_0 : i32, i32
  }
  func.func @transform_11(%arg0: i32) -> (i32, i32) {
    %c0_i32 = arith.constant 0 : i32
    %c0_i32_0 = arith.constant 0 : i32
    return %arg0, %c0_i32 : i32, i32
  }
}

</mosaic_0001>

<sc_bundles>
// kernel: kernel.5.cloned.1.call-start
scs
__scs_entry_jumppad:
0x0: {  	(pc) =	sbr.rel $0x88, $3  }
0x1: {  	(tag) =	ssettag $0x0;
	lr =	simm.s32 $0x1  }
0x2: {  	[smem:$0x3F95] =	sst lr;
	_ =	strace $0xD0000000  }
0x3: {  	_ = 	snop  }
0x4: {  	_ = 	snop  }
0x5: {  	_ = 	snop  }
0x6: {  	_ = 	snop  }
0x7: {  	_ = 	snop  }
__scs_overlays_trampoline_lowered:
0x8: {  	[smem:$0x3FA4] =	sst s0  }
0x9: {  	[smem:$0x3FA5] =	sst s1  }
0xa: {  	[smem:$0x3FA6] =	sst s2  }
0xb: {  	[smem:$0x3FA7] =	sst s3  }
0xc: {  	[smem:$0x3FA8] =	sst s4  }
0xd: {  	[smem:$0x3FA9] =	sst s5  }
0xe: {  	[smem:$0x3FAA] =	sst s6  }
0xf: {  	[smem:$0x3FAB] =	sst s7  }
0x10: {  	[smem:$0x3FAC] =	sst s8  }
0x11: {  	[smem:$0x3FAD] =	sst s9;
	s0 =	simm.s32 @!p0 $0x0  }
0x12: {  	s1 =	sld [smem:$0x3F93];
	s0 =	simm.s32 @p0 $0x1  }
0x13: {  	[smem:$0x3FAE] =	sst s0;
	s0 =	simm.s32 @!p1 $0x0  }
0x14: {  	s2 =	sld [smem:$0x3F92];
	s0 =	simm.s32 @p1 $0x1  }
0x15: {  	[smem:$0x3FAF] =	sst s0;
	s0 =	simm.s32 @!p2 $0x0  }
0x16: {  	s3 =	sld [smem:$0x3FDB];
	s0 =	simm.s32 @p2 $0x1  }
0x17: {  	s4 =	simm.s32 $0x1BF5;
	[smem:$0x3FB1] =	sst s0  }
0x18: {  	s0 =	sld [smem:$0x3F94];
	_ =	swait.ge [sflag:s4], $0x0  }
0x19: {  	s7 =	sld [smem:$0x3F95]  }
0x1a: {  	s8 =	sadd.s32 $0xFFFFE003, lr  }
0x1b: {  	s9 =	sadd.s32 $0xFFFFFEF7, lr;
	s5 =	simm.s32 $0xFFFFFFFF;
	p2 =	slt.u32 s8, $0xFFFFF086  }
0x1c: {  	p1 =	slt.u32 s9, $0xF7A;
	s5 =	simm.s32 @!p2 $0x0  }
0x1d: {  	s5 =	simm.s32 @p1 $0x1;
	p0 =	seq.s32 s7, s2  }
0x1e: {  	s7 =	smul.u32 @!p0 $0xF7A, s2;
	p2 =	seq.s32 @!p0 s5, $0x0  }
0x1f: {  	s9 =	smul.u32 $0xF7A, s1;
	s8 =	simm.s32 @!p0 $0x1BF5;
	p2 =	por !p2, p0  }
0x20: {  	[sflag:s8] =	ssyncset.s32 @!p0 $0xFFFFF086;
	s6 =	sadd.s32 @!p0 s3, s7;
	s7 =	simm.s32 @!p0 $0x108  }
0x21: {  	s3 =	sadd.s32 s3, s9;
	s6 =	sadd.s32 @!p0 $0x88, s6;
	s7 =	simm.s32 @p2 $0x1082  }
0x22: {  	[simem:s7], [sflag:s8] =	dma.local @!p0 [hbm:s6], $0xF7A  }
0x23: {  	s9 =	sor.u32 $0xD0000000, s2;
	s6 =	simm.s32 $0x108;
	_ =	swait.ge @!p0 [sflag:s8], $0x0  }
0x24: {  	s3 =	sadd.s32 $0x88, s3;
	s6 =	simm.s32 @!p1 $0x1082;
	[sflag:s4] =	ssyncset.s32 $0xFFFFF086  }
0x25: {  	[simem:s6], [sflag:s4] =	dma.local [hbm:s3], $0xF7A  }
0x26: {  	[smem:$0x3F95] =	sst s1;
	(tag) =	ssettag s2;
	_ =	strace s9  }
0x27: {  	s1 =	sld [smem:$0x3FA5]  }
0x28: {  	s2 =	sld [smem:$0x3FA6]  }
0x29: {  	s4 =	sld [smem:$0x3FA8]  }
0x2a: {  	p0 =	seq.s32 s5, $0x0;
	s5 =	sld [smem:$0x3FA9]  }
0x2b: {  	s6 =	sld [smem:$0x3FAA]  }
0x2c: {  	s7 =	sld [smem:$0x3FAB]  }
0x2d: {  	s3 =	simm.s32 $0x108;
	s8 =	sld [smem:$0x3FAC]  }
0x2e: {  	s3 =	simm.s32 @!p0 $0x1082;
	s9 =	sld [smem:$0x3FAD]  }
0x2f: {  	lr =	sadd.s32 s0, s3;
	s0 =	sld [smem:$0x3FA4]  }
0x30: {  	s3 =	sld [smem:$0x3FA7]  }
0x31: {  	[smem:$0x3FB0] =	sst s10  }
0x32: {  	s10 =	sld [smem:$0x3FAE];
	_ =	sdelay $0x3  }
0x33: {  	p0 =	seq.s32 s10, $0x1;
	s10 =	sld [smem:$0x3FB0];
	_ =	sdelay $0x3  }
0x34: {  	[smem:$0x3FB0] =	sst s10  }
0x35: {  	s10 =	sld [smem:$0x3FAF];
	_ =	sdelay $0x3  }
0x36: {  	p1 =	seq.s32 s10, $0x1;
	s10 =	sld [smem:$0x3FB0];
	_ =	sdelay $0x3  }
0x37: {  	[smem:$0x3FB0] =	sst s10  }
0x38: {  	s10 =	sld [smem:$0x3FB1]  }
0x39: {  	_ = 	snop;
	(pc) =	sbr.ind lr, $3  }
0x3a: {  	_ = 	snop  }
0x3b: {  	_ = 	snop  }
0x3c: {  	p2 =	seq.s32 s10, $0x1;
	s10 =	sld [smem:$0x3FB0]  }
0x3d: {  	_ =	shalt  }
0x3e: {  	_ =	shalt  }
0x3f: {  	_ =	shalt  }
0x40: {  	_ =	shalt  }
0x41: {  	_ =	shalt  }
0x42: {  	_ =	shalt  }
0x43: {  	_ =	shalt  }
0x44: {  	_ =	shalt  }
0x45: {  	_ =	shalt  }
0x46: {  	_ =	shalt  }
0x47: {  	_ =	shalt  }
0x48: {  	_ =	shalt  }
0x49: {  	_ =	shalt  }
0x4a: {  	_ =	shalt  }
0x4b: {  	_ =	shalt  }
0x4c: {  	_ =	shalt  }
0x4d: {  	_ =	shalt  }
0x4e: {  	_ =	shalt  }
0x4f: {  	_ =	shalt  }
0x50: {  	_ =	shalt  }
0x51: {  	_ =	shalt  }
0x52: {  	_ =	shalt  }
0x53: {  	_ =	shalt  }
0x54: {  	_ =	shalt  }
0x55: {  	_ =	shalt  }
0x56: {  	_ =	shalt  }
0x57: {  	_ =	shalt  }
0x58: {  	_ =	shalt  }
0x59: {  	_ =	shalt  }
0x5a: {  	_ =	shalt  }
0x5b: {  	_ =	shalt  }
0x5c: {  	_ =	shalt  }
0x5d: {  	_ =	shalt  }
0x5e: {  	_ =	shalt  }
0x5f: {  	_ =	shalt  }
0x60: {  	_ =	shalt  }
0x61: {  	_ =	shalt  }
0x62: {  	_ =	shalt  }
0x63: {  	_ =	shalt  }
0x64: {  	_ =	shalt  }
0x65: {  	_ =	shalt  }
0x66: {  	_ =	shalt  }
0x67: {  	_ =	shalt  }
0x68: {  	_ =	shalt  }
0x69: {  	_ =	shalt  }
0x6a: {  	_ =	shalt  }
0x6b: {  	_ =	shalt  }
0x6c: {  	_ =	shalt  }
0x6d: {  	_ =	shalt  }
0x6e: {  	_ =	shalt  }
0x6f: {  	_ =	shalt  }
0x70: {  	_ =	shalt  }
0x71: {  	_ =	shalt  }
0x72: {  	_ =	shalt  }
0x73: {  	_ =	shalt  }
0x74: {  	_ =	shalt  }
0x75: {  	_ =	shalt  }
0x76: {  	_ =	shalt  }
0x77: {  	_ =	shalt  }
0x78: {  	_ =	shalt  }
0x79: {  	_ =	shalt  }
0x7a: {  	_ =	shalt  }
0x7b: {  	_ =	shalt  }
0x7c: {  	_ =	shalt  }
0x7d: {  	_ =	shalt  }
0x7e: {  	_ =	shalt  }
0x7f: {  	_ =	shalt  }
0x80: {  	_ =	shalt  }
0x81: {  	_ =	shalt  }
0x82: {  	_ =	shalt  }
0x83: {  	_ =	shalt  }
0x84: {  	_ =	shalt  }
0x85: {  	_ =	shalt  }
0x86: {  	_ =	shalt  }
0x87: {  	_ =	shalt  }
.Lfunc_end0:
.L_simem_size_0:
called_computation_lowered:
.L_overlay_start_0:
0x88: {  	s2 =	sld [smem:$0x3FD9]  }
0x89: {  	s3 =	sld [smem:$0x3FFE];
	_ =	sdelay $0x1  }
0x8a: {  	s1 =	srdreg.scid  }
0x8b: {  	s0 =	sand.u32 $0x1, s1  }
0x8c: {  	s17 =	sshll.u32 s0, $0xA;
	s2 =	sadd.s32 s3, s2  }
0x8d: {  	s2 =	sadd.s32 s2, s17  }
0x8e: {  	[smem:$0x3FBC] =	sst s2  }
0x8f: {  	_ = 	snop  }
0x90: {  	s2 =	sld [smem:$0x3FD0];
	(tm) =	ssettm $0x1  }
0x91: {  	s18 =	sld [smem:$0x3FFB];
	_ =	sdelay $0x3  }
0x92: {  	_ =	strace s18  }
0x93: {  	s3 =	sld [smem:$0x3FFC];
	_ =	sdelay $0x3  }
0x94: {  	_ =	strace s3  }
0x95: {  	s3 =	sld [smem:$0x3FFD];
	_ =	sdelay $0x3  }
0x96: {  	_ =	strace s3  }
0x97: {  	_ =	strace $0x8FFFFFFF  }
0x98: {  	s19 =	sld [smem:$0x3FDB];
	_ =	sdelay $0x1  }
0x99: {  	s4 =	simm.s32 $_scs_section_size  }
0x9a: {  	s5 =	simm.s32 $_size__tile_overlayer_lowered;
	s6 =	simm.s32 $_tile_overlayer_lowered  }
0x9b: {  	s22 =	simm.s32 $0x1BFF;
	s21 =	sshll.u32 s6, $0x1;
	s3 =	sadd.s32 s4, s19  }
0x9c: {  	s7 =	simm.s32 $0x0;
	s20 =	sshll.u32 s5, $0x1;
	s5 =	sadd.s32 s21, s3  }
0x9d: {  	[timem:s7], [sflag:s22] =	dma.local [hbm:s5], s20  }
0x9e: {  	_ =	swait.ge [sflag:s22], s20  }
0x9f: {  	s4 =	ssub.s32 $0x0, s20;
	[sflag:s22] =	ssyncset.done $0x0  }
0xa0: {  	[sflag:s22] =	ssyncadd.s32 s4;
	_ =	sdelay $0x1  }
0xa1: {  	s23 =	simm.s32 $0x1B8B  }
0xa2: {  	_ =	swait.ge [sflag:s23], $0x1  }
0xa3: {  	[sflag:s23] =	ssyncset.done $0x0  }
0xa4: {  	s25 =	simm.s32 $0x1B8E;
	s24 =	sld [smem:$0x3FFE];
	[sflag:s23] =	ssyncadd.s32 $0xFFFFFFFF  }
0xa5: {  	s26 =	simm.s32 $execute0_lowered;
	[smem:$0x3FD2] =	sst s25  }
0xa6: {  	s5 =	sshll.u32 s26, $0x1;
	_ =	strace $0x80000046;
	[dreg:$0x1] =	wrdreg $0xFFFFFFFF  }
0xa7: {  	s28 =	simm.s32 $_size_execute0_lowered;
	s3 =	sadd.s32 s3, s5;
	[dreg:$0x0] =	wrdreg $0x0  }
0xa8: {  	s5 =	sshll.u32 s28, $0x1;
	[dreg:$0x2] =	wrdreg s3  }
0xa9: {  	[dreg:$0x3] =	wrdreg s5  }
0xaa: {  	[dreg:$0x4] =	wrdreg $0xC0  }
0xab: {  	_ =	task [dreg:s7], $0x5FFFF  }
0xac: {  	[dreg:$0x1] =	wrdreg $0xFFFFFFFF  }
0xad: {  	[dreg:$0x0] =	wrdreg $0x60  }
0xae: {  	[dreg:$0x2] =	wrdreg s24  }
0xaf: {  	[dreg:$0x3] =	wrdreg s2  }
0xb0: {  	[dreg:$0x4] =	wrdreg $0xF9900  }
0xb1: {  	[dreg:$0x5] =	wrdreg $0x9  }
0xb2: {  	_ =	task.clear_ibuf [dreg:s7], $0x6FFFF;
	_ =	strace $0x90000046  }
0xb3: {  	s29 =	simm.s32 $0x9;
	_ =	strace $0x80000048  }
0xb4: {  	_ =	swait.ge [sflag:s29], $0x1  }
0xb5: {  	[sflag:s29] =	ssyncadd.s32 $0xFFFFFFFF  }
0xb6: {  	_ =	strace $0x90000048  }
0xb7: {  	_ =	sfence  }
0xb8: {  	s30 =	sld [smem:$0x0];
	_ =	sdelay $0x2  }
0xb9: {  	s31 =	sshll.u32 s1, $0xD;
	s1 =	sshrl.u32 s1, $0x2  }
0xba: {  	s3 =	sand.u32 $0x4000, s31;
	s1 =	sadd.s32 s1, s30  }
0xbb: {  	s0 =	sor.u32 s3, s0;
	s1 =	sshll.u32 s1, $0x11  }
0xbc: {  	s0 =	sor.u32 s1, s0  }
0xbd: {  	s0 =	sadd.s32 $0x8F2B, s0  }
0xbe: {  	[sflag:s0] =	ssyncadd.remote.s32 $0x1  }
0xbf: {  	_ =	sfence.sel $0xFFFF  }
0xc0: {  	[dreg:$0x0] =	wrdreg $0xFFFFFFFF;
	(pc) =	sbr.abs _section_cstart, $3  }
0xc1: {  	[dreg:$0x1] =	wrdreg $0xFFFFFFFF  }
0xc2: {  	_ =	task.clear_ibuf [dreg:s7], $0x2FFFF;
	_ =	strace $0x9FFFFFFF  }
0xc3: {  	(tm) =	ssettm $0x7FFFFFFF  }
tec
execute0_lowered:
.L_overlay_start_1:
0x0: {  	(tag) =	ssettag $0x1  }
0x1: {  	v0 =	vlaneseq.u32  }
0x2: {  	s9 =	rddreg [dreg:$0x0];
	v0 =	vmul.u32 $0x10, v0  }
0x3: {  	s10 =	rddreg [dreg:$0x1];
	s25 =	simm.s32 $0x0  }
0x4: {  	[smem:$0x7FF] =	sst s25;
	v2 =	vor.u32 $0x4, v0  }
0x5: {  	s2 =	rddreg [dreg:$0x2];
	_ =	strace $0x80000047;
	v13 =	vor.u32 $0x1, v0;
	[tilespmem:$0x1FC20] =	vst v2  }
0x6: {  	v14 =	vor.u32 $0x2, v0;
	[tilespmem:$0x1FFD0] =	vst v13  }
0x7: {  	v15 =	vor.u32 $0x3, v0;
	[tilespmem:$0x1FFE0] =	vst v14  }
0x8: {  	v2 =	vor.u32 $0x5, v0;
	[tilespmem:$0x1FFF0] =	vst v15  }
0x9: {  	[tilespmem:$0x1FC30] =	vst v2;
	v2 =	vor.u32 $0x6, v0  }
0xa: {  	[tilespmem:$0x1FC40] =	vst v2;
	v2 =	vor.u32 $0x7, v0  }
0xb: {  	[tilespmem:$0x1FC50] =	vst v2;
	v2 =	vor.u32 $0x8, v0  }
0xc: {  	[tilespmem:$0x1FC60] =	vst v2;
	v2 =	vor.u32 $0x9, v0  }
0xd: {  	[tilespmem:$0x1FC70] =	vst v2;
	v2 =	vor.u32 $0xA, v0  }
0xe: {  	[tilespmem:$0x1FC80] =	vst v2;
	v2 =	vor.u32 $0xB, v0  }
0xf: {  	[tilespmem:$0x1FC90] =	vst v2;
	v2 =	vor.u32 $0xC, v0  }
0x10: {  	[tilespmem:$0x1FCA0] =	vst v2;
	v2 =	vor.u32 $0xD, v0  }
0x11: {  	[tilespmem:$0x1FCB0] =	vst v2;
	v2 =	vor.u32 $0xE, v0  }
0x12: {  	[tilespmem:$0x1FCC0] =	vst v2;
	v2 =	vor.u32 $0xF, v0  }
0x13: {  	[tilespmem:$0x1FCD0] =	vst v2;
	v2 =	vor.u32 $0x100, v0  }
0x14: {  	[tilespmem:$0x1FCE0] =	vst v2;
	v2 =	vor.u32 $0x101, v0  }
0x15: {  	[tilespmem:$0x1FCF0] =	vst v2;
	v2 =	vor.u32 $0x102, v0  }
0x16: {  	[tilespmem:$0x1FD00] =	vst v2;
	v2 =	vor.u32 $0x103, v0  }
0x17: {  	[tilespmem:$0x1FD10] =	vst v2;
	v2 =	vor.u32 $0x104, v0  }
0x18: {  	[tilespmem:$0x1FD20] =	vst v2;
	v2 =	vor.u32 $0x105, v0  }
0x19: {  	[tilespmem:$0x1FD30] =	vst v2;
	v2 =	vor.u32 $0x106, v0  }
0x1a: {  	[tilespmem:$0x1FD40] =	vst v2;
	v2 =	vor.u32 $0x107, v0  }
0x1b: {  	[tilespmem:$0x1FD50] =	vst v2;
	v2 =	vor.u32 $0x108, v0  }
0x1c: {  	[tilespmem:$0x1FD60] =	vst v2;
	v2 =	vor.u32 $0x109, v0  }
0x1d: {  	[tilespmem:$0x1FD70] =	vst v2;
	v2 =	vor.u32 $0x10A, v0  }
0x1e: {  	[tilespmem:$0x1FD80] =	vst v2;
	v2 =	vor.u32 $0x10B, v0  }
0x1f: {  	[tilespmem:$0x1FD90] =	vst v2;
	v2 =	vor.u32 $0x10C, v0  }
0x20: {  	[tilespmem:$0x1FDA0] =	vst v2;
	v2 =	vor.u32 $0x10D, v0  }
0x21: {  	[tilespmem:$0x1FDB0] =	vst v2;
	v2 =	vor.u32 $0x10E, v0  }
0x22: {  	[tilespmem:$0x1FDC0] =	vst v2;
	v2 =	vor.u32 $0x10F, v0  }
0x23: {  	s24 =	stileid.u32;
	[tilespmem:$0x1FDD0] =	vst v2;
	v2 =	vor.u32 $0x200, v0  }
0x24: {  	s3 =	smul.u32 $0x2800, s24;
	[tilespmem:$0x1FDE0] =	vst v2;
	v2 =	vor.u32 $0x201, v0  }
0x25: {  	s0 =	srdreg.scid;
	s5 =	smul.u32 $0xC800, s24;
	[tilespmem:$0x1FDF0] =	vst v2;
	v2 =	vor.u32 $0x202, v0  }
0x26: {  	s29 =	simm.s32 $0x1;
	s4 =	sand.u32 $0x1, s0;
	s15 =	smul.u32 $0x4E2, s24;
	[tilespmem:$0x1FE00] =	vst v2;
	v2 =	vor.u32 $0x203, v0  }
0x27: {  	s30 =	simm.s32 $0x2;
	s13 =	sor.u32 $0x10, s24;
	s12 =	smul.u32 $0x4E20, s4;
	[tilespmem:$0x1FE10] =	vst v2;
	v2 =	vor.u32 $0x204, v0  }
0x28: {  	s31 =	simm.s32 $0x5;
	s14 =	sor.u32 $0x20, s24;
	s1 =	smul.u32 $0xC800, s13;
	[tilespmem:$0x1FE20] =	vst v2;
	v2 =	vor.u32 $0x205, v0  }
0x29: {  	s6 =	sadd.s32 $0x1E00, s9;
	s7 =	sadd.s32 $0x6E00, s9;
	s0 =	smul.u32 $0xC800, s14;
	[tilespmem:$0x1FE30] =	vst v2;
	v2 =	vor.u32 $0x206, v0  }
0x2a: {  	s8 =	sadd.s32 $0x1A800, s9;
	s16 =	smul.u32 $0x13880, s4;
	s18 =	ssub.s32 $0x2, s4;
	[tilespmem:$0x1FE40] =	vst v2;
	v2 =	vor.u32 $0x207, v0  }
0x2b: {  	s14 =	smul.u32 $0x3200, s14;
	p0 =	seq.s32 s4, $0x0;
	s11 =	sshrl.u32 s3, $0x3;
	[tilespmem:$0x1FE50] =	vst v2;
	v2 =	vor.u32 $0x208, v0  }
0x2c: {  	s26 =	sshrl.u32 s18, $0x1;
	s17 =	sadd.s32 s11, s9;
	s11 =	smul.u32 $0x3200, s24;
	[tilespmem:$0x1FE60] =	vst v2;
	v2 =	vor.u32 $0x209, v0  }
0x2d: {  	s5 =	sshrl.u32 s5, $0x2;
	s19 =	sadd.s32 s12, s9;
	s12 =	smul.u32 $0x3200, s13;
	[tilespmem:$0x1FE70] =	vst v2;
	v2 =	vor.u32 $0x20A, v0  }
0x2e: {  	s9 =	ssub.s32 s18, s26;
	s13 =	sor.u32 $0x30, s24;
	s16 =	sadd.s32 s10, s16;
	[tilespmem:$0x1FE80] =	vst v2;
	v2 =	vor.u32 $0x20B, v0  }
0x2f: {  	s22 =	sshrl.u32 s14, $0x3;
	s10 =	smov.u32 s8;
	s5 =	sadd.s32 s5, s2;
	[tilespmem:$0x1FE90] =	vst v2;
	v2 =	vor.u32 $0x20C, v0  }
0x30: {  	s1 =	sshrl.u32 s1, $0x2;
	s0 =	sshrl.u32 s0, $0x2;
	s28 =	sadd.s32 $0x38200, s19;
	[tilespmem:$0x1FEA0] =	vst v2;
	v2 =	vor.u32 $0x20D, v0  }
0x31: {  	s19 =	smul.u32 $0x3200, s13;
	s10 =	smov.u32 @p0 s7;
	p0 =	sgt.u32 s24, $0x1;
	[tilespmem:$0x1FEB0] =	vst v2;
	v2 =	vor.u32 $0x20E, v0  }
0x32: {  	s13 =	smul.u32 $0xC800, s13;
	[dreg:$0xb] =	wrdreg s5;
	s1 =	sadd.s32 s1, s2;
	[tilespmem:$0x1FEC0] =	vst v2;
	v2 =	vor.u32 $0x20F, v0  }
0x33: {  	s0 =	sadd.s32 s0, s2;
	s9 =	smax.u32 s9, $0x1;
	s20 =	sshrl.u32 s11, $0x3;
	[tilespmem:$0x1FED0] =	vst v2;
	v2 =	vor.u32 $0x300, v0  }
0x34: {  	s21 =	sshrl.u32 s12, $0x3;
	s18 =	sadd.s32 s15, s28;
	[dreg:$0xc] =	wrdreg s1;
	[tilespmem:$0x1FEE0] =	vst v2;
	v2 =	vor.u32 $0x301, v0  }
0x35: {  	s28 =	sadd.s32 s22, s16;
	[dreg:$0xd] =	wrdreg s0;
	s22 =	sadd.s32 s11, s2;
	[tilespmem:$0x1FEF0] =	vst v2;
	v2 =	vor.u32 $0x302, v0  }
0x36: {  	[dreg:$0xf] =	wrdreg s9;
	s1 =	simm.s32 $0x80;
	s9 =	simm.s32 $0x5800;
	[tilespmem:$0x1FF00] =	vst v2;
	v2 =	vor.u32 $0x303, v0  }
0x37: {  	s23 =	sshrl.u32 s19, $0x3;
	[dreg:$0x4] =	wrdreg s18;
	s24 =	sadd.s32 s20, s16;
	[tilespmem:$0x1FF10] =	vst v2;
	v2 =	vor.u32 $0x304, v0  }
0x38: {  	s26 =	sadd.s32 s21, s16;
	[dreg:$0x7] =	wrdreg s28;
	s18 =	sadd.s32 $0x33200, s17;
	[tilespmem:$0x1FF20] =	vst v2;
	v2 =	vor.u32 $0x305, v0  }
0x39: {  	s20 =	sshrl.u32 s13, $0x2;
	s11 =	sadd.s32 s19, s2;
	[dreg:$0x5] =	wrdreg s24;
	[tilespmem:$0x1FF30] =	vst v2;
	v2 =	vor.u32 $0x306, v0  }
0x3a: {  	s0 =	sshrl.u32 s22, $0x3;
	s13 =	simm.s32 $0x8000;
	[dreg:$0x6] =	wrdreg s26;
	[tilespmem:$0x1FF40] =	vst v2;
	v2 =	vor.u32 $0x307, v0  }
0x3b: {  	s15 =	sadd.s32 @!p0 s23, s16;
	s16 =	sadd.s32 $0x2E200, s17;
	[dreg:$0xa] =	wrdreg s18;
	[tilespmem:$0x1FF50] =	vst v2;
	v2 =	vor.u32 $0x308, v0  }
0x3c: {  	s21 =	sadd.s32 s20, s2;
	s23 =	sadd.s32 s12, s2;
	[dreg:$0x10] =	wrdreg s0;
	[tilespmem:$0x1FF60] =	vst v2;
	v2 =	vor.u32 $0x309, v0  }
0x3d: {  	s24 =	sadd.s32 s14, s2;
	s0 =	sshrl.u32 @!p0 s11, $0x3;
	[dreg:$0x8] =	wrdreg s15;
	[tilespmem:$0x1FF70] =	vst v2;
	v2 =	vor.u32 $0x30A, v0  }
0x3e: {  	s11 =	simm.s32 $0x6000;
	s12 =	simm.s32 $0xA080;
	[dreg:$0x9] =	wrdreg s16;
	[tilespmem:$0x1FF80] =	vst v2;
	v2 =	vor.u32 $0x30B, v0  }
0x3f: {  	s14 =	simm.s32 $0x3;
	s18 =	simm.s32 $0x0;
	[dreg:$0xe] =	wrdreg s21;
	[tilespmem:$0x1FF90] =	vst v2;
	v2 =	vor.u32 $0x30C, v0  }
0x40: {  	s26 =	sshrl.u32 s23, $0x3;
	s28 =	sshrl.u32 s24, $0x3;
	[dreg:$0x13] =	wrdreg s0;
	[tilespmem:$0x1FFA0] =	vst v2;
	v2 =	vor.u32 $0x30D, v0  }
0x41: {  	s21 =	simm.s32 $0x2800;
	s0 =	simm.s32 $0x5000;
	[dreg:$0x11] =	wrdreg s26;
	[tilespmem:$0x1FFB0] =	vst v2;
	v2 =	vor.u32 $0x30E, v0  }
0x42: {  	v1 =	vimm.f32 $0.0e+00;
	s15 =	simm.s32 $0xA000;
	s16 =	simm.s32 $0x4;
	[dreg:$0x12] =	wrdreg s28;
	[tilespmem:$0x1FFC0] =	vst v2  }
.LBB2_1:
0x43: {  	s5 =	rddreg [dreg:$0x9]  }
0x44: {  	[tilespmem:s25], [sflag:$0x1] =	stream.linear.gather [hbm4b:s5+s25], $0x2800, $0x38;
	[tilespmem:$0x195D0] =	vst v63  }
0x45: {  	s28 =	rddreg [dreg:$0xa];
	s19 =	simm.s32 $0x100;
	s5 =	simm.s32 $0x0  }
0x46: {  	[tilespmem:s21], [sflag:$0x2] =	stream.linear.gather [hbm4b:s28+s25], $0x2800, $0x38;
	[tilespmem:$0x195D0] =	vst v63  }
.LBB2_2:
0x47: {  	p1 =	sne.s32 s19, $0xC700;
	[tilespmem:s5+$0xC7C0] =	vst v1;
	s20 =	smov.u32 s19;
	s19 =	sadd.s32 $0x100, s19  }
.Ltmp0:
0x48: {  	[tilespmem:s5+$0xC7B0] =	vst v1;
	(pc) =	sbr.rel @p1 .LBB2_2-.Ltmp0, $3  }
0x49: {  	[tilespmem:s5+$0xC790] =	vst v1  }
0x4a: {  	[tilespmem:s5+$0xC7A0] =	vst v1;
	_ =	sdelay $0x1  }
0x4b: {  	s5 =	sshra.s32 s20, $0x2  }
0x4c: {  	[tilespmem:s5+$0xC7C0] =	vst v1  }
0x4d: {  	[tilespmem:s5+$0xC7B0] =	vst v1  }
0x4e: {  	[tilespmem:s5+$0xC790] =	vst v1  }
0x4f: {  	[tilespmem:s5+$0xC7A0] =	vst v1;
	s25 =	rddreg [dreg:$0xb];
	s17 =	simm.s32 $0xC790  }
0x50: {  	[spmem:s25] =	stream.linear.scatter [tilespmem:s17], [sflag:$0x5], $0x3200, $0x38;
	[tilespmem:$0x195D0] =	vst v63  }
0x51: {  	s26 =	rddreg [dreg:$0xc]  }
0x52: {  	[spmem:s26] =	stream.linear.scatter [tilespmem:s17], [sflag:$0x5], $0x3200, $0x38;
	[tilespmem:$0x195D0] =	vst v63  }
0x53: {  	s28 =	rddreg [dreg:$0xd]  }
0x54: {  	[spmem:s28] =	stream.linear.scatter [tilespmem:s17], [sflag:$0x5], $0x3200, $0x38;
	[tilespmem:$0x195D0] =	vst v63  }
0x55: {  	s5 =	simm.s32 @!p0 $0xC790;
	s17 =	rddreg [dreg:$0xe]  }
0x56: {  	[spmem:s17] =	stream.linear.scatter @!p0 [tilespmem:s5], [sflag:$0x5], $0x3200, $0x38;
	[tilespmem:$0x195D0] =	vst v63  }
0x57: {  	s19 =	simm.s32 $0x0;
	s5 =	simm.s32 $0x40  }
.LBB2_4:
0x58: {  	p1 =	sne.s32 s5, $0x9C00;
	[tilespmem:s19+$0xA080] =	vst v1;
	s19 =	smov.u32 s5;
	s5 =	sadd.s32 $0x40, s5  }
.Ltmp1:
0x59: {  	(pc) =	sbr.rel @p1 .LBB2_4-.Ltmp1, $2  }
0x5a: {  	_ =	sdelay $0x2  }
0x5b: {  	s19 =	sshra.s32 s19, $0x2  }
0x5c: {  	[tilespmem:s19+$0xA080] =	vst v1  }
0x5d: {  	_ =	swait.ge [sflag:s29], $0x2800  }
0x5e: {  	[sflag:s29] =	ssyncset.done $0x0  }
0x5f: {  	[sflag:s29] =	ssyncadd.s32 $0xFFFFD800  }
0x60: {  	_ =	swait.ge [sflag:s30], $0x2800  }
0x61: {  	[sflag:s30] =	ssyncset.done $0x0  }
0x62: {  	[sflag:s30] =	ssyncadd.s32 $0xFFFFD800  }
0x63: {  	_ =	swait.ge [sflag:s31], $0x3200  }
0x64: {  	[sflag:s31] =	ssyncset.done $0x0  }
0x65: {  	[sflag:s31] =	ssyncadd.s32 $0xFFFFCE00  }
0x66: {  	_ =	swait.ge [sflag:s31], $0x3200  }
0x67: {  	[sflag:s31] =	ssyncset.done $0x0  }
0x68: {  	[sflag:s31] =	ssyncadd.s32 $0xFFFFCE00  }
0x69: {  	_ =	swait.ge [sflag:s31], $0x3200  }
0x6a: {  	[sflag:s31] =	ssyncset.done $0x0  }
0x6b: {  	s5 =	simm.s32 @!p0 $0x5;
	[sflag:s31] =	ssyncadd.s32 $0xFFFFCE00  }
0x6c: {  	_ =	swait.ge @!p0 [sflag:s5], $0x3200  }
0x6d: {  	[sflag:s5] =	ssyncset.done @!p0 $0x0  }
0x6e: {  	[sflag:s5] =	ssyncadd.s32 @!p0 $0xFFFFCE00  }
0x6f: {  	s19 =	simm.s32 $0x0;
	[bflag:$0x0] =	sbarrier.arrive $0xFFFF  }
0x70: {  	[tilespmem:s0], [sflag:$0x1] =	stream.indirect.gather [hbm4b:s6+s1], $0x10, s19, s1, $0xb8;
	[tilespmem:$0x195D0] =	vst v63  }
0x71: {  	_ = 	snop  }
0x72: {  	[tilespmem:s9], [sflag:$0x2] =	stream.indirect.gather [hbm4b:s6+s1], $0x10, s21, s1, $0xb8;
	[tilespmem:$0x195D0] =	vst v63  }
0x73: {  	s20 =	simm.s32 $0x0  }
0x74: {  	[tilespmem:s11], [sflag:$0x3] =	stream.indirect.gather [hbm4b:s10+s1], $0x40, s21, s1, $0xb8;
	[tilespmem:$0x195D0] =	vst v63  }
.LBB2_6:
0x75: {  	_ =	swait.ge [sflag:s29], $0x800  }
0x76: {  	[sflag:s29] =	ssyncset.done $0x0  }
0x77: {  	[sflag:s29] =	ssyncadd.s32 $0xFFFFF800  }
0x78: {  	_ =	swait.ge [sflag:s30], $0x800  }
0x79: {  	[sflag:s30] =	ssyncset.done $0x0  }
0x7a: {  	[sflag:s30] =	ssyncadd.s32 $0xFFFFF800  }
0x7b: {  	v2 =	vld.idx.msk [tilespmem:v0+s0+$0x0], $0xffff  }
0x7c: {  	v3 =	vld.idx.msk [tilespmem:v0+s9+$0x0], $0xffff  }
0x7d: {  	v4 =	vld.idx.msk [tilespmem:v13+s0+$0x0], $0xffff  }
0x7e: {  	v5 =	vld.idx.msk [tilespmem:v13+s9+$0x0], $0xffff  }
0x7f: {  	v6 =	vld.idx.msk [tilespmem:v14+s0+$0x0], $0xffff  }
0x80: {  	v7 =	vld.idx.msk [tilespmem:v14+s9+$0x0], $0xffff  }
0x81: {  	v8 =	vld.idx.msk [tilespmem:v15+s9+$0x0], $0xffff;
	v2 =	vmul.f32 v3, v2  }
0x82: {  	v3 =	vld.idx.msk [tilespmem:v15+s0+$0x0], $0xffff  }
0x83: {  	v9 =	vld [tilespmem:$0x1FC20];
	v4 =	vmul.f32 v5, v4;
	v2 =	vadd.f32 $0.0e+00, v2;
	_ =	sdelay $0x1  }
0x84: {  	v2 =	vadd.f32 v4, v2;
	v4 =	vmul.f32 v7, v6;
	v7 =	vld [tilespmem:$0x1FC30];
	_ =	sdelay $0x1  }
0x85: {  	v3 =	vmul.f32 v8, v3;
	v8 =	vld [tilespmem:$0x1FC40];
	_ =	sdelay $0x3  }
0x86: {  	v5 =	vld.idx.msk [tilespmem:v9+s0+$0x0], $0xffff  }
0x87: {  	v9 =	vld.idx.msk [tilespmem:v9+s9+$0x0], $0xffff  }
0x88: {  	v6 =	vld.idx.msk [tilespmem:v7+s0+$0x0], $0xffff  }
0x89: {  	v7 =	vld.idx.msk [tilespmem:v7+s9+$0x0], $0xffff  }
0x8a: {  	v2 =	vadd.f32 v4, v2;
	v4 =	vld.idx.msk [tilespmem:v8+s0+$0x0], $0xffff  }
0x8b: {  	v8 =	vld.idx.msk [tilespmem:v8+s9+$0x0], $0xffff  }
0x8c: {  	v2 =	vadd.f32 v3, v2;
	v3 =	vmul.f32 v9, v5;
	v9 =	vld [tilespmem:$0x1FC50];
	_ =	sdelay $0x1  }
0x8d: {  	v2 =	vadd.f32 v3, v2;
	v3 =	vmul.f32 v7, v6;
	v7 =	vld [tilespmem:$0x1FC60];
	_ =	sdelay $0x1  }
0x8e: {  	v2 =	vadd.f32 v3, v2;
	v3 =	vmul.f32 v8, v4;
	v8 =	vld [tilespmem:$0x1FC70];
	_ =	sdelay $0x3  }
0x8f: {  	v5 =	vld.idx.msk [tilespmem:v9+s0+$0x0], $0xffff  }
0x90: {  	v9 =	vld.idx.msk [tilespmem:v9+s9+$0x0], $0xffff  }
0x91: {  	v6 =	vld.idx.msk [tilespmem:v7+s0+$0x0], $0xffff  }
0x92: {  	v7 =	vld.idx.msk [tilespmem:v7+s9+$0x0], $0xffff  }
0x93: {  	v4 =	vld.idx.msk [tilespmem:v8+s0+$0x0], $0xffff  }
0x94: {  	v8 =	vld.idx.msk [tilespmem:v8+s9+$0x0], $0xffff  }
0x95: {  	v2 =	vadd.f32 v3, v2;
	v3 =	vmul.f32 v9, v5;
	v9 =	vld [tilespmem:$0x1FC80];
	_ =	sdelay $0x1  }
0x96: {  	v2 =	vadd.f32 v3, v2;
	v3 =	vmul.f32 v7, v6;
	v7 =	vld [tilespmem:$0x1FC90];
	_ =	sdelay $0x1  }
0x97: {  	v2 =	vadd.f32 v3, v2;
	v3 =	vmul.f32 v8, v4;
	v8 =	vld [tilespmem:$0x1FCA0];
	_ =	sdelay $0x3  }
0x98: {  	v5 =	vld.idx.msk [tilespmem:v9+s0+$0x0], $0xffff  }
0x99: {  	v9 =	vld.idx.msk [tilespmem:v9+s9+$0x0], $0xffff  }
0x9a: {  	v6 =	vld.idx.msk [tilespmem:v7+s0+$0x0], $0xffff  }
0x9b: {  	v7 =	vld.idx.msk [tilespmem:v7+s9+$0x0], $0xffff  }
0x9c: {  	v4 =	vld.idx.msk [tilespmem:v8+s0+$0x0], $0xffff  }
0x9d: {  	v8 =	vld.idx.msk [tilespmem:v8+s9+$0x0], $0xffff  }
0x9e: {  	v2 =	vadd.f32 v3, v2;
	v3 =	vmul.f32 v9, v5;
	v9 =	vld [tilespmem:$0x1FCB0];
	_ =	sdelay $0x1  }
0x9f: {  	v2 =	vadd.f32 v3, v2;
	v3 =	vmul.f32 v7, v6;
	v7 =	vld [tilespmem:$0x1FCC0];
	_ =	sdelay $0x1  }
0xa0: {  	v2 =	vadd.f32 v3, v2;
	v3 =	vmul.f32 v8, v4;
	v8 =	vld [tilespmem:$0x1FCD0];
	_ =	sdelay $0x3  }
0xa1: {  	v5 =	vld.idx.msk [tilespmem:v9+s0+$0x0], $0xffff  }
0xa2: {  	v9 =	vld.idx.msk [tilespmem:v9+s9+$0x0], $0xffff  }
0xa3: {  	v6 =	vld.idx.msk [tilespmem:v7+s0+$0x0], $0xffff  }
0xa4: {  	v7 =	vld.idx.msk [tilespmem:v7+s9+$0x0], $0xffff  }
0xa5: {  	v4 =	vld.idx.msk [tilespmem:v8+s0+$0x0], $0xffff  }
0xa6: {  	v8 =	vld.idx.msk [tilespmem:v8+s9+$0x0], $0xffff  }
0xa7: {  	v2 =	vadd.f32 v3, v2;
	v3 =	vmul.f32 v9, v5;
	_ =	sdelay $0x1  }
0xa8: {  	v2 =	vadd.f32 v3, v2;
	v3 =	vmul.f32 v7, v6;
	_ =	sdelay $0x1  }
0xa9: {  	v2 =	vadd.f32 v3, v2;
	v3 =	vmul.f32 v8, v4;
	_ =	sdelay $0x1  }
0xaa: {  	v2 =	vadd.f32 v3, v2;
	_ =	sdelay $0x1  }
0xab: {  	v2 =	vmul.f32 $1.442695020e+00, v2;
	_ =	sdelay $0x1  }
0xac: {  	(erf) = vpow2.f32 v2;
	_ =	sdelay $0x6  }
0xad: {  	s22 =	sshll.u32 s20, $0x8  }
0xae: {  	s21 =	sadd.s32 s3, s22  }
0xaf: {  	p1 =	slt.u32 s21, $0x27100;
	v2 =	vpop (erf)  }
0xb0: {  	v2 =	vpsel !p1, $0x0, v2  }
0xb1: {  	[tilespmem:$0xA000] =	vst v2  }
0xb2: {  	v3 =	vld [tilespmem:s22+$0x0];
	_ =	sdelay $0x7  }
0xb3: {  	[tilespmem:v3+s12+$0x0] =	vst.idx.add.f32.msk $0xffff, v2  }
0xb4: {  	v3 =	vld [tilespmem:$0x1FCE0];
	_ =	sdelay $0x1  }
0xb5: {  	v5 =	vld [tilespmem:$0x1FCF0];
	_ =	sdelay $0x1  }
0xb6: {  	v7 =	vld [tilespmem:$0x1FD00];
	_ =	sdelay $0x1  }
0xb7: {  	v8 =	vld [tilespmem:$0x1FD10];
	_ =	sdelay $0x1  }
0xb8: {  	v2 =	vld.idx.msk [tilespmem:v3+s0+$0x0], $0xffff  }
0xb9: {  	v3 =	vld.idx.msk [tilespmem:v3+s9+$0x0], $0xffff  }
0xba: {  	v4 =	vld.idx.msk [tilespmem:v5+s0+$0x0], $0xffff  }
0xbb: {  	v5 =	vld.idx.msk [tilespmem:v5+s9+$0x0], $0xffff  }
0xbc: {  	v6 =	vld.idx.msk [tilespmem:v7+s0+$0x0], $0xffff  }
0xbd: {  	v7 =	vld.idx.msk [tilespmem:v7+s9+$0x0], $0xffff  }
0xbe: {  	v2 =	vmul.f32 v3, v2;
	v3 =	vld.idx.msk [tilespmem:v8+s0+$0x0], $0xffff  }
0xbf: {  	v8 =	vld.idx.msk [tilespmem:v8+s9+$0x0], $0xffff  }
0xc0: {  	v9 =	vld [tilespmem:$0x1FD20];
	v4 =	vmul.f32 v5, v4;
	v2 =	vadd.f32 $0.0e+00, v2;
	_ =	sdelay $0x1  }
0xc1: {  	v2 =	vadd.f32 v4, v2;
	v4 =	vmul.f32 v7, v6;
	v7 =	vld [tilespmem:$0x1FD30];
	_ =	sdelay $0x1  }
0xc2: {  	v3 =	vmul.f32 v8, v3;
	v8 =	vld [tilespmem:$0x1FD40];
	_ =	sdelay $0x3  }
0xc3: {  	v5 =	vld.idx.msk [tilespmem:v9+s0+$0x0], $0xffff  }
0xc4: {  	v9 =	vld.idx.msk [tilespmem:v9+s9+$0x0], $0xffff  }
0xc5: {  	v6 =	vld.idx.msk [tilespmem:v7+s0+$0x0], $0xffff  }
0xc6: {  	v7 =	vld.idx.msk [tilespmem:v7+s9+$0x0], $0xffff  }
0xc7: {  	v2 =	vadd.f32 v4, v2;
	v4 =	vld.idx.msk [tilespmem:v8+s0+$0x0], $0xffff  }
0xc8: {  	v8 =	vld.idx.msk [tilespmem:v8+s9+$0x0], $0xffff  }
0xc9: {  	v2 =	vadd.f32 v3, v2;
	v3 =	vmul.f32 v9, v5;
	v9 =	vld [tilespmem:$0x1FD50];
	_ =	sdelay $0x1  }
0xca: {  	v2 =	vadd.f32 v3, v2;
	v3 =	vmul.f32 v7, v6;
	v7 =	vld [tilespmem:$0x1FD60];
	_ =	sdelay $0x1  }
0xcb: {  	v2 =	vadd.f32 v3, v2;
	v3 =	vmul.f32 v8, v4;
	v8 =	vld [tilespmem:$0x1FD70];
	_ =	sdelay $0x3  }
0xcc: {  	v5 =	vld.idx.msk [tilespmem:v9+s0+$0x0], $0xffff  }
0xcd: {  	v9 =	vld.idx.msk [tilespmem:v9+s9+$0x0], $0xffff  }
0xce: {  	v6 =	vld.idx.msk [tilespmem:v7+s0+$0x0], $0xffff  }
0xcf: {  	v7 =	vld.idx.msk [tilespmem:v7+s9+$0x0], $0xffff  }
0xd0: {  	v4 =	vld.idx.msk [tilespmem:v8+s0+$0x0], $0xffff  }
0xd1: {  	v8 =	vld.idx.msk [tilespmem:v8+s9+$0x0], $0xffff  }
0xd2: {  	v2 =	vadd.f32 v3, v2;
	v3 =	vmul.f32 v9, v5;
	v9 =	vld [tilespmem:$0x1FD80];
	_ =	sdelay $0x1  }
0xd3: {  	v2 =	vadd.f32 v3, v2;
	v3 =	vmul.f32 v7, v6;
	v7 =	vld [tilespmem:$0x1FD90];
	_ =	sdelay $0x1  }
0xd4: {  	v2 =	vadd.f32 v3, v2;
	v3 =	vmul.f32 v8, v4;
	v8 =	vld [tilespmem:$0x1FDA0];
	_ =	sdelay $0x3  }
0xd5: {  	v5 =	vld.idx.msk [tilespmem:v9+s0+$0x0], $0xffff  }
0xd6: {  	v9 =	vld.idx.msk [tilespmem:v9+s9+$0x0], $0xffff  }
0xd7: {  	v6 =	vld.idx.msk [tilespmem:v7+s0+$0x0], $0xffff  }
0xd8: {  	v7 =	vld.idx.msk [tilespmem:v7+s9+$0x0], $0xffff  }
0xd9: {  	v4 =	vld.idx.msk [tilespmem:v8+s0+$0x0], $0xffff  }
0xda: {  	v8 =	vld.idx.msk [tilespmem:v8+s9+$0x0], $0xffff  }
0xdb: {  	v2 =	vadd.f32 v3, v2;
	v3 =	vmul.f32 v9, v5;
	v9 =	vld [tilespmem:$0x1FDB0];
	_ =	sdelay $0x1  }
0xdc: {  	v2 =	vadd.f32 v3, v2;
	v3 =	vmul.f32 v7, v6;
	v7 =	vld [tilespmem:$0x1FDC0];
	_ =	sdelay $0x1  }
0xdd: {  	v2 =	vadd.f32 v3, v2;
	v3 =	vmul.f32 v8, v4;
	v8 =	vld [tilespmem:$0x1FDD0];
	_ =	sdelay $0x3  }
0xde: {  	v5 =	vld.idx.msk [tilespmem:v9+s0+$0x0], $0xffff  }
0xdf: {  	v9 =	vld.idx.msk [tilespmem:v9+s9+$0x0], $0xffff  }
0xe0: {  	v6 =	vld.idx.msk [tilespmem:v7+s0+$0x0], $0xffff  }
0xe1: {  	v7 =	vld.idx.msk [tilespmem:v7+s9+$0x0], $0xffff  }
0xe2: {  	v4 =	vld.idx.msk [tilespmem:v8+s0+$0x0], $0xffff  }
0xe3: {  	v8 =	vld.idx.msk [tilespmem:v8+s9+$0x0], $0xffff  }
0xe4: {  	v2 =	vadd.f32 v3, v2;
	v3 =	vmul.f32 v9, v5;
	_ =	sdelay $0x1  }
0xe5: {  	v2 =	vadd.f32 v3, v2;
	v3 =	vmul.f32 v7, v6;
	_ =	sdelay $0x1  }
0xe6: {  	v2 =	vadd.f32 v3, v2;
	v3 =	vmul.f32 v8, v4;
	_ =	sdelay $0x1  }
0xe7: {  	v2 =	vadd.f32 v3, v2;
	_ =	sdelay $0x1  }
0xe8: {  	v2 =	vmul.f32 $1.442695020e+00, v2;
	_ =	sdelay $0x1  }
0xe9: {  	(erf) = vpow2.f32 v2;
	_ =	sdelay $0x7  }
0xea: {  	s5 =	sor.u32 $0x10, s21  }
0xeb: {  	p5 =	slt.u32 s5, $0x27100;
	v2 =	vpop (erf)  }
0xec: {  	v2 =	vpsel !p5, $0x0, v2  }
0xed: {  	[tilespmem:$0xA010] =	vst v2  }
0xee: {  	v3 =	vld [tilespmem:s22+$0x10];
	_ =	sdelay $0x7  }
0xef: {  	[tilespmem:v3+s12+$0x0] =	vst.idx.add.f32.msk $0xffff, v2  }
0xf0: {  	v3 =	vld [tilespmem:$0x1FDE0];
	_ =	sdelay $0x1  }
0xf1: {  	v5 =	vld [tilespmem:$0x1FDF0];
	_ =	sdelay $0x1  }
0xf2: {  	v7 =	vld [tilespmem:$0x1FE00];
	_ =	sdelay $0x1  }
0xf3: {  	v8 =	vld [tilespmem:$0x1FE10];
	_ =	sdelay $0x1  }
0xf4: {  	v2 =	vld.idx.msk [tilespmem:v3+s0+$0x0], $0xffff  }
0xf5: {  	v3 =	vld.idx.msk [tilespmem:v3+s9+$0x0], $0xffff  }
0xf6: {  	v4 =	vld.idx.msk [tilespmem:v5+s0+$0x0], $0xffff  }
0xf7: {  	v5 =	vld.idx.msk [tilespmem:v5+s9+$0x0], $0xffff  }
0xf8: {  	v6 =	vld.idx.msk [tilespmem:v7+s0+$0x0], $0xffff  }
0xf9: {  	v7 =	vld.idx.msk [tilespmem:v7+s9+$0x0], $0xffff  }
0xfa: {  	v2 =	vmul.f32 v3, v2;
	v3 =	vld.idx.msk [tilespmem:v8+s0+$0x0], $0xffff  }
0xfb: {  	v8 =	vld.idx.msk [tilespmem:v8+s9+$0x0], $0xffff  }
0xfc: {  	v9 =	vld [tilespmem:$0x1FE20];
	v4 =	vmul.f32 v5, v4;
	v2 =	vadd.f32 $0.0e+00, v2;
	_ =	sdelay $0x1  }
0xfd: {  	v2 =	vadd.f32 v4, v2;
	v4 =	vmul.f32 v7, v6;
	v7 =	vld [tilespmem:$0x1FE30];
	_ =	sdelay $0x1  }
0xfe: {  	v3 =	vmul.f32 v8, v3;
	v8 =	vld [tilespmem:$0x1FE40];
	_ =	sdelay $0x3  }
0xff: {  	v5 =	vld.idx.msk [tilespmem:v9+s0+$0x0], $0xffff  }
0x100: {  	v9 =	vld.idx.msk [tilespmem:v9+s9+$0x0], $0xffff  }
0x101: {  	v6 =	vld.idx.msk [tilespmem:v7+s0+$0x0], $0xffff  }
0x102: {  	v7 =	vld.idx.msk [tilespmem:v7+s9+$0x0], $0xffff  }
0x103: {  	v2 =	vadd.f32 v4, v2;
	v4 =	vld.idx.msk [tilespmem:v8+s0+$0x0], $0xffff  }
0x104: {  	v8 =	vld.idx.msk [tilespmem:v8+s9+$0x0], $0xffff  }
0x105: {  	v2 =	vadd.f32 v3, v2;
	v3 =	vmul.f32 v9, v5;
	v9 =	vld [tilespmem:$0x1FE50];
	_ =	sdelay $0x1  }
0x106: {  	v2 =	vadd.f32 v3, v2;
	v3 =	vmul.f32 v7, v6;
	v7 =	vld [tilespmem:$0x1FE60];
	_ =	sdelay $0x1  }
0x107: {  	v2 =	vadd.f32 v3, v2;
	v3 =	vmul.f32 v8, v4;
	v8 =	vld [tilespmem:$0x1FE70];
	_ =	sdelay $0x3  }
0x108: {  	v5 =	vld.idx.msk [tilespmem:v9+s0+$0x0], $0xffff  }
0x109: {  	v9 =	vld.idx.msk [tilespmem:v9+s9+$0x0], $0xffff  }
0x10a: {  	v6 =	vld.idx.msk [tilespmem:v7+s0+$0x0], $0xffff  }
0x10b: {  	v7 =	vld.idx.msk [tilespmem:v7+s9+$0x0], $0xffff  }
0x10c: {  	v4 =	vld.idx.msk [tilespmem:v8+s0+$0x0], $0xffff  }
0x10d: {  	v8 =	vld.idx.msk [tilespmem:v8+s9+$0x0], $0xffff  }
0x10e: {  	v2 =	vadd.f32 v3, v2;
	v3 =	vmul.f32 v9, v5;
	v9 =	vld [tilespmem:$0x1FE80];
	_ =	sdelay $0x1  }
0x10f: {  	v2 =	vadd.f32 v3, v2;
	v3 =	vmul.f32 v7, v6;
	v7 =	vld [tilespmem:$0x1FE90];
	_ =	sdelay $0x1  }
0x110: {  	v2 =	vadd.f32 v3, v2;
	v3 =	vmul.f32 v8, v4;
	v8 =	vld [tilespmem:$0x1FEA0];
	_ =	sdelay $0x3  }
0x111: {  	v5 =	vld.idx.msk [tilespmem:v9+s0+$0x0], $0xffff  }
0x112: {  	v9 =	vld.idx.msk [tilespmem:v9+s9+$0x0], $0xffff  }
0x113: {  	v6 =	vld.idx.msk [tilespmem:v7+s0+$0x0], $0xffff  }
0x114: {  	v7 =	vld.idx.msk [tilespmem:v7+s9+$0x0], $0xffff  }
0x115: {  	v4 =	vld.idx.msk [tilespmem:v8+s0+$0x0], $0xffff  }
0x116: {  	v8 =	vld.idx.msk [tilespmem:v8+s9+$0x0], $0xffff  }
0x117: {  	v2 =	vadd.f32 v3, v2;
	v3 =	vmul.f32 v9, v5;
	v9 =	vld [tilespmem:$0x1FEB0];
	_ =	sdelay $0x1  }
0x118: {  	v2 =	vadd.f32 v3, v2;
	v3 =	vmul.f32 v7, v6;
	v7 =	vld [tilespmem:$0x1FEC0];
	_ =	sdelay $0x1  }
0x119: {  	v2 =	vadd.f32 v3, v2;
	v3 =	vmul.f32 v8, v4;
	v8 =	vld [tilespmem:$0x1FED0];
	_ =	sdelay $0x3  }
0x11a: {  	v5 =	vld.idx.msk [tilespmem:v9+s0+$0x0], $0xffff  }
0x11b: {  	v9 =	vld.idx.msk [tilespmem:v9+s9+$0x0], $0xffff  }
0x11c: {  	v6 =	vld.idx.msk [tilespmem:v7+s0+$0x0], $0xffff  }
0x11d: {  	v7 =	vld.idx.msk [tilespmem:v7+s9+$0x0], $0xffff  }
0x11e: {  	v4 =	vld.idx.msk [tilespmem:v8+s0+$0x0], $0xffff  }
0x11f: {  	v8 =	vld.idx.msk [tilespmem:v8+s9+$0x0], $0xffff  }
0x120: {  	v2 =	vadd.f32 v3, v2;
	v3 =	vmul.f32 v9, v5;
	_ =	sdelay $0x1  }
0x121: {  	v2 =	vadd.f32 v3, v2;
	v3 =	vmul.f32 v7, v6;
	_ =	sdelay $0x1  }
0x122: {  	v2 =	vadd.f32 v3, v2;
	v3 =	vmul.f32 v8, v4;
	_ =	sdelay $0x1  }
0x123: {  	v2 =	vadd.f32 v3, v2;
	_ =	sdelay $0x1  }
0x124: {  	v2 =	vmul.f32 $1.442695020e+00, v2;
	_ =	sdelay $0x1  }
0x125: {  	(erf) = vpow2.f32 v2;
	_ =	sdelay $0x7  }
0x126: {  	s26 =	sor.u32 $0x20, s21  }
0x127: {  	p6 =	slt.u32 s26, $0x27100;
	v2 =	vpop (erf)  }
0x128: {  	v2 =	vpsel !p6, $0x0, v2  }
0x129: {  	[tilespmem:$0xA020] =	vst v2  }
0x12a: {  	v3 =	vld [tilespmem:s22+$0x20];
	_ =	sdelay $0x7  }
0x12b: {  	[tilespmem:v3+s12+$0x0] =	vst.idx.add.f32.msk $0xffff, v2  }
0x12c: {  	v3 =	vld [tilespmem:$0x1FEE0];
	_ =	sdelay $0x1  }
0x12d: {  	v5 =	vld [tilespmem:$0x1FEF0];
	_ =	sdelay $0x1  }
0x12e: {  	v7 =	vld [tilespmem:$0x1FF00];
	_ =	sdelay $0x3  }
0x12f: {  	v2 =	vld.idx.msk [tilespmem:v3+s0+$0x0], $0xffff  }
0x130: {  	v3 =	vld.idx.msk [tilespmem:v3+s9+$0x0], $0xffff  }
0x131: {  	v4 =	vld.idx.msk [tilespmem:v5+s0+$0x0], $0xffff  }
0x132: {  	v5 =	vld.idx.msk [tilespmem:v5+s9+$0x0], $0xffff  }
0x133: {  	v6 =	vld.idx.msk [tilespmem:v7+s0+$0x0], $0xffff  }
0x134: {  	v7 =	vld.idx.msk [tilespmem:v7+s9+$0x0], $0xffff  }
0x135: {  	v8 =	vld [tilespmem:$0x1FF10];
	v2 =	vmul.f32 v3, v2;
	_ =	sdelay $0x1  }
0x136: {  	v9 =	vld [tilespmem:$0x1FF20];
	v4 =	vmul.f32 v5, v4;
	v2 =	vadd.f32 $0.0e+00, v2;
	_ =	sdelay $0x1  }
0x137: {  	v2 =	vadd.f32 v4, v2;
	v4 =	vmul.f32 v7, v6;
	v7 =	vld [tilespmem:$0x1FF30];
	_ =	sdelay $0x3  }
0x138: {  	v3 =	vld.idx.msk [tilespmem:v8+s0+$0x0], $0xffff  }
0x139: {  	v8 =	vld.idx.msk [tilespmem:v8+s9+$0x0], $0xffff  }
0x13a: {  	v5 =	vld.idx.msk [tilespmem:v9+s0+$0x0], $0xffff  }
0x13b: {  	v9 =	vld.idx.msk [tilespmem:v9+s9+$0x0], $0xffff  }
0x13c: {  	v6 =	vld.idx.msk [tilespmem:v7+s0+$0x0], $0xffff  }
0x13d: {  	v7 =	vld.idx.msk [tilespmem:v7+s9+$0x0], $0xffff  }
0x13e: {  	v3 =	vmul.f32 v8, v3;
	v8 =	vld [tilespmem:$0x1FF40];
	v2 =	vadd.f32 v4, v2;
	_ =	sdelay $0x1  }
0x13f: {  	v2 =	vadd.f32 v3, v2;
	v3 =	vmul.f32 v9, v5;
	v9 =	vld [tilespmem:$0x1FF50];
	_ =	sdelay $0x1  }
0x140: {  	v2 =	vadd.f32 v3, v2;
	v3 =	vmul.f32 v7, v6;
	v7 =	vld [tilespmem:$0x1FF60];
	_ =	sdelay $0x3  }
0x141: {  	v4 =	vld.idx.msk [tilespmem:v8+s0+$0x0], $0xffff  }
0x142: {  	v8 =	vld.idx.msk [tilespmem:v8+s9+$0x0], $0xffff  }
0x143: {  	v5 =	vld.idx.msk [tilespmem:v9+s0+$0x0], $0xffff  }
0x144: {  	v9 =	vld.idx.msk [tilespmem:v9+s9+$0x0], $0xffff  }
0x145: {  	v6 =	vld.idx.msk [tilespmem:v7+s0+$0x0], $0xffff  }
0x146: {  	v7 =	vld.idx.msk [tilespmem:v7+s9+$0x0], $0xffff  }
0x147: {  	v2 =	vadd.f32 v3, v2;
	v3 =	vmul.f32 v8, v4;
	v8 =	vld [tilespmem:$0x1FF70];
	_ =	sdelay $0x1  }
0x148: {  	v2 =	vadd.f32 v3, v2;
	v3 =	vmul.f32 v9, v5;
	v9 =	vld [tilespmem:$0x1FF80];
	_ =	sdelay $0x1  }
0x149: {  	v2 =	vadd.f32 v3, v2;
	v3 =	vmul.f32 v7, v6;
	v7 =	vld [tilespmem:$0x1FF90];
	_ =	sdelay $0x3  }
0x14a: {  	v4 =	vld.idx.msk [tilespmem:v8+s0+$0x0], $0xffff  }
0x14b: {  	v8 =	vld.idx.msk [tilespmem:v8+s9+$0x0], $0xffff  }
0x14c: {  	v5 =	vld.idx.msk [tilespmem:v9+s0+$0x0], $0xffff  }
0x14d: {  	v9 =	vld.idx.msk [tilespmem:v9+s9+$0x0], $0xffff  }
0x14e: {  	v6 =	vld.idx.msk [tilespmem:v7+s0+$0x0], $0xffff  }
0x14f: {  	v7 =	vld.idx.msk [tilespmem:v7+s9+$0x0], $0xffff  }
0x150: {  	v2 =	vadd.f32 v3, v2;
	v3 =	vmul.f32 v8, v4;
	v8 =	vld [tilespmem:$0x1FFA0];
	_ =	sdelay $0x1  }
0x151: {  	v2 =	vadd.f32 v3, v2;
	v3 =	vmul.f32 v9, v5;
	v9 =	vld [tilespmem:$0x1FFB0];
	_ =	sdelay $0x1  }
0x152: {  	v2 =	vadd.f32 v3, v2;
	v3 =	vmul.f32 v7, v6;
	v7 =	vld [tilespmem:$0x1FFC0];
	_ =	sdelay $0x3  }
0x153: {  	v4 =	vld.idx.msk [tilespmem:v8+s0+$0x0], $0xffff  }
0x154: {  	v10 =	vor.u32 $0x30F, v0;
	v8 =	vld.idx.msk [tilespmem:v8+s9+$0x0], $0xffff  }
0x155: {  	v5 =	vld.idx.msk [tilespmem:v9+s0+$0x0], $0xffff  }
0x156: {  	v9 =	vld.idx.msk [tilespmem:v9+s9+$0x0], $0xffff  }
0x157: {  	v6 =	vld.idx.msk [tilespmem:v7+s0+$0x0], $0xffff  }
0x158: {  	v7 =	vld.idx.msk [tilespmem:v7+s9+$0x0], $0xffff  }
0x159: {  	v2 =	vadd.f32 v3, v2;
	v3 =	vmul.f32 v8, v4;
	v4 =	vld.idx.msk [tilespmem:v10+s0+$0x0], $0xffff  }
0x15a: {  	v8 =	vld.idx.msk [tilespmem:v10+s9+$0x0], $0xffff  }
0x15b: {  	v2 =	vadd.f32 v3, v2;
	v3 =	vmul.f32 v9, v5;
	_ =	sdelay $0x1  }
0x15c: {  	v2 =	vadd.f32 v3, v2;
	v3 =	vmul.f32 v7, v6;
	_ =	sdelay $0x1  }
0x15d: {  	v2 =	vadd.f32 v3, v2;
	v3 =	vmul.f32 v8, v4;
	_ =	sdelay $0x1  }
0x15e: {  	v2 =	vadd.f32 v3, v2;
	_ =	sdelay $0x1  }
0x15f: {  	v2 =	vmul.f32 $1.442695020e+00, v2;
	_ =	sdelay $0x1  }
0x160: {  	(erf) = vpow2.f32 v2;
	_ =	sdelay $0x7  }
0x161: {  	s28 =	sor.u32 $0x30, s21  }
0x162: {  	p2 =	slt.u32 s28, $0x27100;
	v2 =	vpop (erf)  }
0x163: {  	v2 =	vpsel !p2, $0x0, v2  }
0x164: {  	[tilespmem:$0xA030] =	vst v2  }
0x165: {  	v3 =	vld [tilespmem:s22+$0x30];
	_ =	sdelay $0x3  }
0x166: {  	v4 =	vor.u32 $0x400, v0;
	_ =	sdelay $0x1  }
0x167: {  	v5 =	vor.u32 $0x401, v0;
	_ =	sdelay $0x1  }
0x168: {  	v7 =	vor.u32 $0x402, v0;
	[tilespmem:v3+s12+$0x0] =	vst.idx.add.f32.msk $0xffff, v2  }
0x169: {  	v2 =	vld.idx.msk [tilespmem:v4+s0+$0x0], $0xffff  }
0x16a: {  	v8 =	vor.u32 $0x403, v0;
	v3 =	vld.idx.msk [tilespmem:v4+s9+$0x0], $0xffff  }
0x16b: {  	[tilespmem:$0x1FB50] =	vst v4;
	v4 =	vld.idx.msk [tilespmem:v5+s0+$0x0], $0xffff  }
0x16c: {  	v9 =	vor.u32 $0x404, v0;
	[tilespmem:$0x1FB60] =	vst v5;
	v5 =	vld.idx.msk [tilespmem:v5+s9+$0x0], $0xffff  }
0x16d: {  	[tilespmem:$0x1FB40] =	vst v10;
	v6 =	vld.idx.msk [tilespmem:v7+s0+$0x0], $0xffff  }
0x16e: {  	v10 =	vor.u32 $0x405, v0;
	[tilespmem:$0x1FB70] =	vst v7;
	v7 =	vld.idx.msk [tilespmem:v7+s9+$0x0], $0xffff  }
0x16f: {  	v2 =	vmul.f32 v3, v2;
	v3 =	vld.idx.msk [tilespmem:v8+s0+$0x0], $0xffff  }
0x170: {  	v11 =	vor.u32 $0x406, v0;
	[tilespmem:$0x1FB80] =	vst v8;
	v8 =	vld.idx.msk [tilespmem:v8+s9+$0x0], $0xffff  }
0x171: {  	v4 =	vmul.f32 v5, v4;
	v5 =	vld.idx.msk [tilespmem:v9+s0+$0x0], $0xffff;
	v2 =	vadd.f32 $0.0e+00, v2  }
0x172: {  	v12 =	vor.u32 $0x407, v0;
	[tilespmem:$0x1FB90] =	vst v9;
	v9 =	vld.idx.msk [tilespmem:v9+s9+$0x0], $0xffff  }
0x173: {  	v2 =	vadd.f32 v4, v2;
	v4 =	vmul.f32 v7, v6;
	v6 =	vld.idx.msk [tilespmem:v10+s0+$0x0], $0xffff  }
0x174: {  	[tilespmem:$0x1FBA0] =	vst v10;
	v7 =	vld.idx.msk [tilespmem:v10+s9+$0x0], $0xffff;
	v10 =	vor.u32 $0x408, v0  }
0x175: {  	v3 =	vmul.f32 v8, v3;
	v8 =	vld.idx.msk [tilespmem:v11+s9+$0x0], $0xffff;
	v2 =	vadd.f32 v4, v2  }
0x176: {  	[tilespmem:$0x1FBB0] =	vst v11;
	v4 =	vld.idx.msk [tilespmem:v11+s0+$0x0], $0xffff;
	v11 =	vor.u32 $0x409, v0  }
0x177: {  	v2 =	vadd.f32 v3, v2;
	v3 =	vmul.f32 v9, v5;
	v5 =	vld.idx.msk [tilespmem:v12+s0+$0x0], $0xffff  }
0x178: {  	v63 =	vor.u32 $0x40A, v0;
	v9 =	vld.idx.msk [tilespmem:v12+s9+$0x0], $0xffff  }
0x179: {  	v2 =	vadd.f32 v3, v2;
	v3 =	vmul.f32 v7, v6;
	v6 =	vld.idx.msk [tilespmem:v10+s0+$0x0], $0xffff  }
0x17a: {  	[tilespmem:$0x1FBD0] =	vst v10;
	v7 =	vld.idx.msk [tilespmem:v10+s9+$0x0], $0xffff;
	v10 =	vor.u32 $0x40B, v0  }
0x17b: {  	v2 =	vadd.f32 v3, v2;
	v3 =	vmul.f32 v8, v4;
	v4 =	vld.idx.msk [tilespmem:v11+s0+$0x0], $0xffff  }
0x17c: {  	[tilespmem:$0x1FBE0] =	vst v11;
	v8 =	vld.idx.msk [tilespmem:v11+s9+$0x0], $0xffff;
	v11 =	vor.u32 $0x40C, v0  }
0x17d: {  	v2 =	vadd.f32 v3, v2;
	v3 =	vmul.f32 v9, v5;
	v5 =	vld.idx.msk [tilespmem:v63+s0+$0x0], $0xffff  }
0x17e: {  	v16 =	vor.u32 $0x40D, v0;
	v9 =	vld.idx.msk [tilespmem:v63+s9+$0x0], $0xffff  }
0x17f: {  	v2 =	vadd.f32 v3, v2;
	v3 =	vmul.f32 v7, v6;
	v6 =	vld.idx.msk [tilespmem:v10+s0+$0x0], $0xffff  }
0x180: {  	v17 =	vor.u32 $0x40E, v0;
	v7 =	vld.idx.msk [tilespmem:v10+s9+$0x0], $0xffff  }
0x181: {  	v2 =	vadd.f32 v3, v2;
	v3 =	vmul.f32 v8, v4;
	v4 =	vld.idx.msk [tilespmem:v11+s0+$0x0], $0xffff  }
0x182: {  	v18 =	vor.u32 $0x40F, v0;
	v8 =	vld.idx.msk [tilespmem:v11+s9+$0x0], $0xffff  }
0x183: {  	v2 =	vadd.f32 v3, v2;
	v3 =	vmul.f32 v9, v5;
	v5 =	vld.idx.msk [tilespmem:v16+s0+$0x0], $0xffff  }
0x184: {  	v9 =	vld.idx.msk [tilespmem:v16+s9+$0x0], $0xffff  }
0x185: {  	v2 =	vadd.f32 v3, v2;
	v3 =	vmul.f32 v7, v6;
	v6 =	vld.idx.msk [tilespmem:v17+s0+$0x0], $0xffff  }
0x186: {  	v7 =	vld.idx.msk [tilespmem:v17+s9+$0x0], $0xffff  }
0x187: {  	v2 =	vadd.f32 v3, v2;
	v3 =	vmul.f32 v8, v4;
	v4 =	vld.idx.msk [tilespmem:v18+s0+$0x0], $0xffff  }
0x188: {  	v8 =	vld.idx.msk [tilespmem:v18+s9+$0x0], $0xffff  }
0x189: {  	v2 =	vadd.f32 v3, v2;
	v3 =	vmul.f32 v9, v5;
	_ =	sdelay $0x1  }
0x18a: {  	v2 =	vadd.f32 v3, v2;
	v3 =	vmul.f32 v7, v6;
	_ =	sdelay $0x1  }
0x18b: {  	v2 =	vadd.f32 v3, v2;
	v3 =	vmul.f32 v8, v4;
	_ =	sdelay $0x1  }
0x18c: {  	v2 =	vadd.f32 v3, v2;
	_ =	sdelay $0x1  }
0x18d: {  	v2 =	vmul.f32 $1.442695020e+00, v2;
	_ =	sdelay $0x1  }
0x18e: {  	(erf) = vpow2.f32 v2;
	_ =	sdelay $0x7  }
0x18f: {  	s17 =	sor.u32 $0x40, s21  }
0x190: {  	p3 =	slt.u32 s17, $0x27100;
	v2 =	vpop (erf)  }
0x191: {  	v2 =	vpsel !p3, $0x0, v2  }
0x192: {  	[tilespmem:$0xA040] =	vst v2  }
0x193: {  	v3 =	vld [tilespmem:s22+$0x40];
	_ =	sdelay $0x3  }
0x194: {  	v27 =	vor.u32 $0x500, v0;
	_ =	sdelay $0x1  }
0x195: {  	v23 =	vor.u32 $0x501, v0;
	_ =	sdelay $0x1  }
0x196: {  	v24 =	vor.u32 $0x502, v0;
	[tilespmem:v3+s12+$0x0] =	vst.idx.add.f32.msk $0xffff, v2  }
0x197: {  	v2 =	vld.idx.msk [tilespmem:v27+s0+$0x0], $0xffff  }
0x198: {  	v25 =	vor.u32 $0x503, v0;
	v3 =	vld.idx.msk [tilespmem:v27+s9+$0x0], $0xffff  }
0x199: {  	v4 =	vld.idx.msk [tilespmem:v23+s0+$0x0], $0xffff  }
0x19a: {  	v21 =	vor.u32 $0x504, v0;
	v5 =	vld.idx.msk [tilespmem:v23+s9+$0x0], $0xffff  }
0x19b: {  	v6 =	vld.idx.msk [tilespmem:v24+s0+$0x0], $0xffff  }
0x19c: {  	v19 =	vor.u32 $0x505, v0;
	v7 =	vld.idx.msk [tilespmem:v24+s9+$0x0], $0xffff  }
0x19d: {  	v8 =	vld.idx.msk [tilespmem:v25+s9+$0x0], $0xffff;
	v2 =	vmul.f32 v3, v2  }
0x19e: {  	v20 =	vor.u32 $0x506, v0;
	v3 =	vld.idx.msk [tilespmem:v25+s0+$0x0], $0xffff  }
0x19f: {  	v9 =	vld.idx.msk [tilespmem:v21+s9+$0x0], $0xffff;
	v4 =	vmul.f32 v5, v4;
	v2 =	vadd.f32 $0.0e+00, v2  }
0x1a0: {  	v22 =	vor.u32 $0x507, v0;
	v5 =	vld.idx.msk [tilespmem:v21+s0+$0x0], $0xffff  }
0x1a1: {  	v2 =	vadd.f32 v4, v2;
	v4 =	vmul.f32 v7, v6;
	v6 =	vld.idx.msk [tilespmem:v19+s0+$0x0], $0xffff  }
0x1a2: {  	v26 =	vor.u32 $0x508, v0;
	v7 =	vld.idx.msk [tilespmem:v19+s9+$0x0], $0xffff  }
0x1a3: {  	v3 =	vmul.f32 v8, v3;
	v8 =	vld.idx.msk [tilespmem:v20+s9+$0x0], $0xffff;
	v2 =	vadd.f32 v4, v2  }
0x1a4: {  	v28 =	vor.u32 $0x509, v0;
	v4 =	vld.idx.msk [tilespmem:v20+s0+$0x0], $0xffff  }
0x1a5: {  	v2 =	vadd.f32 v3, v2;
	v3 =	vmul.f32 v9, v5;
	v5 =	vld.idx.msk [tilespmem:v22+s0+$0x0], $0xffff  }
0x1a6: {  	v29 =	vor.u32 $0x50A, v0;
	v9 =	vld.idx.msk [tilespmem:v22+s9+$0x0], $0xffff  }
0x1a7: {  	v2 =	vadd.f32 v3, v2;
	v3 =	vmul.f32 v7, v6;
	v6 =	vld.idx.msk [tilespmem:v26+s0+$0x0], $0xffff  }
0x1a8: {  	v30 =	vor.u32 $0x50B, v0;
	v7 =	vld.idx.msk [tilespmem:v26+s9+$0x0], $0xffff  }
0x1a9: {  	v2 =	vadd.f32 v3, v2;
	v3 =	vmul.f32 v8, v4;
	v4 =	vld.idx.msk [tilespmem:v28+s0+$0x0], $0xffff  }
0x1aa: {  	v31 =	vor.u32 $0x50C, v0;
	v8 =	vld.idx.msk [tilespmem:v28+s9+$0x0], $0xffff  }
0x1ab: {  	v2 =	vadd.f32 v3, v2;
	v3 =	vmul.f32 v9, v5;
	v5 =	vld.idx.msk [tilespmem:v29+s0+$0x0], $0xffff  }
0x1ac: {  	v32 =	vor.u32 $0x50D, v0;
	v9 =	vld.idx.msk [tilespmem:v29+s9+$0x0], $0xffff  }
0x1ad: {  	v2 =	vadd.f32 v3, v2;
	v3 =	vmul.f32 v7, v6;
	v6 =	vld.idx.msk [tilespmem:v30+s0+$0x0], $0xffff  }
0x1ae: {  	v33 =	vor.u32 $0x50E, v0;
	v7 =	vld.idx.msk [tilespmem:v30+s9+$0x0], $0xffff  }
0x1af: {  	v2 =	vadd.f32 v3, v2;
	v3 =	vmul.f32 v8, v4;
	v4 =	vld.idx.msk [tilespmem:v31+s0+$0x0], $0xffff  }
0x1b0: {  	v34 =	vor.u32 $0x50F, v0;
	v8 =	vld.idx.msk [tilespmem:v31+s9+$0x0], $0xffff  }
0x1b1: {  	v2 =	vadd.f32 v3, v2;
	v3 =	vmul.f32 v9, v5;
	v5 =	vld.idx.msk [tilespmem:v32+s0+$0x0], $0xffff  }
0x1b2: {  	v9 =	vld.idx.msk [tilespmem:v32+s9+$0x0], $0xffff  }
0x1b3: {  	v2 =	vadd.f32 v3, v2;
	v3 =	vmul.f32 v7, v6;
	v6 =	vld.idx.msk [tilespmem:v33+s0+$0x0], $0xffff  }
0x1b4: {  	v7 =	vld.idx.msk [tilespmem:v33+s9+$0x0], $0xffff  }
0x1b5: {  	v2 =	vadd.f32 v3, v2;
	v3 =	vmul.f32 v8, v4;
	v4 =	vld.idx.msk [tilespmem:v34+s0+$0x0], $0xffff  }
0x1b6: {  	v8 =	vld.idx.msk [tilespmem:v34+s9+$0x0], $0xffff  }
0x1b7: {  	v2 =	vadd.f32 v3, v2;
	v3 =	vmul.f32 v9, v5;
	_ =	sdelay $0x1  }
0x1b8: {  	v2 =	vadd.f32 v3, v2;
	v3 =	vmul.f32 v7, v6;
	_ =	sdelay $0x1  }
0x1b9: {  	v2 =	vadd.f32 v3, v2;
	v3 =	vmul.f32 v8, v4;
	_ =	sdelay $0x1  }
0x1ba: {  	v2 =	vadd.f32 v3, v2;
	_ =	sdelay $0x1  }
0x1bb: {  	v2 =	vmul.f32 $1.442695020e+00, v2;
	_ =	sdelay $0x1  }
0x1bc: {  	(erf) = vpow2.f32 v2;
	_ =	sdelay $0x7  }
0x1bd: {  	s23 =	sor.u32 $0x50, s21  }
0x1be: {  	p4 =	slt.u32 s23, $0x27100;
	v2 =	vpop (erf)  }
0x1bf: {  	v2 =	vpsel !p4, $0x0, v2  }
0x1c0: {  	[tilespmem:$0xA050] =	vst v2  }
0x1c1: {  	v3 =	vld [tilespmem:s22+$0x50];
	_ =	sdelay $0x3  }
0x1c2: {  	v43 =	vor.u32 $0x600, v0;
	_ =	sdelay $0x1  }
0x1c3: {  	v39 =	vor.u32 $0x601, v0;
	_ =	sdelay $0x1  }
0x1c4: {  	v40 =	vor.u32 $0x602, v0;
	[tilespmem:v3+s12+$0x0] =	vst.idx.add.f32.msk $0xffff, v2  }
0x1c5: {  	v2 =	vld.idx.msk [tilespmem:v43+s0+$0x0], $0xffff  }
0x1c6: {  	v41 =	vor.u32 $0x603, v0;
	v3 =	vld.idx.msk [tilespmem:v43+s9+$0x0], $0xffff  }
0x1c7: {  	v4 =	vld.idx.msk [tilespmem:v39+s0+$0x0], $0xffff  }
0x1c8: {  	v37 =	vor.u32 $0x604, v0;
	v5 =	vld.idx.msk [tilespmem:v39+s9+$0x0], $0xffff  }
0x1c9: {  	v6 =	vld.idx.msk [tilespmem:v40+s0+$0x0], $0xffff  }
0x1ca: {  	v35 =	vor.u32 $0x605, v0;
	v7 =	vld.idx.msk [tilespmem:v40+s9+$0x0], $0xffff  }
0x1cb: {  	v8 =	vld.idx.msk [tilespmem:v41+s9+$0x0], $0xffff;
	v2 =	vmul.f32 v3, v2  }
0x1cc: {  	v36 =	vor.u32 $0x606, v0;
	v3 =	vld.idx.msk [tilespmem:v41+s0+$0x0], $0xffff  }
0x1cd: {  	v9 =	vld.idx.msk [tilespmem:v37+s9+$0x0], $0xffff;
	v4 =	vmul.f32 v5, v4;
	v2 =	vadd.f32 $0.0e+00, v2  }
0x1ce: {  	v38 =	vor.u32 $0x607, v0;
	v5 =	vld.idx.msk [tilespmem:v37+s0+$0x0], $0xffff  }
0x1cf: {  	v2 =	vadd.f32 v4, v2;
	v4 =	vmul.f32 v7, v6;
	v6 =	vld.idx.msk [tilespmem:v35+s0+$0x0], $0xffff  }
0x1d0: {  	v42 =	vor.u32 $0x608, v0;
	v7 =	vld.idx.msk [tilespmem:v35+s9+$0x0], $0xffff  }
0x1d1: {  	v3 =	vmul.f32 v8, v3;
	v8 =	vld.idx.msk [tilespmem:v36+s9+$0x0], $0xffff;
	v2 =	vadd.f32 v4, v2  }
0x1d2: {  	v44 =	vor.u32 $0x609, v0;
	v4 =	vld.idx.msk [tilespmem:v36+s0+$0x0], $0xffff  }
0x1d3: {  	v2 =	vadd.f32 v3, v2;
	v3 =	vmul.f32 v9, v5;
	v5 =	vld.idx.msk [tilespmem:v38+s0+$0x0], $0xffff  }
0x1d4: {  	v45 =	vor.u32 $0x60A, v0;
	v9 =	vld.idx.msk [tilespmem:v38+s9+$0x0], $0xffff  }
0x1d5: {  	v2 =	vadd.f32 v3, v2;
	v3 =	vmul.f32 v7, v6;
	v6 =	vld.idx.msk [tilespmem:v42+s0+$0x0], $0xffff  }
0x1d6: {  	v46 =	vor.u32 $0x60B, v0;
	v7 =	vld.idx.msk [tilespmem:v42+s9+$0x0], $0xffff  }
0x1d7: {  	v2 =	vadd.f32 v3, v2;
	v3 =	vmul.f32 v8, v4;
	v4 =	vld.idx.msk [tilespmem:v44+s0+$0x0], $0xffff  }
0x1d8: {  	v47 =	vor.u32 $0x60C, v0;
	v8 =	vld.idx.msk [tilespmem:v44+s9+$0x0], $0xffff  }
0x1d9: {  	v2 =	vadd.f32 v3, v2;
	v3 =	vmul.f32 v9, v5;
	v5 =	vld.idx.msk [tilespmem:v45+s0+$0x0], $0xffff  }
0x1da: {  	v48 =	vor.u32 $0x60D, v0;
	v9 =	vld.idx.msk [tilespmem:v45+s9+$0x0], $0xffff  }
0x1db: {  	v2 =	vadd.f32 v3, v2;
	v3 =	vmul.f32 v7, v6;
	v6 =	vld.idx.msk [tilespmem:v46+s0+$0x0], $0xffff  }
0x1dc: {  	v49 =	vor.u32 $0x60E, v0;
	v7 =	vld.idx.msk [tilespmem:v46+s9+$0x0], $0xffff  }
0x1dd: {  	v2 =	vadd.f32 v3, v2;
	v3 =	vmul.f32 v8, v4;
	v4 =	vld.idx.msk [tilespmem:v47+s0+$0x0], $0xffff  }
0x1de: {  	v50 =	vor.u32 $0x60F, v0;
	v8 =	vld.idx.msk [tilespmem:v47+s9+$0x0], $0xffff  }
0x1df: {  	v2 =	vadd.f32 v3, v2;
	v3 =	vmul.f32 v9, v5;
	v5 =	vld.idx.msk [tilespmem:v48+s0+$0x0], $0xffff  }
0x1e0: {  	v9 =	vld.idx.msk [tilespmem:v48+s9+$0x0], $0xffff  }
0x1e1: {  	v2 =	vadd.f32 v3, v2;
	v3 =	vmul.f32 v7, v6;
	v6 =	vld.idx.msk [tilespmem:v49+s0+$0x0], $0xffff  }
0x1e2: {  	v7 =	vld.idx.msk [tilespmem:v49+s9+$0x0], $0xffff  }
0x1e3: {  	v2 =	vadd.f32 v3, v2;
	v3 =	vmul.f32 v8, v4;
	v4 =	vld.idx.msk [tilespmem:v50+s0+$0x0], $0xffff  }
0x1e4: {  	v8 =	vld.idx.msk [tilespmem:v50+s9+$0x0], $0xffff  }
0x1e5: {  	v2 =	vadd.f32 v3, v2;
	v3 =	vmul.f32 v9, v5;
	_ =	sdelay $0x1  }
0x1e6: {  	v2 =	vadd.f32 v3, v2;
	v3 =	vmul.f32 v7, v6;
	_ =	sdelay $0x1  }
0x1e7: {  	v2 =	vadd.f32 v3, v2;
	v3 =	vmul.f32 v8, v4;
	_ =	sdelay $0x1  }
0x1e8: {  	v2 =	vadd.f32 v3, v2;
	_ =	sdelay $0x1  }
0x1e9: {  	v2 =	vmul.f32 $1.442695020e+00, v2;
	_ =	sdelay $0x1  }
0x1ea: {  	(erf) = vpow2.f32 v2;
	_ =	sdelay $0x7  }
0x1eb: {  	s24 =	sor.u32 $0x60, s21  }
0x1ec: {  	p5 =	slt.u32 s24, $0x27100;
	v2 =	vpop (erf)  }
0x1ed: {  	v2 =	vpsel !p5, $0x0, v2  }
0x1ee: {  	[tilespmem:$0xA060] =	vst v2  }
0x1ef: {  	v3 =	vld [tilespmem:s22+$0x60];
	_ =	sdelay $0x3  }
0x1f0: {  	v59 =	vor.u32 $0x700, v0;
	_ =	sdelay $0x1  }
0x1f1: {  	v55 =	vor.u32 $0x701, v0;
	_ =	sdelay $0x1  }
0x1f2: {  	v56 =	vor.u32 $0x702, v0;
	[tilespmem:v3+s12+$0x0] =	vst.idx.add.f32.msk $0xffff, v2  }
0x1f3: {  	v2 =	vld.idx.msk [tilespmem:v59+s0+$0x0], $0xffff  }
0x1f4: {  	v57 =	vor.u32 $0x703, v0;
	v3 =	vld.idx.msk [tilespmem:v59+s9+$0x0], $0xffff  }
0x1f5: {  	v4 =	vld.idx.msk [tilespmem:v55+s0+$0x0], $0xffff  }
0x1f6: {  	v53 =	vor.u32 $0x704, v0;
	v5 =	vld.idx.msk [tilespmem:v55+s9+$0x0], $0xffff  }
0x1f7: {  	v6 =	vld.idx.msk [tilespmem:v56+s0+$0x0], $0xffff  }
0x1f8: {  	v51 =	vor.u32 $0x705, v0;
	v7 =	vld.idx.msk [tilespmem:v56+s9+$0x0], $0xffff  }
0x1f9: {  	v8 =	vld.idx.msk [tilespmem:v57+s9+$0x0], $0xffff;
	v2 =	vmul.f32 v3, v2  }
0x1fa: {  	v52 =	vor.u32 $0x706, v0;
	v3 =	vld.idx.msk [tilespmem:v57+s0+$0x0], $0xffff  }
0x1fb: {  	v9 =	vld.idx.msk [tilespmem:v53+s9+$0x0], $0xffff;
	v4 =	vmul.f32 v5, v4;
	v2 =	vadd.f32 $0.0e+00, v2  }
0x1fc: {  	v54 =	vor.u32 $0x707, v0;
	v5 =	vld.idx.msk [tilespmem:v53+s0+$0x0], $0xffff  }
0x1fd: {  	v2 =	vadd.f32 v4, v2;
	v4 =	vmul.f32 v7, v6;
	v6 =	vld.idx.msk [tilespmem:v51+s0+$0x0], $0xffff  }
0x1fe: {  	v58 =	vor.u32 $0x708, v0;
	v7 =	vld.idx.msk [tilespmem:v51+s9+$0x0], $0xffff  }
0x1ff: {  	v3 =	vmul.f32 v8, v3;
	v8 =	vld.idx.msk [tilespmem:v52+s9+$0x0], $0xffff;
	v2 =	vadd.f32 v4, v2  }
0x200: {  	v60 =	vor.u32 $0x709, v0;
	v4 =	vld.idx.msk [tilespmem:v52+s0+$0x0], $0xffff  }
0x201: {  	v2 =	vadd.f32 v3, v2;
	v3 =	vmul.f32 v9, v5;
	v5 =	vld.idx.msk [tilespmem:v54+s0+$0x0], $0xffff  }
0x202: {  	v61 =	vor.u32 $0x70A, v0;
	v9 =	vld.idx.msk [tilespmem:v54+s9+$0x0], $0xffff  }
0x203: {  	v2 =	vadd.f32 v3, v2;
	v3 =	vmul.f32 v7, v6;
	v6 =	vld.idx.msk [tilespmem:v58+s0+$0x0], $0xffff  }
0x204: {  	v62 =	vor.u32 $0x70B, v0;
	v7 =	vld.idx.msk [tilespmem:v58+s9+$0x0], $0xffff  }
0x205: {  	v2 =	vadd.f32 v3, v2;
	v3 =	vmul.f32 v8, v4;
	v4 =	vld.idx.msk [tilespmem:v60+s0+$0x0], $0xffff  }
0x206: {  	[tilespmem:$0x1FBF0] =	vst v63;
	v63 =	vor.u32 $0x70C, v0;
	v8 =	vld.idx.msk [tilespmem:v60+s9+$0x0], $0xffff  }
0x207: {  	[tilespmem:$0x1FC00] =	vst v10;
	v10 =	vld.idx.msk [tilespmem:v61+s9+$0x0], $0xffff;
	v5 =	vmul.f32 v9, v5;
	v3 =	vadd.f32 v3, v2  }
0x208: {  	v9 =	vld.idx.msk [tilespmem:v61+s0+$0x0], $0xffff;
	v2 =	vor.u32 $0x70D, v0  }
0x209: {  	[tilespmem:$0x1FC10] =	vst v11;
	v11 =	vld.idx.msk [tilespmem:v62+s9+$0x0], $0xffff;
	v6 =	vmul.f32 v7, v6;
	v5 =	vadd.f32 v5, v3  }
0x20a: {  	v7 =	vld.idx.msk [tilespmem:v62+s0+$0x0], $0xffff;
	v3 =	vor.u32 $0x70E, v0  }
0x20b: {  	[tilespmem:$0x1FBC0] =	vst v12;
	v12 =	vld.idx.msk [tilespmem:v63+s9+$0x0], $0xffff;
	v5 =	vadd.f32 v6, v5;
	v6 =	vmul.f32 v8, v4  }
0x20c: {  	v8 =	vld.idx.msk [tilespmem:v63+s0+$0x0], $0xffff;
	v4 =	vor.u32 $0x70F, v0  }
0x20d: {  	v5 =	vadd.f32 v6, v5;
	v6 =	vmul.f32 v10, v9;
	v9 =	vld.idx.msk [tilespmem:v2+s0+$0x0], $0xffff  }
0x20e: {  	v10 =	vld.idx.msk [tilespmem:v2+s9+$0x0], $0xffff  }
0x20f: {  	v5 =	vadd.f32 v6, v5;
	v6 =	vmul.f32 v11, v7;
	v7 =	vld.idx.msk [tilespmem:v3+s0+$0x0], $0xffff  }
0x210: {  	v11 =	vld.idx.msk [tilespmem:v3+s9+$0x0], $0xffff  }
0x211: {  	v5 =	vadd.f32 v6, v5;
	v6 =	vmul.f32 v12, v8;
	v8 =	vld.idx.msk [tilespmem:v4+s0+$0x0], $0xffff  }
0x212: {  	v12 =	vld.idx.msk [tilespmem:v4+s9+$0x0], $0xffff  }
0x213: {  	v5 =	vadd.f32 v6, v5;
	v6 =	vmul.f32 v10, v9;
	_ =	sdelay $0x1  }
0x214: {  	v5 =	vadd.f32 v6, v5;
	v6 =	vmul.f32 v11, v7;
	_ =	sdelay $0x1  }
0x215: {  	v5 =	vadd.f32 v6, v5;
	v6 =	vmul.f32 v12, v8;
	_ =	sdelay $0x1  }
0x216: {  	v5 =	vadd.f32 v6, v5;
	_ =	sdelay $0x1  }
0x217: {  	v5 =	vmul.f32 $1.442695020e+00, v5;
	_ =	sdelay $0x1  }
0x218: {  	(erf) = vpow2.f32 v5;
	_ =	sdelay $0x7  }
0x219: {  	s25 =	sor.u32 $0x70, s21  }
0x21a: {  	p6 =	slt.u32 s25, $0x27100;
	v5 =	vpop (erf)  }
0x21b: {  	v5 =	vpsel !p6, $0x0, v5  }
0x21c: {  	[tilespmem:$0xA070] =	vst v5  }
0x21d: {  	v6 =	vld [tilespmem:s22+$0x70];
	_ =	sdelay $0x6  }
0x21e: {  	s26 =	sshllo.u32 s20, $0x1  }
0x21f: {  	s21 =	sshll.u32 s26, $0x7;
	[tilespmem:v6+s12+$0x0] =	vst.idx.add.f32.msk $0xffff, v5  }
0x220: {  	[tilespmem:s0], [sflag:$0x1] =	stream.indirect.gather [hbm4b:s6+s1], $0x10, s21, s1, $0xb8;
	[tilespmem:$0x195D0] =	vst v63  }
0x221: {  	s5 =	sadd.s32 $0x2800, s21;
	p1 =	seq.s32 s20, $0x0  }
0x222: {  	[tilespmem:s9], [sflag:$0x2] =	stream.indirect.gather [hbm4b:s6+s1], $0x10, s5, s1, $0xb8;
	[tilespmem:$0x195D0] =	vst v63  }
0x223: {  	v5 =	vmov s19;
	s5 =	simm.s32 @!p1 $0x6  }
0x224: {  	v5 =	vand.u32 $0xFFFFFFFC, v5;
	_ =	swait.ge @!p1 [sflag:s5], $0x2000  }
0x225: {  	s23 =	sand.u32 $0x3FFFFF80, s21;
	v5 =	vbroadcast v5, $0x0;
	[sflag:s5] =	ssyncset.done @!p1 $0x0  }
0x226: {  	s28 =	sadd.s32 $0x2800, s23;
	[sflag:s5] =	ssyncadd.s32 @!p1 $0xFFFFE000  }
0x227: {  	[tilespmem:s13], [sflag:$0x4] =	stream.indirect.gather [hbm4b:s10+s1], $0x40, s28, s1, $0xb8;
	[tilespmem:$0x195D0] =	vst v63  }
0x228: {  	_ =	swait.ge [sflag:s14], $0x2000  }
0x229: {  	[sflag:s14] =	ssyncset.done $0x0  }
0x22a: {  	[sflag:s14] =	ssyncadd.s32 $0xFFFFE000  }
0x22b: {  	s25 =	simm.s32 $0x6080;
	v5 =	vld.idx.msk [tilespmem:v5+s15+$0x0], $0xffff  }
0x22c: {  	v6 =	vld [tilespmem:s25+$0xFFFFFF80]  }
0x22d: {  	v7 =	vld [tilespmem:s25+$0xFFFFFFA0]  }
0x22e: {  	s17 =	simm.s32 $0x1;
	v8 =	vld [tilespmem:s25+$0xFFFFFF90]  }
0x22f: {  	v9 =	vmov s17;
	v10 =	vld [tilespmem:s25+$0xFFFFFFB0]  }
0x230: {  	v9 =	vand.u32 $0xFFFFFFFD, v9  }
0x231: {  	v9 =	vbroadcast v9, $0x0;
	v6 =	vmul.f32 v6, v5  }
0x232: {  	v7 =	vmul.f32 v7, v5  }
0x233: {  	[tilespmem:s25+$0xFFFFFF80] =	vst v6;
	v6 =	vmul.f32 v8, v5  }
0x234: {  	s24 =	simm.s32 $0x6180;
	[tilespmem:s25+$0xFFFFFFA0] =	vst v7;
	v7 =	vmul.f32 v10, v5  }
0x235: {  	v5 =	vld [tilespmem:s24+$0xFFFFFFA0];
	[tilespmem:s25+$0xFFFFFF90] =	vst v6  }
0x236: {  	[tilespmem:s25+$0xFFFFFFB0] =	vst v7;
	v7 =	vld [tilespmem:s25+$0xFFFFFFF0]  }
0x237: {  	v6 =	vld.idx.msk [tilespmem:v9+s15+$0x0], $0xffff  }
0x238: {  	v8 =	vld [tilespmem:s25+$0xFFFFFFD0]  }
0x239: {  	s23 =	simm.s32 $0x2;
	v9 =	vld [tilespmem:s25+$0xFFFFFFC0]  }
0x23a: {  	v11 =	vld [tilespmem:s25+$0xFFFFFFE0];
	v10 =	vmov s23  }
0x23b: {  	v10 =	vand.u32 $0xFFFFFFFE, v10  }
0x23c: {  	v10 =	vbroadcast v10, $0x0;
	v7 =	vmul.f32 v7, v6  }
0x23d: {  	v8 =	vmul.f32 v8, v6  }
0x23e: {  	[tilespmem:s25+$0xFFFFFFF0] =	vst v7;
	v7 =	vmul.f32 v9, v6  }
0x23f: {  	v9 =	vmul.f32 v11, v6;
	[tilespmem:s25+$0xFFFFFFD0] =	vst v8  }
0x240: {  	v6 =	vld [tilespmem:s24+$0xFFFFFF90];
	[tilespmem:s25+$0xFFFFFFC0] =	vst v7  }
0x241: {  	v7 =	vld [tilespmem:s25+$0x0];
	[tilespmem:s25+$0xFFFFFFE0] =	vst v9  }
0x242: {  	v8 =	vld.idx.msk [tilespmem:v10+s15+$0x0], $0xffff  }
0x243: {  	v9 =	vld [tilespmem:s25+$0x10]  }
0x244: {  	v10 =	vld [tilespmem:s25+$0x30];
	_ =	sdelay $0x1  }
0x245: {  	v11 =	vld [tilespmem:s25+$0x20]  }
0x246: {  	v7 =	vmul.f32 v7, v8  }
0x247: {  	s26 =	simm.s32 $0x3  }
0x248: {  	v9 =	vmul.f32 v9, v8;
	[tilespmem:s25+$0x0] =	vst v7;
	v7 =	vmul.f32 v10, v8;
	v10 =	vmov s26;
	_ =	sdelay $0x1  }
0x249: {  	[tilespmem:s25+$0x10] =	vst v9;
	v8 =	vmul.f32 v11, v8  }
0x24a: {  	v9 =	vld [tilespmem:s25+$0x70];
	[tilespmem:s25+$0x30] =	vst v7  }
0x24b: {  	v7 =	vld [tilespmem:s25+$0x40];
	[tilespmem:s25+$0x20] =	vst v8  }
0x24c: {  	v8 =	vld.idx.msk [tilespmem:v10+s15+$0x0], $0xffff  }
0x24d: {  	v10 =	vld [tilespmem:s25+$0x50]  }
0x24e: {  	v11 =	vld [tilespmem:s25+$0x60];
	_ =	sdelay $0x3  }
0x24f: {  	s5 =	simm.s32 $0x4;
	v7 =	vmul.f32 v7, v8;
	v12 =	vmul.f32 v10, v8  }
0x250: {  	v10 =	vmul.f32 v11, v8;
	v8 =	vmul.f32 v9, v8;
	v9 =	vmov s5  }
0x251: {  	[tilespmem:s25+$0x40] =	vst v7;
	v7 =	vand.u32 $0xFFFFFFFC, v9  }
0x252: {  	s28 =	simm.s32 $0x5;
	s26 =	simm.s32 $0x6;
	v9 =	vbroadcast v7, $0x0  }
0x253: {  	v13 =	vmov s26;
	v11 =	vmov s28  }
0x254: {  	[tilespmem:s25+$0x50] =	vst v12;
	v7 =	vand.u32 $0xFFFFFFFD, v11;
	v11 =	vand.u32 $0xFFFFFFFE, v13  }
0x255: {  	s23 =	sshll.u32 s20, $0x1;
	s26 =	simm.s32 $0x8;
	[tilespmem:s25+$0x70] =	vst v8;
	v7 =	vbroadcast v7, $0x0;
	v8 =	vbroadcast v11, $0x0  }
.LBB2_7:
0x256: {  	p1 =	slt.u32 s26, $0x7C;
	s28 =	smov.u32 s26  }
0x257: {  	[tilespmem:s25+$0x60] =	vst v10;
	s26 =	sadd.s32 $0x4, s26;
	s25 =	smov.u32 s24;
	s24 =	sadd.s32 $0x100, s24  }
0x258: {  	v10 =	vld.idx.msk [tilespmem:v9+s15+$0x0], $0xffff  }
0x259: {  	v11 =	vld [tilespmem:s25+$0xFFFFFF80];
	_ =	sdelay $0x1  }
0x25a: {  	v12 =	vld [tilespmem:s25+$0xFFFFFFB0]  }
0x25b: {  	v9 =	vmov s28  }
0x25c: {  	v9 =	vand.u32 $0xFFFFFFFC, v9  }
0x25d: {  	v9 =	vbroadcast v9, $0x0;
	v11 =	vmul.f32 v11, v10  }
0x25e: {  	v6 =	vmul.f32 v6, v10;
	v5 =	vmul.f32 v5, v10  }
0x25f: {  	[tilespmem:s25+$0xFFFFFF80] =	vst v11;
	v10 =	vmul.f32 v12, v10  }
0x260: {  	[tilespmem:s25+$0xFFFFFFA0] =	vst v5;
	v11 =	vld [tilespmem:s25+$0xFFFFFFF0]  }
0x261: {  	v5 =	vld [tilespmem:s24+$0xFFFFFFA0];
	[tilespmem:s25+$0xFFFFFF90] =	vst v6  }
0x262: {  	[tilespmem:s25+$0xFFFFFFB0] =	vst v10;
	v10 =	vld [tilespmem:s25+$0xFFFFFFC0]  }
0x263: {  	v12 =	vld.idx.msk [tilespmem:v7+s15+$0x0], $0xffff  }
0x264: {  	v13 =	vld [tilespmem:s25+$0xFFFFFFD0]  }
0x265: {  	v14 =	vld [tilespmem:s25+$0xFFFFFFE0]  }
0x266: {  	s17 =	sadd.s32 $0x1, s28;
	v6 =	vld [tilespmem:s24+$0xFFFFFF90]  }
0x267: {  	v7 =	vmov s17  }
0x268: {  	v7 =	vand.u32 $0xFFFFFFFD, v7  }
0x269: {  	v7 =	vbroadcast v7, $0x0;
	v11 =	vmul.f32 v11, v12  }
0x26a: {  	v13 =	vmul.f32 v13, v12;
	v14 =	vmul.f32 v14, v12  }
0x26b: {  	v10 =	vmul.f32 v10, v12;
	[tilespmem:s25+$0xFFFFFFF0] =	vst v11  }
0x26c: {  	[tilespmem:s25+$0xFFFFFFD0] =	vst v13  }
0x26d: {  	[tilespmem:s25+$0xFFFFFFC0] =	vst v10;
	v10 =	vld [tilespmem:s25+$0x0]  }
0x26e: {  	[tilespmem:s25+$0xFFFFFFE0] =	vst v14;
	v11 =	vld [tilespmem:s25+$0x30]  }
0x26f: {  	v8 =	vld.idx.msk [tilespmem:v8+s15+$0x0], $0xffff  }
0x270: {  	v12 =	vld [tilespmem:s25+$0x10]  }
0x271: {  	v13 =	vld [tilespmem:s25+$0x20];
	_ =	sdelay $0x3  }
0x272: {  	s17 =	sadd.s32 $0x3, s5;
	s5 =	smov.u32 s28;
	v10 =	vmul.f32 v10, v8;
	v12 =	vmul.f32 v12, v8  }
0x273: {  	s28 =	sadd.s32 $0x2, s5;
	v13 =	vmul.f32 v13, v8;
	v8 =	vmul.f32 v11, v8;
	v11 =	vmov s17  }
0x274: {  	v14 =	vmov s28;
	[tilespmem:s25+$0x0] =	vst v10  }
0x275: {  	v10 =	vand.u32 $0xFFFFFFFE, v14;
	[tilespmem:s25+$0x10] =	vst v12  }
0x276: {  	[tilespmem:s25+$0x30] =	vst v8;
	v12 =	vld [tilespmem:s25+$0x40]  }
0x277: {  	v8 =	vbroadcast v10, $0x0;
	[tilespmem:s25+$0x20] =	vst v13;
	v13 =	vld [tilespmem:s25+$0x70]  }
0x278: {  	v11 =	vld.idx.msk [tilespmem:v11+s15+$0x0], $0xffff  }
0x279: {  	v10 =	vld [tilespmem:s25+$0x50]  }
0x27a: {  	v14 =	vld [tilespmem:s25+$0x60];
	_ =	sdelay $0x3  }
.Ltmp2:
0x27b: {  	v12 =	vmul.f32 v12, v11;
	v15 =	vmul.f32 v10, v11;
	(pc) =	sbr.rel @p1 .LBB2_7-.Ltmp2, $4  }
0x27c: {  	v10 =	vmul.f32 v14, v11;
	v11 =	vmul.f32 v13, v11  }
0x27d: {  	[tilespmem:s25+$0x40] =	vst v12  }
0x27e: {  	[tilespmem:s25+$0x50] =	vst v15  }
0x27f: {  	[tilespmem:s25+$0x70] =	vst v11  }
0x280: {  	_ =	sdelay $0x2  }
0x281: {  	[tilespmem:s25+$0x60] =	vst v10;
	v10 =	vld [tilespmem:s24+$0xFFFFFF80]  }
0x282: {  	v9 =	vld.idx.msk [tilespmem:v9+s15+$0x0], $0xffff;
	_ =	sdelay $0x2  }
0x283: {  	v11 =	vld [tilespmem:s24+$0xFFFFFFB0];
	_ =	sdelay $0x1  }
0x284: {  	v10 =	vmul.f32 v10, v9  }
0x285: {  	v5 =	vmul.f32 v5, v9  }
0x286: {  	v6 =	vmul.f32 v6, v9;
	[tilespmem:s24+$0xFFFFFF80] =	vst v10  }
0x287: {  	v9 =	vmul.f32 v11, v9;
	[tilespmem:s24+$0xFFFFFFA0] =	vst v5  }
0x288: {  	[tilespmem:s24+$0xFFFFFF90] =	vst v6  }
0x289: {  	[tilespmem:s24+$0xFFFFFFB0] =	vst v9;
	v6 =	vld [tilespmem:s24+$0xFFFFFFF0]  }
0x28a: {  	v5 =	vld.idx.msk [tilespmem:v7+s15+$0x0], $0xffff  }
0x28b: {  	v7 =	vld [tilespmem:s24+$0xFFFFFFD0]  }
0x28c: {  	v9 =	vld [tilespmem:s24+$0xFFFFFFC0]  }
0x28d: {  	v10 =	vld [tilespmem:s24+$0xFFFFFFE0];
	_ =	sdelay $0x1  }
0x28e: {  	v6 =	vmul.f32 v6, v5  }
0x28f: {  	v7 =	vmul.f32 v7, v5  }
0x290: {  	[tilespmem:s24+$0xFFFFFFF0] =	vst v6;
	v6 =	vmul.f32 v9, v5  }
0x291: {  	v5 =	vmul.f32 v10, v5;
	[tilespmem:s24+$0xFFFFFFD0] =	vst v7  }
0x292: {  	[tilespmem:s24+$0xFFFFFFC0] =	vst v6  }
0x293: {  	v6 =	vld [tilespmem:s24+$0x0];
	[tilespmem:s24+$0xFFFFFFE0] =	vst v5  }
0x294: {  	v5 =	vld.idx.msk [tilespmem:v8+s15+$0x0], $0xffff  }
0x295: {  	v7 =	vld [tilespmem:s24+$0x10]  }
0x296: {  	v8 =	vld [tilespmem:s24+$0x30];
	_ =	sdelay $0x1  }
0x297: {  	v9 =	vld [tilespmem:s24+$0x20]  }
0x298: {  	v6 =	vmul.f32 v6, v5  }
0x299: {  	s5 =	sadd.s32 $0x3, s5  }
0x29a: {  	v7 =	vmul.f32 v7, v5;
	[tilespmem:s24+$0x0] =	vst v6;
	v6 =	vmul.f32 v8, v5;
	v8 =	vmov s5;
	_ =	sdelay $0x1  }
0x29b: {  	[tilespmem:s24+$0x10] =	vst v7;
	v5 =	vmul.f32 v9, v5  }
0x29c: {  	[tilespmem:s24+$0x30] =	vst v6  }
0x29d: {  	v6 =	vld [tilespmem:s24+$0x40];
	[tilespmem:s24+$0x20] =	vst v5  }
0x29e: {  	v5 =	vld.idx.msk [tilespmem:v8+s15+$0x0], $0xffff  }
0x29f: {  	v7 =	vld [tilespmem:s24+$0x50]  }
0x2a0: {  	v8 =	vld [tilespmem:s24+$0x70]  }
0x2a1: {  	v9 =	vld [tilespmem:s24+$0x60];
	_ =	sdelay $0x1  }
0x2a2: {  	v6 =	vmul.f32 v6, v5  }
0x2a3: {  	v7 =	vmul.f32 v7, v5  }
0x2a4: {  	[tilespmem:s24+$0x40] =	vst v6;
	v6 =	vmul.f32 v8, v5  }
0x2a5: {  	v5 =	vmul.f32 v9, v5;
	[tilespmem:s24+$0x50] =	vst v7  }
0x2a6: {  	[tilespmem:s24+$0x70] =	vst v6  }
0x2a7: {  	[tilespmem:s24+$0x60] =	vst v5  }
0x2a8: {  	[spmem:s2] =	stream.indirect.scatter.add.f32 [tilespmem:s11], [sflag:$0x5], $0x40, s22, s1, $0xb8;
	[tilespmem:$0x195D0] =	vst v63  }
0x2a9: {  	_ =	swait.ge [sflag:s29], $0x800  }
0x2aa: {  	[sflag:s29] =	ssyncset.done $0x0  }
0x2ab: {  	[sflag:s29] =	ssyncadd.s32 $0xFFFFF800  }
0x2ac: {  	_ =	swait.ge [sflag:s30], $0x800  }
0x2ad: {  	v13 =	vld [tilespmem:$0x1FFD0];
	_ =	sdelay $0x1  }
0x2ae: {  	v14 =	vld [tilespmem:$0x1FFE0];
	_ =	sdelay $0x1  }
0x2af: {  	[sflag:s30] =	ssyncset.done $0x0;
	v15 =	vld [tilespmem:$0x1FFF0]  }
0x2b0: {  	[sflag:s30] =	ssyncadd.s32 $0xFFFFF800  }
0x2b1: {  	v5 =	vld.idx.msk [tilespmem:v0+s0+$0x0], $0xffff  }
0x2b2: {  	v6 =	vld.idx.msk [tilespmem:v0+s9+$0x0], $0xffff  }
0x2b3: {  	v7 =	vld.idx.msk [tilespmem:v13+s0+$0x0], $0xffff  }
0x2b4: {  	v8 =	vld.idx.msk [tilespmem:v13+s9+$0x0], $0xffff  }
0x2b5: {  	v9 =	vld.idx.msk [tilespmem:v14+s0+$0x0], $0xffff  }
0x2b6: {  	v10 =	vld.idx.msk [tilespmem:v14+s9+$0x0], $0xffff  }
0x2b7: {  	v5 =	vmul.f32 v6, v5;
	v6 =	vld.idx.msk [tilespmem:v15+s0+$0x0], $0xffff  }
0x2b8: {  	v11 =	vld.idx.msk [tilespmem:v15+s9+$0x0], $0xffff  }
0x2b9: {  	v12 =	vld [tilespmem:$0x1FC20];
	v5 =	vadd.f32 $0.0e+00, v5;
	v7 =	vmul.f32 v8, v7;
	_ =	sdelay $0x1  }
0x2ba: {  	v5 =	vadd.f32 v7, v5;
	v7 =	vmul.f32 v10, v9;
	v10 =	vld [tilespmem:$0x1FC30];
	_ =	sdelay $0x1  }
0x2bb: {  	v6 =	vmul.f32 v11, v6;
	v11 =	vld [tilespmem:$0x1FC40];
	_ =	sdelay $0x3  }
0x2bc: {  	v8 =	vld.idx.msk [tilespmem:v12+s0+$0x0], $0xffff  }
0x2bd: {  	v12 =	vld.idx.msk [tilespmem:v12+s9+$0x0], $0xffff  }
0x2be: {  	v9 =	vld.idx.msk [tilespmem:v10+s0+$0x0], $0xffff  }
0x2bf: {  	v10 =	vld.idx.msk [tilespmem:v10+s9+$0x0], $0xffff  }
0x2c0: {  	v5 =	vadd.f32 v7, v5;
	v7 =	vld.idx.msk [tilespmem:v11+s0+$0x0], $0xffff  }
0x2c1: {  	v11 =	vld.idx.msk [tilespmem:v11+s9+$0x0], $0xffff  }
0x2c2: {  	v5 =	vadd.f32 v6, v5;
	v6 =	vmul.f32 v12, v8;
	v12 =	vld [tilespmem:$0x1FC50];
	_ =	sdelay $0x1  }
0x2c3: {  	v5 =	vadd.f32 v6, v5;
	v6 =	vmul.f32 v10, v9;
	v10 =	vld [tilespmem:$0x1FC60];
	_ =	sdelay $0x1  }
0x2c4: {  	v5 =	vadd.f32 v6, v5;
	v6 =	vmul.f32 v11, v7;
	v11 =	vld [tilespmem:$0x1FC70];
	_ =	sdelay $0x3  }
0x2c5: {  	v8 =	vld.idx.msk [tilespmem:v12+s0+$0x0], $0xffff  }
0x2c6: {  	v12 =	vld.idx.msk [tilespmem:v12+s9+$0x0], $0xffff  }
0x2c7: {  	v9 =	vld.idx.msk [tilespmem:v10+s0+$0x0], $0xffff  }
0x2c8: {  	v10 =	vld.idx.msk [tilespmem:v10+s9+$0x0], $0xffff  }
0x2c9: {  	v7 =	vld.idx.msk [tilespmem:v11+s0+$0x0], $0xffff  }
0x2ca: {  	v11 =	vld.idx.msk [tilespmem:v11+s9+$0x0], $0xffff  }
0x2cb: {  	v5 =	vadd.f32 v6, v5;
	v6 =	vmul.f32 v12, v8;
	v12 =	vld [tilespmem:$0x1FC80];
	_ =	sdelay $0x1  }
0x2cc: {  	v5 =	vadd.f32 v6, v5;
	v6 =	vmul.f32 v10, v9;
	v10 =	vld [tilespmem:$0x1FC90];
	_ =	sdelay $0x1  }
0x2cd: {  	v5 =	vadd.f32 v6, v5;
	v6 =	vmul.f32 v11, v7;
	v11 =	vld [tilespmem:$0x1FCA0];
	_ =	sdelay $0x3  }
0x2ce: {  	v8 =	vld.idx.msk [tilespmem:v12+s0+$0x0], $0xffff  }
0x2cf: {  	v12 =	vld.idx.msk [tilespmem:v12+s9+$0x0], $0xffff  }
0x2d0: {  	v9 =	vld.idx.msk [tilespmem:v10+s0+$0x0], $0xffff  }
0x2d1: {  	v10 =	vld.idx.msk [tilespmem:v10+s9+$0x0], $0xffff  }
0x2d2: {  	v7 =	vld.idx.msk [tilespmem:v11+s0+$0x0], $0xffff  }
0x2d3: {  	v11 =	vld.idx.msk [tilespmem:v11+s9+$0x0], $0xffff  }
0x2d4: {  	v5 =	vadd.f32 v6, v5;
	v6 =	vmul.f32 v12, v8;
	v12 =	vld [tilespmem:$0x1FCB0];
	_ =	sdelay $0x1  }
0x2d5: {  	v5 =	vadd.f32 v6, v5;
	v6 =	vmul.f32 v10, v9;
	v10 =	vld [tilespmem:$0x1FCC0];
	_ =	sdelay $0x1  }
0x2d6: {  	v5 =	vadd.f32 v6, v5;
	v6 =	vmul.f32 v11, v7;
	v11 =	vld [tilespmem:$0x1FCD0];
	_ =	sdelay $0x3  }
0x2d7: {  	v8 =	vld.idx.msk [tilespmem:v12+s0+$0x0], $0xffff  }
0x2d8: {  	v12 =	vld.idx.msk [tilespmem:v12+s9+$0x0], $0xffff  }
0x2d9: {  	v9 =	vld.idx.msk [tilespmem:v10+s0+$0x0], $0xffff  }
0x2da: {  	v10 =	vld.idx.msk [tilespmem:v10+s9+$0x0], $0xffff  }
0x2db: {  	v7 =	vld.idx.msk [tilespmem:v11+s0+$0x0], $0xffff  }
0x2dc: {  	v11 =	vld.idx.msk [tilespmem:v11+s9+$0x0], $0xffff  }
0x2dd: {  	v5 =	vadd.f32 v6, v5;
	v6 =	vmul.f32 v12, v8;
	_ =	sdelay $0x1  }
0x2de: {  	v5 =	vadd.f32 v6, v5;
	v6 =	vmul.f32 v10, v9;
	_ =	sdelay $0x1  }
0x2df: {  	v5 =	vadd.f32 v6, v5;
	v6 =	vmul.f32 v11, v7;
	_ =	sdelay $0x1  }
0x2e0: {  	v5 =	vadd.f32 v6, v5;
	_ =	sdelay $0x1  }
0x2e1: {  	v5 =	vmul.f32 $1.442695020e+00, v5;
	_ =	sdelay $0x1  }
0x2e2: {  	(erf) = vpow2.f32 v5;
	_ =	sdelay $0x7  }
0x2e3: {  	s22 =	sadd.s32 s3, s21  }
0x2e4: {  	p1 =	slt.u32 s22, $0x27100;
	v5 =	vpop (erf)  }
0x2e5: {  	v5 =	vpsel !p1, $0x0, v5  }
0x2e6: {  	[tilespmem:$0xA000] =	vst v5  }
0x2e7: {  	v6 =	vld [tilespmem:s21+$0x0];
	_ =	sdelay $0x7  }
0x2e8: {  	[tilespmem:v6+s12+$0x0] =	vst.idx.add.f32.msk $0xffff, v5  }
0x2e9: {  	v6 =	vld [tilespmem:$0x1FCE0];
	_ =	sdelay $0x1  }
0x2ea: {  	v8 =	vld [tilespmem:$0x1FCF0];
	_ =	sdelay $0x1  }
0x2eb: {  	v10 =	vld [tilespmem:$0x1FD00];
	_ =	sdelay $0x1  }
0x2ec: {  	v11 =	vld [tilespmem:$0x1FD10];
	_ =	sdelay $0x1  }
0x2ed: {  	v5 =	vld.idx.msk [tilespmem:v6+s0+$0x0], $0xffff  }
0x2ee: {  	v6 =	vld.idx.msk [tilespmem:v6+s9+$0x0], $0xffff  }
0x2ef: {  	v7 =	vld.idx.msk [tilespmem:v8+s0+$0x0], $0xffff  }
0x2f0: {  	v8 =	vld.idx.msk [tilespmem:v8+s9+$0x0], $0xffff  }
0x2f1: {  	v9 =	vld.idx.msk [tilespmem:v10+s0+$0x0], $0xffff  }
0x2f2: {  	v10 =	vld.idx.msk [tilespmem:v10+s9+$0x0], $0xffff  }
0x2f3: {  	v5 =	vmul.f32 v6, v5;
	v6 =	vld.idx.msk [tilespmem:v11+s0+$0x0], $0xffff  }
0x2f4: {  	v11 =	vld.idx.msk [tilespmem:v11+s9+$0x0], $0xffff  }
0x2f5: {  	v12 =	vld [tilespmem:$0x1FD20];
	v7 =	vmul.f32 v8, v7;
	v5 =	vadd.f32 $0.0e+00, v5;
	_ =	sdelay $0x1  }
0x2f6: {  	v5 =	vadd.f32 v7, v5;
	v7 =	vmul.f32 v10, v9;
	v10 =	vld [tilespmem:$0x1FD30];
	_ =	sdelay $0x1  }
0x2f7: {  	v6 =	vmul.f32 v11, v6;
	v11 =	vld [tilespmem:$0x1FD40];
	_ =	sdelay $0x3  }
0x2f8: {  	v8 =	vld.idx.msk [tilespmem:v12+s0+$0x0], $0xffff  }
0x2f9: {  	v12 =	vld.idx.msk [tilespmem:v12+s9+$0x0], $0xffff  }
0x2fa: {  	v9 =	vld.idx.msk [tilespmem:v10+s0+$0x0], $0xffff  }
0x2fb: {  	v10 =	vld.idx.msk [tilespmem:v10+s9+$0x0], $0xffff  }
0x2fc: {  	v5 =	vadd.f32 v7, v5;
	v7 =	vld.idx.msk [tilespmem:v11+s0+$0x0], $0xffff  }
0x2fd: {  	v11 =	vld.idx.msk [tilespmem:v11+s9+$0x0], $0xffff  }
0x2fe: {  	v5 =	vadd.f32 v6, v5;
	v6 =	vmul.f32 v12, v8;
	v12 =	vld [tilespmem:$0x1FD50];
	_ =	sdelay $0x1  }
0x2ff: {  	v5 =	vadd.f32 v6, v5;
	v6 =	vmul.f32 v10, v9;
	v10 =	vld [tilespmem:$0x1FD60];
	_ =	sdelay $0x1  }
0x300: {  	v5 =	vadd.f32 v6, v5;
	v6 =	vmul.f32 v11, v7;
	v11 =	vld [tilespmem:$0x1FD70];
	_ =	sdelay $0x3  }
0x301: {  	v8 =	vld.idx.msk [tilespmem:v12+s0+$0x0], $0xffff  }
0x302: {  	v12 =	vld.idx.msk [tilespmem:v12+s9+$0x0], $0xffff  }
0x303: {  	v9 =	vld.idx.msk [tilespmem:v10+s0+$0x0], $0xffff  }
0x304: {  	v10 =	vld.idx.msk [tilespmem:v10+s9+$0x0], $0xffff  }
0x305: {  	v7 =	vld.idx.msk [tilespmem:v11+s0+$0x0], $0xffff  }
0x306: {  	v11 =	vld.idx.msk [tilespmem:v11+s9+$0x0], $0xffff  }
0x307: {  	v5 =	vadd.f32 v6, v5;
	v6 =	vmul.f32 v12, v8;
	v12 =	vld [tilespmem:$0x1FD80];
	_ =	sdelay $0x1  }
0x308: {  	v5 =	vadd.f32 v6, v5;
	v6 =	vmul.f32 v10, v9;
	v10 =	vld [tilespmem:$0x1FD90];
	_ =	sdelay $0x1  }
0x309: {  	v5 =	vadd.f32 v6, v5;
	v6 =	vmul.f32 v11, v7;
	v11 =	vld [tilespmem:$0x1FDA0];
	_ =	sdelay $0x3  }
0x30a: {  	v8 =	vld.idx.msk [tilespmem:v12+s0+$0x0], $0xffff  }
0x30b: {  	v12 =	vld.idx.msk [tilespmem:v12+s9+$0x0], $0xffff  }
0x30c: {  	v9 =	vld.idx.msk [tilespmem:v10+s0+$0x0], $0xffff  }
0x30d: {  	v10 =	vld.idx.msk [tilespmem:v10+s9+$0x0], $0xffff  }
0x30e: {  	v7 =	vld.idx.msk [tilespmem:v11+s0+$0x0], $0xffff  }
0x30f: {  	v11 =	vld.idx.msk [tilespmem:v11+s9+$0x0], $0xffff  }
0x310: {  	v5 =	vadd.f32 v6, v5;
	v6 =	vmul.f32 v12, v8;
	v12 =	vld [tilespmem:$0x1FDB0];
	_ =	sdelay $0x1  }
0x311: {  	v5 =	vadd.f32 v6, v5;
	v6 =	vmul.f32 v10, v9;
	v10 =	vld [tilespmem:$0x1FDC0];
	_ =	sdelay $0x1  }
0x312: {  	v5 =	vadd.f32 v6, v5;
	v6 =	vmul.f32 v11, v7;
	v11 =	vld [tilespmem:$0x1FDD0];
	_ =	sdelay $0x3  }
0x313: {  	v8 =	vld.idx.msk [tilespmem:v12+s0+$0x0], $0xffff  }
0x314: {  	v12 =	vld.idx.msk [tilespmem:v12+s9+$0x0], $0xffff  }
0x315: {  	v9 =	vld.idx.msk [tilespmem:v10+s0+$0x0], $0xffff  }
0x316: {  	v10 =	vld.idx.msk [tilespmem:v10+s9+$0x0], $0xffff  }
0x317: {  	v7 =	vld.idx.msk [tilespmem:v11+s0+$0x0], $0xffff  }
0x318: {  	v11 =	vld.idx.msk [tilespmem:v11+s9+$0x0], $0xffff  }
0x319: {  	v5 =	vadd.f32 v6, v5;
	v6 =	vmul.f32 v12, v8;
	_ =	sdelay $0x1  }
0x31a: {  	v5 =	vadd.f32 v6, v5;
	v6 =	vmul.f32 v10, v9;
	_ =	sdelay $0x1  }
0x31b: {  	v5 =	vadd.f32 v6, v5;
	v6 =	vmul.f32 v11, v7;
	_ =	sdelay $0x1  }
0x31c: {  	v5 =	vadd.f32 v6, v5;
	_ =	sdelay $0x1  }
0x31d: {  	v5 =	vmul.f32 $1.442695020e+00, v5;
	_ =	sdelay $0x1  }
0x31e: {  	(erf) = vpow2.f32 v5;
	_ =	sdelay $0x7  }
0x31f: {  	s25 =	sor.u32 $0x10, s22  }
0x320: {  	p5 =	slt.u32 s25, $0x27100;
	v5 =	vpop (erf)  }
0x321: {  	v5 =	vpsel !p5, $0x0, v5  }
0x322: {  	[tilespmem:$0xA010] =	vst v5  }
0x323: {  	v6 =	vld [tilespmem:s21+$0x10];
	_ =	sdelay $0x7  }
0x324: {  	[tilespmem:v6+s12+$0x0] =	vst.idx.add.f32.msk $0xffff, v5  }
0x325: {  	v6 =	vld [tilespmem:$0x1FDE0];
	_ =	sdelay $0x1  }
0x326: {  	v8 =	vld [tilespmem:$0x1FDF0];
	_ =	sdelay $0x1  }
0x327: {  	v10 =	vld [tilespmem:$0x1FE00];
	_ =	sdelay $0x1  }
0x328: {  	v11 =	vld [tilespmem:$0x1FE10];
	_ =	sdelay $0x1  }
0x329: {  	v5 =	vld.idx.msk [tilespmem:v6+s0+$0x0], $0xffff  }
0x32a: {  	v6 =	vld.idx.msk [tilespmem:v6+s9+$0x0], $0xffff  }
0x32b: {  	v7 =	vld.idx.msk [tilespmem:v8+s0+$0x0], $0xffff  }
0x32c: {  	v8 =	vld.idx.msk [tilespmem:v8+s9+$0x0], $0xffff  }
0x32d: {  	v9 =	vld.idx.msk [tilespmem:v10+s0+$0x0], $0xffff  }
0x32e: {  	v10 =	vld.idx.msk [tilespmem:v10+s9+$0x0], $0xffff  }
0x32f: {  	v5 =	vmul.f32 v6, v5;
	v6 =	vld.idx.msk [tilespmem:v11+s0+$0x0], $0xffff  }
0x330: {  	v11 =	vld.idx.msk [tilespmem:v11+s9+$0x0], $0xffff  }
0x331: {  	v12 =	vld [tilespmem:$0x1FE20];
	v7 =	vmul.f32 v8, v7;
	v5 =	vadd.f32 $0.0e+00, v5;
	_ =	sdelay $0x1  }
0x332: {  	v5 =	vadd.f32 v7, v5;
	v7 =	vmul.f32 v10, v9;
	v10 =	vld [tilespmem:$0x1FE30];
	_ =	sdelay $0x1  }
0x333: {  	v6 =	vmul.f32 v11, v6;
	v11 =	vld [tilespmem:$0x1FE40];
	_ =	sdelay $0x3  }
0x334: {  	v8 =	vld.idx.msk [tilespmem:v12+s0+$0x0], $0xffff  }
0x335: {  	v12 =	vld.idx.msk [tilespmem:v12+s9+$0x0], $0xffff  }
0x336: {  	v9 =	vld.idx.msk [tilespmem:v10+s0+$0x0], $0xffff  }
0x337: {  	v10 =	vld.idx.msk [tilespmem:v10+s9+$0x0], $0xffff  }
0x338: {  	v5 =	vadd.f32 v7, v5;
	v7 =	vld.idx.msk [tilespmem:v11+s0+$0x0], $0xffff  }
0x339: {  	v11 =	vld.idx.msk [tilespmem:v11+s9+$0x0], $0xffff  }
0x33a: {  	v5 =	vadd.f32 v6, v5;
	v6 =	vmul.f32 v12, v8;
	v12 =	vld [tilespmem:$0x1FE50];
	_ =	sdelay $0x1  }
0x33b: {  	v5 =	vadd.f32 v6, v5;
	v6 =	vmul.f32 v10, v9;
	v10 =	vld [tilespmem:$0x1FE60];
	_ =	sdelay $0x1  }
0x33c: {  	v5 =	vadd.f32 v6, v5;
	v6 =	vmul.f32 v11, v7;
	v11 =	vld [tilespmem:$0x1FE70];
	_ =	sdelay $0x3  }
0x33d: {  	v8 =	vld.idx.msk [tilespmem:v12+s0+$0x0], $0xffff  }
0x33e: {  	v12 =	vld.idx.msk [tilespmem:v12+s9+$0x0], $0xffff  }
0x33f: {  	v9 =	vld.idx.msk [tilespmem:v10+s0+$0x0], $0xffff  }
0x340: {  	v10 =	vld.idx.msk [tilespmem:v10+s9+$0x0], $0xffff  }
0x341: {  	v7 =	vld.idx.msk [tilespmem:v11+s0+$0x0], $0xffff  }
0x342: {  	v11 =	vld.idx.msk [tilespmem:v11+s9+$0x0], $0xffff  }
0x343: {  	v5 =	vadd.f32 v6, v5;
	v6 =	vmul.f32 v12, v8;
	v12 =	vld [tilespmem:$0x1FE80];
	_ =	sdelay $0x1  }
0x344: {  	v5 =	vadd.f32 v6, v5;
	v6 =	vmul.f32 v10, v9;
	v10 =	vld [tilespmem:$0x1FE90];
	_ =	sdelay $0x1  }
0x345: {  	v5 =	vadd.f32 v6, v5;
	v6 =	vmul.f32 v11, v7;
	v11 =	vld [tilespmem:$0x1FEA0];
	_ =	sdelay $0x3  }
0x346: {  	v8 =	vld.idx.msk [tilespmem:v12+s0+$0x0], $0xffff  }
0x347: {  	v12 =	vld.idx.msk [tilespmem:v12+s9+$0x0], $0xffff  }
0x348: {  	v9 =	vld.idx.msk [tilespmem:v10+s0+$0x0], $0xffff  }
0x349: {  	v10 =	vld.idx.msk [tilespmem:v10+s9+$0x0], $0xffff  }
0x34a: {  	v7 =	vld.idx.msk [tilespmem:v11+s0+$0x0], $0xffff  }
0x34b: {  	v11 =	vld.idx.msk [tilespmem:v11+s9+$0x0], $0xffff  }
0x34c: {  	v5 =	vadd.f32 v6, v5;
	v6 =	vmul.f32 v12, v8;
	v12 =	vld [tilespmem:$0x1FEB0];
	_ =	sdelay $0x1  }
0x34d: {  	v5 =	vadd.f32 v6, v5;
	v6 =	vmul.f32 v10, v9;
	v10 =	vld [tilespmem:$0x1FEC0];
	_ =	sdelay $0x1  }
0x34e: {  	v5 =	vadd.f32 v6, v5;
	v6 =	vmul.f32 v11, v7;
	v11 =	vld [tilespmem:$0x1FED0];
	_ =	sdelay $0x3  }
0x34f: {  	v8 =	vld.idx.msk [tilespmem:v12+s0+$0x0], $0xffff  }
0x350: {  	v12 =	vld.idx.msk [tilespmem:v12+s9+$0x0], $0xffff  }
0x351: {  	v9 =	vld.idx.msk [tilespmem:v10+s0+$0x0], $0xffff  }
0x352: {  	v10 =	vld.idx.msk [tilespmem:v10+s9+$0x0], $0xffff  }
0x353: {  	v7 =	vld.idx.msk [tilespmem:v11+s0+$0x0], $0xffff  }
0x354: {  	v11 =	vld.idx.msk [tilespmem:v11+s9+$0x0], $0xffff  }
0x355: {  	v5 =	vadd.f32 v6, v5;
	v6 =	vmul.f32 v12, v8;
	_ =	sdelay $0x1  }
0x356: {  	v5 =	vadd.f32 v6, v5;
	v6 =	vmul.f32 v10, v9;
	_ =	sdelay $0x1  }
0x357: {  	v5 =	vadd.f32 v6, v5;
	v6 =	vmul.f32 v11, v7;
	_ =	sdelay $0x1  }
0x358: {  	v5 =	vadd.f32 v6, v5;
	_ =	sdelay $0x1  }
0x359: {  	v5 =	vmul.f32 $1.442695020e+00, v5;
	_ =	sdelay $0x1  }
0x35a: {  	(erf) = vpow2.f32 v5;
	_ =	sdelay $0x7  }
0x35b: {  	s26 =	sor.u32 $0x20, s22  }
0x35c: {  	p6 =	slt.u32 s26, $0x27100;
	v5 =	vpop (erf)  }
0x35d: {  	v5 =	vpsel !p6, $0x0, v5  }
0x35e: {  	[tilespmem:$0xA020] =	vst v5  }
0x35f: {  	v6 =	vld [tilespmem:s21+$0x20];
	_ =	sdelay $0x7  }
0x360: {  	[tilespmem:v6+s12+$0x0] =	vst.idx.add.f32.msk $0xffff, v5  }
0x361: {  	v6 =	vld [tilespmem:$0x1FEE0];
	_ =	sdelay $0x1  }
0x362: {  	v8 =	vld [tilespmem:$0x1FEF0];
	_ =	sdelay $0x1  }
0x363: {  	v10 =	vld [tilespmem:$0x1FF00];
	_ =	sdelay $0x1  }
0x364: {  	v11 =	vld [tilespmem:$0x1FF10];
	_ =	sdelay $0x1  }
0x365: {  	v5 =	vld.idx.msk [tilespmem:v6+s0+$0x0], $0xffff  }
0x366: {  	v6 =	vld.idx.msk [tilespmem:v6+s9+$0x0], $0xffff  }
0x367: {  	v7 =	vld.idx.msk [tilespmem:v8+s0+$0x0], $0xffff  }
0x368: {  	v8 =	vld.idx.msk [tilespmem:v8+s9+$0x0], $0xffff  }
0x369: {  	v9 =	vld.idx.msk [tilespmem:v10+s0+$0x0], $0xffff  }
0x36a: {  	v10 =	vld.idx.msk [tilespmem:v10+s9+$0x0], $0xffff  }
0x36b: {  	v5 =	vmul.f32 v6, v5;
	v6 =	vld.idx.msk [tilespmem:v11+s0+$0x0], $0xffff  }
0x36c: {  	v11 =	vld.idx.msk [tilespmem:v11+s9+$0x0], $0xffff  }
0x36d: {  	v12 =	vld [tilespmem:$0x1FF20];
	v7 =	vmul.f32 v8, v7;
	v5 =	vadd.f32 $0.0e+00, v5;
	_ =	sdelay $0x1  }
0x36e: {  	v5 =	vadd.f32 v7, v5;
	v7 =	vmul.f32 v10, v9;
	v10 =	vld [tilespmem:$0x1FF30];
	_ =	sdelay $0x1  }
0x36f: {  	v6 =	vmul.f32 v11, v6;
	v11 =	vld [tilespmem:$0x1FF40];
	_ =	sdelay $0x3  }
0x370: {  	v8 =	vld.idx.msk [tilespmem:v12+s0+$0x0], $0xffff  }
0x371: {  	v12 =	vld.idx.msk [tilespmem:v12+s9+$0x0], $0xffff  }
0x372: {  	v9 =	vld.idx.msk [tilespmem:v10+s0+$0x0], $0xffff  }
0x373: {  	v10 =	vld.idx.msk [tilespmem:v10+s9+$0x0], $0xffff  }
0x374: {  	v5 =	vadd.f32 v7, v5;
	v7 =	vld.idx.msk [tilespmem:v11+s0+$0x0], $0xffff  }
0x375: {  	v11 =	vld.idx.msk [tilespmem:v11+s9+$0x0], $0xffff  }
0x376: {  	v5 =	vadd.f32 v6, v5;
	v6 =	vmul.f32 v12, v8;
	v12 =	vld [tilespmem:$0x1FF50];
	_ =	sdelay $0x1  }
0x377: {  	v5 =	vadd.f32 v6, v5;
	v6 =	vmul.f32 v10, v9;
	v10 =	vld [tilespmem:$0x1FF60];
	_ =	sdelay $0x1  }
0x378: {  	v5 =	vadd.f32 v6, v5;
	v6 =	vmul.f32 v11, v7;
	v11 =	vld [tilespmem:$0x1FF70];
	_ =	sdelay $0x3  }
0x379: {  	v8 =	vld.idx.msk [tilespmem:v12+s0+$0x0], $0xffff  }
0x37a: {  	v12 =	vld.idx.msk [tilespmem:v12+s9+$0x0], $0xffff  }
0x37b: {  	v9 =	vld.idx.msk [tilespmem:v10+s0+$0x0], $0xffff  }
0x37c: {  	v10 =	vld.idx.msk [tilespmem:v10+s9+$0x0], $0xffff  }
0x37d: {  	v7 =	vld.idx.msk [tilespmem:v11+s0+$0x0], $0xffff  }
0x37e: {  	v11 =	vld.idx.msk [tilespmem:v11+s9+$0x0], $0xffff  }
0x37f: {  	v5 =	vadd.f32 v6, v5;
	v6 =	vmul.f32 v12, v8;
	v12 =	vld [tilespmem:$0x1FF80];
	_ =	sdelay $0x1  }
0x380: {  	v5 =	vadd.f32 v6, v5;
	v6 =	vmul.f32 v10, v9;
	v10 =	vld [tilespmem:$0x1FF90];
	_ =	sdelay $0x1  }
0x381: {  	v5 =	vadd.f32 v6, v5;
	v6 =	vmul.f32 v11, v7;
	v11 =	vld [tilespmem:$0x1FFA0];
	_ =	sdelay $0x3  }
0x382: {  	v8 =	vld.idx.msk [tilespmem:v12+s0+$0x0], $0xffff  }
0x383: {  	v12 =	vld.idx.msk [tilespmem:v12+s9+$0x0], $0xffff  }
0x384: {  	v9 =	vld.idx.msk [tilespmem:v10+s0+$0x0], $0xffff  }
0x385: {  	v10 =	vld.idx.msk [tilespmem:v10+s9+$0x0], $0xffff  }
0x386: {  	v7 =	vld.idx.msk [tilespmem:v11+s0+$0x0], $0xffff  }
0x387: {  	v11 =	vld.idx.msk [tilespmem:v11+s9+$0x0], $0xffff  }
0x388: {  	v5 =	vadd.f32 v6, v5;
	v6 =	vmul.f32 v12, v8;
	v12 =	vld [tilespmem:$0x1FFB0];
	_ =	sdelay $0x1  }
0x389: {  	v5 =	vadd.f32 v6, v5;
	v6 =	vmul.f32 v10, v9;
	v10 =	vld [tilespmem:$0x1FFC0];
	_ =	sdelay $0x1  }
0x38a: {  	v5 =	vadd.f32 v6, v5;
	v6 =	vmul.f32 v11, v7;
	v11 =	vld [tilespmem:$0x1FB40];
	_ =	sdelay $0x3  }
0x38b: {  	v8 =	vld.idx.msk [tilespmem:v12+s0+$0x0], $0xffff  }
0x38c: {  	v12 =	vld.idx.msk [tilespmem:v12+s9+$0x0], $0xffff  }
0x38d: {  	v9 =	vld.idx.msk [tilespmem:v10+s0+$0x0], $0xffff  }
0x38e: {  	v10 =	vld.idx.msk [tilespmem:v10+s9+$0x0], $0xffff  }
0x38f: {  	v7 =	vld.idx.msk [tilespmem:v11+s0+$0x0], $0xffff  }
0x390: {  	v11 =	vld.idx.msk [tilespmem:v11+s9+$0x0], $0xffff  }
0x391: {  	v5 =	vadd.f32 v6, v5;
	v6 =	vmul.f32 v12, v8;
	_ =	sdelay $0x1  }
0x392: {  	v5 =	vadd.f32 v6, v5;
	v6 =	vmul.f32 v10, v9;
	_ =	sdelay $0x1  }
0x393: {  	v5 =	vadd.f32 v6, v5;
	v6 =	vmul.f32 v11, v7;
	_ =	sdelay $0x1  }
0x394: {  	v5 =	vadd.f32 v6, v5;
	_ =	sdelay $0x1  }
0x395: {  	v5 =	vmul.f32 $1.442695020e+00, v5;
	_ =	sdelay $0x1  }
0x396: {  	(erf) = vpow2.f32 v5;
	_ =	sdelay $0x7  }
0x397: {  	s28 =	sor.u32 $0x30, s22  }
0x398: {  	p2 =	slt.u32 s28, $0x27100;
	v5 =	vpop (erf)  }
0x399: {  	v5 =	vpsel !p2, $0x0, v5  }
0x39a: {  	[tilespmem:$0xA030] =	vst v5  }
0x39b: {  	v6 =	vld [tilespmem:s21+$0x30];
	_ =	sdelay $0x7  }
0x39c: {  	[tilespmem:v6+s12+$0x0] =	vst.idx.add.f32.msk $0xffff, v5  }
0x39d: {  	v6 =	vld [tilespmem:$0x1FB50];
	_ =	sdelay $0x1  }
0x39e: {  	v8 =	vld [tilespmem:$0x1FB60];
	_ =	sdelay $0x1  }
0x39f: {  	v10 =	vld [tilespmem:$0x1FB70];
	_ =	sdelay $0x1  }
0x3a0: {  	v11 =	vld [tilespmem:$0x1FB80];
	_ =	sdelay $0x1  }
0x3a1: {  	v5 =	vld.idx.msk [tilespmem:v6+s0+$0x0], $0xffff  }
0x3a2: {  	v6 =	vld.idx.msk [tilespmem:v6+s9+$0x0], $0xffff  }
0x3a3: {  	v7 =	vld.idx.msk [tilespmem:v8+s0+$0x0], $0xffff  }
0x3a4: {  	v8 =	vld.idx.msk [tilespmem:v8+s9+$0x0], $0xffff  }
0x3a5: {  	v9 =	vld.idx.msk [tilespmem:v10+s0+$0x0], $0xffff  }
0x3a6: {  	v10 =	vld.idx.msk [tilespmem:v10+s9+$0x0], $0xffff  }
0x3a7: {  	v5 =	vmul.f32 v6, v5;
	v6 =	vld.idx.msk [tilespmem:v11+s0+$0x0], $0xffff  }
0x3a8: {  	v11 =	vld.idx.msk [tilespmem:v11+s9+$0x0], $0xffff  }
0x3a9: {  	v12 =	vld [tilespmem:$0x1FB90];
	v7 =	vmul.f32 v8, v7;
	v5 =	vadd.f32 $0.0e+00, v5;
	_ =	sdelay $0x1  }
0x3aa: {  	v5 =	vadd.f32 v7, v5;
	v7 =	vmul.f32 v10, v9;
	v10 =	vld [tilespmem:$0x1FBA0];
	_ =	sdelay $0x1  }
0x3ab: {  	v6 =	vmul.f32 v11, v6;
	v11 =	vld [tilespmem:$0x1FBB0];
	_ =	sdelay $0x3  }
0x3ac: {  	v8 =	vld.idx.msk [tilespmem:v12+s0+$0x0], $0xffff  }
0x3ad: {  	v12 =	vld.idx.msk [tilespmem:v12+s9+$0x0], $0xffff  }
0x3ae: {  	v9 =	vld.idx.msk [tilespmem:v10+s0+$0x0], $0xffff  }
0x3af: {  	v10 =	vld.idx.msk [tilespmem:v10+s9+$0x0], $0xffff  }
0x3b0: {  	v5 =	vadd.f32 v7, v5;
	v7 =	vld.idx.msk [tilespmem:v11+s0+$0x0], $0xffff  }
0x3b1: {  	v11 =	vld.idx.msk [tilespmem:v11+s9+$0x0], $0xffff  }
0x3b2: {  	v5 =	vadd.f32 v6, v5;
	v6 =	vmul.f32 v12, v8;
	v12 =	vld [tilespmem:$0x1FBC0];
	_ =	sdelay $0x1  }
0x3b3: {  	v5 =	vadd.f32 v6, v5;
	v6 =	vmul.f32 v10, v9;
	v10 =	vld [tilespmem:$0x1FBD0];
	_ =	sdelay $0x1  }
0x3b4: {  	v5 =	vadd.f32 v6, v5;
	v6 =	vmul.f32 v11, v7;
	v11 =	vld [tilespmem:$0x1FBE0];
	_ =	sdelay $0x3  }
0x3b5: {  	v8 =	vld.idx.msk [tilespmem:v12+s0+$0x0], $0xffff  }
0x3b6: {  	v12 =	vld.idx.msk [tilespmem:v12+s9+$0x0], $0xffff  }
0x3b7: {  	v9 =	vld.idx.msk [tilespmem:v10+s0+$0x0], $0xffff  }
0x3b8: {  	v10 =	vld.idx.msk [tilespmem:v10+s9+$0x0], $0xffff  }
0x3b9: {  	v7 =	vld.idx.msk [tilespmem:v11+s0+$0x0], $0xffff  }
0x3ba: {  	v11 =	vld.idx.msk [tilespmem:v11+s9+$0x0], $0xffff  }
0x3bb: {  	v5 =	vadd.f32 v6, v5;
	v6 =	vmul.f32 v12, v8;
	v12 =	vld [tilespmem:$0x1FBF0];
	_ =	sdelay $0x1  }
0x3bc: {  	v5 =	vadd.f32 v6, v5;
	v6 =	vmul.f32 v10, v9;
	v10 =	vld [tilespmem:$0x1FC00];
	_ =	sdelay $0x1  }
0x3bd: {  	v5 =	vadd.f32 v6, v5;
	v6 =	vmul.f32 v11, v7;
	v11 =	vld [tilespmem:$0x1FC10];
	_ =	sdelay $0x3  }
0x3be: {  	v8 =	vld.idx.msk [tilespmem:v12+s0+$0x0], $0xffff  }
0x3bf: {  	v12 =	vld.idx.msk [tilespmem:v12+s9+$0x0], $0xffff  }
0x3c0: {  	v9 =	vld.idx.msk [tilespmem:v10+s0+$0x0], $0xffff  }
0x3c1: {  	v10 =	vld.idx.msk [tilespmem:v10+s9+$0x0], $0xffff  }
0x3c2: {  	v7 =	vld.idx.msk [tilespmem:v11+s0+$0x0], $0xffff  }
0x3c3: {  	v11 =	vld.idx.msk [tilespmem:v11+s9+$0x0], $0xffff  }
0x3c4: {  	v5 =	vadd.f32 v6, v5;
	v6 =	vmul.f32 v12, v8;
	v8 =	vld.idx.msk [tilespmem:v16+s0+$0x0], $0xffff  }
0x3c5: {  	v12 =	vld.idx.msk [tilespmem:v16+s9+$0x0], $0xffff  }
0x3c6: {  	v5 =	vadd.f32 v6, v5;
	v6 =	vmul.f32 v10, v9;
	v9 =	vld.idx.msk [tilespmem:v17+s0+$0x0], $0xffff  }
0x3c7: {  	v10 =	vld.idx.msk [tilespmem:v17+s9+$0x0], $0xffff  }
0x3c8: {  	v5 =	vadd.f32 v6, v5;
	v6 =	vmul.f32 v11, v7;
	v7 =	vld.idx.msk [tilespmem:v18+s0+$0x0], $0xffff  }
0x3c9: {  	v18 =	vld.idx.msk [tilespmem:v18+s9+$0x0], $0xffff  }
0x3ca: {  	v5 =	vadd.f32 v6, v5;
	v6 =	vmul.f32 v12, v8;
	_ =	sdelay $0x1  }
0x3cb: {  	v5 =	vadd.f32 v6, v5;
	v6 =	vmul.f32 v10, v9;
	_ =	sdelay $0x1  }
0x3cc: {  	v5 =	vadd.f32 v6, v5;
	v6 =	vmul.f32 v18, v7;
	_ =	sdelay $0x1  }
0x3cd: {  	v5 =	vadd.f32 v6, v5;
	_ =	sdelay $0x1  }
0x3ce: {  	v5 =	vmul.f32 $1.442695020e+00, v5;
	_ =	sdelay $0x1  }
0x3cf: {  	(erf) = vpow2.f32 v5;
	_ =	sdelay $0x7  }
0x3d0: {  	s17 =	sor.u32 $0x40, s22  }
0x3d1: {  	p3 =	slt.u32 s17, $0x27100;
	v5 =	vpop (erf)  }
0x3d2: {  	v5 =	vpsel !p3, $0x0, v5  }
0x3d3: {  	[tilespmem:$0xA040] =	vst v5  }
0x3d4: {  	v6 =	vld [tilespmem:s21+$0x40];
	_ =	sdelay $0x7  }
0x3d5: {  	[tilespmem:v6+s12+$0x0] =	vst.idx.add.f32.msk $0xffff, v5  }
0x3d6: {  	v5 =	vld.idx.msk [tilespmem:v27+s0+$0x0], $0xffff  }
0x3d7: {  	v6 =	vld.idx.msk [tilespmem:v27+s9+$0x0], $0xffff  }
0x3d8: {  	v7 =	vld.idx.msk [tilespmem:v23+s0+$0x0], $0xffff  }
0x3d9: {  	v8 =	vld.idx.msk [tilespmem:v23+s9+$0x0], $0xffff  }
0x3da: {  	v23 =	vld.idx.msk [tilespmem:v24+s0+$0x0], $0xffff  }
0x3db: {  	v24 =	vld.idx.msk [tilespmem:v24+s9+$0x0], $0xffff  }
0x3dc: {  	v27 =	vld.idx.msk [tilespmem:v25+s9+$0x0], $0xffff;
	v5 =	vmul.f32 v6, v5  }
0x3dd: {  	v6 =	vld.idx.msk [tilespmem:v25+s0+$0x0], $0xffff  }
0x3de: {  	v12 =	vld.idx.msk [tilespmem:v21+s9+$0x0], $0xffff;
	v7 =	vmul.f32 v8, v7;
	v5 =	vadd.f32 $0.0e+00, v5  }
0x3df: {  	v8 =	vld.idx.msk [tilespmem:v21+s0+$0x0], $0xffff  }
0x3e0: {  	v18 =	vld.idx.msk [tilespmem:v19+s0+$0x0], $0xffff;
	v5 =	vadd.f32 v7, v5;
	v7 =	vmul.f32 v24, v23  }
0x3e1: {  	v19 =	vld.idx.msk [tilespmem:v19+s9+$0x0], $0xffff  }
0x3e2: {  	v21 =	vld.idx.msk [tilespmem:v20+s9+$0x0], $0xffff;
	v6 =	vmul.f32 v27, v6;
	v5 =	vadd.f32 v7, v5  }
0x3e3: {  	v7 =	vld.idx.msk [tilespmem:v20+s0+$0x0], $0xffff  }
0x3e4: {  	v5 =	vadd.f32 v6, v5;
	v6 =	vmul.f32 v12, v8;
	v8 =	vld.idx.msk [tilespmem:v22+s0+$0x0], $0xffff  }
0x3e5: {  	v12 =	vld.idx.msk [tilespmem:v22+s9+$0x0], $0xffff  }
0x3e6: {  	v23 =	vld.idx.msk [tilespmem:v26+s9+$0x0], $0xffff;
	v5 =	vadd.f32 v6, v5;
	v6 =	vmul.f32 v19, v18  }
0x3e7: {  	v22 =	vld.idx.msk [tilespmem:v26+s0+$0x0], $0xffff  }
0x3e8: {  	v24 =	vld.idx.msk [tilespmem:v28+s9+$0x0], $0xffff;
	v5 =	vadd.f32 v6, v5;
	v6 =	vmul.f32 v21, v7  }
0x3e9: {  	v7 =	vld.idx.msk [tilespmem:v28+s0+$0x0], $0xffff  }
0x3ea: {  	v5 =	vadd.f32 v6, v5;
	v6 =	vmul.f32 v12, v8;
	v8 =	vld.idx.msk [tilespmem:v29+s0+$0x0], $0xffff  }
0x3eb: {  	v12 =	vld.idx.msk [tilespmem:v29+s9+$0x0], $0xffff  }
0x3ec: {  	v25 =	vld.idx.msk [tilespmem:v30+s0+$0x0], $0xffff;
	v5 =	vadd.f32 v6, v5;
	v6 =	vmul.f32 v23, v22  }
0x3ed: {  	v26 =	vld.idx.msk [tilespmem:v30+s9+$0x0], $0xffff  }
0x3ee: {  	v27 =	vld.idx.msk [tilespmem:v31+s9+$0x0], $0xffff;
	v5 =	vadd.f32 v6, v5;
	v6 =	vmul.f32 v24, v7  }
0x3ef: {  	v7 =	vld.idx.msk [tilespmem:v31+s0+$0x0], $0xffff  }
0x3f0: {  	v5 =	vadd.f32 v6, v5;
	v6 =	vmul.f32 v12, v8;
	v8 =	vld.idx.msk [tilespmem:v32+s0+$0x0], $0xffff  }
0x3f1: {  	v12 =	vld.idx.msk [tilespmem:v32+s9+$0x0], $0xffff  }
0x3f2: {  	v28 =	vld.idx.msk [tilespmem:v33+s0+$0x0], $0xffff;
	v5 =	vadd.f32 v6, v5;
	v6 =	vmul.f32 v26, v25  }
0x3f3: {  	v29 =	vld.idx.msk [tilespmem:v33+s9+$0x0], $0xffff  }
0x3f4: {  	v30 =	vld.idx.msk [tilespmem:v34+s9+$0x0], $0xffff;
	v5 =	vadd.f32 v6, v5;
	v6 =	vmul.f32 v27, v7  }
0x3f5: {  	v7 =	vld.idx.msk [tilespmem:v34+s0+$0x0], $0xffff  }
0x3f6: {  	v5 =	vadd.f32 v6, v5;
	v6 =	vmul.f32 v12, v8;
	_ =	sdelay $0x1  }
0x3f7: {  	v5 =	vadd.f32 v6, v5;
	v6 =	vmul.f32 v29, v28;
	_ =	sdelay $0x1  }
0x3f8: {  	v5 =	vadd.f32 v6, v5;
	v6 =	vmul.f32 v30, v7;
	_ =	sdelay $0x1  }
0x3f9: {  	v5 =	vadd.f32 v6, v5;
	_ =	sdelay $0x1  }
0x3fa: {  	v5 =	vmul.f32 $1.442695020e+00, v5;
	_ =	sdelay $0x1  }
0x3fb: {  	(erf) = vpow2.f32 v5;
	_ =	sdelay $0x7  }
0x3fc: {  	s24 =	sor.u32 $0x50, s22  }
0x3fd: {  	p4 =	slt.u32 s24, $0x27100;
	v5 =	vpop (erf)  }
0x3fe: {  	v5 =	vpsel !p4, $0x0, v5  }
0x3ff: {  	[tilespmem:$0xA050] =	vst v5  }
0x400: {  	v6 =	vld [tilespmem:s21+$0x50];
	_ =	sdelay $0x7  }
0x401: {  	[tilespmem:v6+s12+$0x0] =	vst.idx.add.f32.msk $0xffff, v5  }
0x402: {  	v5 =	vld.idx.msk [tilespmem:v43+s0+$0x0], $0xffff  }
0x403: {  	v6 =	vld.idx.msk [tilespmem:v43+s9+$0x0], $0xffff  }
0x404: {  	v7 =	vld.idx.msk [tilespmem:v39+s0+$0x0], $0xffff  }
0x405: {  	v8 =	vld.idx.msk [tilespmem:v39+s9+$0x0], $0xffff  }
0x406: {  	v31 =	vld.idx.msk [tilespmem:v40+s0+$0x0], $0xffff  }
0x407: {  	v32 =	vld.idx.msk [tilespmem:v40+s9+$0x0], $0xffff  }
0x408: {  	v33 =	vld.idx.msk [tilespmem:v41+s9+$0x0], $0xffff;
	v5 =	vmul.f32 v6, v5  }
0x409: {  	v6 =	vld.idx.msk [tilespmem:v41+s0+$0x0], $0xffff  }
0x40a: {  	v12 =	vld.idx.msk [tilespmem:v37+s9+$0x0], $0xffff;
	v7 =	vmul.f32 v8, v7;
	v5 =	vadd.f32 $0.0e+00, v5  }
0x40b: {  	v8 =	vld.idx.msk [tilespmem:v37+s0+$0x0], $0xffff  }
0x40c: {  	v34 =	vld.idx.msk [tilespmem:v35+s0+$0x0], $0xffff;
	v5 =	vadd.f32 v7, v5;
	v7 =	vmul.f32 v32, v31  }
0x40d: {  	v35 =	vld.idx.msk [tilespmem:v35+s9+$0x0], $0xffff  }
0x40e: {  	v37 =	vld.idx.msk [tilespmem:v36+s9+$0x0], $0xffff;
	v6 =	vmul.f32 v33, v6;
	v5 =	vadd.f32 v7, v5  }
0x40f: {  	v7 =	vld.idx.msk [tilespmem:v36+s0+$0x0], $0xffff  }
0x410: {  	v5 =	vadd.f32 v6, v5;
	v6 =	vmul.f32 v12, v8;
	v8 =	vld.idx.msk [tilespmem:v38+s0+$0x0], $0xffff  }
0x411: {  	v12 =	vld.idx.msk [tilespmem:v38+s9+$0x0], $0xffff  }
0x412: {  	v39 =	vld.idx.msk [tilespmem:v42+s9+$0x0], $0xffff;
	v5 =	vadd.f32 v6, v5;
	v6 =	vmul.f32 v35, v34  }
0x413: {  	v38 =	vld.idx.msk [tilespmem:v42+s0+$0x0], $0xffff  }
0x414: {  	v40 =	vld.idx.msk [tilespmem:v44+s9+$0x0], $0xffff;
	v5 =	vadd.f32 v6, v5;
	v6 =	vmul.f32 v37, v7  }
0x415: {  	v7 =	vld.idx.msk [tilespmem:v44+s0+$0x0], $0xffff  }
0x416: {  	v5 =	vadd.f32 v6, v5;
	v6 =	vmul.f32 v12, v8;
	v8 =	vld.idx.msk [tilespmem:v45+s0+$0x0], $0xffff  }
0x417: {  	v12 =	vld.idx.msk [tilespmem:v45+s9+$0x0], $0xffff  }
0x418: {  	v41 =	vld.idx.msk [tilespmem:v46+s0+$0x0], $0xffff;
	v5 =	vadd.f32 v6, v5;
	v6 =	vmul.f32 v39, v38  }
0x419: {  	v42 =	vld.idx.msk [tilespmem:v46+s9+$0x0], $0xffff  }
0x41a: {  	v43 =	vld.idx.msk [tilespmem:v47+s9+$0x0], $0xffff;
	v5 =	vadd.f32 v6, v5;
	v6 =	vmul.f32 v40, v7  }
0x41b: {  	v7 =	vld.idx.msk [tilespmem:v47+s0+$0x0], $0xffff  }
0x41c: {  	v5 =	vadd.f32 v6, v5;
	v6 =	vmul.f32 v12, v8;
	v8 =	vld.idx.msk [tilespmem:v48+s0+$0x0], $0xffff  }
0x41d: {  	v12 =	vld.idx.msk [tilespmem:v48+s9+$0x0], $0xffff  }
0x41e: {  	v44 =	vld.idx.msk [tilespmem:v49+s0+$0x0], $0xffff;
	v5 =	vadd.f32 v6, v5;
	v6 =	vmul.f32 v42, v41  }
0x41f: {  	v45 =	vld.idx.msk [tilespmem:v49+s9+$0x0], $0xffff  }
0x420: {  	v46 =	vld.idx.msk [tilespmem:v50+s9+$0x0], $0xffff;
	v5 =	vadd.f32 v6, v5;
	v6 =	vmul.f32 v43, v7  }
0x421: {  	v7 =	vld.idx.msk [tilespmem:v50+s0+$0x0], $0xffff  }
0x422: {  	v5 =	vadd.f32 v6, v5;
	v6 =	vmul.f32 v12, v8;
	_ =	sdelay $0x1  }
0x423: {  	v5 =	vadd.f32 v6, v5;
	v6 =	vmul.f32 v45, v44;
	_ =	sdelay $0x1  }
0x424: {  	v5 =	vadd.f32 v6, v5;
	v6 =	vmul.f32 v46, v7;
	_ =	sdelay $0x1  }
0x425: {  	v5 =	vadd.f32 v6, v5;
	_ =	sdelay $0x1  }
0x426: {  	v5 =	vmul.f32 $1.442695020e+00, v5;
	_ =	sdelay $0x1  }
0x427: {  	(erf) = vpow2.f32 v5;
	_ =	sdelay $0x7  }
0x428: {  	s25 =	sor.u32 $0x60, s22  }
0x429: {  	p5 =	slt.u32 s25, $0x27100;
	v5 =	vpop (erf)  }
0x42a: {  	v5 =	vpsel !p5, $0x0, v5  }
0x42b: {  	[tilespmem:$0xA060] =	vst v5  }
0x42c: {  	v6 =	vld [tilespmem:s21+$0x60];
	_ =	sdelay $0x7  }
0x42d: {  	[tilespmem:v6+s12+$0x0] =	vst.idx.add.f32.msk $0xffff, v5  }
0x42e: {  	v5 =	vld.idx.msk [tilespmem:v59+s0+$0x0], $0xffff  }
0x42f: {  	v6 =	vld.idx.msk [tilespmem:v59+s9+$0x0], $0xffff  }
0x430: {  	v7 =	vld.idx.msk [tilespmem:v55+s0+$0x0], $0xffff  }
0x431: {  	v8 =	vld.idx.msk [tilespmem:v55+s9+$0x0], $0xffff  }
0x432: {  	v47 =	vld.idx.msk [tilespmem:v56+s0+$0x0], $0xffff  }
0x433: {  	v48 =	vld.idx.msk [tilespmem:v56+s9+$0x0], $0xffff  }
0x434: {  	v49 =	vld.idx.msk [tilespmem:v57+s9+$0x0], $0xffff;
	v5 =	vmul.f32 v6, v5  }
0x435: {  	v6 =	vld.idx.msk [tilespmem:v57+s0+$0x0], $0xffff  }
0x436: {  	v12 =	vld.idx.msk [tilespmem:v53+s9+$0x0], $0xffff;
	v7 =	vmul.f32 v8, v7;
	v5 =	vadd.f32 $0.0e+00, v5  }
0x437: {  	v8 =	vld.idx.msk [tilespmem:v53+s0+$0x0], $0xffff  }
0x438: {  	v50 =	vld.idx.msk [tilespmem:v51+s0+$0x0], $0xffff;
	v5 =	vadd.f32 v7, v5;
	v7 =	vmul.f32 v48, v47  }
0x439: {  	v51 =	vld.idx.msk [tilespmem:v51+s9+$0x0], $0xffff  }
0x43a: {  	v53 =	vld.idx.msk [tilespmem:v52+s9+$0x0], $0xffff;
	v6 =	vmul.f32 v49, v6;
	v5 =	vadd.f32 v7, v5  }
0x43b: {  	v7 =	vld.idx.msk [tilespmem:v52+s0+$0x0], $0xffff  }
0x43c: {  	v5 =	vadd.f32 v6, v5;
	v6 =	vmul.f32 v12, v8;
	v8 =	vld.idx.msk [tilespmem:v54+s0+$0x0], $0xffff  }
0x43d: {  	v12 =	vld.idx.msk [tilespmem:v54+s9+$0x0], $0xffff  }
0x43e: {  	v55 =	vld.idx.msk [tilespmem:v58+s0+$0x0], $0xffff;
	v5 =	vadd.f32 v6, v5;
	v6 =	vmul.f32 v51, v50  }
0x43f: {  	v56 =	vld.idx.msk [tilespmem:v58+s9+$0x0], $0xffff  }
0x440: {  	v57 =	vld.idx.msk [tilespmem:v60+s9+$0x0], $0xffff;
	v5 =	vadd.f32 v6, v5;
	v6 =	vmul.f32 v53, v7  }
0x441: {  	v7 =	vld.idx.msk [tilespmem:v60+s0+$0x0], $0xffff  }
0x442: {  	v5 =	vadd.f32 v6, v5;
	v6 =	vmul.f32 v12, v8;
	v8 =	vld.idx.msk [tilespmem:v61+s0+$0x0], $0xffff  }
0x443: {  	v12 =	vld.idx.msk [tilespmem:v61+s9+$0x0], $0xffff  }
0x444: {  	v58 =	vld.idx.msk [tilespmem:v62+s0+$0x0], $0xffff;
	v5 =	vadd.f32 v6, v5;
	v6 =	vmul.f32 v56, v55  }
0x445: {  	v59 =	vld.idx.msk [tilespmem:v62+s9+$0x0], $0xffff  }
0x446: {  	v60 =	vld.idx.msk [tilespmem:v63+s9+$0x0], $0xffff;
	v5 =	vadd.f32 v6, v5;
	v6 =	vmul.f32 v57, v7  }
0x447: {  	v7 =	vld.idx.msk [tilespmem:v63+s0+$0x0], $0xffff  }
0x448: {  	v5 =	vadd.f32 v6, v5;
	v6 =	vmul.f32 v12, v8;
	v8 =	vld.idx.msk [tilespmem:v2+s0+$0x0], $0xffff  }
0x449: {  	v2 =	vld.idx.msk [tilespmem:v2+s9+$0x0], $0xffff  }
0x44a: {  	v61 =	vld.idx.msk [tilespmem:v3+s0+$0x0], $0xffff;
	v5 =	vadd.f32 v6, v5;
	v6 =	vmul.f32 v59, v58  }
0x44b: {  	v3 =	vld.idx.msk [tilespmem:v3+s9+$0x0], $0xffff  }
0x44c: {  	v5 =	vadd.f32 v6, v5;
	v6 =	vmul.f32 v60, v7;
	v7 =	vld.idx.msk [tilespmem:v4+s0+$0x0], $0xffff  }
0x44d: {  	v4 =	vld.idx.msk [tilespmem:v4+s9+$0x0], $0xffff  }
0x44e: {  	v2 =	vmul.f32 v2, v8;
	v5 =	vadd.f32 v6, v5;
	_ =	sdelay $0x1  }
0x44f: {  	v3 =	vmul.f32 v3, v61;
	v2 =	vadd.f32 v2, v5;
	_ =	sdelay $0x1  }
0x450: {  	v2 =	vadd.f32 v3, v2;
	v3 =	vmul.f32 v4, v7;
	_ =	sdelay $0x1  }
0x451: {  	v2 =	vadd.f32 v3, v2;
	_ =	sdelay $0x1  }
0x452: {  	v2 =	vmul.f32 $1.442695020e+00, v2;
	_ =	sdelay $0x1  }
0x453: {  	(erf) = vpow2.f32 v2;
	_ =	sdelay $0x7  }
0x454: {  	s26 =	sor.u32 $0x70, s22  }
0x455: {  	p6 =	slt.u32 s26, $0x27100;
	v2 =	vpop (erf)  }
0x456: {  	v2 =	vpsel !p6, $0x0, v2  }
0x457: {  	[tilespmem:$0xA070] =	vst v2  }
0x458: {  	v3 =	vld [tilespmem:s21+$0x70];
	_ =	sdelay $0x6  }
0x459: {  	p1 =	seq.s32 s20, $0x27  }
0x45a: {  	s5 =	simm.s32 @p1 $0x5;
	[tilespmem:v3+s12+$0x0] =	vst.idx.add.f32.msk $0xffff, v2  }
0x45b: {  	_ =	swait.ge @p1 [sflag:s5], $0x2000  }
0x45c: {  	[sflag:s5] =	ssyncset.done @p1 $0x0  }
0x45d: {  	[sflag:s5] =	ssyncadd.s32 @p1 $0xFFFFE000;
	s5 =	sshll.u32 @!p1 s23, $0x7  }
0x45e: {  	s22 =	simm.s32 @!p1 $0x80;
	s23 =	simm.s32 @!p1 $0x5000;
	s17 =	sadd.s32 @!p1 $0x100, s5  }
0x45f: {  	[tilespmem:s23], [sflag:$0x1] =	stream.indirect.gather @!p1 [hbm4b:s6+s22], $0x10, s17, s22, $0xb8;
	[tilespmem:$0x195D0] =	vst v63  }
0x460: {  	s5 =	sadd.s32 @!p1 $0x2900, s5;
	s23 =	simm.s32 @!p1 $0x5800  }
0x461: {  	[tilespmem:s23], [sflag:$0x2] =	stream.indirect.gather @!p1 [hbm4b:s6+s22], $0x10, s5, s22, $0xb8;
	[tilespmem:$0x195D0] =	vst v63  }
0x462: {  	s5 =	simm.s32 @!p1 $0x5  }
0x463: {  	p2 =	sne.s32 @!p1 s4, $0x0;
	_ =	swait.ge @!p1 [sflag:s5], $0x2000  }
0x464: {  	s28 =	simm.s32 $0x0;
	p3 =	por !p2, p1;
	[sflag:s5] =	ssyncset.done @!p1 $0x0  }
0x465: {  	v2 =	vmov s28;
	s22 =	simm.s32 @!p3 $0x80;
	[sflag:s5] =	ssyncadd.s32 @!p1 $0xFFFFE000;
	s5 =	sand.u32 @!p1 $0x3FFFFF80, s17  }
0x466: {  	v2 =	vand.u32 $0xFFFFFFFC, v2;
	s23 =	simm.s32 @!p3 $0x6000;
	s5 =	sadd.s32 @!p1 $0x2800, s5;
	p1 =	por p2, p1  }
0x467: {  	v2 =	vbroadcast v2, $0x0;
	[tilespmem:s23], [sflag:$0x3] =	stream.indirect.gather @!p3 [hbm4b:s8+s22], $0x40, s5, s22, $0xb8;
	[tilespmem:$0x195D0] =	vst v63  }
0x468: {  	s17 =	simm.s32 @!p1 $0x80;
	s22 =	simm.s32 @!p1 $0x6000  }
0x469: {  	[tilespmem:s22], [sflag:$0x3] =	stream.indirect.gather @!p1 [hbm4b:s7+s17], $0x40, s5, s17, $0xb8;
	[tilespmem:$0x195D0] =	vst v63  }
0x46a: {  	_ =	swait.ge [sflag:s16], $0x2000  }
0x46b: {  	[sflag:s16] =	ssyncset.done $0x0  }
0x46c: {  	[sflag:s16] =	ssyncadd.s32 $0xFFFFE000  }
0x46d: {  	s23 =	simm.s32 $0x8080;
	v2 =	vld.idx.msk [tilespmem:v2+s15+$0x0], $0xffff  }
0x46e: {  	v3 =	vld [tilespmem:s23+$0xFFFFFF80]  }
0x46f: {  	v4 =	vld [tilespmem:s23+$0xFFFFFFA0]  }
0x470: {  	s22 =	simm.s32 $0x1;
	v5 =	vld [tilespmem:s23+$0xFFFFFF90]  }
0x471: {  	v6 =	vmov s22;
	v7 =	vld [tilespmem:s23+$0xFFFFFFB0]  }
0x472: {  	v6 =	vand.u32 $0xFFFFFFFD, v6  }
0x473: {  	v6 =	vbroadcast v6, $0x0;
	v3 =	vmul.f32 v3, v2  }
0x474: {  	v4 =	vmul.f32 v4, v2  }
0x475: {  	[tilespmem:s23+$0xFFFFFF80] =	vst v3;
	v3 =	vmul.f32 v5, v2  }
0x476: {  	s22 =	simm.s32 $0x8180;
	[tilespmem:s23+$0xFFFFFFA0] =	vst v4;
	v4 =	vmul.f32 v7, v2  }
0x477: {  	v2 =	vld [tilespmem:s22+$0xFFFFFFA0];
	[tilespmem:s23+$0xFFFFFF90] =	vst v3  }
0x478: {  	v3 =	vld [tilespmem:s23+$0xFFFFFFF0];
	[tilespmem:s23+$0xFFFFFFB0] =	vst v4  }
0x479: {  	v4 =	vld.idx.msk [tilespmem:v6+s15+$0x0], $0xffff  }
0x47a: {  	v5 =	vld [tilespmem:s23+$0xFFFFFFD0]  }
0x47b: {  	s24 =	simm.s32 $0x2;
	v6 =	vld [tilespmem:s23+$0xFFFFFFC0]  }
0x47c: {  	v8 =	vld [tilespmem:s23+$0xFFFFFFE0];
	v7 =	vmov s24  }
0x47d: {  	v7 =	vand.u32 $0xFFFFFFFE, v7  }
0x47e: {  	v7 =	vbroadcast v7, $0x0;
	v3 =	vmul.f32 v3, v4  }
0x47f: {  	v5 =	vmul.f32 v5, v4  }
0x480: {  	v6 =	vmul.f32 v6, v4;
	[tilespmem:s23+$0xFFFFFFF0] =	vst v3  }
0x481: {  	v4 =	vmul.f32 v8, v4;
	[tilespmem:s23+$0xFFFFFFD0] =	vst v5  }
0x482: {  	v3 =	vld [tilespmem:s22+$0xFFFFFF90];
	[tilespmem:s23+$0xFFFFFFC0] =	vst v6  }
0x483: {  	v5 =	vld [tilespmem:s23+$0x0];
	[tilespmem:s23+$0xFFFFFFE0] =	vst v4  }
0x484: {  	v4 =	vld.idx.msk [tilespmem:v7+s15+$0x0], $0xffff  }
0x485: {  	v6 =	vld [tilespmem:s23+$0x10]  }
0x486: {  	v7 =	vld [tilespmem:s23+$0x30]  }
0x487: {  	v8 =	vld [tilespmem:s23+$0x20];
	_ =	sdelay $0x1  }
0x488: {  	s25 =	simm.s32 $0x3;
	v5 =	vmul.f32 v5, v4  }
0x489: {  	v62 =	vmov s25;
	v6 =	vmul.f32 v6, v4  }
0x48a: {  	v7 =	vmul.f32 v7, v4;
	[tilespmem:s23+$0x0] =	vst v5  }
0x48b: {  	v4 =	vmul.f32 v8, v4;
	[tilespmem:s23+$0x10] =	vst v6  }
0x48c: {  	[tilespmem:s23+$0x30] =	vst v7  }
0x48d: {  	[tilespmem:s23+$0x20] =	vst v4;
	v6 =	vld [tilespmem:s23+$0x50]  }
0x48e: {  	v4 =	vld.idx.msk [tilespmem:v62+s15+$0x0], $0xffff  }
0x48f: {  	v5 =	vld [tilespmem:s23+$0x40]  }
0x490: {  	v7 =	vld [tilespmem:s23+$0x60]  }
0x491: {  	v8 =	vld [tilespmem:s23+$0x70]  }
0x492: {  	s5 =	simm.s32 $0x4  }
0x493: {  	v63 =	vmov s5;
	v6 =	vmul.f32 v6, v4  }
0x494: {  	v9 =	vand.u32 $0xFFFFFFFC, v63;
	v5 =	vmul.f32 v5, v4  }
0x495: {  	s26 =	simm.s32 $0x5;
	s28 =	simm.s32 $0x6;
	v7 =	vmul.f32 v7, v4;
	[tilespmem:s23+$0x50] =	vst v6;
	v6 =	vbroadcast v9, $0x0  }
0x496: {  	v4 =	vmul.f32 v8, v4;
	v8 =	vmov s26;
	[tilespmem:s23+$0x40] =	vst v5;
	v5 =	vmov s28  }
0x497: {  	v8 =	vand.u32 $0xFFFFFFFD, v8;
	v5 =	vand.u32 $0xFFFFFFFE, v5  }
0x498: {  	s24 =	simm.s32 $0x8;
	[tilespmem:s23+$0x70] =	vst v4;
	v4 =	vbroadcast v8, $0x0;
	v5 =	vbroadcast v5, $0x0  }
.LBB2_9:
0x499: {  	p1 =	slt.u32 s24, $0x7C;
	s25 =	smov.u32 s24  }
0x49a: {  	[tilespmem:s23+$0x60] =	vst v7;
	s24 =	sadd.s32 $0x4, s24;
	s23 =	smov.u32 s22;
	s22 =	sadd.s32 $0x100, s22  }
0x49b: {  	v7 =	vld.idx.msk [tilespmem:v6+s15+$0x0], $0xffff  }
0x49c: {  	v8 =	vld [tilespmem:s23+$0xFFFFFF80];
	_ =	sdelay $0x1  }
0x49d: {  	v9 =	vld [tilespmem:s23+$0xFFFFFFB0]  }
0x49e: {  	v6 =	vmov s25  }
0x49f: {  	v6 =	vand.u32 $0xFFFFFFFC, v6  }
0x4a0: {  	v6 =	vbroadcast v6, $0x0;
	v8 =	vmul.f32 v8, v7  }
0x4a1: {  	v3 =	vmul.f32 v3, v7;
	v2 =	vmul.f32 v2, v7  }
0x4a2: {  	[tilespmem:s23+$0xFFFFFF80] =	vst v8;
	v7 =	vmul.f32 v9, v7  }
0x4a3: {  	[tilespmem:s23+$0xFFFFFFA0] =	vst v2;
	v8 =	vld [tilespmem:s23+$0xFFFFFFF0]  }
0x4a4: {  	v2 =	vld [tilespmem:s22+$0xFFFFFFA0];
	[tilespmem:s23+$0xFFFFFF90] =	vst v3  }
0x4a5: {  	[tilespmem:s23+$0xFFFFFFB0] =	vst v7;
	v7 =	vld [tilespmem:s23+$0xFFFFFFC0]  }
0x4a6: {  	v9 =	vld.idx.msk [tilespmem:v4+s15+$0x0], $0xffff  }
0x4a7: {  	v10 =	vld [tilespmem:s23+$0xFFFFFFD0]  }
0x4a8: {  	v11 =	vld [tilespmem:s23+$0xFFFFFFE0]  }
0x4a9: {  	s17 =	sadd.s32 $0x1, s25;
	v3 =	vld [tilespmem:s22+$0xFFFFFF90]  }
0x4aa: {  	v4 =	vmov s17  }
0x4ab: {  	v4 =	vand.u32 $0xFFFFFFFD, v4  }
0x4ac: {  	v4 =	vbroadcast v4, $0x0;
	v8 =	vmul.f32 v8, v9  }
0x4ad: {  	v10 =	vmul.f32 v10, v9;
	v11 =	vmul.f32 v11, v9  }
0x4ae: {  	v7 =	vmul.f32 v7, v9;
	[tilespmem:s23+$0xFFFFFFF0] =	vst v8  }
0x4af: {  	[tilespmem:s23+$0xFFFFFFD0] =	vst v10  }
0x4b0: {  	[tilespmem:s23+$0xFFFFFFC0] =	vst v7;
	v7 =	vld [tilespmem:s23+$0x0]  }
0x4b1: {  	[tilespmem:s23+$0xFFFFFFE0] =	vst v11;
	v8 =	vld [tilespmem:s23+$0x30]  }
0x4b2: {  	v5 =	vld.idx.msk [tilespmem:v5+s15+$0x0], $0xffff  }
0x4b3: {  	v9 =	vld [tilespmem:s23+$0x10]  }
0x4b4: {  	v10 =	vld [tilespmem:s23+$0x20];
	_ =	sdelay $0x3  }
0x4b5: {  	s17 =	sadd.s32 $0x3, s5;
	s5 =	smov.u32 s25;
	v7 =	vmul.f32 v7, v5;
	v9 =	vmul.f32 v9, v5  }
0x4b6: {  	s25 =	sadd.s32 $0x2, s5;
	v10 =	vmul.f32 v10, v5;
	v5 =	vmul.f32 v8, v5;
	v8 =	vmov s17  }
0x4b7: {  	v11 =	vmov s25;
	[tilespmem:s23+$0x0] =	vst v7  }
0x4b8: {  	v7 =	vand.u32 $0xFFFFFFFE, v11;
	[tilespmem:s23+$0x10] =	vst v9  }
0x4b9: {  	[tilespmem:s23+$0x30] =	vst v5;
	v9 =	vld [tilespmem:s23+$0x40]  }
0x4ba: {  	v5 =	vbroadcast v7, $0x0;
	[tilespmem:s23+$0x20] =	vst v10;
	v10 =	vld [tilespmem:s23+$0x70]  }
0x4bb: {  	v8 =	vld.idx.msk [tilespmem:v8+s15+$0x0], $0xffff  }
0x4bc: {  	v7 =	vld [tilespmem:s23+$0x50]  }
0x4bd: {  	v11 =	vld [tilespmem:s23+$0x60];
	_ =	sdelay $0x3  }
.Ltmp3:
0x4be: {  	v9 =	vmul.f32 v9, v8;
	v12 =	vmul.f32 v7, v8;
	(pc) =	sbr.rel @p1 .LBB2_9-.Ltmp3, $4  }
0x4bf: {  	v7 =	vmul.f32 v11, v8;
	v8 =	vmul.f32 v10, v8  }
0x4c0: {  	[tilespmem:s23+$0x40] =	vst v9  }
0x4c1: {  	[tilespmem:s23+$0x50] =	vst v12  }
0x4c2: {  	[tilespmem:s23+$0x70] =	vst v8  }
0x4c3: {  	_ =	sdelay $0x2  }
0x4c4: {  	[tilespmem:s23+$0x60] =	vst v7;
	v53 =	vld [tilespmem:s22+$0xFFFFFF80]  }
0x4c5: {  	v6 =	vld.idx.msk [tilespmem:v6+s15+$0x0], $0xffff;
	_ =	sdelay $0x2  }
0x4c6: {  	v8 =	vld [tilespmem:s22+$0xFFFFFFB0];
	_ =	sdelay $0x1  }
0x4c7: {  	v7 =	vmul.f32 v53, v6  }
0x4c8: {  	v2 =	vmul.f32 v2, v6  }
0x4c9: {  	v3 =	vmul.f32 v3, v6;
	[tilespmem:s22+$0xFFFFFF80] =	vst v7  }
0x4ca: {  	v6 =	vmul.f32 v8, v6;
	[tilespmem:s22+$0xFFFFFFA0] =	vst v2  }
0x4cb: {  	[tilespmem:s22+$0xFFFFFF90] =	vst v3  }
0x4cc: {  	v2 =	vld [tilespmem:s22+$0xFFFFFFF0];
	[tilespmem:s22+$0xFFFFFFB0] =	vst v6  }
0x4cd: {  	v3 =	vld.idx.msk [tilespmem:v4+s15+$0x0], $0xffff  }
0x4ce: {  	v54 =	vld [tilespmem:s22+$0xFFFFFFD0]  }
0x4cf: {  	v55 =	vld [tilespmem:s22+$0xFFFFFFC0]  }
0x4d0: {  	v56 =	vld [tilespmem:s22+$0xFFFFFFE0];
	_ =	sdelay $0x1  }
0x4d1: {  	v2 =	vmul.f32 v2, v3  }
0x4d2: {  	v4 =	vmul.f32 v54, v3  }
0x4d3: {  	v6 =	vmul.f32 v55, v3;
	[tilespmem:s22+$0xFFFFFFF0] =	vst v2  }
0x4d4: {  	v2 =	vmul.f32 v56, v3;
	[tilespmem:s22+$0xFFFFFFD0] =	vst v4  }
0x4d5: {  	[tilespmem:s22+$0xFFFFFFC0] =	vst v6  }
0x4d6: {  	v3 =	vld [tilespmem:s22+$0x0];
	[tilespmem:s22+$0xFFFFFFE0] =	vst v2  }
0x4d7: {  	v2 =	vld.idx.msk [tilespmem:v5+s15+$0x0], $0xffff  }
0x4d8: {  	v57 =	vld [tilespmem:s22+$0x10]  }
0x4d9: {  	v58 =	vld [tilespmem:s22+$0x30]  }
0x4da: {  	v59 =	vld [tilespmem:s22+$0x20];
	_ =	sdelay $0x1  }
0x4db: {  	s5 =	sadd.s32 $0x3, s5;
	v3 =	vmul.f32 v3, v2  }
0x4dc: {  	v60 =	vmov s5;
	v4 =	vmul.f32 v57, v2  }
0x4dd: {  	v5 =	vmul.f32 v58, v2;
	[tilespmem:s22+$0x0] =	vst v3  }
0x4de: {  	v2 =	vmul.f32 v59, v2;
	[tilespmem:s22+$0x10] =	vst v4  }
0x4df: {  	[tilespmem:s22+$0x30] =	vst v5  }
0x4e0: {  	v3 =	vld [tilespmem:s22+$0x40];
	[tilespmem:s22+$0x20] =	vst v2  }
0x4e1: {  	v2 =	vld.idx.msk [tilespmem:v60+s15+$0x0], $0xffff  }
0x4e2: {  	v61 =	vld [tilespmem:s22+$0x50]  }
0x4e3: {  	v62 =	vld [tilespmem:s22+$0x70]  }
0x4e4: {  	v63 =	vld [tilespmem:s22+$0x60];
	_ =	sdelay $0x1  }
0x4e5: {  	s20 =	sadd.s32 $0x1, s20;
	v3 =	vmul.f32 v3, v2  }
0x4e6: {  	p1 =	sne.s32 s20, $0x28;
	v4 =	vmul.f32 v61, v2  }
.Ltmp4:
0x4e7: {  	v5 =	vmul.f32 v62, v2;
	[tilespmem:s22+$0x40] =	vst v3;
	(pc) =	sbr.rel @p1 .LBB2_6-.Ltmp4, $4  }
0x4e8: {  	v2 =	vmul.f32 v63, v2;
	[tilespmem:s22+$0x50] =	vst v4  }
0x4e9: {  	[tilespmem:s22+$0x70] =	vst v5  }
0x4ea: {  	[tilespmem:s22+$0x60] =	vst v2  }
0x4eb: {  	[spmem:s2] =	stream.indirect.scatter.add.f32 [tilespmem:s13], [sflag:$0x6], $0x40, s21, s1, $0xb8;
	[tilespmem:$0x195D0] =	vst v63  }
0x4ec: {  	s5 =	simm.s32 $0x6  }
0x4ed: {  	_ =	swait.ge [sflag:s5], $0x2000  }
0x4ee: {  	[sflag:s5] =	ssyncset.done $0x0  }
0x4ef: {  	s25 =	simm.s32 $0x0;
	s24 =	rddreg [dreg:$0x4];
	[sflag:s5] =	ssyncadd.s32 $0xFFFFE000  }
0x4f0: {  	[hbm4b:s24+s25] =	stream.linear.scatter [tilespmem:s12], [sflag:$0x1], $0x2710, $0x38;
	[tilespmem:$0x195D0] =	vst v63  }
0x4f1: {  	s26 =	stileid.u32;
	[bflag:$0x0] =	sbarrier.arrive $0xFFFF  }
0x4f2: {  	s5 =	sshll.u32 s26, $0x6;
	s17 =	rddreg [dreg:$0x5]  }
0x4f3: {  	s5 =	sor.u32 $0x1C05, s5;
	s19 =	rddreg [dreg:$0x10]  }
0x4f4: {  	[hbm:s17], [sflag:s5] =	dma.local [spmem:s19], $0x640  }
0x4f5: {  	s17 =	rddreg [dreg:$0x6]  }
0x4f6: {  	s19 =	rddreg [dreg:$0x11]  }
0x4f7: {  	[hbm:s17], [sflag:s5] =	dma.local [spmem:s19], $0x640  }
0x4f8: {  	s17 =	rddreg [dreg:$0x7]  }
0x4f9: {  	s19 =	rddreg [dreg:$0x12]  }
0x4fa: {  	[hbm:s17], [sflag:s5] =	dma.local [spmem:s19], $0x640  }
0x4fb: {  	s17 =	rddreg [dreg:$0x8]  }
0x4fc: {  	s19 =	rddreg [dreg:$0x13]  }
0x4fd: {  	[hbm:s17], [sflag:s5] =	dma.local @!p0 [spmem:s19], $0x640  }
0x4fe: {  	s5 =	simm.s32 @!p0 $0x5  }
0x4ff: {  	_ =	swait.ge @!p0 [sflag:s5], $0x640  }
0x500: {  	[sflag:s5] =	ssyncset.done @!p0 $0x0  }
0x501: {  	[sflag:s5] =	ssyncadd.s32 @!p0 $0xFFFFF9C0  }
0x502: {  	_ =	swait.ge [sflag:s31], $0x640  }
0x503: {  	[sflag:s31] =	ssyncset.done $0x0  }
0x504: {  	[sflag:s31] =	ssyncadd.s32 $0xFFFFF9C0  }
0x505: {  	_ =	swait.ge [sflag:s31], $0x640  }
0x506: {  	[sflag:s31] =	ssyncset.done $0x0  }
0x507: {  	[sflag:s31] =	ssyncadd.s32 $0xFFFFF9C0  }
0x508: {  	_ =	swait.ge [sflag:s31], $0x640  }
0x509: {  	[sflag:s31] =	ssyncset.done $0x0  }
0x50a: {  	[sflag:s31] =	ssyncadd.s32 $0xFFFFF9C0  }
0x50b: {  	_ =	swait.ge [sflag:s29], $0x2710  }
0x50c: {  	s18 =	sadd.s32 $0x1, s18;
	s28 =	rddreg [dreg:$0xf]  }
0x50d: {  	p1 =	sne.s32 s18, s28  }
.Ltmp5:
0x50e: {  	_ = 	snop;
	(pc) =	sbr.rel @p1 .LBB2_1-.Ltmp5, $3  }
0x50f: {  	_ =	sdelay $0x1  }
0x510: {  	[sflag:s29] =	ssyncset.done $0x0  }
0x511: {  	s21 =	simm.s32 $0x2800;
	[sflag:s29] =	ssyncadd.s32 $0xFFFFD8F0  }
0x512: {  	_ =	sfence.sel $0x180000  }
0x513: {  	[bflag:$0x0] =	sbarrier.arrive $0xFFFF  }
0x514: {  	_ =	strace $0x90000047  }
0x515: {  	s0 =	stileid.u32;
	[bflag:$0x2] =	sbarrier.arrive $0xFFFF  }
0x516: {  	p0 =	sne.s32 s0, $0x0;
	s0 =	rddreg [dreg:$0x3]  }
0x517: {  	s0 =	sadd.s32 @!p0 $0x100000, s0  }
0x518: {  	[sflag:s0] =	ssyncadd.tile.s32 @!p0 $0x1;
	_ =	shalt  }
.Lfunc_end2:
_tile_overlayer_lowered:
.L_overlay_start_2:
0x519: {  	(tag) =	ssettag $0x2  }
0x51a: {  	s0 =	rddreg [dreg:$0x0];
	s2 =	stileid.u32  }
0x51b: {  	s1 =	rddreg [dreg:$0x1];
	p0 =	sne.s32 s2, $0x0  }
0x51c: {  	s3 =	rddreg [dreg:$0x2];
	[bflag:$0x3] =	sbarrier.arrive $0xFFFF;
	s2 =	simm.s32 @!p0 $0x1C07  }
0x51d: {  	[timem:s3], [sflag:s2] =	dma.local @!p0 [hbm:s0], s1  }
0x51e: {  	s0 =	simm.s32 @!p0 $0x7  }
0x51f: {  	_ =	swait.ge @!p0 [sflag:s0], s1  }
0x520: {  	s1 =	ssub.s32 @!p0 $0x0, s1;
	[sflag:s0] =	ssyncset.done @!p0 $0x0  }
0x521: {  	[sflag:s0] =	ssyncadd.s32 @!p0 s1  }
0x522: {  	[bflag:$0x3] =	sbarrier.arrive $0xFFFF  }
0x523: {  	_ =	shalt  }

</sc_bundles>
